<compile_context>
chip_gen: v7x
topology: tpu7x:2x2x1
jax: 0.10.2.dev20260603
libtpu: 0.0.44.dev20260713+nightly
codegen_flags: <defaults>
</compile_context>

<pallas_src>
import jax
import jax.numpy as jnp
from jax import lax
from jax.experimental import pallas as pl
from jax.experimental.pallas import tpu as pltpu
from jax.experimental.pallas import tpu_sc as plsc

N = 10000
E = 320000
SC_CORES = 2
SC_SUBCORES = 16
LANES = 16
NW = SC_CORES * SC_SUBCORES
BLK = 96
BPW = 105
EPW = BPW * BLK
E_PAD = NW * EPW
PADN = E_PAD - E
NBUF = 2
NP = 10112
RPT = NP // SC_SUBCORES
ROW_BLK = 632
GRID = NP // ROW_BLK

_MESH = plsc.VectorSubcoreMesh(core_axis_name="c", subcore_axis_name="s",
                               num_cores=SC_CORES, num_subcores=SC_SUBCORES)


def _deg_body(dst_hbm, out_hbm, dst_v, hist_v):
    c = lax.axis_index("c")
    s = lax.axis_index("s")
    wid = c * SC_SUBCORES + s
    pltpu.sync_copy(dst_hbm.at[wid], dst_v)
    zero16 = jnp.zeros((LANES,), jnp.float32)
    ones16 = jnp.ones((LANES,), jnp.float32)

    def zb(i, carry):
        hist_v[pl.ds(i * LANES, LANES)] = zero16
        return carry

    lax.fori_loop(0, NP // LANES, zb, 0)

    def hb(i, carry):
        idx = dst_v[pl.ds(i * LANES, LANES)]
        plsc.addupdate_scatter(hist_v, [idx], ones16)
        return carry

    lax.fori_loop(0, EPW // LANES, hb, 0)
    pltpu.sync_copy(hist_v, out_hbm.at[wid])


_SC_PARAMS = pltpu.CompilerParams(needs_layout_passes=False)

_sc_deg = pl.kernel(
    _deg_body,
    out_type=jax.ShapeDtypeStruct((NW, NP), jnp.float32),
    mesh=_MESH,
    compiler_params=_SC_PARAMS,
    scratch_types=[
        pltpu.VMEM((EPW,), jnp.int32),
        pltpu.VMEM((NP,), jnp.float32),
    ],
)


def _make_spmm(nc):
    def body(src_hbm, dst_hbm, zeros_hbm, *rest):
        xs = rest[:nc]
        out_hbm = rest[nc]
        src_v, dst_v, gb0, gb1, acc = rest[nc + 1:nc + 6]
        gsem0, gsem1 = rest[nc + 6:nc + 8]
        gb = (gb0, gb1)
        gsem = (gsem0, gsem1)
        c = lax.axis_index("c")
        s = lax.axis_index("s")
        wid = c * SC_SUBCORES + s
        pltpu.async_copy(src_hbm.at[wid], src_v, gsem0)
        pltpu.async_copy(dst_hbm.at[wid], dst_v, gsem1)
        idx_pending = True

        def prime(xs_j):
            for k in range(NBUF):
                pltpu.async_copy(xs_j.at[src_v.at[pl.ds(k * BLK, BLK)]],
                                 gb[k], gsem[k])

        for j in range(nc):
            xs_j = xs[j]
            if idx_pending:
                pltpu.sync_copy(zeros_hbm, acc.at[pl.ds(s * RPT, RPT), :])
                pltpu.make_async_copy(src_hbm.at[wid], src_v, gsem0).wait()
                pltpu.make_async_copy(dst_hbm.at[wid], dst_v, gsem1).wait()
                idx_pending = False
                prime(xs_j)
            else:
                prime(xs_j)
                pltpu.sync_copy(zeros_hbm, acc.at[pl.ds(s * RPT, RPT), :])
            plsc.subcore_barrier()

            def rnd(r, carry):
                for k in range(NBUF):
                    b = r * NBUF + k
                    pltpu.make_async_copy(
                        xs_j.at[src_v.at[pl.ds(b * BLK, BLK)]], gb[k],
                        gsem[k]).wait()
                    pltpu.sync_copy(gb[k], acc.at[dst_v.at[b]], add=True)
                    pltpu.async_copy(
                        xs_j.at[src_v.at[pl.ds((b + NBUF) * BLK, BLK)]],
                        gb[k], gsem[k])
                return carry

            lax.fori_loop(0, BPW // NBUF - 1, rnd, 0)
            for b in range((BPW // NBUF - 1) * NBUF, BPW):
                k = b % NBUF
                pltpu.make_async_copy(
                    xs_j.at[src_v.at[pl.ds(b * BLK, BLK)]], gb[k],
                    gsem[k]).wait()
                pltpu.sync_copy(gb[k], acc.at[dst_v.at[b]], add=True)
                if b + NBUF < BPW:
                    pltpu.async_copy(
                        xs_j.at[src_v.at[pl.ds((b + NBUF) * BLK, BLK)]],
                        gb[k], gsem[k])
            plsc.subcore_barrier()
            pltpu.sync_copy(acc.at[pl.ds(s * RPT, RPT), :],
                            out_hbm.at[c, j, pl.ds(s * RPT, RPT), :])

    return pl.kernel(
        body,
        out_type=jax.ShapeDtypeStruct((SC_CORES, nc, NP, 128), jnp.float32),
        mesh=_MESH,
        compiler_params=_SC_PARAMS,
        scratch_types=(
            [pltpu.VMEM((EPW,), jnp.int32),
             pltpu.VMEM((BPW, BLK), jnp.int32)]
            + [pltpu.VMEM((BLK, 128), jnp.float32)] * 2
            + [pltpu.VMEM_SHARED((NP, 128), jnp.float32)]
            + [pltpu.SemaphoreType.DMA] * 2
        ),
    )


_sc_spmm1 = _make_spmm(1)
_sc_spmm4 = _make_spmm(4)


def _gelu(x):
    return 0.5 * x * (1.0 + lax.erf(x * 0.7071067811865476))


def _id_mask():
    rid = (lax.broadcasted_iota(jnp.int32, (ROW_BLK, 1), 0)
           + pl.program_id(0) * ROW_BLK)
    return ((rid >= PADN) & (rid < N)).astype(jnp.float32)


def _tc_a_body(degp_ref, x_ref, dinv_ref, x1s_ref):
    deg = jnp.sum(degp_ref[0], axis=1) + _id_mask()[:, 0]
    dinv = jnp.where(deg > 0, lax.rsqrt(jnp.maximum(deg, 1e-12)), 0.0)
    dinv_ref[...] = dinv[:, None]
    x1s_ref[...] = x_ref[...] * dinv[:, None]


def _tc_a(degp, x_pad):
    return pl.pallas_call(
        _tc_a_body,
        grid=(GRID,),
        in_specs=[
            pl.BlockSpec((1, ROW_BLK, NW), lambda i: (i, 0, 0)),
            pl.BlockSpec((ROW_BLK, 128), lambda i: (i, 0)),
        ],
        out_specs=[
            pl.BlockSpec((ROW_BLK, 1), lambda i: (i, 0)),
            pl.BlockSpec((ROW_BLK, 128), lambda i: (i, 0)),
        ],
        out_shape=[
            jax.ShapeDtypeStruct((NP, 1), jnp.float32),
            jax.ShapeDtypeStruct((NP, 128), jnp.float32),
        ],
    )(degp, x_pad)


def _sum_partials(p_ref, nc, x_refs):
    m = _id_mask()
    g = p_ref[0] + p_ref[1]
    return jnp.concatenate(
        [g[j] + m * x_refs[j][...] for j in range(nc)], axis=1)


def _tc_b_body(p_ref, x0_ref, dinv_ref, w1_ref, b1_ref, *out_refs):
    g = _sum_partials(p_ref, 1, [x0_ref])
    dinv = dinv_ref[...]
    h = jnp.dot(g * dinv, w1_ref[...],
                preferred_element_type=jnp.float32) + b1_ref[...]
    h = _gelu(h) * dinv
    for j in range(4):
        out_refs[j][...] = h[:, j * 128:(j + 1) * 128]


def _tc_b(p1, x1s, dinv, W1, b1):
    return pl.pallas_call(
        _tc_b_body,
        grid=(GRID,),
        in_specs=[
            pl.BlockSpec((SC_CORES, 1, ROW_BLK, 128), lambda i: (0, 0, i, 0)),
            pl.BlockSpec((ROW_BLK, 128), lambda i: (i, 0)),
            pl.BlockSpec((ROW_BLK, 1), lambda i: (i, 0)),
            pl.BlockSpec((128, 512), lambda i: (0, 0)),
            pl.BlockSpec((512,), lambda i: (0,)),
        ],
        out_specs=[pl.BlockSpec((ROW_BLK, 128), lambda i: (i, 0))] * 4,
        out_shape=[jax.ShapeDtypeStruct((NP, 128), jnp.float32)] * 4,
    )(p1, x1s, dinv, W1, b1)


def _tc_c_body(p_ref, x0, x1, x2, x3, dinv_ref, w2_ref, b2_ref, w3_ref,
               *out_refs):
    g = _sum_partials(p_ref, 4, [x0, x1, x2, x3])
    dinv = dinv_ref[...]
    h = jnp.dot(g * dinv, w2_ref[...],
                preferred_element_type=jnp.float32) + b2_ref[...]
    h = _gelu(h)
    t = jnp.dot(h, w3_ref[...], preferred_element_type=jnp.float32)
    t = t * dinv
    for j in range(4):
        out_refs[j][...] = t[:, j * 128:(j + 1) * 128]


def _tc_c(p2, xs, dinv, W2, b2, W3):
    return pl.pallas_call(
        _tc_c_body,
        grid=(GRID,),
        in_specs=[
            pl.BlockSpec((SC_CORES, 4, ROW_BLK, 128), lambda i: (0, 0, i, 0)),
        ] + [pl.BlockSpec((ROW_BLK, 128), lambda i: (i, 0))] * 4 + [
            pl.BlockSpec((ROW_BLK, 1), lambda i: (i, 0)),
            pl.BlockSpec((512, 768), lambda i: (0, 0)),
            pl.BlockSpec((768,), lambda i: (0,)),
            pl.BlockSpec((768, 512), lambda i: (0, 0)),
        ],
        out_specs=[pl.BlockSpec((ROW_BLK, 128), lambda i: (i, 0))] * 4,
        out_shape=[jax.ShapeDtypeStruct((NP, 128), jnp.float32)] * 4,
    )(p2, *xs, dinv, W2, b2, W3)


def _tc_d_body(p_ref, x0, x1, x2, x3, dinv_ref, b3_ref, w4_ref, out_ref):
    g = _sum_partials(p_ref, 4, [x0, x1, x2, x3])
    dinv = dinv_ref[...]
    h = _gelu(g * dinv + b3_ref[...])
    t = jnp.dot(h, w4_ref[...], preferred_element_type=jnp.float32)
    out_ref[...] = t * dinv


def _tc_d(p3, xs, dinv, b3, W4):
    return pl.pallas_call(
        _tc_d_body,
        grid=(GRID,),
        in_specs=[
            pl.BlockSpec((SC_CORES, 4, ROW_BLK, 128), lambda i: (0, 0, i, 0)),
        ] + [pl.BlockSpec((ROW_BLK, 128), lambda i: (i, 0))] * 4 + [
            pl.BlockSpec((ROW_BLK, 1), lambda i: (i, 0)),
            pl.BlockSpec((512,), lambda i: (0,)),
            pl.BlockSpec((512, 128), lambda i: (0, 0)),
        ],
        out_specs=pl.BlockSpec((ROW_BLK, 128), lambda i: (i, 0)),
        out_shape=jax.ShapeDtypeStruct((NP, 128), jnp.float32),
    )(p3, *xs, dinv, b3, W4)


def _tc_e_body(p_ref, x0_ref, dinv_ref, b4_ref, out_ref):
    g = _sum_partials(p_ref, 1, [x0_ref])
    out_ref[...] = g * dinv_ref[...] + b4_ref[...]


def _tc_e(p4, t4, dinv, b4):
    return pl.pallas_call(
        _tc_e_body,
        grid=(GRID,),
        in_specs=[
            pl.BlockSpec((SC_CORES, 1, ROW_BLK, 128), lambda i: (0, 0, i, 0)),
            pl.BlockSpec((ROW_BLK, 128), lambda i: (i, 0)),
            pl.BlockSpec((ROW_BLK, 1), lambda i: (i, 0)),
            pl.BlockSpec((128,), lambda i: (0,)),
        ],
        out_specs=pl.BlockSpec((ROW_BLK, 128), lambda i: (i, 0)),
        out_shape=jax.ShapeDtypeStruct((NP, 128), jnp.float32),
    )(p4, t4, dinv, b4)


@jax.jit
def _run(x, edge_index, W1, b1, W2, b2, W3, b3, W4, b4):
    ei = edge_index.astype(jnp.int32)
    pad = jnp.arange(PADN, dtype=jnp.int32)
    src = jnp.concatenate([ei[0], pad]).reshape(NW, EPW)
    dst_all = jnp.concatenate([ei[1], pad])
    dst = dst_all.reshape(NW, BPW, BLK)
    ztile = jnp.zeros((RPT, 128), jnp.float32)

    x_pad = jnp.pad(x, ((0, NP - N), (0, 0)))
    degp = _sc_deg(dst_all.reshape(NW, EPW))
    degp_t = degp.T.reshape(GRID, ROW_BLK, NW)
    dinv, x1s = _tc_a(degp_t, x_pad)
    p1 = _sc_spmm1(src, dst, ztile, x1s)
    h1s = _tc_b(p1, x1s, dinv, W1, b1)
    p2 = _sc_spmm4(src, dst, ztile, *h1s)
    t3 = _tc_c(p2, h1s, dinv, W2, b2, W3)
    p3 = _sc_spmm4(src, dst, ztile, *t3)
    t4 = _tc_d(p3, t3, dinv, b3, W4)
    p4 = _sc_spmm1(src, dst, ztile, t4)
    out = _tc_e(p4, t4, dinv, b4)
    return out[:N]


def kernel(x, edge_index, W1, b1, W2, b2, W3, b3, W4, b4):
    return _run(x, edge_index, W1, b1, W2, b2, W3, b3, W4, b4)

# --- scband reference (transcript-rebuilt; emitter-appended) ---
"""Pipeline reference for scband-gcn-v3-7301444403556 (READ-ONLY COPY).

The authoritative reference and input builder live on the scoring server;
editing this copy changes nothing except your own understanding.
"""

import jax, jax.numpy as jnp
import numpy as np

N_NODES = 10000
N_EDGES = 320000


def _init_linear(key, fan_in, fan_out):
    kw, kb = jax.random.split(key)
    bound = 1.0 / np.sqrt(fan_in)
    W = jax.random.uniform(kw, (fan_in, fan_out), dtype=jnp.float32, minval=-bound, maxval=bound)
    b = jax.random.uniform(kb, (fan_out,), dtype=jnp.float32, minval=-bound, maxval=bound)
    return W, b


def setup_inputs(seed: int = 0) -> dict:
    key = jax.random.key(seed)
    k_x, k_e, k1, k2, k3, k4 = jax.random.split(key, 6)
    x = jax.random.normal(k_x, (N_NODES, 128), dtype=jnp.float32)
    edge_index = jax.random.randint(k_e, (2, N_EDGES), 0, N_NODES, dtype=jnp.int64)
    W1, b1 = _init_linear(k1, 128, 512)
    W2, b2 = _init_linear(k2, 512, 768)
    W3, b3 = _init_linear(k3, 768, 512)
    W4, b4 = _init_linear(k4, 512, 128)
    return {"x": x, "edge_index": edge_index, "W1": W1, "b1": b1, "W2": W2, "b2": b2, "W3": W3, "b3": b3, "W4": W4, "b4": b4}


def _gcn_conv(x, src, dst, W, b, n):
    # GCNConv: linear transform, symmetric deg^{-1/2} normalization (self-loops
    # already included in src/dst), scatter-add aggregation, then bias.
    xw = x @ W
    deg = jnp.zeros((n,), dtype=xw.dtype).at[dst].add(jnp.ones((dst.shape[0],), dtype=xw.dtype))
    dinv = jnp.where(deg > 0, jax.lax.rsqrt(jnp.maximum(deg, 1e-12)), 0.0)
    norm = dinv[src] * dinv[dst]
    msg = xw[src] * norm[:, None]
    out = jnp.zeros((n, W.shape[1]), dtype=xw.dtype).at[dst].add(msg)
    return out + b


def reference(x, edge_index, W1, b1, W2, b2, W3, b3, W4, b4):
    n = x.shape[0]
    loop = jnp.arange(n, dtype=edge_index.dtype)
    src = jnp.concatenate([edge_index[0], loop])
    dst = jnp.concatenate([edge_index[1], loop])
    h = jax.nn.gelu(_gcn_conv(x, src, dst, W1, b1, n), approximate=False)
    h = jax.nn.gelu(_gcn_conv(h, src, dst, W2, b2, n), approximate=False)
    h = jax.nn.gelu(_gcn_conv(h, src, dst, W3, b3, n), approximate=False)
    return _gcn_conv(h, src, dst, W4, b4, n)

if __name__ == "__main__":
    import jax
    _d = setup_inputs()
    print(jax.jit(kernel)(*tuple(_d.values())))

</pallas_src>

<mosaic_0001>
#map = affine_map<(d0, d1) -> (0, 0)>
#map1 = affine_map<(d0, d1) -> (0, 0, 0)>
#map2 = affine_map<(d0, d1) -> (0, 0, 0, 0)>
module attributes {stable_mosaic.version = 14 : i64} {
  func.func @body(%arg0: i32, %arg1: i32, %arg2: memref<32x10080xi32, #tpu.memory_space<hbm>>, %arg3: memref<32x105x96xi32, #tpu.memory_space<hbm>>, %arg4: memref<632x128xf32, #tpu.memory_space<hbm>>, %arg5: memref<10112x128xf32, #tpu.memory_space<hbm>>, %arg6: memref<10112x128xf32, #tpu.memory_space<hbm>>, %arg7: memref<10112x128xf32, #tpu.memory_space<hbm>>, %arg8: memref<10112x128xf32, #tpu.memory_space<hbm>>, %arg9: memref<2x4x10112x128xf32, #tpu.memory_space<hbm>>, %arg10: memref<10080xi32, #tpu.memory_space<vmem>>, %arg11: memref<105x96xi32, #tpu.memory_space<vmem>>, %arg12: memref<96x128xf32, #tpu.memory_space<vmem>>, %arg13: memref<96x128xf32, #tpu.memory_space<vmem>>, %arg14: memref<10112x128xf32, #tpu.memory_space<vmem_shared>>, %arg15: memref<!tpu.dma_semaphore, #tpu.memory_space<semaphore_mem>>, %arg16: memref<!tpu.dma_semaphore, #tpu.memory_space<semaphore_mem>>) attributes {dimension_semantics = [#tpu.dimension_semantics<core_parallel>, #tpu.dimension_semantics<subcore_parallel>], iteration_bounds = array<i64: 2, 16>, scalar_prefetch = 0 : i64, scratch_operands = 7 : i64, tpu.core_type = #tpu.core_type<sc_vector_subcore>, window_params = [{transform_indices = #map}, {transform_indices = #map1}, {transform_indices = #map}, {transform_indices = #map}, {transform_indices = #map}, {transform_indices = #map}, {transform_indices = #map}, {transform_indices = #map2}]} {
    %mul3A = arith.constant 16 : i32
    %mul3A_0 = arith.muli %arg0, %mul3A : i32
    %add3A = arith.addi %mul3A_0, %arg1 : i32
    %dma_start3A = arith.constant 0 : i32
    %dma_start3A_1 = tpu.memref_slice %arg2[%add3A, %dma_start3A] : memref<32x10080xi32, #tpu.memory_space<hbm>> -> memref<1x10080xi32, #tpu.memory_space<hbm>>
    %dma_start3A_2 = tpu.memref_squeeze %dma_start3A_1 : memref<1x10080xi32, #tpu.memory_space<hbm>> -> memref<10080xi32, #tpu.memory_space<hbm>>
    %dma_start3A_3 = arith.constant 0 : i32
    %dma_start3A_4 = tpu.memref_slice %arg2[%add3A, %dma_start3A_3] : memref<32x10080xi32, #tpu.memory_space<hbm>> -> memref<1x10080xi32, #tpu.memory_space<hbm>>
    %dma_start3A_5 = tpu.memref_squeeze %dma_start3A_4 : memref<1x10080xi32, #tpu.memory_space<hbm>> -> memref<10080xi32, #tpu.memory_space<hbm>>
    tpu.enqueue_dma source(%dma_start3A_5 : memref<10080xi32, #tpu.memory_space<hbm>>) target(%arg10 : memref<10080xi32, #tpu.memory_space<vmem>>) target_semaphore(%arg15 : memref<!tpu.dma_semaphore, #tpu.memory_space<semaphore_mem>>)
    %dma_start3A_6 = arith.constant 0 : i32
    %dma_start3A_7 = arith.constant 0 : i32
    %dma_start3A_8 = tpu.memref_slice %arg3[%add3A, %dma_start3A_6, %dma_start3A_7] : memref<32x105x96xi32, #tpu.memory_space<hbm>> -> memref<1x105x96xi32, #tpu.memory_space<hbm>>
    %dma_start3A_9 = tpu.memref_squeeze %dma_start3A_8 : memref<1x105x96xi32, #tpu.memory_space<hbm>> -> memref<105x96xi32, #tpu.memory_space<hbm>>
    %dma_start3A_10 = arith.constant 0 : i32
    %dma_start3A_11 = arith.constant 0 : i32
    %dma_start3A_12 = tpu.memref_slice %arg3[%add3A, %dma_start3A_10, %dma_start3A_11] : memref<32x105x96xi32, #tpu.memory_space<hbm>> -> memref<1x105x96xi32, #tpu.memory_space<hbm>>
    %dma_start3A_13 = tpu.memref_squeeze %dma_start3A_12 : memref<1x105x96xi32, #tpu.memory_space<hbm>> -> memref<105x96xi32, #tpu.memory_space<hbm>>
    tpu.enqueue_dma source(%dma_start3A_13 : memref<105x96xi32, #tpu.memory_space<hbm>>) target(%arg11 : memref<105x96xi32, #tpu.memory_space<vmem>>) target_semaphore(%arg16 : memref<!tpu.dma_semaphore, #tpu.memory_space<semaphore_mem>>)
    %mul3A_14 = arith.constant 632 : i32
    %mul3A_15 = arith.muli %arg1, %mul3A_14 : i32
    "tpu.region"() ({
      %run_scoped3A_216 = tpu.sem_alloc : memref<!tpu.dma_semaphore, #tpu.memory_space<semaphore_mem>>
      %dma_start3A_217 = arith.constant 0 : i32
      %dma_start3A_218 = tpu.memref_slice %arg14[%mul3A_15, %dma_start3A_217] : memref<10112x128xf32, #tpu.memory_space<vmem_shared>> -> memref<632x128xf32, #tpu.memory_space<vmem_shared>>
      tpu.enqueue_dma source(%arg4 : memref<632x128xf32, #tpu.memory_space<hbm>>) target(%dma_start3A_218 : memref<632x128xf32, #tpu.memory_space<vmem_shared>>) target_semaphore(%run_scoped3A_216 : memref<!tpu.dma_semaphore, #tpu.memory_space<semaphore_mem>>)
      %dma_wait3A_219 = arith.constant 0 : i32
      %dma_wait3A_220 = tpu.memref_slice %arg14[%mul3A_15, %dma_wait3A_219] : memref<10112x128xf32, #tpu.memory_space<vmem_shared>> -> memref<632x128xf32, #tpu.memory_space<vmem_shared>>
      tpu.wait_dma2 semaphore(%run_scoped3A_216 : memref<!tpu.dma_semaphore, #tpu.memory_space<semaphore_mem>>) src(%arg4 : memref<632x128xf32, #tpu.memory_space<hbm>>) dst(%dma_wait3A_220 : memref<632x128xf32, #tpu.memory_space<vmem_shared>>)
      tpu.yield
    }) : () -> ()
    %dma_wait3A = arith.constant 0 : i32
    %dma_wait3A_16 = tpu.memref_slice %arg2[%add3A, %dma_wait3A] : memref<32x10080xi32, #tpu.memory_space<hbm>> -> memref<1x10080xi32, #tpu.memory_space<hbm>>
    %dma_wait3A_17 = tpu.memref_squeeze %dma_wait3A_16 : memref<1x10080xi32, #tpu.memory_space<hbm>> -> memref<10080xi32, #tpu.memory_space<hbm>>
    %dma_wait3A_18 = arith.constant 0 : i32
    %dma_wait3A_19 = tpu.memref_slice %arg2[%add3A, %dma_wait3A_18] : memref<32x10080xi32, #tpu.memory_space<hbm>> -> memref<1x10080xi32, #tpu.memory_space<hbm>>
    %dma_wait3A_20 = tpu.memref_squeeze %dma_wait3A_19 : memref<1x10080xi32, #tpu.memory_space<hbm>> -> memref<10080xi32, #tpu.memory_space<hbm>>
    tpu.wait_dma2 semaphore(%arg15 : memref<!tpu.dma_semaphore, #tpu.memory_space<semaphore_mem>>) src(%dma_wait3A_20 : memref<10080xi32, #tpu.memory_space<hbm>>) dst(%arg10 : memref<10080xi32, #tpu.memory_space<vmem>>)
    %dma_wait3A_21 = arith.constant 0 : i32
    %dma_wait3A_22 = arith.constant 0 : i32
    %dma_wait3A_23 = tpu.memref_slice %arg3[%add3A, %dma_wait3A_21, %dma_wait3A_22] : memref<32x105x96xi32, #tpu.memory_space<hbm>> -> memref<1x105x96xi32, #tpu.memory_space<hbm>>
    %dma_wait3A_24 = tpu.memref_squeeze %dma_wait3A_23 : memref<1x105x96xi32, #tpu.memory_space<hbm>> -> memref<105x96xi32, #tpu.memory_space<hbm>>
    %dma_wait3A_25 = arith.constant 0 : i32
    %dma_wait3A_26 = arith.constant 0 : i32
    %dma_wait3A_27 = tpu.memref_slice %arg3[%add3A, %dma_wait3A_25, %dma_wait3A_26] : memref<32x105x96xi32, #tpu.memory_space<hbm>> -> memref<1x105x96xi32, #tpu.memory_space<hbm>>
    %dma_wait3A_28 = tpu.memref_squeeze %dma_wait3A_27 : memref<1x105x96xi32, #tpu.memory_space<hbm>> -> memref<105x96xi32, #tpu.memory_space<hbm>>
    tpu.wait_dma2 semaphore(%arg16 : memref<!tpu.dma_semaphore, #tpu.memory_space<semaphore_mem>>) src(%dma_wait3A_28 : memref<105x96xi32, #tpu.memory_space<hbm>>) dst(%arg11 : memref<105x96xi32, #tpu.memory_space<vmem>>)
    %dma_start3A_29 = arith.constant 0 : i32
    %dma_start3A_30 = tpu.memref_slice %arg10[%dma_start3A_29] : memref<10080xi32, #tpu.memory_space<vmem>> -> memref<96xi32, #tpu.memory_space<vmem>>
    %dma_start3A_31 = arith.constant 0 : i32
    %dma_start3A_32 = arith.constant 0 : i32
    %dma_start3A_33 = tpu.memref_slice %arg5[%dma_start3A_31, %dma_start3A_32] : memref<10112x128xf32, #tpu.memory_space<hbm>> -> memref<10112x128xf32, #tpu.memory_space<hbm>>
    tpu.enqueue_indirect_dma source(%dma_start3A_33 : memref<10112x128xf32, #tpu.memory_space<hbm>>) target(%arg12 : memref<96x128xf32, #tpu.memory_space<vmem>>) offsets(%dma_start3A_30 : memref<96xi32, #tpu.memory_space<vmem>>) semaphore(%arg15 : memref<!tpu.dma_semaphore, #tpu.memory_space<semaphore_mem>>)
    %dma_start3A_34 = arith.constant 96 : i32
    %dma_start3A_35 = tpu.memref_slice %arg10[%dma_start3A_34] : memref<10080xi32, #tpu.memory_space<vmem>> -> memref<96xi32, #tpu.memory_space<vmem>>
    %dma_start3A_36 = arith.constant 0 : i32
    %dma_start3A_37 = arith.constant 0 : i32
    %dma_start3A_38 = tpu.memref_slice %arg5[%dma_start3A_36, %dma_start3A_37] : memref<10112x128xf32, #tpu.memory_space<hbm>> -> memref<10112x128xf32, #tpu.memory_space<hbm>>
    tpu.enqueue_indirect_dma source(%dma_start3A_38 : memref<10112x128xf32, #tpu.memory_space<hbm>>) target(%arg13 : memref<96x128xf32, #tpu.memory_space<vmem>>) offsets(%dma_start3A_35 : memref<96xi32, #tpu.memory_space<vmem>>) semaphore(%arg16 : memref<!tpu.dma_semaphore, #tpu.memory_space<semaphore_mem>>)
    %barrier3A = arith.constant 0 : index
    tpu.barrier barrier_id(%barrier3A)
    %scan3A = arith.constant 0 : i32
    %scan3A_39 = arith.constant 0 : i32
    %scan3A_40 = arith.constant 51 : i32
    %scan3A_41 = arith.addi %scan3A_39, %scan3A_40 : i32
    %scan3A_42 = arith.constant 1 : i32
    scf.for %scan3A_216 = %scan3A_39 to %scan3A_41 step %scan3A_42  : i32 {
      %mul3A_217 = arith.constant 2 : i32
      %mul3A_218 = arith.muli %scan3A_216, %mul3A_217 : i32
      %add3A_219 = arith.constant 0 : i32
      %add3A_220 = arith.addi %mul3A_218, %add3A_219 : i32
      %mul3A_221 = arith.constant 96 : i32
      %mul3A_222 = arith.muli %add3A_220, %mul3A_221 : i32
      %dma_wait3A_223 = tpu.memref_slice %arg10[%mul3A_222] : memref<10080xi32, #tpu.memory_space<vmem>> -> memref<96xi32, #tpu.memory_space<vmem>>
      %dma_wait3A_224 = arith.constant 0 : i32
      %dma_wait3A_225 = arith.constant 0 : i32
      %dma_wait3A_226 = tpu.memref_slice %arg5[%dma_wait3A_224, %dma_wait3A_225] : memref<10112x128xf32, #tpu.memory_space<hbm>> -> memref<10112x128xf32, #tpu.memory_space<hbm>>
      tpu.wait_indirect_dma semaphore(%arg15 : memref<!tpu.dma_semaphore, #tpu.memory_space<semaphore_mem>>) src(%dma_wait3A_226 : memref<10112x128xf32, #tpu.memory_space<hbm>>) dst(%arg12 : memref<96x128xf32, #tpu.memory_space<vmem>>)
      "tpu.region"() ({
        %run_scoped3A_253 = tpu.sem_alloc : memref<!tpu.dma_semaphore, #tpu.memory_space<semaphore_mem>>
        %dma_start3A_254 = arith.constant 0 : i32
        %dma_start3A_255 = tpu.memref_slice %arg11[%add3A_220, %dma_start3A_254] : memref<105x96xi32, #tpu.memory_space<vmem>> -> memref<1x96xi32, #tpu.memory_space<vmem>>
        %dma_start3A_256 = tpu.memref_squeeze %dma_start3A_255 : memref<1x96xi32, #tpu.memory_space<vmem>> -> memref<96xi32, #tpu.memory_space<vmem>>
        %dma_start3A_257 = arith.constant 0 : i32
        %dma_start3A_258 = arith.constant 0 : i32
        %dma_start3A_259 = tpu.memref_slice %arg14[%dma_start3A_257, %dma_start3A_258] : memref<10112x128xf32, #tpu.memory_space<vmem_shared>> -> memref<10112x128xf32, #tpu.memory_space<vmem_shared>>
        tpu.enqueue_indirect_dma source(%arg12 : memref<96x128xf32, #tpu.memory_space<vmem>>) target(%dma_start3A_259 : memref<10112x128xf32, #tpu.memory_space<vmem_shared>>) offsets(%dma_start3A_256 : memref<96xi32, #tpu.memory_space<vmem>>) semaphore(%run_scoped3A_253 : memref<!tpu.dma_semaphore, #tpu.memory_space<semaphore_mem>>) {add = true}
        %dma_wait3A_260 = arith.constant 0 : i32
        %dma_wait3A_261 = tpu.memref_slice %arg11[%add3A_220, %dma_wait3A_260] : memref<105x96xi32, #tpu.memory_space<vmem>> -> memref<1x96xi32, #tpu.memory_space<vmem>>
        %dma_wait3A_262 = tpu.memref_squeeze %dma_wait3A_261 : memref<1x96xi32, #tpu.memory_space<vmem>> -> memref<96xi32, #tpu.memory_space<vmem>>
        %dma_wait3A_263 = arith.constant 0 : i32
        %dma_wait3A_264 = arith.constant 0 : i32
        %dma_wait3A_265 = tpu.memref_slice %arg14[%dma_wait3A_263, %dma_wait3A_264] : memref<10112x128xf32, #tpu.memory_space<vmem_shared>> -> memref<10112x128xf32, #tpu.memory_space<vmem_shared>>
        tpu.wait_indirect_dma semaphore(%run_scoped3A_253 : memref<!tpu.dma_semaphore, #tpu.memory_space<semaphore_mem>>) src(%arg12 : memref<96x128xf32, #tpu.memory_space<vmem>>) dst(%dma_wait3A_265 : memref<10112x128xf32, #tpu.memory_space<vmem_shared>>)
        tpu.yield
      }) : () -> ()
      %add3A_227 = arith.constant 2 : i32
      %add3A_228 = arith.addi %add3A_220, %add3A_227 : i32
      %mul3A_229 = arith.constant 96 : i32
      %mul3A_230 = arith.muli %add3A_228, %mul3A_229 : i32
      %dma_start3A_231 = tpu.memref_slice %arg10[%mul3A_230] : memref<10080xi32, #tpu.memory_space<vmem>> -> memref<96xi32, #tpu.memory_space<vmem>>
      %dma_start3A_232 = arith.constant 0 : i32
      %dma_start3A_233 = arith.constant 0 : i32
      %dma_start3A_234 = tpu.memref_slice %arg5[%dma_start3A_232, %dma_start3A_233] : memref<10112x128xf32, #tpu.memory_space<hbm>> -> memref<10112x128xf32, #tpu.memory_space<hbm>>
      tpu.enqueue_indirect_dma source(%dma_start3A_234 : memref<10112x128xf32, #tpu.memory_space<hbm>>) target(%arg12 : memref<96x128xf32, #tpu.memory_space<vmem>>) offsets(%dma_start3A_231 : memref<96xi32, #tpu.memory_space<vmem>>) semaphore(%arg15 : memref<!tpu.dma_semaphore, #tpu.memory_space<semaphore_mem>>)
      %mul3A_235 = arith.constant 2 : i32
      %mul3A_236 = arith.muli %scan3A_216, %mul3A_235 : i32
      %add3A_237 = arith.constant 1 : i32
      %add3A_238 = arith.addi %mul3A_236, %add3A_237 : i32
      %mul3A_239 = arith.constant 96 : i32
      %mul3A_240 = arith.muli %add3A_238, %mul3A_239 : i32
      %dma_wait3A_241 = tpu.memref_slice %arg10[%mul3A_240] : memref<10080xi32, #tpu.memory_space<vmem>> -> memref<96xi32, #tpu.memory_space<vmem>>
      %dma_wait3A_242 = arith.constant 0 : i32
      %dma_wait3A_243 = arith.constant 0 : i32
      %dma_wait3A_244 = tpu.memref_slice %arg5[%dma_wait3A_242, %dma_wait3A_243] : memref<10112x128xf32, #tpu.memory_space<hbm>> -> memref<10112x128xf32, #tpu.memory_space<hbm>>
      tpu.wait_indirect_dma semaphore(%arg16 : memref<!tpu.dma_semaphore, #tpu.memory_space<semaphore_mem>>) src(%dma_wait3A_244 : memref<10112x128xf32, #tpu.memory_space<hbm>>) dst(%arg13 : memref<96x128xf32, #tpu.memory_space<vmem>>)
      "tpu.region"() ({
        %run_scoped3A_253 = tpu.sem_alloc : memref<!tpu.dma_semaphore, #tpu.memory_space<semaphore_mem>>
        %dma_start3A_254 = arith.constant 0 : i32
        %dma_start3A_255 = tpu.memref_slice %arg11[%add3A_238, %dma_start3A_254] : memref<105x96xi32, #tpu.memory_space<vmem>> -> memref<1x96xi32, #tpu.memory_space<vmem>>
        %dma_start3A_256 = tpu.memref_squeeze %dma_start3A_255 : memref<1x96xi32, #tpu.memory_space<vmem>> -> memref<96xi32, #tpu.memory_space<vmem>>
        %dma_start3A_257 = arith.constant 0 : i32
        %dma_start3A_258 = arith.constant 0 : i32
        %dma_start3A_259 = tpu.memref_slice %arg14[%dma_start3A_257, %dma_start3A_258] : memref<10112x128xf32, #tpu.memory_space<vmem_shared>> -> memref<10112x128xf32, #tpu.memory_space<vmem_shared>>
        tpu.enqueue_indirect_dma source(%arg13 : memref<96x128xf32, #tpu.memory_space<vmem>>) target(%dma_start3A_259 : memref<10112x128xf32, #tpu.memory_space<vmem_shared>>) offsets(%dma_start3A_256 : memref<96xi32, #tpu.memory_space<vmem>>) semaphore(%run_scoped3A_253 : memref<!tpu.dma_semaphore, #tpu.memory_space<semaphore_mem>>) {add = true}
        %dma_wait3A_260 = arith.constant 0 : i32
        %dma_wait3A_261 = tpu.memref_slice %arg11[%add3A_238, %dma_wait3A_260] : memref<105x96xi32, #tpu.memory_space<vmem>> -> memref<1x96xi32, #tpu.memory_space<vmem>>
        %dma_wait3A_262 = tpu.memref_squeeze %dma_wait3A_261 : memref<1x96xi32, #tpu.memory_space<vmem>> -> memref<96xi32, #tpu.memory_space<vmem>>
        %dma_wait3A_263 = arith.constant 0 : i32
        %dma_wait3A_264 = arith.constant 0 : i32
        %dma_wait3A_265 = tpu.memref_slice %arg14[%dma_wait3A_263, %dma_wait3A_264] : memref<10112x128xf32, #tpu.memory_space<vmem_shared>> -> memref<10112x128xf32, #tpu.memory_space<vmem_shared>>
        tpu.wait_indirect_dma semaphore(%run_scoped3A_253 : memref<!tpu.dma_semaphore, #tpu.memory_space<semaphore_mem>>) src(%arg13 : memref<96x128xf32, #tpu.memory_space<vmem>>) dst(%dma_wait3A_265 : memref<10112x128xf32, #tpu.memory_space<vmem_shared>>)
        tpu.yield
      }) : () -> ()
      %add3A_245 = arith.constant 2 : i32
      %add3A_246 = arith.addi %add3A_238, %add3A_245 : i32
      %mul3A_247 = arith.constant 96 : i32
      %mul3A_248 = arith.muli %add3A_246, %mul3A_247 : i32
      %dma_start3A_249 = tpu.memref_slice %arg10[%mul3A_248] : memref<10080xi32, #tpu.memory_space<vmem>> -> memref<96xi32, #tpu.memory_space<vmem>>
      %dma_start3A_250 = arith.constant 0 : i32
      %dma_start3A_251 = arith.constant 0 : i32
      %dma_start3A_252 = tpu.memref_slice %arg5[%dma_start3A_250, %dma_start3A_251] : memref<10112x128xf32, #tpu.memory_space<hbm>> -> memref<10112x128xf32, #tpu.memory_space<hbm>>
      tpu.enqueue_indirect_dma source(%dma_start3A_252 : memref<10112x128xf32, #tpu.memory_space<hbm>>) target(%arg13 : memref<96x128xf32, #tpu.memory_space<vmem>>) offsets(%dma_start3A_249 : memref<96xi32, #tpu.memory_space<vmem>>) semaphore(%arg16 : memref<!tpu.dma_semaphore, #tpu.memory_space<semaphore_mem>>)
    }
    %scan3A_43 = arith.constant 51 : i32
    %dma_wait3A_44 = arith.constant 9792 : i32
    %dma_wait3A_45 = tpu.memref_slice %arg10[%dma_wait3A_44] : memref<10080xi32, #tpu.memory_space<vmem>> -> memref<96xi32, #tpu.memory_space<vmem>>
    %dma_wait3A_46 = arith.constant 0 : i32
    %dma_wait3A_47 = arith.constant 0 : i32
    %dma_wait3A_48 = tpu.memref_slice %arg5[%dma_wait3A_46, %dma_wait3A_47] : memref<10112x128xf32, #tpu.memory_space<hbm>> -> memref<10112x128xf32, #tpu.memory_space<hbm>>
    tpu.wait_indirect_dma semaphore(%arg15 : memref<!tpu.dma_semaphore, #tpu.memory_space<semaphore_mem>>) src(%dma_wait3A_48 : memref<10112x128xf32, #tpu.memory_space<hbm>>) dst(%arg12 : memref<96x128xf32, #tpu.memory_space<vmem>>)
    %run_scoped3A = arith.constant 102 : i32
    "tpu.region"() ({
      %run_scoped3A_216 = tpu.sem_alloc : memref<!tpu.dma_semaphore, #tpu.memory_space<semaphore_mem>>
      %dma_start3A_217 = arith.constant 0 : i32
      %dma_start3A_218 = tpu.memref_slice %arg11[%run_scoped3A, %dma_start3A_217] : memref<105x96xi32, #tpu.memory_space<vmem>> -> memref<1x96xi32, #tpu.memory_space<vmem>>
      %dma_start3A_219 = tpu.memref_squeeze %dma_start3A_218 : memref<1x96xi32, #tpu.memory_space<vmem>> -> memref<96xi32, #tpu.memory_space<vmem>>
      %dma_start3A_220 = arith.constant 0 : i32
      %dma_start3A_221 = arith.constant 0 : i32
      %dma_start3A_222 = tpu.memref_slice %arg14[%dma_start3A_220, %dma_start3A_221] : memref<10112x128xf32, #tpu.memory_space<vmem_shared>> -> memref<10112x128xf32, #tpu.memory_space<vmem_shared>>
      tpu.enqueue_indirect_dma source(%arg12 : memref<96x128xf32, #tpu.memory_space<vmem>>) target(%dma_start3A_222 : memref<10112x128xf32, #tpu.memory_space<vmem_shared>>) offsets(%dma_start3A_219 : memref<96xi32, #tpu.memory_space<vmem>>) semaphore(%run_scoped3A_216 : memref<!tpu.dma_semaphore, #tpu.memory_space<semaphore_mem>>) {add = true}
      %dma_wait3A_223 = arith.constant 0 : i32
      %dma_wait3A_224 = tpu.memref_slice %arg11[%run_scoped3A, %dma_wait3A_223] : memref<105x96xi32, #tpu.memory_space<vmem>> -> memref<1x96xi32, #tpu.memory_space<vmem>>
      %dma_wait3A_225 = tpu.memref_squeeze %dma_wait3A_224 : memref<1x96xi32, #tpu.memory_space<vmem>> -> memref<96xi32, #tpu.memory_space<vmem>>
      %dma_wait3A_226 = arith.constant 0 : i32
      %dma_wait3A_227 = arith.constant 0 : i32
      %dma_wait3A_228 = tpu.memref_slice %arg14[%dma_wait3A_226, %dma_wait3A_227] : memref<10112x128xf32, #tpu.memory_space<vmem_shared>> -> memref<10112x128xf32, #tpu.memory_space<vmem_shared>>
      tpu.wait_indirect_dma semaphore(%run_scoped3A_216 : memref<!tpu.dma_semaphore, #tpu.memory_space<semaphore_mem>>) src(%arg12 : memref<96x128xf32, #tpu.memory_space<vmem>>) dst(%dma_wait3A_228 : memref<10112x128xf32, #tpu.memory_space<vmem_shared>>)
      tpu.yield
    }) : () -> ()
    %dma_start3A_49 = arith.constant 9984 : i32
    %dma_start3A_50 = tpu.memref_slice %arg10[%dma_start3A_49] : memref<10080xi32, #tpu.memory_space<vmem>> -> memref<96xi32, #tpu.memory_space<vmem>>
    %dma_start3A_51 = arith.constant 0 : i32
    %dma_start3A_52 = arith.constant 0 : i32
    %dma_start3A_53 = tpu.memref_slice %arg5[%dma_start3A_51, %dma_start3A_52] : memref<10112x128xf32, #tpu.memory_space<hbm>> -> memref<10112x128xf32, #tpu.memory_space<hbm>>
    tpu.enqueue_indirect_dma source(%dma_start3A_53 : memref<10112x128xf32, #tpu.memory_space<hbm>>) target(%arg12 : memref<96x128xf32, #tpu.memory_space<vmem>>) offsets(%dma_start3A_50 : memref<96xi32, #tpu.memory_space<vmem>>) semaphore(%arg15 : memref<!tpu.dma_semaphore, #tpu.memory_space<semaphore_mem>>)
    %dma_wait3A_54 = arith.constant 9888 : i32
    %dma_wait3A_55 = tpu.memref_slice %arg10[%dma_wait3A_54] : memref<10080xi32, #tpu.memory_space<vmem>> -> memref<96xi32, #tpu.memory_space<vmem>>
    %dma_wait3A_56 = arith.constant 0 : i32
    %dma_wait3A_57 = arith.constant 0 : i32
    %dma_wait3A_58 = tpu.memref_slice %arg5[%dma_wait3A_56, %dma_wait3A_57] : memref<10112x128xf32, #tpu.memory_space<hbm>> -> memref<10112x128xf32, #tpu.memory_space<hbm>>
    tpu.wait_indirect_dma semaphore(%arg16 : memref<!tpu.dma_semaphore, #tpu.memory_space<semaphore_mem>>) src(%dma_wait3A_58 : memref<10112x128xf32, #tpu.memory_space<hbm>>) dst(%arg13 : memref<96x128xf32, #tpu.memory_space<vmem>>)
    %run_scoped3A_59 = arith.constant 103 : i32
    "tpu.region"() ({
      %run_scoped3A_216 = tpu.sem_alloc : memref<!tpu.dma_semaphore, #tpu.memory_space<semaphore_mem>>
      %dma_start3A_217 = arith.constant 0 : i32
      %dma_start3A_218 = tpu.memref_slice %arg11[%run_scoped3A_59, %dma_start3A_217] : memref<105x96xi32, #tpu.memory_space<vmem>> -> memref<1x96xi32, #tpu.memory_space<vmem>>
      %dma_start3A_219 = tpu.memref_squeeze %dma_start3A_218 : memref<1x96xi32, #tpu.memory_space<vmem>> -> memref<96xi32, #tpu.memory_space<vmem>>
      %dma_start3A_220 = arith.constant 0 : i32
      %dma_start3A_221 = arith.constant 0 : i32
      %dma_start3A_222 = tpu.memref_slice %arg14[%dma_start3A_220, %dma_start3A_221] : memref<10112x128xf32, #tpu.memory_space<vmem_shared>> -> memref<10112x128xf32, #tpu.memory_space<vmem_shared>>
      tpu.enqueue_indirect_dma source(%arg13 : memref<96x128xf32, #tpu.memory_space<vmem>>) target(%dma_start3A_222 : memref<10112x128xf32, #tpu.memory_space<vmem_shared>>) offsets(%dma_start3A_219 : memref<96xi32, #tpu.memory_space<vmem>>) semaphore(%run_scoped3A_216 : memref<!tpu.dma_semaphore, #tpu.memory_space<semaphore_mem>>) {add = true}
      %dma_wait3A_223 = arith.constant 0 : i32
      %dma_wait3A_224 = tpu.memref_slice %arg11[%run_scoped3A_59, %dma_wait3A_223] : memref<105x96xi32, #tpu.memory_space<vmem>> -> memref<1x96xi32, #tpu.memory_space<vmem>>
      %dma_wait3A_225 = tpu.memref_squeeze %dma_wait3A_224 : memref<1x96xi32, #tpu.memory_space<vmem>> -> memref<96xi32, #tpu.memory_space<vmem>>
      %dma_wait3A_226 = arith.constant 0 : i32
      %dma_wait3A_227 = arith.constant 0 : i32
      %dma_wait3A_228 = tpu.memref_slice %arg14[%dma_wait3A_226, %dma_wait3A_227] : memref<10112x128xf32, #tpu.memory_space<vmem_shared>> -> memref<10112x128xf32, #tpu.memory_space<vmem_shared>>
      tpu.wait_indirect_dma semaphore(%run_scoped3A_216 : memref<!tpu.dma_semaphore, #tpu.memory_space<semaphore_mem>>) src(%arg13 : memref<96x128xf32, #tpu.memory_space<vmem>>) dst(%dma_wait3A_228 : memref<10112x128xf32, #tpu.memory_space<vmem_shared>>)
      tpu.yield
    }) : () -> ()
    %dma_wait3A_60 = arith.constant 9984 : i32
    %dma_wait3A_61 = tpu.memref_slice %arg10[%dma_wait3A_60] : memref<10080xi32, #tpu.memory_space<vmem>> -> memref<96xi32, #tpu.memory_space<vmem>>
    %dma_wait3A_62 = arith.constant 0 : i32
    %dma_wait3A_63 = arith.constant 0 : i32
    %dma_wait3A_64 = tpu.memref_slice %arg5[%dma_wait3A_62, %dma_wait3A_63] : memref<10112x128xf32, #tpu.memory_space<hbm>> -> memref<10112x128xf32, #tpu.memory_space<hbm>>
    tpu.wait_indirect_dma semaphore(%arg15 : memref<!tpu.dma_semaphore, #tpu.memory_space<semaphore_mem>>) src(%dma_wait3A_64 : memref<10112x128xf32, #tpu.memory_space<hbm>>) dst(%arg12 : memref<96x128xf32, #tpu.memory_space<vmem>>)
    %run_scoped3A_65 = arith.constant 104 : i32
    "tpu.region"() ({
      %run_scoped3A_216 = tpu.sem_alloc : memref<!tpu.dma_semaphore, #tpu.memory_space<semaphore_mem>>
      %dma_start3A_217 = arith.constant 0 : i32
      %dma_start3A_218 = tpu.memref_slice %arg11[%run_scoped3A_65, %dma_start3A_217] : memref<105x96xi32, #tpu.memory_space<vmem>> -> memref<1x96xi32, #tpu.memory_space<vmem>>
      %dma_start3A_219 = tpu.memref_squeeze %dma_start3A_218 : memref<1x96xi32, #tpu.memory_space<vmem>> -> memref<96xi32, #tpu.memory_space<vmem>>
      %dma_start3A_220 = arith.constant 0 : i32
      %dma_start3A_221 = arith.constant 0 : i32
      %dma_start3A_222 = tpu.memref_slice %arg14[%dma_start3A_220, %dma_start3A_221] : memref<10112x128xf32, #tpu.memory_space<vmem_shared>> -> memref<10112x128xf32, #tpu.memory_space<vmem_shared>>
      tpu.enqueue_indirect_dma source(%arg12 : memref<96x128xf32, #tpu.memory_space<vmem>>) target(%dma_start3A_222 : memref<10112x128xf32, #tpu.memory_space<vmem_shared>>) offsets(%dma_start3A_219 : memref<96xi32, #tpu.memory_space<vmem>>) semaphore(%run_scoped3A_216 : memref<!tpu.dma_semaphore, #tpu.memory_space<semaphore_mem>>) {add = true}
      %dma_wait3A_223 = arith.constant 0 : i32
      %dma_wait3A_224 = tpu.memref_slice %arg11[%run_scoped3A_65, %dma_wait3A_223] : memref<105x96xi32, #tpu.memory_space<vmem>> -> memref<1x96xi32, #tpu.memory_space<vmem>>
      %dma_wait3A_225 = tpu.memref_squeeze %dma_wait3A_224 : memref<1x96xi32, #tpu.memory_space<vmem>> -> memref<96xi32, #tpu.memory_space<vmem>>
      %dma_wait3A_226 = arith.constant 0 : i32
      %dma_wait3A_227 = arith.constant 0 : i32
      %dma_wait3A_228 = tpu.memref_slice %arg14[%dma_wait3A_226, %dma_wait3A_227] : memref<10112x128xf32, #tpu.memory_space<vmem_shared>> -> memref<10112x128xf32, #tpu.memory_space<vmem_shared>>
      tpu.wait_indirect_dma semaphore(%run_scoped3A_216 : memref<!tpu.dma_semaphore, #tpu.memory_space<semaphore_mem>>) src(%arg12 : memref<96x128xf32, #tpu.memory_space<vmem>>) dst(%dma_wait3A_228 : memref<10112x128xf32, #tpu.memory_space<vmem_shared>>)
      tpu.yield
    }) : () -> ()
    %barrier3A_66 = arith.constant 0 : index
    tpu.barrier barrier_id(%barrier3A_66)
    %mul3A_67 = arith.constant 632 : i32
    %mul3A_68 = arith.muli %arg1, %mul3A_67 : i32
    %mul3A_69 = arith.constant 632 : i32
    %mul3A_70 = arith.muli %arg1, %mul3A_69 : i32
    %run_scoped3A_71 = arith.constant 0 : i32
    "tpu.region"() ({
      %run_scoped3A_216 = tpu.sem_alloc : memref<!tpu.dma_semaphore, #tpu.memory_space<semaphore_mem>>
      %dma_start3A_217 = arith.constant 0 : i32
      %dma_start3A_218 = tpu.memref_slice %arg9[%arg0, %run_scoped3A_71, %mul3A_70, %dma_start3A_217] : memref<2x4x10112x128xf32, #tpu.memory_space<hbm>> -> memref<1x1x632x128xf32, #tpu.memory_space<hbm>>
      %dma_start3A_219 = tpu.memref_squeeze %dma_start3A_218 : memref<1x1x632x128xf32, #tpu.memory_space<hbm>> -> memref<632x128xf32, #tpu.memory_space<hbm>>
      %dma_start3A_220 = arith.constant 0 : i32
      %dma_start3A_221 = tpu.memref_slice %arg14[%mul3A_68, %dma_start3A_220] : memref<10112x128xf32, #tpu.memory_space<vmem_shared>> -> memref<632x128xf32, #tpu.memory_space<vmem_shared>>
      tpu.enqueue_dma source(%dma_start3A_221 : memref<632x128xf32, #tpu.memory_space<vmem_shared>>) target(%dma_start3A_219 : memref<632x128xf32, #tpu.memory_space<hbm>>) target_semaphore(%run_scoped3A_216 : memref<!tpu.dma_semaphore, #tpu.memory_space<semaphore_mem>>)
      %dma_wait3A_222 = arith.constant 0 : i32
      %dma_wait3A_223 = tpu.memref_slice %arg9[%arg0, %run_scoped3A_71, %mul3A_70, %dma_wait3A_222] : memref<2x4x10112x128xf32, #tpu.memory_space<hbm>> -> memref<1x1x632x128xf32, #tpu.memory_space<hbm>>
      %dma_wait3A_224 = tpu.memref_squeeze %dma_wait3A_223 : memref<1x1x632x128xf32, #tpu.memory_space<hbm>> -> memref<632x128xf32, #tpu.memory_space<hbm>>
      %dma_wait3A_225 = arith.constant 0 : i32
      %dma_wait3A_226 = tpu.memref_slice %arg14[%mul3A_68, %dma_wait3A_225] : memref<10112x128xf32, #tpu.memory_space<vmem_shared>> -> memref<632x128xf32, #tpu.memory_space<vmem_shared>>
      tpu.wait_dma2 semaphore(%run_scoped3A_216 : memref<!tpu.dma_semaphore, #tpu.memory_space<semaphore_mem>>) src(%dma_wait3A_226 : memref<632x128xf32, #tpu.memory_space<vmem_shared>>) dst(%dma_wait3A_224 : memref<632x128xf32, #tpu.memory_space<hbm>>)
      tpu.yield
    }) : () -> ()
    %dma_start3A_72 = arith.constant 0 : i32
    %dma_start3A_73 = tpu.memref_slice %arg10[%dma_start3A_72] : memref<10080xi32, #tpu.memory_space<vmem>> -> memref<96xi32, #tpu.memory_space<vmem>>
    %dma_start3A_74 = arith.constant 0 : i32
    %dma_start3A_75 = arith.constant 0 : i32
    %dma_start3A_76 = tpu.memref_slice %arg6[%dma_start3A_74, %dma_start3A_75] : memref<10112x128xf32, #tpu.memory_space<hbm>> -> memref<10112x128xf32, #tpu.memory_space<hbm>>
    tpu.enqueue_indirect_dma source(%dma_start3A_76 : memref<10112x128xf32, #tpu.memory_space<hbm>>) target(%arg12 : memref<96x128xf32, #tpu.memory_space<vmem>>) offsets(%dma_start3A_73 : memref<96xi32, #tpu.memory_space<vmem>>) semaphore(%arg15 : memref<!tpu.dma_semaphore, #tpu.memory_space<semaphore_mem>>)
    %dma_start3A_77 = arith.constant 96 : i32
    %dma_start3A_78 = tpu.memref_slice %arg10[%dma_start3A_77] : memref<10080xi32, #tpu.memory_space<vmem>> -> memref<96xi32, #tpu.memory_space<vmem>>
    %dma_start3A_79 = arith.constant 0 : i32
    %dma_start3A_80 = arith.constant 0 : i32
    %dma_start3A_81 = tpu.memref_slice %arg6[%dma_start3A_79, %dma_start3A_80] : memref<10112x128xf32, #tpu.memory_space<hbm>> -> memref<10112x128xf32, #tpu.memory_space<hbm>>
    tpu.enqueue_indirect_dma source(%dma_start3A_81 : memref<10112x128xf32, #tpu.memory_space<hbm>>) target(%arg13 : memref<96x128xf32, #tpu.memory_space<vmem>>) offsets(%dma_start3A_78 : memref<96xi32, #tpu.memory_space<vmem>>) semaphore(%arg16 : memref<!tpu.dma_semaphore, #tpu.memory_space<semaphore_mem>>)
    %mul3A_82 = arith.constant 632 : i32
    %mul3A_83 = arith.muli %arg1, %mul3A_82 : i32
    "tpu.region"() ({
      %run_scoped3A_216 = tpu.sem_alloc : memref<!tpu.dma_semaphore, #tpu.memory_space<semaphore_mem>>
      %dma_start3A_217 = arith.constant 0 : i32
      %dma_start3A_218 = tpu.memref_slice %arg14[%mul3A_83, %dma_start3A_217] : memref<10112x128xf32, #tpu.memory_space<vmem_shared>> -> memref<632x128xf32, #tpu.memory_space<vmem_shared>>
      tpu.enqueue_dma source(%arg4 : memref<632x128xf32, #tpu.memory_space<hbm>>) target(%dma_start3A_218 : memref<632x128xf32, #tpu.memory_space<vmem_shared>>) target_semaphore(%run_scoped3A_216 : memref<!tpu.dma_semaphore, #tpu.memory_space<semaphore_mem>>)
      %dma_wait3A_219 = arith.constant 0 : i32
      %dma_wait3A_220 = tpu.memref_slice %arg14[%mul3A_83, %dma_wait3A_219] : memref<10112x128xf32, #tpu.memory_space<vmem_shared>> -> memref<632x128xf32, #tpu.memory_space<vmem_shared>>
      tpu.wait_dma2 semaphore(%run_scoped3A_216 : memref<!tpu.dma_semaphore, #tpu.memory_space<semaphore_mem>>) src(%arg4 : memref<632x128xf32, #tpu.memory_space<hbm>>) dst(%dma_wait3A_220 : memref<632x128xf32, #tpu.memory_space<vmem_shared>>)
      tpu.yield
    }) : () -> ()
    %barrier3A_84 = arith.constant 0 : index
    tpu.barrier barrier_id(%barrier3A_84)
    %scan3A_85 = arith.constant 0 : i32
    %scan3A_86 = arith.constant 0 : i32
    %scan3A_87 = arith.constant 51 : i32
    %scan3A_88 = arith.addi %scan3A_86, %scan3A_87 : i32
    %scan3A_89 = arith.constant 1 : i32
    scf.for %scan3A_216 = %scan3A_86 to %scan3A_88 step %scan3A_89  : i32 {
      %mul3A_217 = arith.constant 2 : i32
      %mul3A_218 = arith.muli %scan3A_216, %mul3A_217 : i32
      %add3A_219 = arith.constant 0 : i32
      %add3A_220 = arith.addi %mul3A_218, %add3A_219 : i32
      %mul3A_221 = arith.constant 96 : i32
      %mul3A_222 = arith.muli %add3A_220, %mul3A_221 : i32
      %dma_wait3A_223 = tpu.memref_slice %arg10[%mul3A_222] : memref<10080xi32, #tpu.memory_space<vmem>> -> memref<96xi32, #tpu.memory_space<vmem>>
      %dma_wait3A_224 = arith.constant 0 : i32
      %dma_wait3A_225 = arith.constant 0 : i32
      %dma_wait3A_226 = tpu.memref_slice %arg6[%dma_wait3A_224, %dma_wait3A_225] : memref<10112x128xf32, #tpu.memory_space<hbm>> -> memref<10112x128xf32, #tpu.memory_space<hbm>>
      tpu.wait_indirect_dma semaphore(%arg15 : memref<!tpu.dma_semaphore, #tpu.memory_space<semaphore_mem>>) src(%dma_wait3A_226 : memref<10112x128xf32, #tpu.memory_space<hbm>>) dst(%arg12 : memref<96x128xf32, #tpu.memory_space<vmem>>)
      "tpu.region"() ({
        %run_scoped3A_253 = tpu.sem_alloc : memref<!tpu.dma_semaphore, #tpu.memory_space<semaphore_mem>>
        %dma_start3A_254 = arith.constant 0 : i32
        %dma_start3A_255 = tpu.memref_slice %arg11[%add3A_220, %dma_start3A_254] : memref<105x96xi32, #tpu.memory_space<vmem>> -> memref<1x96xi32, #tpu.memory_space<vmem>>
        %dma_start3A_256 = tpu.memref_squeeze %dma_start3A_255 : memref<1x96xi32, #tpu.memory_space<vmem>> -> memref<96xi32, #tpu.memory_space<vmem>>
        %dma_start3A_257 = arith.constant 0 : i32
        %dma_start3A_258 = arith.constant 0 : i32
        %dma_start3A_259 = tpu.memref_slice %arg14[%dma_start3A_257, %dma_start3A_258] : memref<10112x128xf32, #tpu.memory_space<vmem_shared>> -> memref<10112x128xf32, #tpu.memory_space<vmem_shared>>
        tpu.enqueue_indirect_dma source(%arg12 : memref<96x128xf32, #tpu.memory_space<vmem>>) target(%dma_start3A_259 : memref<10112x128xf32, #tpu.memory_space<vmem_shared>>) offsets(%dma_start3A_256 : memref<96xi32, #tpu.memory_space<vmem>>) semaphore(%run_scoped3A_253 : memref<!tpu.dma_semaphore, #tpu.memory_space<semaphore_mem>>) {add = true}
        %dma_wait3A_260 = arith.constant 0 : i32
        %dma_wait3A_261 = tpu.memref_slice %arg11[%add3A_220, %dma_wait3A_260] : memref<105x96xi32, #tpu.memory_space<vmem>> -> memref<1x96xi32, #tpu.memory_space<vmem>>
        %dma_wait3A_262 = tpu.memref_squeeze %dma_wait3A_261 : memref<1x96xi32, #tpu.memory_space<vmem>> -> memref<96xi32, #tpu.memory_space<vmem>>
        %dma_wait3A_263 = arith.constant 0 : i32
        %dma_wait3A_264 = arith.constant 0 : i32
        %dma_wait3A_265 = tpu.memref_slice %arg14[%dma_wait3A_263, %dma_wait3A_264] : memref<10112x128xf32, #tpu.memory_space<vmem_shared>> -> memref<10112x128xf32, #tpu.memory_space<vmem_shared>>
        tpu.wait_indirect_dma semaphore(%run_scoped3A_253 : memref<!tpu.dma_semaphore, #tpu.memory_space<semaphore_mem>>) src(%arg12 : memref<96x128xf32, #tpu.memory_space<vmem>>) dst(%dma_wait3A_265 : memref<10112x128xf32, #tpu.memory_space<vmem_shared>>)
        tpu.yield
      }) : () -> ()
      %add3A_227 = arith.constant 2 : i32
      %add3A_228 = arith.addi %add3A_220, %add3A_227 : i32
      %mul3A_229 = arith.constant 96 : i32
      %mul3A_230 = arith.muli %add3A_228, %mul3A_229 : i32
      %dma_start3A_231 = tpu.memref_slice %arg10[%mul3A_230] : memref<10080xi32, #tpu.memory_space<vmem>> -> memref<96xi32, #tpu.memory_space<vmem>>
      %dma_start3A_232 = arith.constant 0 : i32
      %dma_start3A_233 = arith.constant 0 : i32
      %dma_start3A_234 = tpu.memref_slice %arg6[%dma_start3A_232, %dma_start3A_233] : memref<10112x128xf32, #tpu.memory_space<hbm>> -> memref<10112x128xf32, #tpu.memory_space<hbm>>
      tpu.enqueue_indirect_dma source(%dma_start3A_234 : memref<10112x128xf32, #tpu.memory_space<hbm>>) target(%arg12 : memref<96x128xf32, #tpu.memory_space<vmem>>) offsets(%dma_start3A_231 : memref<96xi32, #tpu.memory_space<vmem>>) semaphore(%arg15 : memref<!tpu.dma_semaphore, #tpu.memory_space<semaphore_mem>>)
      %mul3A_235 = arith.constant 2 : i32
      %mul3A_236 = arith.muli %scan3A_216, %mul3A_235 : i32
      %add3A_237 = arith.constant 1 : i32
      %add3A_238 = arith.addi %mul3A_236, %add3A_237 : i32
      %mul3A_239 = arith.constant 96 : i32
      %mul3A_240 = arith.muli %add3A_238, %mul3A_239 : i32
      %dma_wait3A_241 = tpu.memref_slice %arg10[%mul3A_240] : memref<10080xi32, #tpu.memory_space<vmem>> -> memref<96xi32, #tpu.memory_space<vmem>>
      %dma_wait3A_242 = arith.constant 0 : i32
      %dma_wait3A_243 = arith.constant 0 : i32
      %dma_wait3A_244 = tpu.memref_slice %arg6[%dma_wait3A_242, %dma_wait3A_243] : memref<10112x128xf32, #tpu.memory_space<hbm>> -> memref<10112x128xf32, #tpu.memory_space<hbm>>
      tpu.wait_indirect_dma semaphore(%arg16 : memref<!tpu.dma_semaphore, #tpu.memory_space<semaphore_mem>>) src(%dma_wait3A_244 : memref<10112x128xf32, #tpu.memory_space<hbm>>) dst(%arg13 : memref<96x128xf32, #tpu.memory_space<vmem>>)
      "tpu.region"() ({
        %run_scoped3A_253 = tpu.sem_alloc : memref<!tpu.dma_semaphore, #tpu.memory_space<semaphore_mem>>
        %dma_start3A_254 = arith.constant 0 : i32
        %dma_start3A_255 = tpu.memref_slice %arg11[%add3A_238, %dma_start3A_254] : memref<105x96xi32, #tpu.memory_space<vmem>> -> memref<1x96xi32, #tpu.memory_space<vmem>>
        %dma_start3A_256 = tpu.memref_squeeze %dma_start3A_255 : memref<1x96xi32, #tpu.memory_space<vmem>> -> memref<96xi32, #tpu.memory_space<vmem>>
        %dma_start3A_257 = arith.constant 0 : i32
        %dma_start3A_258 = arith.constant 0 : i32
        %dma_start3A_259 = tpu.memref_slice %arg14[%dma_start3A_257, %dma_start3A_258] : memref<10112x128xf32, #tpu.memory_space<vmem_shared>> -> memref<10112x128xf32, #tpu.memory_space<vmem_shared>>
        tpu.enqueue_indirect_dma source(%arg13 : memref<96x128xf32, #tpu.memory_space<vmem>>) target(%dma_start3A_259 : memref<10112x128xf32, #tpu.memory_space<vmem_shared>>) offsets(%dma_start3A_256 : memref<96xi32, #tpu.memory_space<vmem>>) semaphore(%run_scoped3A_253 : memref<!tpu.dma_semaphore, #tpu.memory_space<semaphore_mem>>) {add = true}
        %dma_wait3A_260 = arith.constant 0 : i32
        %dma_wait3A_261 = tpu.memref_slice %arg11[%add3A_238, %dma_wait3A_260] : memref<105x96xi32, #tpu.memory_space<vmem>> -> memref<1x96xi32, #tpu.memory_space<vmem>>
        %dma_wait3A_262 = tpu.memref_squeeze %dma_wait3A_261 : memref<1x96xi32, #tpu.memory_space<vmem>> -> memref<96xi32, #tpu.memory_space<vmem>>
        %dma_wait3A_263 = arith.constant 0 : i32
        %dma_wait3A_264 = arith.constant 0 : i32
        %dma_wait3A_265 = tpu.memref_slice %arg14[%dma_wait3A_263, %dma_wait3A_264] : memref<10112x128xf32, #tpu.memory_space<vmem_shared>> -> memref<10112x128xf32, #tpu.memory_space<vmem_shared>>
        tpu.wait_indirect_dma semaphore(%run_scoped3A_253 : memref<!tpu.dma_semaphore, #tpu.memory_space<semaphore_mem>>) src(%arg13 : memref<96x128xf32, #tpu.memory_space<vmem>>) dst(%dma_wait3A_265 : memref<10112x128xf32, #tpu.memory_space<vmem_shared>>)
        tpu.yield
      }) : () -> ()
      %add3A_245 = arith.constant 2 : i32
      %add3A_246 = arith.addi %add3A_238, %add3A_245 : i32
      %mul3A_247 = arith.constant 96 : i32
      %mul3A_248 = arith.muli %add3A_246, %mul3A_247 : i32
      %dma_start3A_249 = tpu.memref_slice %arg10[%mul3A_248] : memref<10080xi32, #tpu.memory_space<vmem>> -> memref<96xi32, #tpu.memory_space<vmem>>
      %dma_start3A_250 = arith.constant 0 : i32
      %dma_start3A_251 = arith.constant 0 : i32
      %dma_start3A_252 = tpu.memref_slice %arg6[%dma_start3A_250, %dma_start3A_251] : memref<10112x128xf32, #tpu.memory_space<hbm>> -> memref<10112x128xf32, #tpu.memory_space<hbm>>
      tpu.enqueue_indirect_dma source(%dma_start3A_252 : memref<10112x128xf32, #tpu.memory_space<hbm>>) target(%arg13 : memref<96x128xf32, #tpu.memory_space<vmem>>) offsets(%dma_start3A_249 : memref<96xi32, #tpu.memory_space<vmem>>) semaphore(%arg16 : memref<!tpu.dma_semaphore, #tpu.memory_space<semaphore_mem>>)
    }
    %scan3A_90 = arith.constant 51 : i32
    %dma_wait3A_91 = arith.constant 9792 : i32
    %dma_wait3A_92 = tpu.memref_slice %arg10[%dma_wait3A_91] : memref<10080xi32, #tpu.memory_space<vmem>> -> memref<96xi32, #tpu.memory_space<vmem>>
    %dma_wait3A_93 = arith.constant 0 : i32
    %dma_wait3A_94 = arith.constant 0 : i32
    %dma_wait3A_95 = tpu.memref_slice %arg6[%dma_wait3A_93, %dma_wait3A_94] : memref<10112x128xf32, #tpu.memory_space<hbm>> -> memref<10112x128xf32, #tpu.memory_space<hbm>>
    tpu.wait_indirect_dma semaphore(%arg15 : memref<!tpu.dma_semaphore, #tpu.memory_space<semaphore_mem>>) src(%dma_wait3A_95 : memref<10112x128xf32, #tpu.memory_space<hbm>>) dst(%arg12 : memref<96x128xf32, #tpu.memory_space<vmem>>)
    %run_scoped3A_96 = arith.constant 102 : i32
    "tpu.region"() ({
      %run_scoped3A_216 = tpu.sem_alloc : memref<!tpu.dma_semaphore, #tpu.memory_space<semaphore_mem>>
      %dma_start3A_217 = arith.constant 0 : i32
      %dma_start3A_218 = tpu.memref_slice %arg11[%run_scoped3A_96, %dma_start3A_217] : memref<105x96xi32, #tpu.memory_space<vmem>> -> memref<1x96xi32, #tpu.memory_space<vmem>>
      %dma_start3A_219 = tpu.memref_squeeze %dma_start3A_218 : memref<1x96xi32, #tpu.memory_space<vmem>> -> memref<96xi32, #tpu.memory_space<vmem>>
      %dma_start3A_220 = arith.constant 0 : i32
      %dma_start3A_221 = arith.constant 0 : i32
      %dma_start3A_222 = tpu.memref_slice %arg14[%dma_start3A_220, %dma_start3A_221] : memref<10112x128xf32, #tpu.memory_space<vmem_shared>> -> memref<10112x128xf32, #tpu.memory_space<vmem_shared>>
      tpu.enqueue_indirect_dma source(%arg12 : memref<96x128xf32, #tpu.memory_space<vmem>>) target(%dma_start3A_222 : memref<10112x128xf32, #tpu.memory_space<vmem_shared>>) offsets(%dma_start3A_219 : memref<96xi32, #tpu.memory_space<vmem>>) semaphore(%run_scoped3A_216 : memref<!tpu.dma_semaphore, #tpu.memory_space<semaphore_mem>>) {add = true}
      %dma_wait3A_223 = arith.constant 0 : i32
      %dma_wait3A_224 = tpu.memref_slice %arg11[%run_scoped3A_96, %dma_wait3A_223] : memref<105x96xi32, #tpu.memory_space<vmem>> -> memref<1x96xi32, #tpu.memory_space<vmem>>
      %dma_wait3A_225 = tpu.memref_squeeze %dma_wait3A_224 : memref<1x96xi32, #tpu.memory_space<vmem>> -> memref<96xi32, #tpu.memory_space<vmem>>
      %dma_wait3A_226 = arith.constant 0 : i32
      %dma_wait3A_227 = arith.constant 0 : i32
      %dma_wait3A_228 = tpu.memref_slice %arg14[%dma_wait3A_226, %dma_wait3A_227] : memref<10112x128xf32, #tpu.memory_space<vmem_shared>> -> memref<10112x128xf32, #tpu.memory_space<vmem_shared>>
      tpu.wait_indirect_dma semaphore(%run_scoped3A_216 : memref<!tpu.dma_semaphore, #tpu.memory_space<semaphore_mem>>) src(%arg12 : memref<96x128xf32, #tpu.memory_space<vmem>>) dst(%dma_wait3A_228 : memref<10112x128xf32, #tpu.memory_space<vmem_shared>>)
      tpu.yield
    }) : () -> ()
    %dma_start3A_97 = arith.constant 9984 : i32
    %dma_start3A_98 = tpu.memref_slice %arg10[%dma_start3A_97] : memref<10080xi32, #tpu.memory_space<vmem>> -> memref<96xi32, #tpu.memory_space<vmem>>
    %dma_start3A_99 = arith.constant 0 : i32
    %dma_start3A_100 = arith.constant 0 : i32
    %dma_start3A_101 = tpu.memref_slice %arg6[%dma_start3A_99, %dma_start3A_100] : memref<10112x128xf32, #tpu.memory_space<hbm>> -> memref<10112x128xf32, #tpu.memory_space<hbm>>
    tpu.enqueue_indirect_dma source(%dma_start3A_101 : memref<10112x128xf32, #tpu.memory_space<hbm>>) target(%arg12 : memref<96x128xf32, #tpu.memory_space<vmem>>) offsets(%dma_start3A_98 : memref<96xi32, #tpu.memory_space<vmem>>) semaphore(%arg15 : memref<!tpu.dma_semaphore, #tpu.memory_space<semaphore_mem>>)
    %dma_wait3A_102 = arith.constant 9888 : i32
    %dma_wait3A_103 = tpu.memref_slice %arg10[%dma_wait3A_102] : memref<10080xi32, #tpu.memory_space<vmem>> -> memref<96xi32, #tpu.memory_space<vmem>>
    %dma_wait3A_104 = arith.constant 0 : i32
    %dma_wait3A_105 = arith.constant 0 : i32
    %dma_wait3A_106 = tpu.memref_slice %arg6[%dma_wait3A_104, %dma_wait3A_105] : memref<10112x128xf32, #tpu.memory_space<hbm>> -> memref<10112x128xf32, #tpu.memory_space<hbm>>
    tpu.wait_indirect_dma semaphore(%arg16 : memref<!tpu.dma_semaphore, #tpu.memory_space<semaphore_mem>>) src(%dma_wait3A_106 : memref<10112x128xf32, #tpu.memory_space<hbm>>) dst(%arg13 : memref<96x128xf32, #tpu.memory_space<vmem>>)
    %run_scoped3A_107 = arith.constant 103 : i32
    "tpu.region"() ({
      %run_scoped3A_216 = tpu.sem_alloc : memref<!tpu.dma_semaphore, #tpu.memory_space<semaphore_mem>>
      %dma_start3A_217 = arith.constant 0 : i32
      %dma_start3A_218 = tpu.memref_slice %arg11[%run_scoped3A_107, %dma_start3A_217] : memref<105x96xi32, #tpu.memory_space<vmem>> -> memref<1x96xi32, #tpu.memory_space<vmem>>
      %dma_start3A_219 = tpu.memref_squeeze %dma_start3A_218 : memref<1x96xi32, #tpu.memory_space<vmem>> -> memref<96xi32, #tpu.memory_space<vmem>>
      %dma_start3A_220 = arith.constant 0 : i32
      %dma_start3A_221 = arith.constant 0 : i32
      %dma_start3A_222 = tpu.memref_slice %arg14[%dma_start3A_220, %dma_start3A_221] : memref<10112x128xf32, #tpu.memory_space<vmem_shared>> -> memref<10112x128xf32, #tpu.memory_space<vmem_shared>>
      tpu.enqueue_indirect_dma source(%arg13 : memref<96x128xf32, #tpu.memory_space<vmem>>) target(%dma_start3A_222 : memref<10112x128xf32, #tpu.memory_space<vmem_shared>>) offsets(%dma_start3A_219 : memref<96xi32, #tpu.memory_space<vmem>>) semaphore(%run_scoped3A_216 : memref<!tpu.dma_semaphore, #tpu.memory_space<semaphore_mem>>) {add = true}
      %dma_wait3A_223 = arith.constant 0 : i32
      %dma_wait3A_224 = tpu.memref_slice %arg11[%run_scoped3A_107, %dma_wait3A_223] : memref<105x96xi32, #tpu.memory_space<vmem>> -> memref<1x96xi32, #tpu.memory_space<vmem>>
      %dma_wait3A_225 = tpu.memref_squeeze %dma_wait3A_224 : memref<1x96xi32, #tpu.memory_space<vmem>> -> memref<96xi32, #tpu.memory_space<vmem>>
      %dma_wait3A_226 = arith.constant 0 : i32
      %dma_wait3A_227 = arith.constant 0 : i32
      %dma_wait3A_228 = tpu.memref_slice %arg14[%dma_wait3A_226, %dma_wait3A_227] : memref<10112x128xf32, #tpu.memory_space<vmem_shared>> -> memref<10112x128xf32, #tpu.memory_space<vmem_shared>>
      tpu.wait_indirect_dma semaphore(%run_scoped3A_216 : memref<!tpu.dma_semaphore, #tpu.memory_space<semaphore_mem>>) src(%arg13 : memref<96x128xf32, #tpu.memory_space<vmem>>) dst(%dma_wait3A_228 : memref<10112x128xf32, #tpu.memory_space<vmem_shared>>)
      tpu.yield
    }) : () -> ()
    %dma_wait3A_108 = arith.constant 9984 : i32
    %dma_wait3A_109 = tpu.memref_slice %arg10[%dma_wait3A_108] : memref<10080xi32, #tpu.memory_space<vmem>> -> memref<96xi32, #tpu.memory_space<vmem>>
    %dma_wait3A_110 = arith.constant 0 : i32
    %dma_wait3A_111 = arith.constant 0 : i32
    %dma_wait3A_112 = tpu.memref_slice %arg6[%dma_wait3A_110, %dma_wait3A_111] : memref<10112x128xf32, #tpu.memory_space<hbm>> -> memref<10112x128xf32, #tpu.memory_space<hbm>>
    tpu.wait_indirect_dma semaphore(%arg15 : memref<!tpu.dma_semaphore, #tpu.memory_space<semaphore_mem>>) src(%dma_wait3A_112 : memref<10112x128xf32, #tpu.memory_space<hbm>>) dst(%arg12 : memref<96x128xf32, #tpu.memory_space<vmem>>)
    %run_scoped3A_113 = arith.constant 104 : i32
    "tpu.region"() ({
      %run_scoped3A_216 = tpu.sem_alloc : memref<!tpu.dma_semaphore, #tpu.memory_space<semaphore_mem>>
      %dma_start3A_217 = arith.constant 0 : i32
      %dma_start3A_218 = tpu.memref_slice %arg11[%run_scoped3A_113, %dma_start3A_217] : memref<105x96xi32, #tpu.memory_space<vmem>> -> memref<1x96xi32, #tpu.memory_space<vmem>>
      %dma_start3A_219 = tpu.memref_squeeze %dma_start3A_218 : memref<1x96xi32, #tpu.memory_space<vmem>> -> memref<96xi32, #tpu.memory_space<vmem>>
      %dma_start3A_220 = arith.constant 0 : i32
      %dma_start3A_221 = arith.constant 0 : i32
      %dma_start3A_222 = tpu.memref_slice %arg14[%dma_start3A_220, %dma_start3A_221] : memref<10112x128xf32, #tpu.memory_space<vmem_shared>> -> memref<10112x128xf32, #tpu.memory_space<vmem_shared>>
      tpu.enqueue_indirect_dma source(%arg12 : memref<96x128xf32, #tpu.memory_space<vmem>>) target(%dma_start3A_222 : memref<10112x128xf32, #tpu.memory_space<vmem_shared>>) offsets(%dma_start3A_219 : memref<96xi32, #tpu.memory_space<vmem>>) semaphore(%run_scoped3A_216 : memref<!tpu.dma_semaphore, #tpu.memory_space<semaphore_mem>>) {add = true}
      %dma_wait3A_223 = arith.constant 0 : i32
      %dma_wait3A_224 = tpu.memref_slice %arg11[%run_scoped3A_113, %dma_wait3A_223] : memref<105x96xi32, #tpu.memory_space<vmem>> -> memref<1x96xi32, #tpu.memory_space<vmem>>
      %dma_wait3A_225 = tpu.memref_squeeze %dma_wait3A_224 : memref<1x96xi32, #tpu.memory_space<vmem>> -> memref<96xi32, #tpu.memory_space<vmem>>
      %dma_wait3A_226 = arith.constant 0 : i32
      %dma_wait3A_227 = arith.constant 0 : i32
      %dma_wait3A_228 = tpu.memref_slice %arg14[%dma_wait3A_226, %dma_wait3A_227] : memref<10112x128xf32, #tpu.memory_space<vmem_shared>> -> memref<10112x128xf32, #tpu.memory_space<vmem_shared>>
      tpu.wait_indirect_dma semaphore(%run_scoped3A_216 : memref<!tpu.dma_semaphore, #tpu.memory_space<semaphore_mem>>) src(%arg12 : memref<96x128xf32, #tpu.memory_space<vmem>>) dst(%dma_wait3A_228 : memref<10112x128xf32, #tpu.memory_space<vmem_shared>>)
      tpu.yield
    }) : () -> ()
    %barrier3A_114 = arith.constant 0 : index
    tpu.barrier barrier_id(%barrier3A_114)
    %mul3A_115 = arith.constant 632 : i32
    %mul3A_116 = arith.muli %arg1, %mul3A_115 : i32
    %mul3A_117 = arith.constant 632 : i32
    %mul3A_118 = arith.muli %arg1, %mul3A_117 : i32
    %run_scoped3A_119 = arith.constant 1 : i32
    "tpu.region"() ({
      %run_scoped3A_216 = tpu.sem_alloc : memref<!tpu.dma_semaphore, #tpu.memory_space<semaphore_mem>>
      %dma_start3A_217 = arith.constant 0 : i32
      %dma_start3A_218 = tpu.memref_slice %arg9[%arg0, %run_scoped3A_119, %mul3A_118, %dma_start3A_217] : memref<2x4x10112x128xf32, #tpu.memory_space<hbm>> -> memref<1x1x632x128xf32, #tpu.memory_space<hbm>>
      %dma_start3A_219 = tpu.memref_squeeze %dma_start3A_218 : memref<1x1x632x128xf32, #tpu.memory_space<hbm>> -> memref<632x128xf32, #tpu.memory_space<hbm>>
      %dma_start3A_220 = arith.constant 0 : i32
      %dma_start3A_221 = tpu.memref_slice %arg14[%mul3A_116, %dma_start3A_220] : memref<10112x128xf32, #tpu.memory_space<vmem_shared>> -> memref<632x128xf32, #tpu.memory_space<vmem_shared>>
      tpu.enqueue_dma source(%dma_start3A_221 : memref<632x128xf32, #tpu.memory_space<vmem_shared>>) target(%dma_start3A_219 : memref<632x128xf32, #tpu.memory_space<hbm>>) target_semaphore(%run_scoped3A_216 : memref<!tpu.dma_semaphore, #tpu.memory_space<semaphore_mem>>)
      %dma_wait3A_222 = arith.constant 0 : i32
      %dma_wait3A_223 = tpu.memref_slice %arg9[%arg0, %run_scoped3A_119, %mul3A_118, %dma_wait3A_222] : memref<2x4x10112x128xf32, #tpu.memory_space<hbm>> -> memref<1x1x632x128xf32, #tpu.memory_space<hbm>>
      %dma_wait3A_224 = tpu.memref_squeeze %dma_wait3A_223 : memref<1x1x632x128xf32, #tpu.memory_space<hbm>> -> memref<632x128xf32, #tpu.memory_space<hbm>>
      %dma_wait3A_225 = arith.constant 0 : i32
      %dma_wait3A_226 = tpu.memref_slice %arg14[%mul3A_116, %dma_wait3A_225] : memref<10112x128xf32, #tpu.memory_space<vmem_shared>> -> memref<632x128xf32, #tpu.memory_space<vmem_shared>>
      tpu.wait_dma2 semaphore(%run_scoped3A_216 : memref<!tpu.dma_semaphore, #tpu.memory_space<semaphore_mem>>) src(%dma_wait3A_226 : memref<632x128xf32, #tpu.memory_space<vmem_shared>>) dst(%dma_wait3A_224 : memref<632x128xf32, #tpu.memory_space<hbm>>)
      tpu.yield
    }) : () -> ()
    %dma_start3A_120 = arith.constant 0 : i32
    %dma_start3A_121 = tpu.memref_slice %arg10[%dma_start3A_120] : memref<10080xi32, #tpu.memory_space<vmem>> -> memref<96xi32, #tpu.memory_space<vmem>>
    %dma_start3A_122 = arith.constant 0 : i32
    %dma_start3A_123 = arith.constant 0 : i32
    %dma_start3A_124 = tpu.memref_slice %arg7[%dma_start3A_122, %dma_start3A_123] : memref<10112x128xf32, #tpu.memory_space<hbm>> -> memref<10112x128xf32, #tpu.memory_space<hbm>>
    tpu.enqueue_indirect_dma source(%dma_start3A_124 : memref<10112x128xf32, #tpu.memory_space<hbm>>) target(%arg12 : memref<96x128xf32, #tpu.memory_space<vmem>>) offsets(%dma_start3A_121 : memref<96xi32, #tpu.memory_space<vmem>>) semaphore(%arg15 : memref<!tpu.dma_semaphore, #tpu.memory_space<semaphore_mem>>)
    %dma_start3A_125 = arith.constant 96 : i32
    %dma_start3A_126 = tpu.memref_slice %arg10[%dma_start3A_125] : memref<10080xi32, #tpu.memory_space<vmem>> -> memref<96xi32, #tpu.memory_space<vmem>>
    %dma_start3A_127 = arith.constant 0 : i32
    %dma_start3A_128 = arith.constant 0 : i32
    %dma_start3A_129 = tpu.memref_slice %arg7[%dma_start3A_127, %dma_start3A_128] : memref<10112x128xf32, #tpu.memory_space<hbm>> -> memref<10112x128xf32, #tpu.memory_space<hbm>>
    tpu.enqueue_indirect_dma source(%dma_start3A_129 : memref<10112x128xf32, #tpu.memory_space<hbm>>) target(%arg13 : memref<96x128xf32, #tpu.memory_space<vmem>>) offsets(%dma_start3A_126 : memref<96xi32, #tpu.memory_space<vmem>>) semaphore(%arg16 : memref<!tpu.dma_semaphore, #tpu.memory_space<semaphore_mem>>)
    %mul3A_130 = arith.constant 632 : i32
    %mul3A_131 = arith.muli %arg1, %mul3A_130 : i32
    "tpu.region"() ({
      %run_scoped3A_216 = tpu.sem_alloc : memref<!tpu.dma_semaphore, #tpu.memory_space<semaphore_mem>>
      %dma_start3A_217 = arith.constant 0 : i32
      %dma_start3A_218 = tpu.memref_slice %arg14[%mul3A_131, %dma_start3A_217] : memref<10112x128xf32, #tpu.memory_space<vmem_shared>> -> memref<632x128xf32, #tpu.memory_space<vmem_shared>>
      tpu.enqueue_dma source(%arg4 : memref<632x128xf32, #tpu.memory_space<hbm>>) target(%dma_start3A_218 : memref<632x128xf32, #tpu.memory_space<vmem_shared>>) target_semaphore(%run_scoped3A_216 : memref<!tpu.dma_semaphore, #tpu.memory_space<semaphore_mem>>)
      %dma_wait3A_219 = arith.constant 0 : i32
      %dma_wait3A_220 = tpu.memref_slice %arg14[%mul3A_131, %dma_wait3A_219] : memref<10112x128xf32, #tpu.memory_space<vmem_shared>> -> memref<632x128xf32, #tpu.memory_space<vmem_shared>>
      tpu.wait_dma2 semaphore(%run_scoped3A_216 : memref<!tpu.dma_semaphore, #tpu.memory_space<semaphore_mem>>) src(%arg4 : memref<632x128xf32, #tpu.memory_space<hbm>>) dst(%dma_wait3A_220 : memref<632x128xf32, #tpu.memory_space<vmem_shared>>)
      tpu.yield
    }) : () -> ()
    %barrier3A_132 = arith.constant 0 : index
    tpu.barrier barrier_id(%barrier3A_132)
    %scan3A_133 = arith.constant 0 : i32
    %scan3A_134 = arith.constant 0 : i32
    %scan3A_135 = arith.constant 51 : i32
    %scan3A_136 = arith.addi %scan3A_134, %scan3A_135 : i32
    %scan3A_137 = arith.constant 1 : i32
    scf.for %scan3A_216 = %scan3A_134 to %scan3A_136 step %scan3A_137  : i32 {
      %mul3A_217 = arith.constant 2 : i32
      %mul3A_218 = arith.muli %scan3A_216, %mul3A_217 : i32
      %add3A_219 = arith.constant 0 : i32
      %add3A_220 = arith.addi %mul3A_218, %add3A_219 : i32
      %mul3A_221 = arith.constant 96 : i32
      %mul3A_222 = arith.muli %add3A_220, %mul3A_221 : i32
      %dma_wait3A_223 = tpu.memref_slice %arg10[%mul3A_222] : memref<10080xi32, #tpu.memory_space<vmem>> -> memref<96xi32, #tpu.memory_space<vmem>>
      %dma_wait3A_224 = arith.constant 0 : i32
      %dma_wait3A_225 = arith.constant 0 : i32
      %dma_wait3A_226 = tpu.memref_slice %arg7[%dma_wait3A_224, %dma_wait3A_225] : memref<10112x128xf32, #tpu.memory_space<hbm>> -> memref<10112x128xf32, #tpu.memory_space<hbm>>
      tpu.wait_indirect_dma semaphore(%arg15 : memref<!tpu.dma_semaphore, #tpu.memory_space<semaphore_mem>>) src(%dma_wait3A_226 : memref<10112x128xf32, #tpu.memory_space<hbm>>) dst(%arg12 : memref<96x128xf32, #tpu.memory_space<vmem>>)
      "tpu.region"() ({
        %run_scoped3A_253 = tpu.sem_alloc : memref<!tpu.dma_semaphore, #tpu.memory_space<semaphore_mem>>
        %dma_start3A_254 = arith.constant 0 : i32
        %dma_start3A_255 = tpu.memref_slice %arg11[%add3A_220, %dma_start3A_254] : memref<105x96xi32, #tpu.memory_space<vmem>> -> memref<1x96xi32, #tpu.memory_space<vmem>>
        %dma_start3A_256 = tpu.memref_squeeze %dma_start3A_255 : memref<1x96xi32, #tpu.memory_space<vmem>> -> memref<96xi32, #tpu.memory_space<vmem>>
        %dma_start3A_257 = arith.constant 0 : i32
        %dma_start3A_258 = arith.constant 0 : i32
        %dma_start3A_259 = tpu.memref_slice %arg14[%dma_start3A_257, %dma_start3A_258] : memref<10112x128xf32, #tpu.memory_space<vmem_shared>> -> memref<10112x128xf32, #tpu.memory_space<vmem_shared>>
        tpu.enqueue_indirect_dma source(%arg12 : memref<96x128xf32, #tpu.memory_space<vmem>>) target(%dma_start3A_259 : memref<10112x128xf32, #tpu.memory_space<vmem_shared>>) offsets(%dma_start3A_256 : memref<96xi32, #tpu.memory_space<vmem>>) semaphore(%run_scoped3A_253 : memref<!tpu.dma_semaphore, #tpu.memory_space<semaphore_mem>>) {add = true}
        %dma_wait3A_260 = arith.constant 0 : i32
        %dma_wait3A_261 = tpu.memref_slice %arg11[%add3A_220, %dma_wait3A_260] : memref<105x96xi32, #tpu.memory_space<vmem>> -> memref<1x96xi32, #tpu.memory_space<vmem>>
        %dma_wait3A_262 = tpu.memref_squeeze %dma_wait3A_261 : memref<1x96xi32, #tpu.memory_space<vmem>> -> memref<96xi32, #tpu.memory_space<vmem>>
        %dma_wait3A_263 = arith.constant 0 : i32
        %dma_wait3A_264 = arith.constant 0 : i32
        %dma_wait3A_265 = tpu.memref_slice %arg14[%dma_wait3A_263, %dma_wait3A_264] : memref<10112x128xf32, #tpu.memory_space<vmem_shared>> -> memref<10112x128xf32, #tpu.memory_space<vmem_shared>>
        tpu.wait_indirect_dma semaphore(%run_scoped3A_253 : memref<!tpu.dma_semaphore, #tpu.memory_space<semaphore_mem>>) src(%arg12 : memref<96x128xf32, #tpu.memory_space<vmem>>) dst(%dma_wait3A_265 : memref<10112x128xf32, #tpu.memory_space<vmem_shared>>)
        tpu.yield
      }) : () -> ()
      %add3A_227 = arith.constant 2 : i32
      %add3A_228 = arith.addi %add3A_220, %add3A_227 : i32
      %mul3A_229 = arith.constant 96 : i32
      %mul3A_230 = arith.muli %add3A_228, %mul3A_229 : i32
      %dma_start3A_231 = tpu.memref_slice %arg10[%mul3A_230] : memref<10080xi32, #tpu.memory_space<vmem>> -> memref<96xi32, #tpu.memory_space<vmem>>
      %dma_start3A_232 = arith.constant 0 : i32
      %dma_start3A_233 = arith.constant 0 : i32
      %dma_start3A_234 = tpu.memref_slice %arg7[%dma_start3A_232, %dma_start3A_233] : memref<10112x128xf32, #tpu.memory_space<hbm>> -> memref<10112x128xf32, #tpu.memory_space<hbm>>
      tpu.enqueue_indirect_dma source(%dma_start3A_234 : memref<10112x128xf32, #tpu.memory_space<hbm>>) target(%arg12 : memref<96x128xf32, #tpu.memory_space<vmem>>) offsets(%dma_start3A_231 : memref<96xi32, #tpu.memory_space<vmem>>) semaphore(%arg15 : memref<!tpu.dma_semaphore, #tpu.memory_space<semaphore_mem>>)
      %mul3A_235 = arith.constant 2 : i32
      %mul3A_236 = arith.muli %scan3A_216, %mul3A_235 : i32
      %add3A_237 = arith.constant 1 : i32
      %add3A_238 = arith.addi %mul3A_236, %add3A_237 : i32
      %mul3A_239 = arith.constant 96 : i32
      %mul3A_240 = arith.muli %add3A_238, %mul3A_239 : i32
      %dma_wait3A_241 = tpu.memref_slice %arg10[%mul3A_240] : memref<10080xi32, #tpu.memory_space<vmem>> -> memref<96xi32, #tpu.memory_space<vmem>>
      %dma_wait3A_242 = arith.constant 0 : i32
      %dma_wait3A_243 = arith.constant 0 : i32
      %dma_wait3A_244 = tpu.memref_slice %arg7[%dma_wait3A_242, %dma_wait3A_243] : memref<10112x128xf32, #tpu.memory_space<hbm>> -> memref<10112x128xf32, #tpu.memory_space<hbm>>
      tpu.wait_indirect_dma semaphore(%arg16 : memref<!tpu.dma_semaphore, #tpu.memory_space<semaphore_mem>>) src(%dma_wait3A_244 : memref<10112x128xf32, #tpu.memory_space<hbm>>) dst(%arg13 : memref<96x128xf32, #tpu.memory_space<vmem>>)
      "tpu.region"() ({
        %run_scoped3A_253 = tpu.sem_alloc : memref<!tpu.dma_semaphore, #tpu.memory_space<semaphore_mem>>
        %dma_start3A_254 = arith.constant 0 : i32
        %dma_start3A_255 = tpu.memref_slice %arg11[%add3A_238, %dma_start3A_254] : memref<105x96xi32, #tpu.memory_space<vmem>> -> memref<1x96xi32, #tpu.memory_space<vmem>>
        %dma_start3A_256 = tpu.memref_squeeze %dma_start3A_255 : memref<1x96xi32, #tpu.memory_space<vmem>> -> memref<96xi32, #tpu.memory_space<vmem>>
        %dma_start3A_257 = arith.constant 0 : i32
        %dma_start3A_258 = arith.constant 0 : i32
        %dma_start3A_259 = tpu.memref_slice %arg14[%dma_start3A_257, %dma_start3A_258] : memref<10112x128xf32, #tpu.memory_space<vmem_shared>> -> memref<10112x128xf32, #tpu.memory_space<vmem_shared>>
        tpu.enqueue_indirect_dma source(%arg13 : memref<96x128xf32, #tpu.memory_space<vmem>>) target(%dma_start3A_259 : memref<10112x128xf32, #tpu.memory_space<vmem_shared>>) offsets(%dma_start3A_256 : memref<96xi32, #tpu.memory_space<vmem>>) semaphore(%run_scoped3A_253 : memref<!tpu.dma_semaphore, #tpu.memory_space<semaphore_mem>>) {add = true}
        %dma_wait3A_260 = arith.constant 0 : i32
        %dma_wait3A_261 = tpu.memref_slice %arg11[%add3A_238, %dma_wait3A_260] : memref<105x96xi32, #tpu.memory_space<vmem>> -> memref<1x96xi32, #tpu.memory_space<vmem>>
        %dma_wait3A_262 = tpu.memref_squeeze %dma_wait3A_261 : memref<1x96xi32, #tpu.memory_space<vmem>> -> memref<96xi32, #tpu.memory_space<vmem>>
        %dma_wait3A_263 = arith.constant 0 : i32
        %dma_wait3A_264 = arith.constant 0 : i32
        %dma_wait3A_265 = tpu.memref_slice %arg14[%dma_wait3A_263, %dma_wait3A_264] : memref<10112x128xf32, #tpu.memory_space<vmem_shared>> -> memref<10112x128xf32, #tpu.memory_space<vmem_shared>>
        tpu.wait_indirect_dma semaphore(%run_scoped3A_253 : memref<!tpu.dma_semaphore, #tpu.memory_space<semaphore_mem>>) src(%arg13 : memref<96x128xf32, #tpu.memory_space<vmem>>) dst(%dma_wait3A_265 : memref<10112x128xf32, #tpu.memory_space<vmem_shared>>)
        tpu.yield
      }) : () -> ()
      %add3A_245 = arith.constant 2 : i32
      %add3A_246 = arith.addi %add3A_238, %add3A_245 : i32
      %mul3A_247 = arith.constant 96 : i32
      %mul3A_248 = arith.muli %add3A_246, %mul3A_247 : i32
      %dma_start3A_249 = tpu.memref_slice %arg10[%mul3A_248] : memref<10080xi32, #tpu.memory_space<vmem>> -> memref<96xi32, #tpu.memory_space<vmem>>
      %dma_start3A_250 = arith.constant 0 : i32
      %dma_start3A_251 = arith.constant 0 : i32
      %dma_start3A_252 = tpu.memref_slice %arg7[%dma_start3A_250, %dma_start3A_251] : memref<10112x128xf32, #tpu.memory_space<hbm>> -> memref<10112x128xf32, #tpu.memory_space<hbm>>
      tpu.enqueue_indirect_dma source(%dma_start3A_252 : memref<10112x128xf32, #tpu.memory_space<hbm>>) target(%arg13 : memref<96x128xf32, #tpu.memory_space<vmem>>) offsets(%dma_start3A_249 : memref<96xi32, #tpu.memory_space<vmem>>) semaphore(%arg16 : memref<!tpu.dma_semaphore, #tpu.memory_space<semaphore_mem>>)
    }
    %scan3A_138 = arith.constant 51 : i32
    %dma_wait3A_139 = arith.constant 9792 : i32
    %dma_wait3A_140 = tpu.memref_slice %arg10[%dma_wait3A_139] : memref<10080xi32, #tpu.memory_space<vmem>> -> memref<96xi32, #tpu.memory_space<vmem>>
    %dma_wait3A_141 = arith.constant 0 : i32
    %dma_wait3A_142 = arith.constant 0 : i32
    %dma_wait3A_143 = tpu.memref_slice %arg7[%dma_wait3A_141, %dma_wait3A_142] : memref<10112x128xf32, #tpu.memory_space<hbm>> -> memref<10112x128xf32, #tpu.memory_space<hbm>>
    tpu.wait_indirect_dma semaphore(%arg15 : memref<!tpu.dma_semaphore, #tpu.memory_space<semaphore_mem>>) src(%dma_wait3A_143 : memref<10112x128xf32, #tpu.memory_space<hbm>>) dst(%arg12 : memref<96x128xf32, #tpu.memory_space<vmem>>)
    %run_scoped3A_144 = arith.constant 102 : i32
    "tpu.region"() ({
      %run_scoped3A_216 = tpu.sem_alloc : memref<!tpu.dma_semaphore, #tpu.memory_space<semaphore_mem>>
      %dma_start3A_217 = arith.constant 0 : i32
      %dma_start3A_218 = tpu.memref_slice %arg11[%run_scoped3A_144, %dma_start3A_217] : memref<105x96xi32, #tpu.memory_space<vmem>> -> memref<1x96xi32, #tpu.memory_space<vmem>>
      %dma_start3A_219 = tpu.memref_squeeze %dma_start3A_218 : memref<1x96xi32, #tpu.memory_space<vmem>> -> memref<96xi32, #tpu.memory_space<vmem>>
      %dma_start3A_220 = arith.constant 0 : i32
      %dma_start3A_221 = arith.constant 0 : i32
      %dma_start3A_222 = tpu.memref_slice %arg14[%dma_start3A_220, %dma_start3A_221] : memref<10112x128xf32, #tpu.memory_space<vmem_shared>> -> memref<10112x128xf32, #tpu.memory_space<vmem_shared>>
      tpu.enqueue_indirect_dma source(%arg12 : memref<96x128xf32, #tpu.memory_space<vmem>>) target(%dma_start3A_222 : memref<10112x128xf32, #tpu.memory_space<vmem_shared>>) offsets(%dma_start3A_219 : memref<96xi32, #tpu.memory_space<vmem>>) semaphore(%run_scoped3A_216 : memref<!tpu.dma_semaphore, #tpu.memory_space<semaphore_mem>>) {add = true}
      %dma_wait3A_223 = arith.constant 0 : i32
      %dma_wait3A_224 = tpu.memref_slice %arg11[%run_scoped3A_144, %dma_wait3A_223] : memref<105x96xi32, #tpu.memory_space<vmem>> -> memref<1x96xi32, #tpu.memory_space<vmem>>
      %dma_wait3A_225 = tpu.memref_squeeze %dma_wait3A_224 : memref<1x96xi32, #tpu.memory_space<vmem>> -> memref<96xi32, #tpu.memory_space<vmem>>
      %dma_wait3A_226 = arith.constant 0 : i32
      %dma_wait3A_227 = arith.constant 0 : i32
      %dma_wait3A_228 = tpu.memref_slice %arg14[%dma_wait3A_226, %dma_wait3A_227] : memref<10112x128xf32, #tpu.memory_space<vmem_shared>> -> memref<10112x128xf32, #tpu.memory_space<vmem_shared>>
      tpu.wait_indirect_dma semaphore(%run_scoped3A_216 : memref<!tpu.dma_semaphore, #tpu.memory_space<semaphore_mem>>) src(%arg12 : memref<96x128xf32, #tpu.memory_space<vmem>>) dst(%dma_wait3A_228 : memref<10112x128xf32, #tpu.memory_space<vmem_shared>>)
      tpu.yield
    }) : () -> ()
    %dma_start3A_145 = arith.constant 9984 : i32
    %dma_start3A_146 = tpu.memref_slice %arg10[%dma_start3A_145] : memref<10080xi32, #tpu.memory_space<vmem>> -> memref<96xi32, #tpu.memory_space<vmem>>
    %dma_start3A_147 = arith.constant 0 : i32
    %dma_start3A_148 = arith.constant 0 : i32
    %dma_start3A_149 = tpu.memref_slice %arg7[%dma_start3A_147, %dma_start3A_148] : memref<10112x128xf32, #tpu.memory_space<hbm>> -> memref<10112x128xf32, #tpu.memory_space<hbm>>
    tpu.enqueue_indirect_dma source(%dma_start3A_149 : memref<10112x128xf32, #tpu.memory_space<hbm>>) target(%arg12 : memref<96x128xf32, #tpu.memory_space<vmem>>) offsets(%dma_start3A_146 : memref<96xi32, #tpu.memory_space<vmem>>) semaphore(%arg15 : memref<!tpu.dma_semaphore, #tpu.memory_space<semaphore_mem>>)
    %dma_wait3A_150 = arith.constant 9888 : i32
    %dma_wait3A_151 = tpu.memref_slice %arg10[%dma_wait3A_150] : memref<10080xi32, #tpu.memory_space<vmem>> -> memref<96xi32, #tpu.memory_space<vmem>>
    %dma_wait3A_152 = arith.constant 0 : i32
    %dma_wait3A_153 = arith.constant 0 : i32
    %dma_wait3A_154 = tpu.memref_slice %arg7[%dma_wait3A_152, %dma_wait3A_153] : memref<10112x128xf32, #tpu.memory_space<hbm>> -> memref<10112x128xf32, #tpu.memory_space<hbm>>
    tpu.wait_indirect_dma semaphore(%arg16 : memref<!tpu.dma_semaphore, #tpu.memory_space<semaphore_mem>>) src(%dma_wait3A_154 : memref<10112x128xf32, #tpu.memory_space<hbm>>) dst(%arg13 : memref<96x128xf32, #tpu.memory_space<vmem>>)
    %run_scoped3A_155 = arith.constant 103 : i32
    "tpu.region"() ({
      %run_scoped3A_216 = tpu.sem_alloc : memref<!tpu.dma_semaphore, #tpu.memory_space<semaphore_mem>>
      %dma_start3A_217 = arith.constant 0 : i32
      %dma_start3A_218 = tpu.memref_slice %arg11[%run_scoped3A_155, %dma_start3A_217] : memref<105x96xi32, #tpu.memory_space<vmem>> -> memref<1x96xi32, #tpu.memory_space<vmem>>
      %dma_start3A_219 = tpu.memref_squeeze %dma_start3A_218 : memref<1x96xi32, #tpu.memory_space<vmem>> -> memref<96xi32, #tpu.memory_space<vmem>>
      %dma_start3A_220 = arith.constant 0 : i32
      %dma_start3A_221 = arith.constant 0 : i32
      %dma_start3A_222 = tpu.memref_slice %arg14[%dma_start3A_220, %dma_start3A_221] : memref<10112x128xf32, #tpu.memory_space<vmem_shared>> -> memref<10112x128xf32, #tpu.memory_space<vmem_shared>>
      tpu.enqueue_indirect_dma source(%arg13 : memref<96x128xf32, #tpu.memory_space<vmem>>) target(%dma_start3A_222 : memref<10112x128xf32, #tpu.memory_space<vmem_shared>>) offsets(%dma_start3A_219 : memref<96xi32, #tpu.memory_space<vmem>>) semaphore(%run_scoped3A_216 : memref<!tpu.dma_semaphore, #tpu.memory_space<semaphore_mem>>) {add = true}
      %dma_wait3A_223 = arith.constant 0 : i32
      %dma_wait3A_224 = tpu.memref_slice %arg11[%run_scoped3A_155, %dma_wait3A_223] : memref<105x96xi32, #tpu.memory_space<vmem>> -> memref<1x96xi32, #tpu.memory_space<vmem>>
      %dma_wait3A_225 = tpu.memref_squeeze %dma_wait3A_224 : memref<1x96xi32, #tpu.memory_space<vmem>> -> memref<96xi32, #tpu.memory_space<vmem>>
      %dma_wait3A_226 = arith.constant 0 : i32
      %dma_wait3A_227 = arith.constant 0 : i32
      %dma_wait3A_228 = tpu.memref_slice %arg14[%dma_wait3A_226, %dma_wait3A_227] : memref<10112x128xf32, #tpu.memory_space<vmem_shared>> -> memref<10112x128xf32, #tpu.memory_space<vmem_shared>>
      tpu.wait_indirect_dma semaphore(%run_scoped3A_216 : memref<!tpu.dma_semaphore, #tpu.memory_space<semaphore_mem>>) src(%arg13 : memref<96x128xf32, #tpu.memory_space<vmem>>) dst(%dma_wait3A_228 : memref<10112x128xf32, #tpu.memory_space<vmem_shared>>)
      tpu.yield
    }) : () -> ()
    %dma_wait3A_156 = arith.constant 9984 : i32
    %dma_wait3A_157 = tpu.memref_slice %arg10[%dma_wait3A_156] : memref<10080xi32, #tpu.memory_space<vmem>> -> memref<96xi32, #tpu.memory_space<vmem>>
    %dma_wait3A_158 = arith.constant 0 : i32
    %dma_wait3A_159 = arith.constant 0 : i32
    %dma_wait3A_160 = tpu.memref_slice %arg7[%dma_wait3A_158, %dma_wait3A_159] : memref<10112x128xf32, #tpu.memory_space<hbm>> -> memref<10112x128xf32, #tpu.memory_space<hbm>>
    tpu.wait_indirect_dma semaphore(%arg15 : memref<!tpu.dma_semaphore, #tpu.memory_space<semaphore_mem>>) src(%dma_wait3A_160 : memref<10112x128xf32, #tpu.memory_space<hbm>>) dst(%arg12 : memref<96x128xf32, #tpu.memory_space<vmem>>)
    %run_scoped3A_161 = arith.constant 104 : i32
    "tpu.region"() ({
      %run_scoped3A_216 = tpu.sem_alloc : memref<!tpu.dma_semaphore, #tpu.memory_space<semaphore_mem>>
      %dma_start3A_217 = arith.constant 0 : i32
      %dma_start3A_218 = tpu.memref_slice %arg11[%run_scoped3A_161, %dma_start3A_217] : memref<105x96xi32, #tpu.memory_space<vmem>> -> memref<1x96xi32, #tpu.memory_space<vmem>>
      %dma_start3A_219 = tpu.memref_squeeze %dma_start3A_218 : memref<1x96xi32, #tpu.memory_space<vmem>> -> memref<96xi32, #tpu.memory_space<vmem>>
      %dma_start3A_220 = arith.constant 0 : i32
      %dma_start3A_221 = arith.constant 0 : i32
      %dma_start3A_222 = tpu.memref_slice %arg14[%dma_start3A_220, %dma_start3A_221] : memref<10112x128xf32, #tpu.memory_space<vmem_shared>> -> memref<10112x128xf32, #tpu.memory_space<vmem_shared>>
      tpu.enqueue_indirect_dma source(%arg12 : memref<96x128xf32, #tpu.memory_space<vmem>>) target(%dma_start3A_222 : memref<10112x128xf32, #tpu.memory_space<vmem_shared>>) offsets(%dma_start3A_219 : memref<96xi32, #tpu.memory_space<vmem>>) semaphore(%run_scoped3A_216 : memref<!tpu.dma_semaphore, #tpu.memory_space<semaphore_mem>>) {add = true}
      %dma_wait3A_223 = arith.constant 0 : i32
      %dma_wait3A_224 = tpu.memref_slice %arg11[%run_scoped3A_161, %dma_wait3A_223] : memref<105x96xi32, #tpu.memory_space<vmem>> -> memref<1x96xi32, #tpu.memory_space<vmem>>
      %dma_wait3A_225 = tpu.memref_squeeze %dma_wait3A_224 : memref<1x96xi32, #tpu.memory_space<vmem>> -> memref<96xi32, #tpu.memory_space<vmem>>
      %dma_wait3A_226 = arith.constant 0 : i32
      %dma_wait3A_227 = arith.constant 0 : i32
      %dma_wait3A_228 = tpu.memref_slice %arg14[%dma_wait3A_226, %dma_wait3A_227] : memref<10112x128xf32, #tpu.memory_space<vmem_shared>> -> memref<10112x128xf32, #tpu.memory_space<vmem_shared>>
      tpu.wait_indirect_dma semaphore(%run_scoped3A_216 : memref<!tpu.dma_semaphore, #tpu.memory_space<semaphore_mem>>) src(%arg12 : memref<96x128xf32, #tpu.memory_space<vmem>>) dst(%dma_wait3A_228 : memref<10112x128xf32, #tpu.memory_space<vmem_shared>>)
      tpu.yield
    }) : () -> ()
    %barrier3A_162 = arith.constant 0 : index
    tpu.barrier barrier_id(%barrier3A_162)
    %mul3A_163 = arith.constant 632 : i32
    %mul3A_164 = arith.muli %arg1, %mul3A_163 : i32
    %mul3A_165 = arith.constant 632 : i32
    %mul3A_166 = arith.muli %arg1, %mul3A_165 : i32
    %run_scoped3A_167 = arith.constant 2 : i32
    "tpu.region"() ({
      %run_scoped3A_216 = tpu.sem_alloc : memref<!tpu.dma_semaphore, #tpu.memory_space<semaphore_mem>>
      %dma_start3A_217 = arith.constant 0 : i32
      %dma_start3A_218 = tpu.memref_slice %arg9[%arg0, %run_scoped3A_167, %mul3A_166, %dma_start3A_217] : memref<2x4x10112x128xf32, #tpu.memory_space<hbm>> -> memref<1x1x632x128xf32, #tpu.memory_space<hbm>>
      %dma_start3A_219 = tpu.memref_squeeze %dma_start3A_218 : memref<1x1x632x128xf32, #tpu.memory_space<hbm>> -> memref<632x128xf32, #tpu.memory_space<hbm>>
      %dma_start3A_220 = arith.constant 0 : i32
      %dma_start3A_221 = tpu.memref_slice %arg14[%mul3A_164, %dma_start3A_220] : memref<10112x128xf32, #tpu.memory_space<vmem_shared>> -> memref<632x128xf32, #tpu.memory_space<vmem_shared>>
      tpu.enqueue_dma source(%dma_start3A_221 : memref<632x128xf32, #tpu.memory_space<vmem_shared>>) target(%dma_start3A_219 : memref<632x128xf32, #tpu.memory_space<hbm>>) target_semaphore(%run_scoped3A_216 : memref<!tpu.dma_semaphore, #tpu.memory_space<semaphore_mem>>)
      %dma_wait3A_222 = arith.constant 0 : i32
      %dma_wait3A_223 = tpu.memref_slice %arg9[%arg0, %run_scoped3A_167, %mul3A_166, %dma_wait3A_222] : memref<2x4x10112x128xf32, #tpu.memory_space<hbm>> -> memref<1x1x632x128xf32, #tpu.memory_space<hbm>>
      %dma_wait3A_224 = tpu.memref_squeeze %dma_wait3A_223 : memref<1x1x632x128xf32, #tpu.memory_space<hbm>> -> memref<632x128xf32, #tpu.memory_space<hbm>>
      %dma_wait3A_225 = arith.constant 0 : i32
      %dma_wait3A_226 = tpu.memref_slice %arg14[%mul3A_164, %dma_wait3A_225] : memref<10112x128xf32, #tpu.memory_space<vmem_shared>> -> memref<632x128xf32, #tpu.memory_space<vmem_shared>>
      tpu.wait_dma2 semaphore(%run_scoped3A_216 : memref<!tpu.dma_semaphore, #tpu.memory_space<semaphore_mem>>) src(%dma_wait3A_226 : memref<632x128xf32, #tpu.memory_space<vmem_shared>>) dst(%dma_wait3A_224 : memref<632x128xf32, #tpu.memory_space<hbm>>)
      tpu.yield
    }) : () -> ()
    %dma_start3A_168 = arith.constant 0 : i32
    %dma_start3A_169 = tpu.memref_slice %arg10[%dma_start3A_168] : memref<10080xi32, #tpu.memory_space<vmem>> -> memref<96xi32, #tpu.memory_space<vmem>>
    %dma_start3A_170 = arith.constant 0 : i32
    %dma_start3A_171 = arith.constant 0 : i32
    %dma_start3A_172 = tpu.memref_slice %arg8[%dma_start3A_170, %dma_start3A_171] : memref<10112x128xf32, #tpu.memory_space<hbm>> -> memref<10112x128xf32, #tpu.memory_space<hbm>>
    tpu.enqueue_indirect_dma source(%dma_start3A_172 : memref<10112x128xf32, #tpu.memory_space<hbm>>) target(%arg12 : memref<96x128xf32, #tpu.memory_space<vmem>>) offsets(%dma_start3A_169 : memref<96xi32, #tpu.memory_space<vmem>>) semaphore(%arg15 : memref<!tpu.dma_semaphore, #tpu.memory_space<semaphore_mem>>)
    %dma_start3A_173 = arith.constant 96 : i32
    %dma_start3A_174 = tpu.memref_slice %arg10[%dma_start3A_173] : memref<10080xi32, #tpu.memory_space<vmem>> -> memref<96xi32, #tpu.memory_space<vmem>>
    %dma_start3A_175 = arith.constant 0 : i32
    %dma_start3A_176 = arith.constant 0 : i32
    %dma_start3A_177 = tpu.memref_slice %arg8[%dma_start3A_175, %dma_start3A_176] : memref<10112x128xf32, #tpu.memory_space<hbm>> -> memref<10112x128xf32, #tpu.memory_space<hbm>>
    tpu.enqueue_indirect_dma source(%dma_start3A_177 : memref<10112x128xf32, #tpu.memory_space<hbm>>) target(%arg13 : memref<96x128xf32, #tpu.memory_space<vmem>>) offsets(%dma_start3A_174 : memref<96xi32, #tpu.memory_space<vmem>>) semaphore(%arg16 : memref<!tpu.dma_semaphore, #tpu.memory_space<semaphore_mem>>)
    %mul3A_178 = arith.constant 632 : i32
    %mul3A_179 = arith.muli %arg1, %mul3A_178 : i32
    "tpu.region"() ({
      %run_scoped3A_216 = tpu.sem_alloc : memref<!tpu.dma_semaphore, #tpu.memory_space<semaphore_mem>>
      %dma_start3A_217 = arith.constant 0 : i32
      %dma_start3A_218 = tpu.memref_slice %arg14[%mul3A_179, %dma_start3A_217] : memref<10112x128xf32, #tpu.memory_space<vmem_shared>> -> memref<632x128xf32, #tpu.memory_space<vmem_shared>>
      tpu.enqueue_dma source(%arg4 : memref<632x128xf32, #tpu.memory_space<hbm>>) target(%dma_start3A_218 : memref<632x128xf32, #tpu.memory_space<vmem_shared>>) target_semaphore(%run_scoped3A_216 : memref<!tpu.dma_semaphore, #tpu.memory_space<semaphore_mem>>)
      %dma_wait3A_219 = arith.constant 0 : i32
      %dma_wait3A_220 = tpu.memref_slice %arg14[%mul3A_179, %dma_wait3A_219] : memref<10112x128xf32, #tpu.memory_space<vmem_shared>> -> memref<632x128xf32, #tpu.memory_space<vmem_shared>>
      tpu.wait_dma2 semaphore(%run_scoped3A_216 : memref<!tpu.dma_semaphore, #tpu.memory_space<semaphore_mem>>) src(%arg4 : memref<632x128xf32, #tpu.memory_space<hbm>>) dst(%dma_wait3A_220 : memref<632x128xf32, #tpu.memory_space<vmem_shared>>)
      tpu.yield
    }) : () -> ()
    %barrier3A_180 = arith.constant 0 : index
    tpu.barrier barrier_id(%barrier3A_180)
    %scan3A_181 = arith.constant 0 : i32
    %scan3A_182 = arith.constant 0 : i32
    %scan3A_183 = arith.constant 51 : i32
    %scan3A_184 = arith.addi %scan3A_182, %scan3A_183 : i32
    %scan3A_185 = arith.constant 1 : i32
    scf.for %scan3A_216 = %scan3A_182 to %scan3A_184 step %scan3A_185  : i32 {
      %mul3A_217 = arith.constant 2 : i32
      %mul3A_218 = arith.muli %scan3A_216, %mul3A_217 : i32
      %add3A_219 = arith.constant 0 : i32
      %add3A_220 = arith.addi %mul3A_218, %add3A_219 : i32
      %mul3A_221 = arith.constant 96 : i32
      %mul3A_222 = arith.muli %add3A_220, %mul3A_221 : i32
      %dma_wait3A_223 = tpu.memref_slice %arg10[%mul3A_222] : memref<10080xi32, #tpu.memory_space<vmem>> -> memref<96xi32, #tpu.memory_space<vmem>>
      %dma_wait3A_224 = arith.constant 0 : i32
      %dma_wait3A_225 = arith.constant 0 : i32
      %dma_wait3A_226 = tpu.memref_slice %arg8[%dma_wait3A_224, %dma_wait3A_225] : memref<10112x128xf32, #tpu.memory_space<hbm>> -> memref<10112x128xf32, #tpu.memory_space<hbm>>
      tpu.wait_indirect_dma semaphore(%arg15 : memref<!tpu.dma_semaphore, #tpu.memory_space<semaphore_mem>>) src(%dma_wait3A_226 : memref<10112x128xf32, #tpu.memory_space<hbm>>) dst(%arg12 : memref<96x128xf32, #tpu.memory_space<vmem>>)
      "tpu.region"() ({
        %run_scoped3A_253 = tpu.sem_alloc : memref<!tpu.dma_semaphore, #tpu.memory_space<semaphore_mem>>
        %dma_start3A_254 = arith.constant 0 : i32
        %dma_start3A_255 = tpu.memref_slice %arg11[%add3A_220, %dma_start3A_254] : memref<105x96xi32, #tpu.memory_space<vmem>> -> memref<1x96xi32, #tpu.memory_space<vmem>>
        %dma_start3A_256 = tpu.memref_squeeze %dma_start3A_255 : memref<1x96xi32, #tpu.memory_space<vmem>> -> memref<96xi32, #tpu.memory_space<vmem>>
        %dma_start3A_257 = arith.constant 0 : i32
        %dma_start3A_258 = arith.constant 0 : i32
        %dma_start3A_259 = tpu.memref_slice %arg14[%dma_start3A_257, %dma_start3A_258] : memref<10112x128xf32, #tpu.memory_space<vmem_shared>> -> memref<10112x128xf32, #tpu.memory_space<vmem_shared>>
        tpu.enqueue_indirect_dma source(%arg12 : memref<96x128xf32, #tpu.memory_space<vmem>>) target(%dma_start3A_259 : memref<10112x128xf32, #tpu.memory_space<vmem_shared>>) offsets(%dma_start3A_256 : memref<96xi32, #tpu.memory_space<vmem>>) semaphore(%run_scoped3A_253 : memref<!tpu.dma_semaphore, #tpu.memory_space<semaphore_mem>>) {add = true}
        %dma_wait3A_260 = arith.constant 0 : i32
        %dma_wait3A_261 = tpu.memref_slice %arg11[%add3A_220, %dma_wait3A_260] : memref<105x96xi32, #tpu.memory_space<vmem>> -> memref<1x96xi32, #tpu.memory_space<vmem>>
        %dma_wait3A_262 = tpu.memref_squeeze %dma_wait3A_261 : memref<1x96xi32, #tpu.memory_space<vmem>> -> memref<96xi32, #tpu.memory_space<vmem>>
        %dma_wait3A_263 = arith.constant 0 : i32
        %dma_wait3A_264 = arith.constant 0 : i32
        %dma_wait3A_265 = tpu.memref_slice %arg14[%dma_wait3A_263, %dma_wait3A_264] : memref<10112x128xf32, #tpu.memory_space<vmem_shared>> -> memref<10112x128xf32, #tpu.memory_space<vmem_shared>>
        tpu.wait_indirect_dma semaphore(%run_scoped3A_253 : memref<!tpu.dma_semaphore, #tpu.memory_space<semaphore_mem>>) src(%arg12 : memref<96x128xf32, #tpu.memory_space<vmem>>) dst(%dma_wait3A_265 : memref<10112x128xf32, #tpu.memory_space<vmem_shared>>)
        tpu.yield
      }) : () -> ()
      %add3A_227 = arith.constant 2 : i32
      %add3A_228 = arith.addi %add3A_220, %add3A_227 : i32
      %mul3A_229 = arith.constant 96 : i32
      %mul3A_230 = arith.muli %add3A_228, %mul3A_229 : i32
      %dma_start3A_231 = tpu.memref_slice %arg10[%mul3A_230] : memref<10080xi32, #tpu.memory_space<vmem>> -> memref<96xi32, #tpu.memory_space<vmem>>
      %dma_start3A_232 = arith.constant 0 : i32
      %dma_start3A_233 = arith.constant 0 : i32
      %dma_start3A_234 = tpu.memref_slice %arg8[%dma_start3A_232, %dma_start3A_233] : memref<10112x128xf32, #tpu.memory_space<hbm>> -> memref<10112x128xf32, #tpu.memory_space<hbm>>
      tpu.enqueue_indirect_dma source(%dma_start3A_234 : memref<10112x128xf32, #tpu.memory_space<hbm>>) target(%arg12 : memref<96x128xf32, #tpu.memory_space<vmem>>) offsets(%dma_start3A_231 : memref<96xi32, #tpu.memory_space<vmem>>) semaphore(%arg15 : memref<!tpu.dma_semaphore, #tpu.memory_space<semaphore_mem>>)
      %mul3A_235 = arith.constant 2 : i32
      %mul3A_236 = arith.muli %scan3A_216, %mul3A_235 : i32
      %add3A_237 = arith.constant 1 : i32
      %add3A_238 = arith.addi %mul3A_236, %add3A_237 : i32
      %mul3A_239 = arith.constant 96 : i32
      %mul3A_240 = arith.muli %add3A_238, %mul3A_239 : i32
      %dma_wait3A_241 = tpu.memref_slice %arg10[%mul3A_240] : memref<10080xi32, #tpu.memory_space<vmem>> -> memref<96xi32, #tpu.memory_space<vmem>>
      %dma_wait3A_242 = arith.constant 0 : i32
      %dma_wait3A_243 = arith.constant 0 : i32
      %dma_wait3A_244 = tpu.memref_slice %arg8[%dma_wait3A_242, %dma_wait3A_243] : memref<10112x128xf32, #tpu.memory_space<hbm>> -> memref<10112x128xf32, #tpu.memory_space<hbm>>
      tpu.wait_indirect_dma semaphore(%arg16 : memref<!tpu.dma_semaphore, #tpu.memory_space<semaphore_mem>>) src(%dma_wait3A_244 : memref<10112x128xf32, #tpu.memory_space<hbm>>) dst(%arg13 : memref<96x128xf32, #tpu.memory_space<vmem>>)
      "tpu.region"() ({
        %run_scoped3A_253 = tpu.sem_alloc : memref<!tpu.dma_semaphore, #tpu.memory_space<semaphore_mem>>
        %dma_start3A_254 = arith.constant 0 : i32
        %dma_start3A_255 = tpu.memref_slice %arg11[%add3A_238, %dma_start3A_254] : memref<105x96xi32, #tpu.memory_space<vmem>> -> memref<1x96xi32, #tpu.memory_space<vmem>>
        %dma_start3A_256 = tpu.memref_squeeze %dma_start3A_255 : memref<1x96xi32, #tpu.memory_space<vmem>> -> memref<96xi32, #tpu.memory_space<vmem>>
        %dma_start3A_257 = arith.constant 0 : i32
        %dma_start3A_258 = arith.constant 0 : i32
        %dma_start3A_259 = tpu.memref_slice %arg14[%dma_start3A_257, %dma_start3A_258] : memref<10112x128xf32, #tpu.memory_space<vmem_shared>> -> memref<10112x128xf32, #tpu.memory_space<vmem_shared>>
        tpu.enqueue_indirect_dma source(%arg13 : memref<96x128xf32, #tpu.memory_space<vmem>>) target(%dma_start3A_259 : memref<10112x128xf32, #tpu.memory_space<vmem_shared>>) offsets(%dma_start3A_256 : memref<96xi32, #tpu.memory_space<vmem>>) semaphore(%run_scoped3A_253 : memref<!tpu.dma_semaphore, #tpu.memory_space<semaphore_mem>>) {add = true}
        %dma_wait3A_260 = arith.constant 0 : i32
        %dma_wait3A_261 = tpu.memref_slice %arg11[%add3A_238, %dma_wait3A_260] : memref<105x96xi32, #tpu.memory_space<vmem>> -> memref<1x96xi32, #tpu.memory_space<vmem>>
        %dma_wait3A_262 = tpu.memref_squeeze %dma_wait3A_261 : memref<1x96xi32, #tpu.memory_space<vmem>> -> memref<96xi32, #tpu.memory_space<vmem>>
        %dma_wait3A_263 = arith.constant 0 : i32
        %dma_wait3A_264 = arith.constant 0 : i32
        %dma_wait3A_265 = tpu.memref_slice %arg14[%dma_wait3A_263, %dma_wait3A_264] : memref<10112x128xf32, #tpu.memory_space<vmem_shared>> -> memref<10112x128xf32, #tpu.memory_space<vmem_shared>>
        tpu.wait_indirect_dma semaphore(%run_scoped3A_253 : memref<!tpu.dma_semaphore, #tpu.memory_space<semaphore_mem>>) src(%arg13 : memref<96x128xf32, #tpu.memory_space<vmem>>) dst(%dma_wait3A_265 : memref<10112x128xf32, #tpu.memory_space<vmem_shared>>)
        tpu.yield
      }) : () -> ()
      %add3A_245 = arith.constant 2 : i32
      %add3A_246 = arith.addi %add3A_238, %add3A_245 : i32
      %mul3A_247 = arith.constant 96 : i32
      %mul3A_248 = arith.muli %add3A_246, %mul3A_247 : i32
      %dma_start3A_249 = tpu.memref_slice %arg10[%mul3A_248] : memref<10080xi32, #tpu.memory_space<vmem>> -> memref<96xi32, #tpu.memory_space<vmem>>
      %dma_start3A_250 = arith.constant 0 : i32
      %dma_start3A_251 = arith.constant 0 : i32
      %dma_start3A_252 = tpu.memref_slice %arg8[%dma_start3A_250, %dma_start3A_251] : memref<10112x128xf32, #tpu.memory_space<hbm>> -> memref<10112x128xf32, #tpu.memory_space<hbm>>
      tpu.enqueue_indirect_dma source(%dma_start3A_252 : memref<10112x128xf32, #tpu.memory_space<hbm>>) target(%arg13 : memref<96x128xf32, #tpu.memory_space<vmem>>) offsets(%dma_start3A_249 : memref<96xi32, #tpu.memory_space<vmem>>) semaphore(%arg16 : memref<!tpu.dma_semaphore, #tpu.memory_space<semaphore_mem>>)
    }
    %scan3A_186 = arith.constant 51 : i32
    %dma_wait3A_187 = arith.constant 9792 : i32
    %dma_wait3A_188 = tpu.memref_slice %arg10[%dma_wait3A_187] : memref<10080xi32, #tpu.memory_space<vmem>> -> memref<96xi32, #tpu.memory_space<vmem>>
    %dma_wait3A_189 = arith.constant 0 : i32
    %dma_wait3A_190 = arith.constant 0 : i32
    %dma_wait3A_191 = tpu.memref_slice %arg8[%dma_wait3A_189, %dma_wait3A_190] : memref<10112x128xf32, #tpu.memory_space<hbm>> -> memref<10112x128xf32, #tpu.memory_space<hbm>>
    tpu.wait_indirect_dma semaphore(%arg15 : memref<!tpu.dma_semaphore, #tpu.memory_space<semaphore_mem>>) src(%dma_wait3A_191 : memref<10112x128xf32, #tpu.memory_space<hbm>>) dst(%arg12 : memref<96x128xf32, #tpu.memory_space<vmem>>)
    %run_scoped3A_192 = arith.constant 102 : i32
    "tpu.region"() ({
      %run_scoped3A_216 = tpu.sem_alloc : memref<!tpu.dma_semaphore, #tpu.memory_space<semaphore_mem>>
      %dma_start3A_217 = arith.constant 0 : i32
      %dma_start3A_218 = tpu.memref_slice %arg11[%run_scoped3A_192, %dma_start3A_217] : memref<105x96xi32, #tpu.memory_space<vmem>> -> memref<1x96xi32, #tpu.memory_space<vmem>>
      %dma_start3A_219 = tpu.memref_squeeze %dma_start3A_218 : memref<1x96xi32, #tpu.memory_space<vmem>> -> memref<96xi32, #tpu.memory_space<vmem>>
      %dma_start3A_220 = arith.constant 0 : i32
      %dma_start3A_221 = arith.constant 0 : i32
      %dma_start3A_222 = tpu.memref_slice %arg14[%dma_start3A_220, %dma_start3A_221] : memref<10112x128xf32, #tpu.memory_space<vmem_shared>> -> memref<10112x128xf32, #tpu.memory_space<vmem_shared>>
      tpu.enqueue_indirect_dma source(%arg12 : memref<96x128xf32, #tpu.memory_space<vmem>>) target(%dma_start3A_222 : memref<10112x128xf32, #tpu.memory_space<vmem_shared>>) offsets(%dma_start3A_219 : memref<96xi32, #tpu.memory_space<vmem>>) semaphore(%run_scoped3A_216 : memref<!tpu.dma_semaphore, #tpu.memory_space<semaphore_mem>>) {add = true}
      %dma_wait3A_223 = arith.constant 0 : i32
      %dma_wait3A_224 = tpu.memref_slice %arg11[%run_scoped3A_192, %dma_wait3A_223] : memref<105x96xi32, #tpu.memory_space<vmem>> -> memref<1x96xi32, #tpu.memory_space<vmem>>
      %dma_wait3A_225 = tpu.memref_squeeze %dma_wait3A_224 : memref<1x96xi32, #tpu.memory_space<vmem>> -> memref<96xi32, #tpu.memory_space<vmem>>
      %dma_wait3A_226 = arith.constant 0 : i32
      %dma_wait3A_227 = arith.constant 0 : i32
      %dma_wait3A_228 = tpu.memref_slice %arg14[%dma_wait3A_226, %dma_wait3A_227] : memref<10112x128xf32, #tpu.memory_space<vmem_shared>> -> memref<10112x128xf32, #tpu.memory_space<vmem_shared>>
      tpu.wait_indirect_dma semaphore(%run_scoped3A_216 : memref<!tpu.dma_semaphore, #tpu.memory_space<semaphore_mem>>) src(%arg12 : memref<96x128xf32, #tpu.memory_space<vmem>>) dst(%dma_wait3A_228 : memref<10112x128xf32, #tpu.memory_space<vmem_shared>>)
      tpu.yield
    }) : () -> ()
    %dma_start3A_193 = arith.constant 9984 : i32
    %dma_start3A_194 = tpu.memref_slice %arg10[%dma_start3A_193] : memref<10080xi32, #tpu.memory_space<vmem>> -> memref<96xi32, #tpu.memory_space<vmem>>
    %dma_start3A_195 = arith.constant 0 : i32
    %dma_start3A_196 = arith.constant 0 : i32
    %dma_start3A_197 = tpu.memref_slice %arg8[%dma_start3A_195, %dma_start3A_196] : memref<10112x128xf32, #tpu.memory_space<hbm>> -> memref<10112x128xf32, #tpu.memory_space<hbm>>
    tpu.enqueue_indirect_dma source(%dma_start3A_197 : memref<10112x128xf32, #tpu.memory_space<hbm>>) target(%arg12 : memref<96x128xf32, #tpu.memory_space<vmem>>) offsets(%dma_start3A_194 : memref<96xi32, #tpu.memory_space<vmem>>) semaphore(%arg15 : memref<!tpu.dma_semaphore, #tpu.memory_space<semaphore_mem>>)
    %dma_wait3A_198 = arith.constant 9888 : i32
    %dma_wait3A_199 = tpu.memref_slice %arg10[%dma_wait3A_198] : memref<10080xi32, #tpu.memory_space<vmem>> -> memref<96xi32, #tpu.memory_space<vmem>>
    %dma_wait3A_200 = arith.constant 0 : i32
    %dma_wait3A_201 = arith.constant 0 : i32
    %dma_wait3A_202 = tpu.memref_slice %arg8[%dma_wait3A_200, %dma_wait3A_201] : memref<10112x128xf32, #tpu.memory_space<hbm>> -> memref<10112x128xf32, #tpu.memory_space<hbm>>
    tpu.wait_indirect_dma semaphore(%arg16 : memref<!tpu.dma_semaphore, #tpu.memory_space<semaphore_mem>>) src(%dma_wait3A_202 : memref<10112x128xf32, #tpu.memory_space<hbm>>) dst(%arg13 : memref<96x128xf32, #tpu.memory_space<vmem>>)
    %run_scoped3A_203 = arith.constant 103 : i32
    "tpu.region"() ({
      %run_scoped3A_216 = tpu.sem_alloc : memref<!tpu.dma_semaphore, #tpu.memory_space<semaphore_mem>>
      %dma_start3A_217 = arith.constant 0 : i32
      %dma_start3A_218 = tpu.memref_slice %arg11[%run_scoped3A_203, %dma_start3A_217] : memref<105x96xi32, #tpu.memory_space<vmem>> -> memref<1x96xi32, #tpu.memory_space<vmem>>
      %dma_start3A_219 = tpu.memref_squeeze %dma_start3A_218 : memref<1x96xi32, #tpu.memory_space<vmem>> -> memref<96xi32, #tpu.memory_space<vmem>>
      %dma_start3A_220 = arith.constant 0 : i32
      %dma_start3A_221 = arith.constant 0 : i32
      %dma_start3A_222 = tpu.memref_slice %arg14[%dma_start3A_220, %dma_start3A_221] : memref<10112x128xf32, #tpu.memory_space<vmem_shared>> -> memref<10112x128xf32, #tpu.memory_space<vmem_shared>>
      tpu.enqueue_indirect_dma source(%arg13 : memref<96x128xf32, #tpu.memory_space<vmem>>) target(%dma_start3A_222 : memref<10112x128xf32, #tpu.memory_space<vmem_shared>>) offsets(%dma_start3A_219 : memref<96xi32, #tpu.memory_space<vmem>>) semaphore(%run_scoped3A_216 : memref<!tpu.dma_semaphore, #tpu.memory_space<semaphore_mem>>) {add = true}
      %dma_wait3A_223 = arith.constant 0 : i32
      %dma_wait3A_224 = tpu.memref_slice %arg11[%run_scoped3A_203, %dma_wait3A_223] : memref<105x96xi32, #tpu.memory_space<vmem>> -> memref<1x96xi32, #tpu.memory_space<vmem>>
      %dma_wait3A_225 = tpu.memref_squeeze %dma_wait3A_224 : memref<1x96xi32, #tpu.memory_space<vmem>> -> memref<96xi32, #tpu.memory_space<vmem>>
      %dma_wait3A_226 = arith.constant 0 : i32
      %dma_wait3A_227 = arith.constant 0 : i32
      %dma_wait3A_228 = tpu.memref_slice %arg14[%dma_wait3A_226, %dma_wait3A_227] : memref<10112x128xf32, #tpu.memory_space<vmem_shared>> -> memref<10112x128xf32, #tpu.memory_space<vmem_shared>>
      tpu.wait_indirect_dma semaphore(%run_scoped3A_216 : memref<!tpu.dma_semaphore, #tpu.memory_space<semaphore_mem>>) src(%arg13 : memref<96x128xf32, #tpu.memory_space<vmem>>) dst(%dma_wait3A_228 : memref<10112x128xf32, #tpu.memory_space<vmem_shared>>)
      tpu.yield
    }) : () -> ()
    %dma_wait3A_204 = arith.constant 9984 : i32
    %dma_wait3A_205 = tpu.memref_slice %arg10[%dma_wait3A_204] : memref<10080xi32, #tpu.memory_space<vmem>> -> memref<96xi32, #tpu.memory_space<vmem>>
    %dma_wait3A_206 = arith.constant 0 : i32
    %dma_wait3A_207 = arith.constant 0 : i32
    %dma_wait3A_208 = tpu.memref_slice %arg8[%dma_wait3A_206, %dma_wait3A_207] : memref<10112x128xf32, #tpu.memory_space<hbm>> -> memref<10112x128xf32, #tpu.memory_space<hbm>>
    tpu.wait_indirect_dma semaphore(%arg15 : memref<!tpu.dma_semaphore, #tpu.memory_space<semaphore_mem>>) src(%dma_wait3A_208 : memref<10112x128xf32, #tpu.memory_space<hbm>>) dst(%arg12 : memref<96x128xf32, #tpu.memory_space<vmem>>)
    %run_scoped3A_209 = arith.constant 104 : i32
    "tpu.region"() ({
      %run_scoped3A_216 = tpu.sem_alloc : memref<!tpu.dma_semaphore, #tpu.memory_space<semaphore_mem>>
      %dma_start3A_217 = arith.constant 0 : i32
      %dma_start3A_218 = tpu.memref_slice %arg11[%run_scoped3A_209, %dma_start3A_217] : memref<105x96xi32, #tpu.memory_space<vmem>> -> memref<1x96xi32, #tpu.memory_space<vmem>>
      %dma_start3A_219 = tpu.memref_squeeze %dma_start3A_218 : memref<1x96xi32, #tpu.memory_space<vmem>> -> memref<96xi32, #tpu.memory_space<vmem>>
      %dma_start3A_220 = arith.constant 0 : i32
      %dma_start3A_221 = arith.constant 0 : i32
      %dma_start3A_222 = tpu.memref_slice %arg14[%dma_start3A_220, %dma_start3A_221] : memref<10112x128xf32, #tpu.memory_space<vmem_shared>> -> memref<10112x128xf32, #tpu.memory_space<vmem_shared>>
      tpu.enqueue_indirect_dma source(%arg12 : memref<96x128xf32, #tpu.memory_space<vmem>>) target(%dma_start3A_222 : memref<10112x128xf32, #tpu.memory_space<vmem_shared>>) offsets(%dma_start3A_219 : memref<96xi32, #tpu.memory_space<vmem>>) semaphore(%run_scoped3A_216 : memref<!tpu.dma_semaphore, #tpu.memory_space<semaphore_mem>>) {add = true}
      %dma_wait3A_223 = arith.constant 0 : i32
      %dma_wait3A_224 = tpu.memref_slice %arg11[%run_scoped3A_209, %dma_wait3A_223] : memref<105x96xi32, #tpu.memory_space<vmem>> -> memref<1x96xi32, #tpu.memory_space<vmem>>
      %dma_wait3A_225 = tpu.memref_squeeze %dma_wait3A_224 : memref<1x96xi32, #tpu.memory_space<vmem>> -> memref<96xi32, #tpu.memory_space<vmem>>
      %dma_wait3A_226 = arith.constant 0 : i32
      %dma_wait3A_227 = arith.constant 0 : i32
      %dma_wait3A_228 = tpu.memref_slice %arg14[%dma_wait3A_226, %dma_wait3A_227] : memref<10112x128xf32, #tpu.memory_space<vmem_shared>> -> memref<10112x128xf32, #tpu.memory_space<vmem_shared>>
      tpu.wait_indirect_dma semaphore(%run_scoped3A_216 : memref<!tpu.dma_semaphore, #tpu.memory_space<semaphore_mem>>) src(%arg12 : memref<96x128xf32, #tpu.memory_space<vmem>>) dst(%dma_wait3A_228 : memref<10112x128xf32, #tpu.memory_space<vmem_shared>>)
      tpu.yield
    }) : () -> ()
    %barrier3A_210 = arith.constant 0 : index
    tpu.barrier barrier_id(%barrier3A_210)
    %mul3A_211 = arith.constant 632 : i32
    %mul3A_212 = arith.muli %arg1, %mul3A_211 : i32
    %mul3A_213 = arith.constant 632 : i32
    %mul3A_214 = arith.muli %arg1, %mul3A_213 : i32
    %run_scoped3A_215 = arith.constant 3 : i32
    "tpu.region"() ({
      %run_scoped3A_216 = tpu.sem_alloc : memref<!tpu.dma_semaphore, #tpu.memory_space<semaphore_mem>>
      %dma_start3A_217 = arith.constant 0 : i32
      %dma_start3A_218 = tpu.memref_slice %arg9[%arg0, %run_scoped3A_215, %mul3A_214, %dma_start3A_217] : memref<2x4x10112x128xf32, #tpu.memory_space<hbm>> -> memref<1x1x632x128xf32, #tpu.memory_space<hbm>>
      %dma_start3A_219 = tpu.memref_squeeze %dma_start3A_218 : memref<1x1x632x128xf32, #tpu.memory_space<hbm>> -> memref<632x128xf32, #tpu.memory_space<hbm>>
      %dma_start3A_220 = arith.constant 0 : i32
      %dma_start3A_221 = tpu.memref_slice %arg14[%mul3A_212, %dma_start3A_220] : memref<10112x128xf32, #tpu.memory_space<vmem_shared>> -> memref<632x128xf32, #tpu.memory_space<vmem_shared>>
      tpu.enqueue_dma source(%dma_start3A_221 : memref<632x128xf32, #tpu.memory_space<vmem_shared>>) target(%dma_start3A_219 : memref<632x128xf32, #tpu.memory_space<hbm>>) target_semaphore(%run_scoped3A_216 : memref<!tpu.dma_semaphore, #tpu.memory_space<semaphore_mem>>)
      %dma_wait3A_222 = arith.constant 0 : i32
      %dma_wait3A_223 = tpu.memref_slice %arg9[%arg0, %run_scoped3A_215, %mul3A_214, %dma_wait3A_222] : memref<2x4x10112x128xf32, #tpu.memory_space<hbm>> -> memref<1x1x632x128xf32, #tpu.memory_space<hbm>>
      %dma_wait3A_224 = tpu.memref_squeeze %dma_wait3A_223 : memref<1x1x632x128xf32, #tpu.memory_space<hbm>> -> memref<632x128xf32, #tpu.memory_space<hbm>>
      %dma_wait3A_225 = arith.constant 0 : i32
      %dma_wait3A_226 = tpu.memref_slice %arg14[%mul3A_212, %dma_wait3A_225] : memref<10112x128xf32, #tpu.memory_space<vmem_shared>> -> memref<632x128xf32, #tpu.memory_space<vmem_shared>>
      tpu.wait_dma2 semaphore(%run_scoped3A_216 : memref<!tpu.dma_semaphore, #tpu.memory_space<semaphore_mem>>) src(%dma_wait3A_226 : memref<632x128xf32, #tpu.memory_space<vmem_shared>>) dst(%dma_wait3A_224 : memref<632x128xf32, #tpu.memory_space<hbm>>)
      tpu.yield
    }) : () -> ()
    return
  }
}

#map = affine_map<(d0, d1) -> (0, 0)>
module attributes {stable_mosaic.version = 14 : i64} {
  func.func @_deg_body(%arg0: i32, %arg1: i32, %arg2: memref<32x10080xi32, #tpu.memory_space<hbm>>, %arg3: memref<32x10112xf32, #tpu.memory_space<hbm>>, %arg4: memref<10080xi32, #tpu.memory_space<vmem>>, %arg5: memref<10112xf32, #tpu.memory_space<vmem>>) attributes {dimension_semantics = [#tpu.dimension_semantics<core_parallel>, #tpu.dimension_semantics<subcore_parallel>], iteration_bounds = array<i64: 2, 16>, scalar_prefetch = 0 : i64, scratch_operands = 2 : i64, tpu.core_type = #tpu.core_type<sc_vector_subcore>, window_params = [{transform_indices = #map}, {transform_indices = #map}]} {
    %mul3A = arith.constant 16 : i32
    %mul3A_0 = arith.muli %arg0, %mul3A : i32
    %add3A = arith.addi %mul3A_0, %arg1 : i32
    "tpu.region"() ({
      %run_scoped3A = tpu.sem_alloc : memref<!tpu.dma_semaphore, #tpu.memory_space<semaphore_mem>>
      %dma_start3A = arith.constant 0 : i32
      %dma_start3A_15 = tpu.memref_slice %arg2[%add3A, %dma_start3A] : memref<32x10080xi32, #tpu.memory_space<hbm>> -> memref<1x10080xi32, #tpu.memory_space<hbm>>
      %dma_start3A_16 = tpu.memref_squeeze %dma_start3A_15 : memref<1x10080xi32, #tpu.memory_space<hbm>> -> memref<10080xi32, #tpu.memory_space<hbm>>
      %dma_start3A_17 = arith.constant 0 : i32
      %dma_start3A_18 = tpu.memref_slice %arg2[%add3A, %dma_start3A_17] : memref<32x10080xi32, #tpu.memory_space<hbm>> -> memref<1x10080xi32, #tpu.memory_space<hbm>>
      %dma_start3A_19 = tpu.memref_squeeze %dma_start3A_18 : memref<1x10080xi32, #tpu.memory_space<hbm>> -> memref<10080xi32, #tpu.memory_space<hbm>>
      tpu.enqueue_dma source(%dma_start3A_19 : memref<10080xi32, #tpu.memory_space<hbm>>) target(%arg4 : memref<10080xi32, #tpu.memory_space<vmem>>) target_semaphore(%run_scoped3A : memref<!tpu.dma_semaphore, #tpu.memory_space<semaphore_mem>>)
      %dma_wait3A = arith.constant 0 : i32
      %dma_wait3A_20 = tpu.memref_slice %arg2[%add3A, %dma_wait3A] : memref<32x10080xi32, #tpu.memory_space<hbm>> -> memref<1x10080xi32, #tpu.memory_space<hbm>>
      %dma_wait3A_21 = tpu.memref_squeeze %dma_wait3A_20 : memref<1x10080xi32, #tpu.memory_space<hbm>> -> memref<10080xi32, #tpu.memory_space<hbm>>
      %dma_wait3A_22 = arith.constant 0 : i32
      %dma_wait3A_23 = tpu.memref_slice %arg2[%add3A, %dma_wait3A_22] : memref<32x10080xi32, #tpu.memory_space<hbm>> -> memref<1x10080xi32, #tpu.memory_space<hbm>>
      %dma_wait3A_24 = tpu.memref_squeeze %dma_wait3A_23 : memref<1x10080xi32, #tpu.memory_space<hbm>> -> memref<10080xi32, #tpu.memory_space<hbm>>
      tpu.wait_dma2 semaphore(%run_scoped3A : memref<!tpu.dma_semaphore, #tpu.memory_space<semaphore_mem>>) src(%dma_wait3A_24 : memref<10080xi32, #tpu.memory_space<hbm>>) dst(%arg4 : memref<10080xi32, #tpu.memory_space<vmem>>)
      tpu.yield
    }) : () -> ()
    %broadcast_in_dim3A = arith.constant 0.000000e+00 : f32
    %broadcast_in_dim3A_1 = vector.broadcast %broadcast_in_dim3A : f32 to vector<16xf32>
    %broadcast_in_dim3A_2 = arith.constant 1.000000e+00 : f32
    %broadcast_in_dim3A_3 = vector.broadcast %broadcast_in_dim3A_2 : f32 to vector<16xf32>
    %scan3A = arith.constant 0 : i32
    %scan3A_4 = arith.constant 0 : i32
    %scan3A_5 = arith.constant 632 : i32
    %scan3A_6 = arith.addi %scan3A_4, %scan3A_5 : i32
    %scan3A_7 = arith.constant 1 : i32
    scf.for %scan3A_15 = %scan3A_4 to %scan3A_6 step %scan3A_7  : i32 {
      %mul3A_16 = arith.constant 16 : i32
      %mul3A_17 = arith.muli %scan3A_15, %mul3A_16 : i32
      %swap3A = arith.index_cast %mul3A_17 : i32 to index
      %swap3A_18 = tpu.vector_load %arg5[%swap3A] {strides = array<i32>} : memref<10112xf32, #tpu.memory_space<vmem>>, vector<16xf32>,
      tpu.vector_store %arg5[%swap3A], %broadcast_in_dim3A_1 {strides = array<i32>} : memref<10112xf32, #tpu.memory_space<vmem>>, vector<16xf32>,
    }
    %scan3A_8 = arith.constant 632 : i32
    %scan3A_9 = arith.constant 0 : i32
    %scan3A_10 = arith.constant 0 : i32
    %scan3A_11 = arith.constant 630 : i32
    %scan3A_12 = arith.addi %scan3A_10, %scan3A_11 : i32
    %scan3A_13 = arith.constant 1 : i32
    scf.for %scan3A_15 = %scan3A_10 to %scan3A_12 step %scan3A_13  : i32 {
      %mul3A_16 = arith.constant 16 : i32
      %mul3A_17 = arith.muli %scan3A_15, %mul3A_16 : i32
      %get3A = arith.index_cast %mul3A_17 : i32 to index
      %get3A_18 = tpu.vector_load %arg4[%get3A] {strides = array<i32>} : memref<10080xi32, #tpu.memory_space<vmem>>, vector<16xi32>,
      tpu.vector_store_idx %arg5[%get3A_18], %broadcast_in_dim3A_3 {add = true} : memref<10112xf32, #tpu.memory_space<vmem>>[vector<16xi32>], vector<16xf32>,
    }
    %scan3A_14 = arith.constant 630 : i32
    "tpu.region"() ({
      %run_scoped3A = tpu.sem_alloc : memref<!tpu.dma_semaphore, #tpu.memory_space<semaphore_mem>>
      %dma_start3A = arith.constant 0 : i32
      %dma_start3A_15 = tpu.memref_slice %arg3[%add3A, %dma_start3A] : memref<32x10112xf32, #tpu.memory_space<hbm>> -> memref<1x10112xf32, #tpu.memory_space<hbm>>
      %dma_start3A_16 = tpu.memref_squeeze %dma_start3A_15 : memref<1x10112xf32, #tpu.memory_space<hbm>> -> memref<10112xf32, #tpu.memory_space<hbm>>
      %dma_start3A_17 = arith.constant 0 : i32
      %dma_start3A_18 = tpu.memref_slice %arg3[%add3A, %dma_start3A_17] : memref<32x10112xf32, #tpu.memory_space<hbm>> -> memref<1x10112xf32, #tpu.memory_space<hbm>>
      %dma_start3A_19 = tpu.memref_squeeze %dma_start3A_18 : memref<1x10112xf32, #tpu.memory_space<hbm>> -> memref<10112xf32, #tpu.memory_space<hbm>>
      tpu.enqueue_dma source(%arg5 : memref<10112xf32, #tpu.memory_space<vmem>>) target(%dma_start3A_19 : memref<10112xf32, #tpu.memory_space<hbm>>) target_semaphore(%run_scoped3A : memref<!tpu.dma_semaphore, #tpu.memory_space<semaphore_mem>>)
      %dma_wait3A = arith.constant 0 : i32
      %dma_wait3A_20 = tpu.memref_slice %arg3[%add3A, %dma_wait3A] : memref<32x10112xf32, #tpu.memory_space<hbm>> -> memref<1x10112xf32, #tpu.memory_space<hbm>>
      %dma_wait3A_21 = tpu.memref_squeeze %dma_wait3A_20 : memref<1x10112xf32, #tpu.memory_space<hbm>> -> memref<10112xf32, #tpu.memory_space<hbm>>
      %dma_wait3A_22 = arith.constant 0 : i32
      %dma_wait3A_23 = tpu.memref_slice %arg3[%add3A, %dma_wait3A_22] : memref<32x10112xf32, #tpu.memory_space<hbm>> -> memref<1x10112xf32, #tpu.memory_space<hbm>>
      %dma_wait3A_24 = tpu.memref_squeeze %dma_wait3A_23 : memref<1x10112xf32, #tpu.memory_space<hbm>> -> memref<10112xf32, #tpu.memory_space<hbm>>
      tpu.wait_dma2 semaphore(%run_scoped3A : memref<!tpu.dma_semaphore, #tpu.memory_space<semaphore_mem>>) src(%arg5 : memref<10112xf32, #tpu.memory_space<vmem>>) dst(%dma_wait3A_24 : memref<10112xf32, #tpu.memory_space<hbm>>)
      tpu.yield
    }) : () -> ()
    return
  }
}

#map = affine_map<(d0, d1) -> (0, 0)>
#map1 = affine_map<(d0, d1) -> (0, 0, 0)>
#map2 = affine_map<(d0, d1) -> (0, 0, 0, 0)>
module attributes {stable_mosaic.version = 14 : i64} {
  func.func @body(%arg0: i32, %arg1: i32, %arg2: memref<32x10080xi32, #tpu.memory_space<hbm>>, %arg3: memref<32x105x96xi32, #tpu.memory_space<hbm>>, %arg4: memref<632x128xf32, #tpu.memory_space<hbm>>, %arg5: memref<10112x128xf32, #tpu.memory_space<hbm>>, %arg6: memref<2x1x10112x128xf32, #tpu.memory_space<hbm>>, %arg7: memref<10080xi32, #tpu.memory_space<vmem>>, %arg8: memref<105x96xi32, #tpu.memory_space<vmem>>, %arg9: memref<96x128xf32, #tpu.memory_space<vmem>>, %arg10: memref<96x128xf32, #tpu.memory_space<vmem>>, %arg11: memref<10112x128xf32, #tpu.memory_space<vmem_shared>>, %arg12: memref<!tpu.dma_semaphore, #tpu.memory_space<semaphore_mem>>, %arg13: memref<!tpu.dma_semaphore, #tpu.memory_space<semaphore_mem>>) attributes {dimension_semantics = [#tpu.dimension_semantics<core_parallel>, #tpu.dimension_semantics<subcore_parallel>], iteration_bounds = array<i64: 2, 16>, scalar_prefetch = 0 : i64, scratch_operands = 7 : i64, tpu.core_type = #tpu.core_type<sc_vector_subcore>, window_params = [{transform_indices = #map}, {transform_indices = #map1}, {transform_indices = #map}, {transform_indices = #map}, {transform_indices = #map2}]} {
    %mul3A = arith.constant 16 : i32
    %mul3A_0 = arith.muli %arg0, %mul3A : i32
    %add3A = arith.addi %mul3A_0, %arg1 : i32
    %dma_start3A = arith.constant 0 : i32
    %dma_start3A_1 = tpu.memref_slice %arg2[%add3A, %dma_start3A] : memref<32x10080xi32, #tpu.memory_space<hbm>> -> memref<1x10080xi32, #tpu.memory_space<hbm>>
    %dma_start3A_2 = tpu.memref_squeeze %dma_start3A_1 : memref<1x10080xi32, #tpu.memory_space<hbm>> -> memref<10080xi32, #tpu.memory_space<hbm>>
    %dma_start3A_3 = arith.constant 0 : i32
    %dma_start3A_4 = tpu.memref_slice %arg2[%add3A, %dma_start3A_3] : memref<32x10080xi32, #tpu.memory_space<hbm>> -> memref<1x10080xi32, #tpu.memory_space<hbm>>
    %dma_start3A_5 = tpu.memref_squeeze %dma_start3A_4 : memref<1x10080xi32, #tpu.memory_space<hbm>> -> memref<10080xi32, #tpu.memory_space<hbm>>
    tpu.enqueue_dma source(%dma_start3A_5 : memref<10080xi32, #tpu.memory_space<hbm>>) target(%arg7 : memref<10080xi32, #tpu.memory_space<vmem>>) target_semaphore(%arg12 : memref<!tpu.dma_semaphore, #tpu.memory_space<semaphore_mem>>)
    %dma_start3A_6 = arith.constant 0 : i32
    %dma_start3A_7 = arith.constant 0 : i32
    %dma_start3A_8 = tpu.memref_slice %arg3[%add3A, %dma_start3A_6, %dma_start3A_7] : memref<32x105x96xi32, #tpu.memory_space<hbm>> -> memref<1x105x96xi32, #tpu.memory_space<hbm>>
    %dma_start3A_9 = tpu.memref_squeeze %dma_start3A_8 : memref<1x105x96xi32, #tpu.memory_space<hbm>> -> memref<105x96xi32, #tpu.memory_space<hbm>>
    %dma_start3A_10 = arith.constant 0 : i32
    %dma_start3A_11 = arith.constant 0 : i32
    %dma_start3A_12 = tpu.memref_slice %arg3[%add3A, %dma_start3A_10, %dma_start3A_11] : memref<32x105x96xi32, #tpu.memory_space<hbm>> -> memref<1x105x96xi32, #tpu.memory_space<hbm>>
    %dma_start3A_13 = tpu.memref_squeeze %dma_start3A_12 : memref<1x105x96xi32, #tpu.memory_space<hbm>> -> memref<105x96xi32, #tpu.memory_space<hbm>>
    tpu.enqueue_dma source(%dma_start3A_13 : memref<105x96xi32, #tpu.memory_space<hbm>>) target(%arg8 : memref<105x96xi32, #tpu.memory_space<vmem>>) target_semaphore(%arg13 : memref<!tpu.dma_semaphore, #tpu.memory_space<semaphore_mem>>)
    %mul3A_14 = arith.constant 632 : i32
    %mul3A_15 = arith.muli %arg1, %mul3A_14 : i32
    "tpu.region"() ({
      %run_scoped3A_72 = tpu.sem_alloc : memref<!tpu.dma_semaphore, #tpu.memory_space<semaphore_mem>>
      %dma_start3A_73 = arith.constant 0 : i32
      %dma_start3A_74 = tpu.memref_slice %arg11[%mul3A_15, %dma_start3A_73] : memref<10112x128xf32, #tpu.memory_space<vmem_shared>> -> memref<632x128xf32, #tpu.memory_space<vmem_shared>>
      tpu.enqueue_dma source(%arg4 : memref<632x128xf32, #tpu.memory_space<hbm>>) target(%dma_start3A_74 : memref<632x128xf32, #tpu.memory_space<vmem_shared>>) target_semaphore(%run_scoped3A_72 : memref<!tpu.dma_semaphore, #tpu.memory_space<semaphore_mem>>)
      %dma_wait3A_75 = arith.constant 0 : i32
      %dma_wait3A_76 = tpu.memref_slice %arg11[%mul3A_15, %dma_wait3A_75] : memref<10112x128xf32, #tpu.memory_space<vmem_shared>> -> memref<632x128xf32, #tpu.memory_space<vmem_shared>>
      tpu.wait_dma2 semaphore(%run_scoped3A_72 : memref<!tpu.dma_semaphore, #tpu.memory_space<semaphore_mem>>) src(%arg4 : memref<632x128xf32, #tpu.memory_space<hbm>>) dst(%dma_wait3A_76 : memref<632x128xf32, #tpu.memory_space<vmem_shared>>)
      tpu.yield
    }) : () -> ()
    %dma_wait3A = arith.constant 0 : i32
    %dma_wait3A_16 = tpu.memref_slice %arg2[%add3A, %dma_wait3A] : memref<32x10080xi32, #tpu.memory_space<hbm>> -> memref<1x10080xi32, #tpu.memory_space<hbm>>
    %dma_wait3A_17 = tpu.memref_squeeze %dma_wait3A_16 : memref<1x10080xi32, #tpu.memory_space<hbm>> -> memref<10080xi32, #tpu.memory_space<hbm>>
    %dma_wait3A_18 = arith.constant 0 : i32
    %dma_wait3A_19 = tpu.memref_slice %arg2[%add3A, %dma_wait3A_18] : memref<32x10080xi32, #tpu.memory_space<hbm>> -> memref<1x10080xi32, #tpu.memory_space<hbm>>
    %dma_wait3A_20 = tpu.memref_squeeze %dma_wait3A_19 : memref<1x10080xi32, #tpu.memory_space<hbm>> -> memref<10080xi32, #tpu.memory_space<hbm>>
    tpu.wait_dma2 semaphore(%arg12 : memref<!tpu.dma_semaphore, #tpu.memory_space<semaphore_mem>>) src(%dma_wait3A_20 : memref<10080xi32, #tpu.memory_space<hbm>>) dst(%arg7 : memref<10080xi32, #tpu.memory_space<vmem>>)
    %dma_wait3A_21 = arith.constant 0 : i32
    %dma_wait3A_22 = arith.constant 0 : i32
    %dma_wait3A_23 = tpu.memref_slice %arg3[%add3A, %dma_wait3A_21, %dma_wait3A_22] : memref<32x105x96xi32, #tpu.memory_space<hbm>> -> memref<1x105x96xi32, #tpu.memory_space<hbm>>
    %dma_wait3A_24 = tpu.memref_squeeze %dma_wait3A_23 : memref<1x105x96xi32, #tpu.memory_space<hbm>> -> memref<105x96xi32, #tpu.memory_space<hbm>>
    %dma_wait3A_25 = arith.constant 0 : i32
    %dma_wait3A_26 = arith.constant 0 : i32
    %dma_wait3A_27 = tpu.memref_slice %arg3[%add3A, %dma_wait3A_25, %dma_wait3A_26] : memref<32x105x96xi32, #tpu.memory_space<hbm>> -> memref<1x105x96xi32, #tpu.memory_space<hbm>>
    %dma_wait3A_28 = tpu.memref_squeeze %dma_wait3A_27 : memref<1x105x96xi32, #tpu.memory_space<hbm>> -> memref<105x96xi32, #tpu.memory_space<hbm>>
    tpu.wait_dma2 semaphore(%arg13 : memref<!tpu.dma_semaphore, #tpu.memory_space<semaphore_mem>>) src(%dma_wait3A_28 : memref<105x96xi32, #tpu.memory_space<hbm>>) dst(%arg8 : memref<105x96xi32, #tpu.memory_space<vmem>>)
    %dma_start3A_29 = arith.constant 0 : i32
    %dma_start3A_30 = tpu.memref_slice %arg7[%dma_start3A_29] : memref<10080xi32, #tpu.memory_space<vmem>> -> memref<96xi32, #tpu.memory_space<vmem>>
    %dma_start3A_31 = arith.constant 0 : i32
    %dma_start3A_32 = arith.constant 0 : i32
    %dma_start3A_33 = tpu.memref_slice %arg5[%dma_start3A_31, %dma_start3A_32] : memref<10112x128xf32, #tpu.memory_space<hbm>> -> memref<10112x128xf32, #tpu.memory_space<hbm>>
    tpu.enqueue_indirect_dma source(%dma_start3A_33 : memref<10112x128xf32, #tpu.memory_space<hbm>>) target(%arg9 : memref<96x128xf32, #tpu.memory_space<vmem>>) offsets(%dma_start3A_30 : memref<96xi32, #tpu.memory_space<vmem>>) semaphore(%arg12 : memref<!tpu.dma_semaphore, #tpu.memory_space<semaphore_mem>>)
    %dma_start3A_34 = arith.constant 96 : i32
    %dma_start3A_35 = tpu.memref_slice %arg7[%dma_start3A_34] : memref<10080xi32, #tpu.memory_space<vmem>> -> memref<96xi32, #tpu.memory_space<vmem>>
    %dma_start3A_36 = arith.constant 0 : i32
    %dma_start3A_37 = arith.constant 0 : i32
    %dma_start3A_38 = tpu.memref_slice %arg5[%dma_start3A_36, %dma_start3A_37] : memref<10112x128xf32, #tpu.memory_space<hbm>> -> memref<10112x128xf32, #tpu.memory_space<hbm>>
    tpu.enqueue_indirect_dma source(%dma_start3A_38 : memref<10112x128xf32, #tpu.memory_space<hbm>>) target(%arg10 : memref<96x128xf32, #tpu.memory_space<vmem>>) offsets(%dma_start3A_35 : memref<96xi32, #tpu.memory_space<vmem>>) semaphore(%arg13 : memref<!tpu.dma_semaphore, #tpu.memory_space<semaphore_mem>>)
    %barrier3A = arith.constant 0 : index
    tpu.barrier barrier_id(%barrier3A)
    %scan3A = arith.constant 0 : i32
    %scan3A_39 = arith.constant 0 : i32
    %scan3A_40 = arith.constant 51 : i32
    %scan3A_41 = arith.addi %scan3A_39, %scan3A_40 : i32
    %scan3A_42 = arith.constant 1 : i32
    scf.for %scan3A_72 = %scan3A_39 to %scan3A_41 step %scan3A_42  : i32 {
      %mul3A_73 = arith.constant 2 : i32
      %mul3A_74 = arith.muli %scan3A_72, %mul3A_73 : i32
      %add3A_75 = arith.constant 0 : i32
      %add3A_76 = arith.addi %mul3A_74, %add3A_75 : i32
      %mul3A_77 = arith.constant 96 : i32
      %mul3A_78 = arith.muli %add3A_76, %mul3A_77 : i32
      %dma_wait3A_79 = tpu.memref_slice %arg7[%mul3A_78] : memref<10080xi32, #tpu.memory_space<vmem>> -> memref<96xi32, #tpu.memory_space<vmem>>
      %dma_wait3A_80 = arith.constant 0 : i32
      %dma_wait3A_81 = arith.constant 0 : i32
      %dma_wait3A_82 = tpu.memref_slice %arg5[%dma_wait3A_80, %dma_wait3A_81] : memref<10112x128xf32, #tpu.memory_space<hbm>> -> memref<10112x128xf32, #tpu.memory_space<hbm>>
      tpu.wait_indirect_dma semaphore(%arg12 : memref<!tpu.dma_semaphore, #tpu.memory_space<semaphore_mem>>) src(%dma_wait3A_82 : memref<10112x128xf32, #tpu.memory_space<hbm>>) dst(%arg9 : memref<96x128xf32, #tpu.memory_space<vmem>>)
      "tpu.region"() ({
        %run_scoped3A_109 = tpu.sem_alloc : memref<!tpu.dma_semaphore, #tpu.memory_space<semaphore_mem>>
        %dma_start3A_110 = arith.constant 0 : i32
        %dma_start3A_111 = tpu.memref_slice %arg8[%add3A_76, %dma_start3A_110] : memref<105x96xi32, #tpu.memory_space<vmem>> -> memref<1x96xi32, #tpu.memory_space<vmem>>
        %dma_start3A_112 = tpu.memref_squeeze %dma_start3A_111 : memref<1x96xi32, #tpu.memory_space<vmem>> -> memref<96xi32, #tpu.memory_space<vmem>>
        %dma_start3A_113 = arith.constant 0 : i32
        %dma_start3A_114 = arith.constant 0 : i32
        %dma_start3A_115 = tpu.memref_slice %arg11[%dma_start3A_113, %dma_start3A_114] : memref<10112x128xf32, #tpu.memory_space<vmem_shared>> -> memref<10112x128xf32, #tpu.memory_space<vmem_shared>>
        tpu.enqueue_indirect_dma source(%arg9 : memref<96x128xf32, #tpu.memory_space<vmem>>) target(%dma_start3A_115 : memref<10112x128xf32, #tpu.memory_space<vmem_shared>>) offsets(%dma_start3A_112 : memref<96xi32, #tpu.memory_space<vmem>>) semaphore(%run_scoped3A_109 : memref<!tpu.dma_semaphore, #tpu.memory_space<semaphore_mem>>) {add = true}
        %dma_wait3A_116 = arith.constant 0 : i32
        %dma_wait3A_117 = tpu.memref_slice %arg8[%add3A_76, %dma_wait3A_116] : memref<105x96xi32, #tpu.memory_space<vmem>> -> memref<1x96xi32, #tpu.memory_space<vmem>>
        %dma_wait3A_118 = tpu.memref_squeeze %dma_wait3A_117 : memref<1x96xi32, #tpu.memory_space<vmem>> -> memref<96xi32, #tpu.memory_space<vmem>>
        %dma_wait3A_119 = arith.constant 0 : i32
        %dma_wait3A_120 = arith.constant 0 : i32
        %dma_wait3A_121 = tpu.memref_slice %arg11[%dma_wait3A_119, %dma_wait3A_120] : memref<10112x128xf32, #tpu.memory_space<vmem_shared>> -> memref<10112x128xf32, #tpu.memory_space<vmem_shared>>
        tpu.wait_indirect_dma semaphore(%run_scoped3A_109 : memref<!tpu.dma_semaphore, #tpu.memory_space<semaphore_mem>>) src(%arg9 : memref<96x128xf32, #tpu.memory_space<vmem>>) dst(%dma_wait3A_121 : memref<10112x128xf32, #tpu.memory_space<vmem_shared>>)
        tpu.yield
      }) : () -> ()
      %add3A_83 = arith.constant 2 : i32
      %add3A_84 = arith.addi %add3A_76, %add3A_83 : i32
      %mul3A_85 = arith.constant 96 : i32
      %mul3A_86 = arith.muli %add3A_84, %mul3A_85 : i32
      %dma_start3A_87 = tpu.memref_slice %arg7[%mul3A_86] : memref<10080xi32, #tpu.memory_space<vmem>> -> memref<96xi32, #tpu.memory_space<vmem>>
      %dma_start3A_88 = arith.constant 0 : i32
      %dma_start3A_89 = arith.constant 0 : i32
      %dma_start3A_90 = tpu.memref_slice %arg5[%dma_start3A_88, %dma_start3A_89] : memref<10112x128xf32, #tpu.memory_space<hbm>> -> memref<10112x128xf32, #tpu.memory_space<hbm>>
      tpu.enqueue_indirect_dma source(%dma_start3A_90 : memref<10112x128xf32, #tpu.memory_space<hbm>>) target(%arg9 : memref<96x128xf32, #tpu.memory_space<vmem>>) offsets(%dma_start3A_87 : memref<96xi32, #tpu.memory_space<vmem>>) semaphore(%arg12 : memref<!tpu.dma_semaphore, #tpu.memory_space<semaphore_mem>>)
      %mul3A_91 = arith.constant 2 : i32
      %mul3A_92 = arith.muli %scan3A_72, %mul3A_91 : i32
      %add3A_93 = arith.constant 1 : i32
      %add3A_94 = arith.addi %mul3A_92, %add3A_93 : i32
      %mul3A_95 = arith.constant 96 : i32
      %mul3A_96 = arith.muli %add3A_94, %mul3A_95 : i32
      %dma_wait3A_97 = tpu.memref_slice %arg7[%mul3A_96] : memref<10080xi32, #tpu.memory_space<vmem>> -> memref<96xi32, #tpu.memory_space<vmem>>
      %dma_wait3A_98 = arith.constant 0 : i32
      %dma_wait3A_99 = arith.constant 0 : i32
      %dma_wait3A_100 = tpu.memref_slice %arg5[%dma_wait3A_98, %dma_wait3A_99] : memref<10112x128xf32, #tpu.memory_space<hbm>> -> memref<10112x128xf32, #tpu.memory_space<hbm>>
      tpu.wait_indirect_dma semaphore(%arg13 : memref<!tpu.dma_semaphore, #tpu.memory_space<semaphore_mem>>) src(%dma_wait3A_100 : memref<10112x128xf32, #tpu.memory_space<hbm>>) dst(%arg10 : memref<96x128xf32, #tpu.memory_space<vmem>>)
      "tpu.region"() ({
        %run_scoped3A_109 = tpu.sem_alloc : memref<!tpu.dma_semaphore, #tpu.memory_space<semaphore_mem>>
        %dma_start3A_110 = arith.constant 0 : i32
        %dma_start3A_111 = tpu.memref_slice %arg8[%add3A_94, %dma_start3A_110] : memref<105x96xi32, #tpu.memory_space<vmem>> -> memref<1x96xi32, #tpu.memory_space<vmem>>
        %dma_start3A_112 = tpu.memref_squeeze %dma_start3A_111 : memref<1x96xi32, #tpu.memory_space<vmem>> -> memref<96xi32, #tpu.memory_space<vmem>>
        %dma_start3A_113 = arith.constant 0 : i32
        %dma_start3A_114 = arith.constant 0 : i32
        %dma_start3A_115 = tpu.memref_slice %arg11[%dma_start3A_113, %dma_start3A_114] : memref<10112x128xf32, #tpu.memory_space<vmem_shared>> -> memref<10112x128xf32, #tpu.memory_space<vmem_shared>>
        tpu.enqueue_indirect_dma source(%arg10 : memref<96x128xf32, #tpu.memory_space<vmem>>) target(%dma_start3A_115 : memref<10112x128xf32, #tpu.memory_space<vmem_shared>>) offsets(%dma_start3A_112 : memref<96xi32, #tpu.memory_space<vmem>>) semaphore(%run_scoped3A_109 : memref<!tpu.dma_semaphore, #tpu.memory_space<semaphore_mem>>) {add = true}
        %dma_wait3A_116 = arith.constant 0 : i32
        %dma_wait3A_117 = tpu.memref_slice %arg8[%add3A_94, %dma_wait3A_116] : memref<105x96xi32, #tpu.memory_space<vmem>> -> memref<1x96xi32, #tpu.memory_space<vmem>>
        %dma_wait3A_118 = tpu.memref_squeeze %dma_wait3A_117 : memref<1x96xi32, #tpu.memory_space<vmem>> -> memref<96xi32, #tpu.memory_space<vmem>>
        %dma_wait3A_119 = arith.constant 0 : i32
        %dma_wait3A_120 = arith.constant 0 : i32
        %dma_wait3A_121 = tpu.memref_slice %arg11[%dma_wait3A_119, %dma_wait3A_120] : memref<10112x128xf32, #tpu.memory_space<vmem_shared>> -> memref<10112x128xf32, #tpu.memory_space<vmem_shared>>
        tpu.wait_indirect_dma semaphore(%run_scoped3A_109 : memref<!tpu.dma_semaphore, #tpu.memory_space<semaphore_mem>>) src(%arg10 : memref<96x128xf32, #tpu.memory_space<vmem>>) dst(%dma_wait3A_121 : memref<10112x128xf32, #tpu.memory_space<vmem_shared>>)
        tpu.yield
      }) : () -> ()
      %add3A_101 = arith.constant 2 : i32
      %add3A_102 = arith.addi %add3A_94, %add3A_101 : i32
      %mul3A_103 = arith.constant 96 : i32
      %mul3A_104 = arith.muli %add3A_102, %mul3A_103 : i32
      %dma_start3A_105 = tpu.memref_slice %arg7[%mul3A_104] : memref<10080xi32, #tpu.memory_space<vmem>> -> memref<96xi32, #tpu.memory_space<vmem>>
      %dma_start3A_106 = arith.constant 0 : i32
      %dma_start3A_107 = arith.constant 0 : i32
      %dma_start3A_108 = tpu.memref_slice %arg5[%dma_start3A_106, %dma_start3A_107] : memref<10112x128xf32, #tpu.memory_space<hbm>> -> memref<10112x128xf32, #tpu.memory_space<hbm>>
      tpu.enqueue_indirect_dma source(%dma_start3A_108 : memref<10112x128xf32, #tpu.memory_space<hbm>>) target(%arg10 : memref<96x128xf32, #tpu.memory_space<vmem>>) offsets(%dma_start3A_105 : memref<96xi32, #tpu.memory_space<vmem>>) semaphore(%arg13 : memref<!tpu.dma_semaphore, #tpu.memory_space<semaphore_mem>>)
    }
    %scan3A_43 = arith.constant 51 : i32
    %dma_wait3A_44 = arith.constant 9792 : i32
    %dma_wait3A_45 = tpu.memref_slice %arg7[%dma_wait3A_44] : memref<10080xi32, #tpu.memory_space<vmem>> -> memref<96xi32, #tpu.memory_space<vmem>>
    %dma_wait3A_46 = arith.constant 0 : i32
    %dma_wait3A_47 = arith.constant 0 : i32
    %dma_wait3A_48 = tpu.memref_slice %arg5[%dma_wait3A_46, %dma_wait3A_47] : memref<10112x128xf32, #tpu.memory_space<hbm>> -> memref<10112x128xf32, #tpu.memory_space<hbm>>
    tpu.wait_indirect_dma semaphore(%arg12 : memref<!tpu.dma_semaphore, #tpu.memory_space<semaphore_mem>>) src(%dma_wait3A_48 : memref<10112x128xf32, #tpu.memory_space<hbm>>) dst(%arg9 : memref<96x128xf32, #tpu.memory_space<vmem>>)
    %run_scoped3A = arith.constant 102 : i32
    "tpu.region"() ({
      %run_scoped3A_72 = tpu.sem_alloc : memref<!tpu.dma_semaphore, #tpu.memory_space<semaphore_mem>>
      %dma_start3A_73 = arith.constant 0 : i32
      %dma_start3A_74 = tpu.memref_slice %arg8[%run_scoped3A, %dma_start3A_73] : memref<105x96xi32, #tpu.memory_space<vmem>> -> memref<1x96xi32, #tpu.memory_space<vmem>>
      %dma_start3A_75 = tpu.memref_squeeze %dma_start3A_74 : memref<1x96xi32, #tpu.memory_space<vmem>> -> memref<96xi32, #tpu.memory_space<vmem>>
      %dma_start3A_76 = arith.constant 0 : i32
      %dma_start3A_77 = arith.constant 0 : i32
      %dma_start3A_78 = tpu.memref_slice %arg11[%dma_start3A_76, %dma_start3A_77] : memref<10112x128xf32, #tpu.memory_space<vmem_shared>> -> memref<10112x128xf32, #tpu.memory_space<vmem_shared>>
      tpu.enqueue_indirect_dma source(%arg9 : memref<96x128xf32, #tpu.memory_space<vmem>>) target(%dma_start3A_78 : memref<10112x128xf32, #tpu.memory_space<vmem_shared>>) offsets(%dma_start3A_75 : memref<96xi32, #tpu.memory_space<vmem>>) semaphore(%run_scoped3A_72 : memref<!tpu.dma_semaphore, #tpu.memory_space<semaphore_mem>>) {add = true}
      %dma_wait3A_79 = arith.constant 0 : i32
      %dma_wait3A_80 = tpu.memref_slice %arg8[%run_scoped3A, %dma_wait3A_79] : memref<105x96xi32, #tpu.memory_space<vmem>> -> memref<1x96xi32, #tpu.memory_space<vmem>>
      %dma_wait3A_81 = tpu.memref_squeeze %dma_wait3A_80 : memref<1x96xi32, #tpu.memory_space<vmem>> -> memref<96xi32, #tpu.memory_space<vmem>>
      %dma_wait3A_82 = arith.constant 0 : i32
      %dma_wait3A_83 = arith.constant 0 : i32
      %dma_wait3A_84 = tpu.memref_slice %arg11[%dma_wait3A_82, %dma_wait3A_83] : memref<10112x128xf32, #tpu.memory_space<vmem_shared>> -> memref<10112x128xf32, #tpu.memory_space<vmem_shared>>
      tpu.wait_indirect_dma semaphore(%run_scoped3A_72 : memref<!tpu.dma_semaphore, #tpu.memory_space<semaphore_mem>>) src(%arg9 : memref<96x128xf32, #tpu.memory_space<vmem>>) dst(%dma_wait3A_84 : memref<10112x128xf32, #tpu.memory_space<vmem_shared>>)
      tpu.yield
    }) : () -> ()
    %dma_start3A_49 = arith.constant 9984 : i32
    %dma_start3A_50 = tpu.memref_slice %arg7[%dma_start3A_49] : memref<10080xi32, #tpu.memory_space<vmem>> -> memref<96xi32, #tpu.memory_space<vmem>>
    %dma_start3A_51 = arith.constant 0 : i32
    %dma_start3A_52 = arith.constant 0 : i32
    %dma_start3A_53 = tpu.memref_slice %arg5[%dma_start3A_51, %dma_start3A_52] : memref<10112x128xf32, #tpu.memory_space<hbm>> -> memref<10112x128xf32, #tpu.memory_space<hbm>>
    tpu.enqueue_indirect_dma source(%dma_start3A_53 : memref<10112x128xf32, #tpu.memory_space<hbm>>) target(%arg9 : memref<96x128xf32, #tpu.memory_space<vmem>>) offsets(%dma_start3A_50 : memref<96xi32, #tpu.memory_space<vmem>>) semaphore(%arg12 : memref<!tpu.dma_semaphore, #tpu.memory_space<semaphore_mem>>)
    %dma_wait3A_54 = arith.constant 9888 : i32
    %dma_wait3A_55 = tpu.memref_slice %arg7[%dma_wait3A_54] : memref<10080xi32, #tpu.memory_space<vmem>> -> memref<96xi32, #tpu.memory_space<vmem>>
    %dma_wait3A_56 = arith.constant 0 : i32
    %dma_wait3A_57 = arith.constant 0 : i32
    %dma_wait3A_58 = tpu.memref_slice %arg5[%dma_wait3A_56, %dma_wait3A_57] : memref<10112x128xf32, #tpu.memory_space<hbm>> -> memref<10112x128xf32, #tpu.memory_space<hbm>>
    tpu.wait_indirect_dma semaphore(%arg13 : memref<!tpu.dma_semaphore, #tpu.memory_space<semaphore_mem>>) src(%dma_wait3A_58 : memref<10112x128xf32, #tpu.memory_space<hbm>>) dst(%arg10 : memref<96x128xf32, #tpu.memory_space<vmem>>)
    %run_scoped3A_59 = arith.constant 103 : i32
    "tpu.region"() ({
      %run_scoped3A_72 = tpu.sem_alloc : memref<!tpu.dma_semaphore, #tpu.memory_space<semaphore_mem>>
      %dma_start3A_73 = arith.constant 0 : i32
      %dma_start3A_74 = tpu.memref_slice %arg8[%run_scoped3A_59, %dma_start3A_73] : memref<105x96xi32, #tpu.memory_space<vmem>> -> memref<1x96xi32, #tpu.memory_space<vmem>>
      %dma_start3A_75 = tpu.memref_squeeze %dma_start3A_74 : memref<1x96xi32, #tpu.memory_space<vmem>> -> memref<96xi32, #tpu.memory_space<vmem>>
      %dma_start3A_76 = arith.constant 0 : i32
      %dma_start3A_77 = arith.constant 0 : i32
      %dma_start3A_78 = tpu.memref_slice %arg11[%dma_start3A_76, %dma_start3A_77] : memref<10112x128xf32, #tpu.memory_space<vmem_shared>> -> memref<10112x128xf32, #tpu.memory_space<vmem_shared>>
      tpu.enqueue_indirect_dma source(%arg10 : memref<96x128xf32, #tpu.memory_space<vmem>>) target(%dma_start3A_78 : memref<10112x128xf32, #tpu.memory_space<vmem_shared>>) offsets(%dma_start3A_75 : memref<96xi32, #tpu.memory_space<vmem>>) semaphore(%run_scoped3A_72 : memref<!tpu.dma_semaphore, #tpu.memory_space<semaphore_mem>>) {add = true}
      %dma_wait3A_79 = arith.constant 0 : i32
      %dma_wait3A_80 = tpu.memref_slice %arg8[%run_scoped3A_59, %dma_wait3A_79] : memref<105x96xi32, #tpu.memory_space<vmem>> -> memref<1x96xi32, #tpu.memory_space<vmem>>
      %dma_wait3A_81 = tpu.memref_squeeze %dma_wait3A_80 : memref<1x96xi32, #tpu.memory_space<vmem>> -> memref<96xi32, #tpu.memory_space<vmem>>
      %dma_wait3A_82 = arith.constant 0 : i32
      %dma_wait3A_83 = arith.constant 0 : i32
      %dma_wait3A_84 = tpu.memref_slice %arg11[%dma_wait3A_82, %dma_wait3A_83] : memref<10112x128xf32, #tpu.memory_space<vmem_shared>> -> memref<10112x128xf32, #tpu.memory_space<vmem_shared>>
      tpu.wait_indirect_dma semaphore(%run_scoped3A_72 : memref<!tpu.dma_semaphore, #tpu.memory_space<semaphore_mem>>) src(%arg10 : memref<96x128xf32, #tpu.memory_space<vmem>>) dst(%dma_wait3A_84 : memref<10112x128xf32, #tpu.memory_space<vmem_shared>>)
      tpu.yield
    }) : () -> ()
    %dma_wait3A_60 = arith.constant 9984 : i32
    %dma_wait3A_61 = tpu.memref_slice %arg7[%dma_wait3A_60] : memref<10080xi32, #tpu.memory_space<vmem>> -> memref<96xi32, #tpu.memory_space<vmem>>
    %dma_wait3A_62 = arith.constant 0 : i32
    %dma_wait3A_63 = arith.constant 0 : i32
    %dma_wait3A_64 = tpu.memref_slice %arg5[%dma_wait3A_62, %dma_wait3A_63] : memref<10112x128xf32, #tpu.memory_space<hbm>> -> memref<10112x128xf32, #tpu.memory_space<hbm>>
    tpu.wait_indirect_dma semaphore(%arg12 : memref<!tpu.dma_semaphore, #tpu.memory_space<semaphore_mem>>) src(%dma_wait3A_64 : memref<10112x128xf32, #tpu.memory_space<hbm>>) dst(%arg9 : memref<96x128xf32, #tpu.memory_space<vmem>>)
    %run_scoped3A_65 = arith.constant 104 : i32
    "tpu.region"() ({
      %run_scoped3A_72 = tpu.sem_alloc : memref<!tpu.dma_semaphore, #tpu.memory_space<semaphore_mem>>
      %dma_start3A_73 = arith.constant 0 : i32
      %dma_start3A_74 = tpu.memref_slice %arg8[%run_scoped3A_65, %dma_start3A_73] : memref<105x96xi32, #tpu.memory_space<vmem>> -> memref<1x96xi32, #tpu.memory_space<vmem>>
      %dma_start3A_75 = tpu.memref_squeeze %dma_start3A_74 : memref<1x96xi32, #tpu.memory_space<vmem>> -> memref<96xi32, #tpu.memory_space<vmem>>
      %dma_start3A_76 = arith.constant 0 : i32
      %dma_start3A_77 = arith.constant 0 : i32
      %dma_start3A_78 = tpu.memref_slice %arg11[%dma_start3A_76, %dma_start3A_77] : memref<10112x128xf32, #tpu.memory_space<vmem_shared>> -> memref<10112x128xf32, #tpu.memory_space<vmem_shared>>
      tpu.enqueue_indirect_dma source(%arg9 : memref<96x128xf32, #tpu.memory_space<vmem>>) target(%dma_start3A_78 : memref<10112x128xf32, #tpu.memory_space<vmem_shared>>) offsets(%dma_start3A_75 : memref<96xi32, #tpu.memory_space<vmem>>) semaphore(%run_scoped3A_72 : memref<!tpu.dma_semaphore, #tpu.memory_space<semaphore_mem>>) {add = true}
      %dma_wait3A_79 = arith.constant 0 : i32
      %dma_wait3A_80 = tpu.memref_slice %arg8[%run_scoped3A_65, %dma_wait3A_79] : memref<105x96xi32, #tpu.memory_space<vmem>> -> memref<1x96xi32, #tpu.memory_space<vmem>>
      %dma_wait3A_81 = tpu.memref_squeeze %dma_wait3A_80 : memref<1x96xi32, #tpu.memory_space<vmem>> -> memref<96xi32, #tpu.memory_space<vmem>>
      %dma_wait3A_82 = arith.constant 0 : i32
      %dma_wait3A_83 = arith.constant 0 : i32
      %dma_wait3A_84 = tpu.memref_slice %arg11[%dma_wait3A_82, %dma_wait3A_83] : memref<10112x128xf32, #tpu.memory_space<vmem_shared>> -> memref<10112x128xf32, #tpu.memory_space<vmem_shared>>
      tpu.wait_indirect_dma semaphore(%run_scoped3A_72 : memref<!tpu.dma_semaphore, #tpu.memory_space<semaphore_mem>>) src(%arg9 : memref<96x128xf32, #tpu.memory_space<vmem>>) dst(%dma_wait3A_84 : memref<10112x128xf32, #tpu.memory_space<vmem_shared>>)
      tpu.yield
    }) : () -> ()
    %barrier3A_66 = arith.constant 0 : index
    tpu.barrier barrier_id(%barrier3A_66)
    %mul3A_67 = arith.constant 632 : i32
    %mul3A_68 = arith.muli %arg1, %mul3A_67 : i32
    %mul3A_69 = arith.constant 632 : i32
    %mul3A_70 = arith.muli %arg1, %mul3A_69 : i32
    %run_scoped3A_71 = arith.constant 0 : i32
    "tpu.region"() ({
      %run_scoped3A_72 = tpu.sem_alloc : memref<!tpu.dma_semaphore, #tpu.memory_space<semaphore_mem>>
      %dma_start3A_73 = arith.constant 0 : i32
      %dma_start3A_74 = tpu.memref_slice %arg6[%arg0, %run_scoped3A_71, %mul3A_70, %dma_start3A_73] : memref<2x1x10112x128xf32, #tpu.memory_space<hbm>> -> memref<1x1x632x128xf32, #tpu.memory_space<hbm>>
      %dma_start3A_75 = tpu.memref_squeeze %dma_start3A_74 : memref<1x1x632x128xf32, #tpu.memory_space<hbm>> -> memref<632x128xf32, #tpu.memory_space<hbm>>
      %dma_start3A_76 = arith.constant 0 : i32
      %dma_start3A_77 = tpu.memref_slice %arg11[%mul3A_68, %dma_start3A_76] : memref<10112x128xf32, #tpu.memory_space<vmem_shared>> -> memref<632x128xf32, #tpu.memory_space<vmem_shared>>
      tpu.enqueue_dma source(%dma_start3A_77 : memref<632x128xf32, #tpu.memory_space<vmem_shared>>) target(%dma_start3A_75 : memref<632x128xf32, #tpu.memory_space<hbm>>) target_semaphore(%run_scoped3A_72 : memref<!tpu.dma_semaphore, #tpu.memory_space<semaphore_mem>>)
      %dma_wait3A_78 = arith.constant 0 : i32
      %dma_wait3A_79 = tpu.memref_slice %arg6[%arg0, %run_scoped3A_71, %mul3A_70, %dma_wait3A_78] : memref<2x1x10112x128xf32, #tpu.memory_space<hbm>> -> memref<1x1x632x128xf32, #tpu.memory_space<hbm>>
      %dma_wait3A_80 = tpu.memref_squeeze %dma_wait3A_79 : memref<1x1x632x128xf32, #tpu.memory_space<hbm>> -> memref<632x128xf32, #tpu.memory_space<hbm>>
      %dma_wait3A_81 = arith.constant 0 : i32
      %dma_wait3A_82 = tpu.memref_slice %arg11[%mul3A_68, %dma_wait3A_81] : memref<10112x128xf32, #tpu.memory_space<vmem_shared>> -> memref<632x128xf32, #tpu.memory_space<vmem_shared>>
      tpu.wait_dma2 semaphore(%run_scoped3A_72 : memref<!tpu.dma_semaphore, #tpu.memory_space<semaphore_mem>>) src(%dma_wait3A_82 : memref<632x128xf32, #tpu.memory_space<vmem_shared>>) dst(%dma_wait3A_80 : memref<632x128xf32, #tpu.memory_space<hbm>>)
      tpu.yield
    }) : () -> ()
    return
  }
}

#map = affine_map<(d0, d1) -> (0, 0)>
#map1 = affine_map<(d0, d1) -> (0, 0, 0)>
#map2 = affine_map<(d0, d1) -> (0, 0, 0, 0)>
module attributes {stable_mosaic.version = 14 : i64} {
  func.func @body(%arg0: i32, %arg1: i32, %arg2: memref<32x10080xi32, #tpu.memory_space<hbm>>, %arg3: memref<32x105x96xi32, #tpu.memory_space<hbm>>, %arg4: memref<632x128xf32, #tpu.memory_space<hbm>>, %arg5: memref<10112x128xf32, #tpu.memory_space<hbm>>, %arg6: memref<10112x128xf32, #tpu.memory_space<hbm>>, %arg7: memref<10112x128xf32, #tpu.memory_space<hbm>>, %arg8: memref<10112x128xf32, #tpu.memory_space<hbm>>, %arg9: memref<2x4x10112x128xf32, #tpu.memory_space<hbm>>, %arg10: memref<10080xi32, #tpu.memory_space<vmem>>, %arg11: memref<105x96xi32, #tpu.memory_space<vmem>>, %arg12: memref<96x128xf32, #tpu.memory_space<vmem>>, %arg13: memref<96x128xf32, #tpu.memory_space<vmem>>, %arg14: memref<10112x128xf32, #tpu.memory_space<vmem_shared>>, %arg15: memref<!tpu.dma_semaphore, #tpu.memory_space<semaphore_mem>>, %arg16: memref<!tpu.dma_semaphore, #tpu.memory_space<semaphore_mem>>) attributes {dimension_semantics = [#tpu.dimension_semantics<core_parallel>, #tpu.dimension_semantics<subcore_parallel>], iteration_bounds = array<i64: 2, 16>, scalar_prefetch = 0 : i64, scratch_operands = 7 : i64, tpu.core_type = #tpu.core_type<sc_vector_subcore>, window_params = [{transform_indices = #map}, {transform_indices = #map1}, {transform_indices = #map}, {transform_indices = #map}, {transform_indices = #map}, {transform_indices = #map}, {transform_indices = #map}, {transform_indices = #map2}]} {
    %mul3A = arith.constant 16 : i32
    %mul3A_0 = arith.muli %arg0, %mul3A : i32
    %add3A = arith.addi %mul3A_0, %arg1 : i32
    %dma_start3A = arith.constant 0 : i32
    %dma_start3A_1 = tpu.memref_slice %arg2[%add3A, %dma_start3A] : memref<32x10080xi32, #tpu.memory_space<hbm>> -> memref<1x10080xi32, #tpu.memory_space<hbm>>
    %dma_start3A_2 = tpu.memref_squeeze %dma_start3A_1 : memref<1x10080xi32, #tpu.memory_space<hbm>> -> memref<10080xi32, #tpu.memory_space<hbm>>
    %dma_start3A_3 = arith.constant 0 : i32
    %dma_start3A_4 = tpu.memref_slice %arg2[%add3A, %dma_start3A_3] : memref<32x10080xi32, #tpu.memory_space<hbm>> -> memref<1x10080xi32, #tpu.memory_space<hbm>>
    %dma_start3A_5 = tpu.memref_squeeze %dma_start3A_4 : memref<1x10080xi32, #tpu.memory_space<hbm>> -> memref<10080xi32, #tpu.memory_space<hbm>>
    tpu.enqueue_dma source(%dma_start3A_5 : memref<10080xi32, #tpu.memory_space<hbm>>) target(%arg10 : memref<10080xi32, #tpu.memory_space<vmem>>) target_semaphore(%arg15 : memref<!tpu.dma_semaphore, #tpu.memory_space<semaphore_mem>>)
    %dma_start3A_6 = arith.constant 0 : i32
    %dma_start3A_7 = arith.constant 0 : i32
    %dma_start3A_8 = tpu.memref_slice %arg3[%add3A, %dma_start3A_6, %dma_start3A_7] : memref<32x105x96xi32, #tpu.memory_space<hbm>> -> memref<1x105x96xi32, #tpu.memory_space<hbm>>
    %dma_start3A_9 = tpu.memref_squeeze %dma_start3A_8 : memref<1x105x96xi32, #tpu.memory_space<hbm>> -> memref<105x96xi32, #tpu.memory_space<hbm>>
    %dma_start3A_10 = arith.constant 0 : i32
    %dma_start3A_11 = arith.constant 0 : i32
    %dma_start3A_12 = tpu.memref_slice %arg3[%add3A, %dma_start3A_10, %dma_start3A_11] : memref<32x105x96xi32, #tpu.memory_space<hbm>> -> memref<1x105x96xi32, #tpu.memory_space<hbm>>
    %dma_start3A_13 = tpu.memref_squeeze %dma_start3A_12 : memref<1x105x96xi32, #tpu.memory_space<hbm>> -> memref<105x96xi32, #tpu.memory_space<hbm>>
    tpu.enqueue_dma source(%dma_start3A_13 : memref<105x96xi32, #tpu.memory_space<hbm>>) target(%arg11 : memref<105x96xi32, #tpu.memory_space<vmem>>) target_semaphore(%arg16 : memref<!tpu.dma_semaphore, #tpu.memory_space<semaphore_mem>>)
    %mul3A_14 = arith.constant 632 : i32
    %mul3A_15 = arith.muli %arg1, %mul3A_14 : i32
    "tpu.region"() ({
      %run_scoped3A_216 = tpu.sem_alloc : memref<!tpu.dma_semaphore, #tpu.memory_space<semaphore_mem>>
      %dma_start3A_217 = arith.constant 0 : i32
      %dma_start3A_218 = tpu.memref_slice %arg14[%mul3A_15, %dma_start3A_217] : memref<10112x128xf32, #tpu.memory_space<vmem_shared>> -> memref<632x128xf32, #tpu.memory_space<vmem_shared>>
      tpu.enqueue_dma source(%arg4 : memref<632x128xf32, #tpu.memory_space<hbm>>) target(%dma_start3A_218 : memref<632x128xf32, #tpu.memory_space<vmem_shared>>) target_semaphore(%run_scoped3A_216 : memref<!tpu.dma_semaphore, #tpu.memory_space<semaphore_mem>>)
      %dma_wait3A_219 = arith.constant 0 : i32
      %dma_wait3A_220 = tpu.memref_slice %arg14[%mul3A_15, %dma_wait3A_219] : memref<10112x128xf32, #tpu.memory_space<vmem_shared>> -> memref<632x128xf32, #tpu.memory_space<vmem_shared>>
      tpu.wait_dma2 semaphore(%run_scoped3A_216 : memref<!tpu.dma_semaphore, #tpu.memory_space<semaphore_mem>>) src(%arg4 : memref<632x128xf32, #tpu.memory_space<hbm>>) dst(%dma_wait3A_220 : memref<632x128xf32, #tpu.memory_space<vmem_shared>>)
      tpu.yield
    }) : () -> ()
    %dma_wait3A = arith.constant 0 : i32
    %dma_wait3A_16 = tpu.memref_slice %arg2[%add3A, %dma_wait3A] : memref<32x10080xi32, #tpu.memory_space<hbm>> -> memref<1x10080xi32, #tpu.memory_space<hbm>>
    %dma_wait3A_17 = tpu.memref_squeeze %dma_wait3A_16 : memref<1x10080xi32, #tpu.memory_space<hbm>> -> memref<10080xi32, #tpu.memory_space<hbm>>
    %dma_wait3A_18 = arith.constant 0 : i32
    %dma_wait3A_19 = tpu.memref_slice %arg2[%add3A, %dma_wait3A_18] : memref<32x10080xi32, #tpu.memory_space<hbm>> -> memref<1x10080xi32, #tpu.memory_space<hbm>>
    %dma_wait3A_20 = tpu.memref_squeeze %dma_wait3A_19 : memref<1x10080xi32, #tpu.memory_space<hbm>> -> memref<10080xi32, #tpu.memory_space<hbm>>
    tpu.wait_dma2 semaphore(%arg15 : memref<!tpu.dma_semaphore, #tpu.memory_space<semaphore_mem>>) src(%dma_wait3A_20 : memref<10080xi32, #tpu.memory_space<hbm>>) dst(%arg10 : memref<10080xi32, #tpu.memory_space<vmem>>)
    %dma_wait3A_21 = arith.constant 0 : i32
    %dma_wait3A_22 = arith.constant 0 : i32
    %dma_wait3A_23 = tpu.memref_slice %arg3[%add3A, %dma_wait3A_21, %dma_wait3A_22] : memref<32x105x96xi32, #tpu.memory_space<hbm>> -> memref<1x105x96xi32, #tpu.memory_space<hbm>>
    %dma_wait3A_24 = tpu.memref_squeeze %dma_wait3A_23 : memref<1x105x96xi32, #tpu.memory_space<hbm>> -> memref<105x96xi32, #tpu.memory_space<hbm>>
    %dma_wait3A_25 = arith.constant 0 : i32
    %dma_wait3A_26 = arith.constant 0 : i32
    %dma_wait3A_27 = tpu.memref_slice %arg3[%add3A, %dma_wait3A_25, %dma_wait3A_26] : memref<32x105x96xi32, #tpu.memory_space<hbm>> -> memref<1x105x96xi32, #tpu.memory_space<hbm>>
    %dma_wait3A_28 = tpu.memref_squeeze %dma_wait3A_27 : memref<1x105x96xi32, #tpu.memory_space<hbm>> -> memref<105x96xi32, #tpu.memory_space<hbm>>
    tpu.wait_dma2 semaphore(%arg16 : memref<!tpu.dma_semaphore, #tpu.memory_space<semaphore_mem>>) src(%dma_wait3A_28 : memref<105x96xi32, #tpu.memory_space<hbm>>) dst(%arg11 : memref<105x96xi32, #tpu.memory_space<vmem>>)
    %dma_start3A_29 = arith.constant 0 : i32
    %dma_start3A_30 = tpu.memref_slice %arg10[%dma_start3A_29] : memref<10080xi32, #tpu.memory_space<vmem>> -> memref<96xi32, #tpu.memory_space<vmem>>
    %dma_start3A_31 = arith.constant 0 : i32
    %dma_start3A_32 = arith.constant 0 : i32
    %dma_start3A_33 = tpu.memref_slice %arg5[%dma_start3A_31, %dma_start3A_32] : memref<10112x128xf32, #tpu.memory_space<hbm>> -> memref<10112x128xf32, #tpu.memory_space<hbm>>
    tpu.enqueue_indirect_dma source(%dma_start3A_33 : memref<10112x128xf32, #tpu.memory_space<hbm>>) target(%arg12 : memref<96x128xf32, #tpu.memory_space<vmem>>) offsets(%dma_start3A_30 : memref<96xi32, #tpu.memory_space<vmem>>) semaphore(%arg15 : memref<!tpu.dma_semaphore, #tpu.memory_space<semaphore_mem>>)
    %dma_start3A_34 = arith.constant 96 : i32
    %dma_start3A_35 = tpu.memref_slice %arg10[%dma_start3A_34] : memref<10080xi32, #tpu.memory_space<vmem>> -> memref<96xi32, #tpu.memory_space<vmem>>
    %dma_start3A_36 = arith.constant 0 : i32
    %dma_start3A_37 = arith.constant 0 : i32
    %dma_start3A_38 = tpu.memref_slice %arg5[%dma_start3A_36, %dma_start3A_37] : memref<10112x128xf32, #tpu.memory_space<hbm>> -> memref<10112x128xf32, #tpu.memory_space<hbm>>
    tpu.enqueue_indirect_dma source(%dma_start3A_38 : memref<10112x128xf32, #tpu.memory_space<hbm>>) target(%arg13 : memref<96x128xf32, #tpu.memory_space<vmem>>) offsets(%dma_start3A_35 : memref<96xi32, #tpu.memory_space<vmem>>) semaphore(%arg16 : memref<!tpu.dma_semaphore, #tpu.memory_space<semaphore_mem>>)
    %barrier3A = arith.constant 0 : index
    tpu.barrier barrier_id(%barrier3A)
    %scan3A = arith.constant 0 : i32
    %scan3A_39 = arith.constant 0 : i32
    %scan3A_40 = arith.constant 51 : i32
    %scan3A_41 = arith.addi %scan3A_39, %scan3A_40 : i32
    %scan3A_42 = arith.constant 1 : i32
    scf.for %scan3A_216 = %scan3A_39 to %scan3A_41 step %scan3A_42  : i32 {
      %mul3A_217 = arith.constant 2 : i32
      %mul3A_218 = arith.muli %scan3A_216, %mul3A_217 : i32
      %add3A_219 = arith.constant 0 : i32
      %add3A_220 = arith.addi %mul3A_218, %add3A_219 : i32
      %mul3A_221 = arith.constant 96 : i32
      %mul3A_222 = arith.muli %add3A_220, %mul3A_221 : i32
      %dma_wait3A_223 = tpu.memref_slice %arg10[%mul3A_222] : memref<10080xi32, #tpu.memory_space<vmem>> -> memref<96xi32, #tpu.memory_space<vmem>>
      %dma_wait3A_224 = arith.constant 0 : i32
      %dma_wait3A_225 = arith.constant 0 : i32
      %dma_wait3A_226 = tpu.memref_slice %arg5[%dma_wait3A_224, %dma_wait3A_225] : memref<10112x128xf32, #tpu.memory_space<hbm>> -> memref<10112x128xf32, #tpu.memory_space<hbm>>
      tpu.wait_indirect_dma semaphore(%arg15 : memref<!tpu.dma_semaphore, #tpu.memory_space<semaphore_mem>>) src(%dma_wait3A_226 : memref<10112x128xf32, #tpu.memory_space<hbm>>) dst(%arg12 : memref<96x128xf32, #tpu.memory_space<vmem>>)
      "tpu.region"() ({
        %run_scoped3A_253 = tpu.sem_alloc : memref<!tpu.dma_semaphore, #tpu.memory_space<semaphore_mem>>
        %dma_start3A_254 = arith.constant 0 : i32
        %dma_start3A_255 = tpu.memref_slice %arg11[%add3A_220, %dma_start3A_254] : memref<105x96xi32, #tpu.memory_space<vmem>> -> memref<1x96xi32, #tpu.memory_space<vmem>>
        %dma_start3A_256 = tpu.memref_squeeze %dma_start3A_255 : memref<1x96xi32, #tpu.memory_space<vmem>> -> memref<96xi32, #tpu.memory_space<vmem>>
        %dma_start3A_257 = arith.constant 0 : i32
        %dma_start3A_258 = arith.constant 0 : i32
        %dma_start3A_259 = tpu.memref_slice %arg14[%dma_start3A_257, %dma_start3A_258] : memref<10112x128xf32, #tpu.memory_space<vmem_shared>> -> memref<10112x128xf32, #tpu.memory_space<vmem_shared>>
        tpu.enqueue_indirect_dma source(%arg12 : memref<96x128xf32, #tpu.memory_space<vmem>>) target(%dma_start3A_259 : memref<10112x128xf32, #tpu.memory_space<vmem_shared>>) offsets(%dma_start3A_256 : memref<96xi32, #tpu.memory_space<vmem>>) semaphore(%run_scoped3A_253 : memref<!tpu.dma_semaphore, #tpu.memory_space<semaphore_mem>>) {add = true}
        %dma_wait3A_260 = arith.constant 0 : i32
        %dma_wait3A_261 = tpu.memref_slice %arg11[%add3A_220, %dma_wait3A_260] : memref<105x96xi32, #tpu.memory_space<vmem>> -> memref<1x96xi32, #tpu.memory_space<vmem>>
        %dma_wait3A_262 = tpu.memref_squeeze %dma_wait3A_261 : memref<1x96xi32, #tpu.memory_space<vmem>> -> memref<96xi32, #tpu.memory_space<vmem>>
        %dma_wait3A_263 = arith.constant 0 : i32
        %dma_wait3A_264 = arith.constant 0 : i32
        %dma_wait3A_265 = tpu.memref_slice %arg14[%dma_wait3A_263, %dma_wait3A_264] : memref<10112x128xf32, #tpu.memory_space<vmem_shared>> -> memref<10112x128xf32, #tpu.memory_space<vmem_shared>>
        tpu.wait_indirect_dma semaphore(%run_scoped3A_253 : memref<!tpu.dma_semaphore, #tpu.memory_space<semaphore_mem>>) src(%arg12 : memref<96x128xf32, #tpu.memory_space<vmem>>) dst(%dma_wait3A_265 : memref<10112x128xf32, #tpu.memory_space<vmem_shared>>)
        tpu.yield
      }) : () -> ()
      %add3A_227 = arith.constant 2 : i32
      %add3A_228 = arith.addi %add3A_220, %add3A_227 : i32
      %mul3A_229 = arith.constant 96 : i32
      %mul3A_230 = arith.muli %add3A_228, %mul3A_229 : i32
      %dma_start3A_231 = tpu.memref_slice %arg10[%mul3A_230] : memref<10080xi32, #tpu.memory_space<vmem>> -> memref<96xi32, #tpu.memory_space<vmem>>
      %dma_start3A_232 = arith.constant 0 : i32
      %dma_start3A_233 = arith.constant 0 : i32
      %dma_start3A_234 = tpu.memref_slice %arg5[%dma_start3A_232, %dma_start3A_233] : memref<10112x128xf32, #tpu.memory_space<hbm>> -> memref<10112x128xf32, #tpu.memory_space<hbm>>
      tpu.enqueue_indirect_dma source(%dma_start3A_234 : memref<10112x128xf32, #tpu.memory_space<hbm>>) target(%arg12 : memref<96x128xf32, #tpu.memory_space<vmem>>) offsets(%dma_start3A_231 : memref<96xi32, #tpu.memory_space<vmem>>) semaphore(%arg15 : memref<!tpu.dma_semaphore, #tpu.memory_space<semaphore_mem>>)
      %mul3A_235 = arith.constant 2 : i32
      %mul3A_236 = arith.muli %scan3A_216, %mul3A_235 : i32
      %add3A_237 = arith.constant 1 : i32
      %add3A_238 = arith.addi %mul3A_236, %add3A_237 : i32
      %mul3A_239 = arith.constant 96 : i32
      %mul3A_240 = arith.muli %add3A_238, %mul3A_239 : i32
      %dma_wait3A_241 = tpu.memref_slice %arg10[%mul3A_240] : memref<10080xi32, #tpu.memory_space<vmem>> -> memref<96xi32, #tpu.memory_space<vmem>>
      %dma_wait3A_242 = arith.constant 0 : i32
      %dma_wait3A_243 = arith.constant 0 : i32
      %dma_wait3A_244 = tpu.memref_slice %arg5[%dma_wait3A_242, %dma_wait3A_243] : memref<10112x128xf32, #tpu.memory_space<hbm>> -> memref<10112x128xf32, #tpu.memory_space<hbm>>
      tpu.wait_indirect_dma semaphore(%arg16 : memref<!tpu.dma_semaphore, #tpu.memory_space<semaphore_mem>>) src(%dma_wait3A_244 : memref<10112x128xf32, #tpu.memory_space<hbm>>) dst(%arg13 : memref<96x128xf32, #tpu.memory_space<vmem>>)
      "tpu.region"() ({
        %run_scoped3A_253 = tpu.sem_alloc : memref<!tpu.dma_semaphore, #tpu.memory_space<semaphore_mem>>
        %dma_start3A_254 = arith.constant 0 : i32
        %dma_start3A_255 = tpu.memref_slice %arg11[%add3A_238, %dma_start3A_254] : memref<105x96xi32, #tpu.memory_space<vmem>> -> memref<1x96xi32, #tpu.memory_space<vmem>>
        %dma_start3A_256 = tpu.memref_squeeze %dma_start3A_255 : memref<1x96xi32, #tpu.memory_space<vmem>> -> memref<96xi32, #tpu.memory_space<vmem>>
        %dma_start3A_257 = arith.constant 0 : i32
        %dma_start3A_258 = arith.constant 0 : i32
        %dma_start3A_259 = tpu.memref_slice %arg14[%dma_start3A_257, %dma_start3A_258] : memref<10112x128xf32, #tpu.memory_space<vmem_shared>> -> memref<10112x128xf32, #tpu.memory_space<vmem_shared>>
        tpu.enqueue_indirect_dma source(%arg13 : memref<96x128xf32, #tpu.memory_space<vmem>>) target(%dma_start3A_259 : memref<10112x128xf32, #tpu.memory_space<vmem_shared>>) offsets(%dma_start3A_256 : memref<96xi32, #tpu.memory_space<vmem>>) semaphore(%run_scoped3A_253 : memref<!tpu.dma_semaphore, #tpu.memory_space<semaphore_mem>>) {add = true}
        %dma_wait3A_260 = arith.constant 0 : i32
        %dma_wait3A_261 = tpu.memref_slice %arg11[%add3A_238, %dma_wait3A_260] : memref<105x96xi32, #tpu.memory_space<vmem>> -> memref<1x96xi32, #tpu.memory_space<vmem>>
        %dma_wait3A_262 = tpu.memref_squeeze %dma_wait3A_261 : memref<1x96xi32, #tpu.memory_space<vmem>> -> memref<96xi32, #tpu.memory_space<vmem>>
        %dma_wait3A_263 = arith.constant 0 : i32
        %dma_wait3A_264 = arith.constant 0 : i32
        %dma_wait3A_265 = tpu.memref_slice %arg14[%dma_wait3A_263, %dma_wait3A_264] : memref<10112x128xf32, #tpu.memory_space<vmem_shared>> -> memref<10112x128xf32, #tpu.memory_space<vmem_shared>>
        tpu.wait_indirect_dma semaphore(%run_scoped3A_253 : memref<!tpu.dma_semaphore, #tpu.memory_space<semaphore_mem>>) src(%arg13 : memref<96x128xf32, #tpu.memory_space<vmem>>) dst(%dma_wait3A_265 : memref<10112x128xf32, #tpu.memory_space<vmem_shared>>)
        tpu.yield
      }) : () -> ()
      %add3A_245 = arith.constant 2 : i32
      %add3A_246 = arith.addi %add3A_238, %add3A_245 : i32
      %mul3A_247 = arith.constant 96 : i32
      %mul3A_248 = arith.muli %add3A_246, %mul3A_247 : i32
      %dma_start3A_249 = tpu.memref_slice %arg10[%mul3A_248] : memref<10080xi32, #tpu.memory_space<vmem>> -> memref<96xi32, #tpu.memory_space<vmem>>
      %dma_start3A_250 = arith.constant 0 : i32
      %dma_start3A_251 = arith.constant 0 : i32
      %dma_start3A_252 = tpu.memref_slice %arg5[%dma_start3A_250, %dma_start3A_251] : memref<10112x128xf32, #tpu.memory_space<hbm>> -> memref<10112x128xf32, #tpu.memory_space<hbm>>
      tpu.enqueue_indirect_dma source(%dma_start3A_252 : memref<10112x128xf32, #tpu.memory_space<hbm>>) target(%arg13 : memref<96x128xf32, #tpu.memory_space<vmem>>) offsets(%dma_start3A_249 : memref<96xi32, #tpu.memory_space<vmem>>) semaphore(%arg16 : memref<!tpu.dma_semaphore, #tpu.memory_space<semaphore_mem>>)
    }
    %scan3A_43 = arith.constant 51 : i32
    %dma_wait3A_44 = arith.constant 9792 : i32
    %dma_wait3A_45 = tpu.memref_slice %arg10[%dma_wait3A_44] : memref<10080xi32, #tpu.memory_space<vmem>> -> memref<96xi32, #tpu.memory_space<vmem>>
    %dma_wait3A_46 = arith.constant 0 : i32
    %dma_wait3A_47 = arith.constant 0 : i32
    %dma_wait3A_48 = tpu.memref_slice %arg5[%dma_wait3A_46, %dma_wait3A_47] : memref<10112x128xf32, #tpu.memory_space<hbm>> -> memref<10112x128xf32, #tpu.memory_space<hbm>>
    tpu.wait_indirect_dma semaphore(%arg15 : memref<!tpu.dma_semaphore, #tpu.memory_space<semaphore_mem>>) src(%dma_wait3A_48 : memref<10112x128xf32, #tpu.memory_space<hbm>>) dst(%arg12 : memref<96x128xf32, #tpu.memory_space<vmem>>)
    %run_scoped3A = arith.constant 102 : i32
    "tpu.region"() ({
      %run_scoped3A_216 = tpu.sem_alloc : memref<!tpu.dma_semaphore, #tpu.memory_space<semaphore_mem>>
      %dma_start3A_217 = arith.constant 0 : i32
      %dma_start3A_218 = tpu.memref_slice %arg11[%run_scoped3A, %dma_start3A_217] : memref<105x96xi32, #tpu.memory_space<vmem>> -> memref<1x96xi32, #tpu.memory_space<vmem>>
      %dma_start3A_219 = tpu.memref_squeeze %dma_start3A_218 : memref<1x96xi32, #tpu.memory_space<vmem>> -> memref<96xi32, #tpu.memory_space<vmem>>
      %dma_start3A_220 = arith.constant 0 : i32
      %dma_start3A_221 = arith.constant 0 : i32
      %dma_start3A_222 = tpu.memref_slice %arg14[%dma_start3A_220, %dma_start3A_221] : memref<10112x128xf32, #tpu.memory_space<vmem_shared>> -> memref<10112x128xf32, #tpu.memory_space<vmem_shared>>
      tpu.enqueue_indirect_dma source(%arg12 : memref<96x128xf32, #tpu.memory_space<vmem>>) target(%dma_start3A_222 : memref<10112x128xf32, #tpu.memory_space<vmem_shared>>) offsets(%dma_start3A_219 : memref<96xi32, #tpu.memory_space<vmem>>) semaphore(%run_scoped3A_216 : memref<!tpu.dma_semaphore, #tpu.memory_space<semaphore_mem>>) {add = true}
      %dma_wait3A_223 = arith.constant 0 : i32
      %dma_wait3A_224 = tpu.memref_slice %arg11[%run_scoped3A, %dma_wait3A_223] : memref<105x96xi32, #tpu.memory_space<vmem>> -> memref<1x96xi32, #tpu.memory_space<vmem>>
      %dma_wait3A_225 = tpu.memref_squeeze %dma_wait3A_224 : memref<1x96xi32, #tpu.memory_space<vmem>> -> memref<96xi32, #tpu.memory_space<vmem>>
      %dma_wait3A_226 = arith.constant 0 : i32
      %dma_wait3A_227 = arith.constant 0 : i32
      %dma_wait3A_228 = tpu.memref_slice %arg14[%dma_wait3A_226, %dma_wait3A_227] : memref<10112x128xf32, #tpu.memory_space<vmem_shared>> -> memref<10112x128xf32, #tpu.memory_space<vmem_shared>>
      tpu.wait_indirect_dma semaphore(%run_scoped3A_216 : memref<!tpu.dma_semaphore, #tpu.memory_space<semaphore_mem>>) src(%arg12 : memref<96x128xf32, #tpu.memory_space<vmem>>) dst(%dma_wait3A_228 : memref<10112x128xf32, #tpu.memory_space<vmem_shared>>)
      tpu.yield
    }) : () -> ()
    %dma_start3A_49 = arith.constant 9984 : i32
    %dma_start3A_50 = tpu.memref_slice %arg10[%dma_start3A_49] : memref<10080xi32, #tpu.memory_space<vmem>> -> memref<96xi32, #tpu.memory_space<vmem>>
    %dma_start3A_51 = arith.constant 0 : i32
    %dma_start3A_52 = arith.constant 0 : i32
    %dma_start3A_53 = tpu.memref_slice %arg5[%dma_start3A_51, %dma_start3A_52] : memref<10112x128xf32, #tpu.memory_space<hbm>> -> memref<10112x128xf32, #tpu.memory_space<hbm>>
    tpu.enqueue_indirect_dma source(%dma_start3A_53 : memref<10112x128xf32, #tpu.memory_space<hbm>>) target(%arg12 : memref<96x128xf32, #tpu.memory_space<vmem>>) offsets(%dma_start3A_50 : memref<96xi32, #tpu.memory_space<vmem>>) semaphore(%arg15 : memref<!tpu.dma_semaphore, #tpu.memory_space<semaphore_mem>>)
    %dma_wait3A_54 = arith.constant 9888 : i32
    %dma_wait3A_55 = tpu.memref_slice %arg10[%dma_wait3A_54] : memref<10080xi32, #tpu.memory_space<vmem>> -> memref<96xi32, #tpu.memory_space<vmem>>
    %dma_wait3A_56 = arith.constant 0 : i32
    %dma_wait3A_57 = arith.constant 0 : i32
    %dma_wait3A_58 = tpu.memref_slice %arg5[%dma_wait3A_56, %dma_wait3A_57] : memref<10112x128xf32, #tpu.memory_space<hbm>> -> memref<10112x128xf32, #tpu.memory_space<hbm>>
    tpu.wait_indirect_dma semaphore(%arg16 : memref<!tpu.dma_semaphore, #tpu.memory_space<semaphore_mem>>) src(%dma_wait3A_58 : memref<10112x128xf32, #tpu.memory_space<hbm>>) dst(%arg13 : memref<96x128xf32, #tpu.memory_space<vmem>>)
    %run_scoped3A_59 = arith.constant 103 : i32
    "tpu.region"() ({
      %run_scoped3A_216 = tpu.sem_alloc : memref<!tpu.dma_semaphore, #tpu.memory_space<semaphore_mem>>
      %dma_start3A_217 = arith.constant 0 : i32
      %dma_start3A_218 = tpu.memref_slice %arg11[%run_scoped3A_59, %dma_start3A_217] : memref<105x96xi32, #tpu.memory_space<vmem>> -> memref<1x96xi32, #tpu.memory_space<vmem>>
      %dma_start3A_219 = tpu.memref_squeeze %dma_start3A_218 : memref<1x96xi32, #tpu.memory_space<vmem>> -> memref<96xi32, #tpu.memory_space<vmem>>
      %dma_start3A_220 = arith.constant 0 : i32
      %dma_start3A_221 = arith.constant 0 : i32
      %dma_start3A_222 = tpu.memref_slice %arg14[%dma_start3A_220, %dma_start3A_221] : memref<10112x128xf32, #tpu.memory_space<vmem_shared>> -> memref<10112x128xf32, #tpu.memory_space<vmem_shared>>
      tpu.enqueue_indirect_dma source(%arg13 : memref<96x128xf32, #tpu.memory_space<vmem>>) target(%dma_start3A_222 : memref<10112x128xf32, #tpu.memory_space<vmem_shared>>) offsets(%dma_start3A_219 : memref<96xi32, #tpu.memory_space<vmem>>) semaphore(%run_scoped3A_216 : memref<!tpu.dma_semaphore, #tpu.memory_space<semaphore_mem>>) {add = true}
      %dma_wait3A_223 = arith.constant 0 : i32
      %dma_wait3A_224 = tpu.memref_slice %arg11[%run_scoped3A_59, %dma_wait3A_223] : memref<105x96xi32, #tpu.memory_space<vmem>> -> memref<1x96xi32, #tpu.memory_space<vmem>>
      %dma_wait3A_225 = tpu.memref_squeeze %dma_wait3A_224 : memref<1x96xi32, #tpu.memory_space<vmem>> -> memref<96xi32, #tpu.memory_space<vmem>>
      %dma_wait3A_226 = arith.constant 0 : i32
      %dma_wait3A_227 = arith.constant 0 : i32
      %dma_wait3A_228 = tpu.memref_slice %arg14[%dma_wait3A_226, %dma_wait3A_227] : memref<10112x128xf32, #tpu.memory_space<vmem_shared>> -> memref<10112x128xf32, #tpu.memory_space<vmem_shared>>
      tpu.wait_indirect_dma semaphore(%run_scoped3A_216 : memref<!tpu.dma_semaphore, #tpu.memory_space<semaphore_mem>>) src(%arg13 : memref<96x128xf32, #tpu.memory_space<vmem>>) dst(%dma_wait3A_228 : memref<10112x128xf32, #tpu.memory_space<vmem_shared>>)
      tpu.yield
    }) : () -> ()
    %dma_wait3A_60 = arith.constant 9984 : i32
    %dma_wait3A_61 = tpu.memref_slice %arg10[%dma_wait3A_60] : memref<10080xi32, #tpu.memory_space<vmem>> -> memref<96xi32, #tpu.memory_space<vmem>>
    %dma_wait3A_62 = arith.constant 0 : i32
    %dma_wait3A_63 = arith.constant 0 : i32
    %dma_wait3A_64 = tpu.memref_slice %arg5[%dma_wait3A_62, %dma_wait3A_63] : memref<10112x128xf32, #tpu.memory_space<hbm>> -> memref<10112x128xf32, #tpu.memory_space<hbm>>
    tpu.wait_indirect_dma semaphore(%arg15 : memref<!tpu.dma_semaphore, #tpu.memory_space<semaphore_mem>>) src(%dma_wait3A_64 : memref<10112x128xf32, #tpu.memory_space<hbm>>) dst(%arg12 : memref<96x128xf32, #tpu.memory_space<vmem>>)
    %run_scoped3A_65 = arith.constant 104 : i32
    "tpu.region"() ({
      %run_scoped3A_216 = tpu.sem_alloc : memref<!tpu.dma_semaphore, #tpu.memory_space<semaphore_mem>>
      %dma_start3A_217 = arith.constant 0 : i32
      %dma_start3A_218 = tpu.memref_slice %arg11[%run_scoped3A_65, %dma_start3A_217] : memref<105x96xi32, #tpu.memory_space<vmem>> -> memref<1x96xi32, #tpu.memory_space<vmem>>
      %dma_start3A_219 = tpu.memref_squeeze %dma_start3A_218 : memref<1x96xi32, #tpu.memory_space<vmem>> -> memref<96xi32, #tpu.memory_space<vmem>>
      %dma_start3A_220 = arith.constant 0 : i32
      %dma_start3A_221 = arith.constant 0 : i32
      %dma_start3A_222 = tpu.memref_slice %arg14[%dma_start3A_220, %dma_start3A_221] : memref<10112x128xf32, #tpu.memory_space<vmem_shared>> -> memref<10112x128xf32, #tpu.memory_space<vmem_shared>>
      tpu.enqueue_indirect_dma source(%arg12 : memref<96x128xf32, #tpu.memory_space<vmem>>) target(%dma_start3A_222 : memref<10112x128xf32, #tpu.memory_space<vmem_shared>>) offsets(%dma_start3A_219 : memref<96xi32, #tpu.memory_space<vmem>>) semaphore(%run_scoped3A_216 : memref<!tpu.dma_semaphore, #tpu.memory_space<semaphore_mem>>) {add = true}
      %dma_wait3A_223 = arith.constant 0 : i32
      %dma_wait3A_224 = tpu.memref_slice %arg11[%run_scoped3A_65, %dma_wait3A_223] : memref<105x96xi32, #tpu.memory_space<vmem>> -> memref<1x96xi32, #tpu.memory_space<vmem>>
      %dma_wait3A_225 = tpu.memref_squeeze %dma_wait3A_224 : memref<1x96xi32, #tpu.memory_space<vmem>> -> memref<96xi32, #tpu.memory_space<vmem>>
      %dma_wait3A_226 = arith.constant 0 : i32
      %dma_wait3A_227 = arith.constant 0 : i32
      %dma_wait3A_228 = tpu.memref_slice %arg14[%dma_wait3A_226, %dma_wait3A_227] : memref<10112x128xf32, #tpu.memory_space<vmem_shared>> -> memref<10112x128xf32, #tpu.memory_space<vmem_shared>>
      tpu.wait_indirect_dma semaphore(%run_scoped3A_216 : memref<!tpu.dma_semaphore, #tpu.memory_space<semaphore_mem>>) src(%arg12 : memref<96x128xf32, #tpu.memory_space<vmem>>) dst(%dma_wait3A_228 : memref<10112x128xf32, #tpu.memory_space<vmem_shared>>)
      tpu.yield
    }) : () -> ()
    %barrier3A_66 = arith.constant 0 : index
    tpu.barrier barrier_id(%barrier3A_66)
    %mul3A_67 = arith.constant 632 : i32
    %mul3A_68 = arith.muli %arg1, %mul3A_67 : i32
    %mul3A_69 = arith.constant 632 : i32
    %mul3A_70 = arith.muli %arg1, %mul3A_69 : i32
    %run_scoped3A_71 = arith.constant 0 : i32
    "tpu.region"() ({
      %run_scoped3A_216 = tpu.sem_alloc : memref<!tpu.dma_semaphore, #tpu.memory_space<semaphore_mem>>
      %dma_start3A_217 = arith.constant 0 : i32
      %dma_start3A_218 = tpu.memref_slice %arg9[%arg0, %run_scoped3A_71, %mul3A_70, %dma_start3A_217] : memref<2x4x10112x128xf32, #tpu.memory_space<hbm>> -> memref<1x1x632x128xf32, #tpu.memory_space<hbm>>
      %dma_start3A_219 = tpu.memref_squeeze %dma_start3A_218 : memref<1x1x632x128xf32, #tpu.memory_space<hbm>> -> memref<632x128xf32, #tpu.memory_space<hbm>>
      %dma_start3A_220 = arith.constant 0 : i32
      %dma_start3A_221 = tpu.memref_slice %arg14[%mul3A_68, %dma_start3A_220] : memref<10112x128xf32, #tpu.memory_space<vmem_shared>> -> memref<632x128xf32, #tpu.memory_space<vmem_shared>>
      tpu.enqueue_dma source(%dma_start3A_221 : memref<632x128xf32, #tpu.memory_space<vmem_shared>>) target(%dma_start3A_219 : memref<632x128xf32, #tpu.memory_space<hbm>>) target_semaphore(%run_scoped3A_216 : memref<!tpu.dma_semaphore, #tpu.memory_space<semaphore_mem>>)
      %dma_wait3A_222 = arith.constant 0 : i32
      %dma_wait3A_223 = tpu.memref_slice %arg9[%arg0, %run_scoped3A_71, %mul3A_70, %dma_wait3A_222] : memref<2x4x10112x128xf32, #tpu.memory_space<hbm>> -> memref<1x1x632x128xf32, #tpu.memory_space<hbm>>
      %dma_wait3A_224 = tpu.memref_squeeze %dma_wait3A_223 : memref<1x1x632x128xf32, #tpu.memory_space<hbm>> -> memref<632x128xf32, #tpu.memory_space<hbm>>
      %dma_wait3A_225 = arith.constant 0 : i32
      %dma_wait3A_226 = tpu.memref_slice %arg14[%mul3A_68, %dma_wait3A_225] : memref<10112x128xf32, #tpu.memory_space<vmem_shared>> -> memref<632x128xf32, #tpu.memory_space<vmem_shared>>
      tpu.wait_dma2 semaphore(%run_scoped3A_216 : memref<!tpu.dma_semaphore, #tpu.memory_space<semaphore_mem>>) src(%dma_wait3A_226 : memref<632x128xf32, #tpu.memory_space<vmem_shared>>) dst(%dma_wait3A_224 : memref<632x128xf32, #tpu.memory_space<hbm>>)
      tpu.yield
    }) : () -> ()
    %dma_start3A_72 = arith.constant 0 : i32
    %dma_start3A_73 = tpu.memref_slice %arg10[%dma_start3A_72] : memref<10080xi32, #tpu.memory_space<vmem>> -> memref<96xi32, #tpu.memory_space<vmem>>
    %dma_start3A_74 = arith.constant 0 : i32
    %dma_start3A_75 = arith.constant 0 : i32
    %dma_start3A_76 = tpu.memref_slice %arg6[%dma_start3A_74, %dma_start3A_75] : memref<10112x128xf32, #tpu.memory_space<hbm>> -> memref<10112x128xf32, #tpu.memory_space<hbm>>
    tpu.enqueue_indirect_dma source(%dma_start3A_76 : memref<10112x128xf32, #tpu.memory_space<hbm>>) target(%arg12 : memref<96x128xf32, #tpu.memory_space<vmem>>) offsets(%dma_start3A_73 : memref<96xi32, #tpu.memory_space<vmem>>) semaphore(%arg15 : memref<!tpu.dma_semaphore, #tpu.memory_space<semaphore_mem>>)
    %dma_start3A_77 = arith.constant 96 : i32
    %dma_start3A_78 = tpu.memref_slice %arg10[%dma_start3A_77] : memref<10080xi32, #tpu.memory_space<vmem>> -> memref<96xi32, #tpu.memory_space<vmem>>
    %dma_start3A_79 = arith.constant 0 : i32
    %dma_start3A_80 = arith.constant 0 : i32
    %dma_start3A_81 = tpu.memref_slice %arg6[%dma_start3A_79, %dma_start3A_80] : memref<10112x128xf32, #tpu.memory_space<hbm>> -> memref<10112x128xf32, #tpu.memory_space<hbm>>
    tpu.enqueue_indirect_dma source(%dma_start3A_81 : memref<10112x128xf32, #tpu.memory_space<hbm>>) target(%arg13 : memref<96x128xf32, #tpu.memory_space<vmem>>) offsets(%dma_start3A_78 : memref<96xi32, #tpu.memory_space<vmem>>) semaphore(%arg16 : memref<!tpu.dma_semaphore, #tpu.memory_space<semaphore_mem>>)
    %mul3A_82 = arith.constant 632 : i32
    %mul3A_83 = arith.muli %arg1, %mul3A_82 : i32
    "tpu.region"() ({
      %run_scoped3A_216 = tpu.sem_alloc : memref<!tpu.dma_semaphore, #tpu.memory_space<semaphore_mem>>
      %dma_start3A_217 = arith.constant 0 : i32
      %dma_start3A_218 = tpu.memref_slice %arg14[%mul3A_83, %dma_start3A_217] : memref<10112x128xf32, #tpu.memory_space<vmem_shared>> -> memref<632x128xf32, #tpu.memory_space<vmem_shared>>
      tpu.enqueue_dma source(%arg4 : memref<632x128xf32, #tpu.memory_space<hbm>>) target(%dma_start3A_218 : memref<632x128xf32, #tpu.memory_space<vmem_shared>>) target_semaphore(%run_scoped3A_216 : memref<!tpu.dma_semaphore, #tpu.memory_space<semaphore_mem>>)
      %dma_wait3A_219 = arith.constant 0 : i32
      %dma_wait3A_220 = tpu.memref_slice %arg14[%mul3A_83, %dma_wait3A_219] : memref<10112x128xf32, #tpu.memory_space<vmem_shared>> -> memref<632x128xf32, #tpu.memory_space<vmem_shared>>
      tpu.wait_dma2 semaphore(%run_scoped3A_216 : memref<!tpu.dma_semaphore, #tpu.memory_space<semaphore_mem>>) src(%arg4 : memref<632x128xf32, #tpu.memory_space<hbm>>) dst(%dma_wait3A_220 : memref<632x128xf32, #tpu.memory_space<vmem_shared>>)
      tpu.yield
    }) : () -> ()
    %barrier3A_84 = arith.constant 0 : index
    tpu.barrier barrier_id(%barrier3A_84)
    %scan3A_85 = arith.constant 0 : i32
    %scan3A_86 = arith.constant 0 : i32
    %scan3A_87 = arith.constant 51 : i32
    %scan3A_88 = arith.addi %scan3A_86, %scan3A_87 : i32
    %scan3A_89 = arith.constant 1 : i32
    scf.for %scan3A_216 = %scan3A_86 to %scan3A_88 step %scan3A_89  : i32 {
      %mul3A_217 = arith.constant 2 : i32
      %mul3A_218 = arith.muli %scan3A_216, %mul3A_217 : i32
      %add3A_219 = arith.constant 0 : i32
      %add3A_220 = arith.addi %mul3A_218, %add3A_219 : i32
      %mul3A_221 = arith.constant 96 : i32
      %mul3A_222 = arith.muli %add3A_220, %mul3A_221 : i32
      %dma_wait3A_223 = tpu.memref_slice %arg10[%mul3A_222] : memref<10080xi32, #tpu.memory_space<vmem>> -> memref<96xi32, #tpu.memory_space<vmem>>
      %dma_wait3A_224 = arith.constant 0 : i32
      %dma_wait3A_225 = arith.constant 0 : i32
      %dma_wait3A_226 = tpu.memref_slice %arg6[%dma_wait3A_224, %dma_wait3A_225] : memref<10112x128xf32, #tpu.memory_space<hbm>> -> memref<10112x128xf32, #tpu.memory_space<hbm>>
      tpu.wait_indirect_dma semaphore(%arg15 : memref<!tpu.dma_semaphore, #tpu.memory_space<semaphore_mem>>) src(%dma_wait3A_226 : memref<10112x128xf32, #tpu.memory_space<hbm>>) dst(%arg12 : memref<96x128xf32, #tpu.memory_space<vmem>>)
      "tpu.region"() ({
        %run_scoped3A_253 = tpu.sem_alloc : memref<!tpu.dma_semaphore, #tpu.memory_space<semaphore_mem>>
        %dma_start3A_254 = arith.constant 0 : i32
        %dma_start3A_255 = tpu.memref_slice %arg11[%add3A_220, %dma_start3A_254] : memref<105x96xi32, #tpu.memory_space<vmem>> -> memref<1x96xi32, #tpu.memory_space<vmem>>
        %dma_start3A_256 = tpu.memref_squeeze %dma_start3A_255 : memref<1x96xi32, #tpu.memory_space<vmem>> -> memref<96xi32, #tpu.memory_space<vmem>>
        %dma_start3A_257 = arith.constant 0 : i32
        %dma_start3A_258 = arith.constant 0 : i32
        %dma_start3A_259 = tpu.memref_slice %arg14[%dma_start3A_257, %dma_start3A_258] : memref<10112x128xf32, #tpu.memory_space<vmem_shared>> -> memref<10112x128xf32, #tpu.memory_space<vmem_shared>>
        tpu.enqueue_indirect_dma source(%arg12 : memref<96x128xf32, #tpu.memory_space<vmem>>) target(%dma_start3A_259 : memref<10112x128xf32, #tpu.memory_space<vmem_shared>>) offsets(%dma_start3A_256 : memref<96xi32, #tpu.memory_space<vmem>>) semaphore(%run_scoped3A_253 : memref<!tpu.dma_semaphore, #tpu.memory_space<semaphore_mem>>) {add = true}
        %dma_wait3A_260 = arith.constant 0 : i32
        %dma_wait3A_261 = tpu.memref_slice %arg11[%add3A_220, %dma_wait3A_260] : memref<105x96xi32, #tpu.memory_space<vmem>> -> memref<1x96xi32, #tpu.memory_space<vmem>>
        %dma_wait3A_262 = tpu.memref_squeeze %dma_wait3A_261 : memref<1x96xi32, #tpu.memory_space<vmem>> -> memref<96xi32, #tpu.memory_space<vmem>>
        %dma_wait3A_263 = arith.constant 0 : i32
        %dma_wait3A_264 = arith.constant 0 : i32
        %dma_wait3A_265 = tpu.memref_slice %arg14[%dma_wait3A_263, %dma_wait3A_264] : memref<10112x128xf32, #tpu.memory_space<vmem_shared>> -> memref<10112x128xf32, #tpu.memory_space<vmem_shared>>
        tpu.wait_indirect_dma semaphore(%run_scoped3A_253 : memref<!tpu.dma_semaphore, #tpu.memory_space<semaphore_mem>>) src(%arg12 : memref<96x128xf32, #tpu.memory_space<vmem>>) dst(%dma_wait3A_265 : memref<10112x128xf32, #tpu.memory_space<vmem_shared>>)
        tpu.yield
      }) : () -> ()
      %add3A_227 = arith.constant 2 : i32
      %add3A_228 = arith.addi %add3A_220, %add3A_227 : i32
      %mul3A_229 = arith.constant 96 : i32
      %mul3A_230 = arith.muli %add3A_228, %mul3A_229 : i32
      %dma_start3A_231 = tpu.memref_slice %arg10[%mul3A_230] : memref<10080xi32, #tpu.memory_space<vmem>> -> memref<96xi32, #tpu.memory_space<vmem>>
      %dma_start3A_232 = arith.constant 0 : i32
      %dma_start3A_233 = arith.constant 0 : i32
      %dma_start3A_234 = tpu.memref_slice %arg6[%dma_start3A_232, %dma_start3A_233] : memref<10112x128xf32, #tpu.memory_space<hbm>> -> memref<10112x128xf32, #tpu.memory_space<hbm>>
      tpu.enqueue_indirect_dma source(%dma_start3A_234 : memref<10112x128xf32, #tpu.memory_space<hbm>>) target(%arg12 : memref<96x128xf32, #tpu.memory_space<vmem>>) offsets(%dma_start3A_231 : memref<96xi32, #tpu.memory_space<vmem>>) semaphore(%arg15 : memref<!tpu.dma_semaphore, #tpu.memory_space<semaphore_mem>>)
      %mul3A_235 = arith.constant 2 : i32
      %mul3A_236 = arith.muli %scan3A_216, %mul3A_235 : i32
      %add3A_237 = arith.constant 1 : i32
      %add3A_238 = arith.addi %mul3A_236, %add3A_237 : i32
      %mul3A_239 = arith.constant 96 : i32
      %mul3A_240 = arith.muli %add3A_238, %mul3A_239 : i32
      %dma_wait3A_241 = tpu.memref_slice %arg10[%mul3A_240] : memref<10080xi32, #tpu.memory_space<vmem>> -> memref<96xi32, #tpu.memory_space<vmem>>
      %dma_wait3A_242 = arith.constant 0 : i32
      %dma_wait3A_243 = arith.constant 0 : i32
      %dma_wait3A_244 = tpu.memref_slice %arg6[%dma_wait3A_242, %dma_wait3A_243] : memref<10112x128xf32, #tpu.memory_space<hbm>> -> memref<10112x128xf32, #tpu.memory_space<hbm>>
      tpu.wait_indirect_dma semaphore(%arg16 : memref<!tpu.dma_semaphore, #tpu.memory_space<semaphore_mem>>) src(%dma_wait3A_244 : memref<10112x128xf32, #tpu.memory_space<hbm>>) dst(%arg13 : memref<96x128xf32, #tpu.memory_space<vmem>>)
      "tpu.region"() ({
        %run_scoped3A_253 = tpu.sem_alloc : memref<!tpu.dma_semaphore, #tpu.memory_space<semaphore_mem>>
        %dma_start3A_254 = arith.constant 0 : i32
        %dma_start3A_255 = tpu.memref_slice %arg11[%add3A_238, %dma_start3A_254] : memref<105x96xi32, #tpu.memory_space<vmem>> -> memref<1x96xi32, #tpu.memory_space<vmem>>
        %dma_start3A_256 = tpu.memref_squeeze %dma_start3A_255 : memref<1x96xi32, #tpu.memory_space<vmem>> -> memref<96xi32, #tpu.memory_space<vmem>>
        %dma_start3A_257 = arith.constant 0 : i32
        %dma_start3A_258 = arith.constant 0 : i32
        %dma_start3A_259 = tpu.memref_slice %arg14[%dma_start3A_257, %dma_start3A_258] : memref<10112x128xf32, #tpu.memory_space<vmem_shared>> -> memref<10112x128xf32, #tpu.memory_space<vmem_shared>>
        tpu.enqueue_indirect_dma source(%arg13 : memref<96x128xf32, #tpu.memory_space<vmem>>) target(%dma_start3A_259 : memref<10112x128xf32, #tpu.memory_space<vmem_shared>>) offsets(%dma_start3A_256 : memref<96xi32, #tpu.memory_space<vmem>>) semaphore(%run_scoped3A_253 : memref<!tpu.dma_semaphore, #tpu.memory_space<semaphore_mem>>) {add = true}
        %dma_wait3A_260 = arith.constant 0 : i32
        %dma_wait3A_261 = tpu.memref_slice %arg11[%add3A_238, %dma_wait3A_260] : memref<105x96xi32, #tpu.memory_space<vmem>> -> memref<1x96xi32, #tpu.memory_space<vmem>>
        %dma_wait3A_262 = tpu.memref_squeeze %dma_wait3A_261 : memref<1x96xi32, #tpu.memory_space<vmem>> -> memref<96xi32, #tpu.memory_space<vmem>>
        %dma_wait3A_263 = arith.constant 0 : i32
        %dma_wait3A_264 = arith.constant 0 : i32
        %dma_wait3A_265 = tpu.memref_slice %arg14[%dma_wait3A_263, %dma_wait3A_264] : memref<10112x128xf32, #tpu.memory_space<vmem_shared>> -> memref<10112x128xf32, #tpu.memory_space<vmem_shared>>
        tpu.wait_indirect_dma semaphore(%run_scoped3A_253 : memref<!tpu.dma_semaphore, #tpu.memory_space<semaphore_mem>>) src(%arg13 : memref<96x128xf32, #tpu.memory_space<vmem>>) dst(%dma_wait3A_265 : memref<10112x128xf32, #tpu.memory_space<vmem_shared>>)
        tpu.yield
      }) : () -> ()
      %add3A_245 = arith.constant 2 : i32
      %add3A_246 = arith.addi %add3A_238, %add3A_245 : i32
      %mul3A_247 = arith.constant 96 : i32
      %mul3A_248 = arith.muli %add3A_246, %mul3A_247 : i32
      %dma_start3A_249 = tpu.memref_slice %arg10[%mul3A_248] : memref<10080xi32, #tpu.memory_space<vmem>> -> memref<96xi32, #tpu.memory_space<vmem>>
      %dma_start3A_250 = arith.constant 0 : i32
      %dma_start3A_251 = arith.constant 0 : i32
      %dma_start3A_252 = tpu.memref_slice %arg6[%dma_start3A_250, %dma_start3A_251] : memref<10112x128xf32, #tpu.memory_space<hbm>> -> memref<10112x128xf32, #tpu.memory_space<hbm>>
      tpu.enqueue_indirect_dma source(%dma_start3A_252 : memref<10112x128xf32, #tpu.memory_space<hbm>>) target(%arg13 : memref<96x128xf32, #tpu.memory_space<vmem>>) offsets(%dma_start3A_249 : memref<96xi32, #tpu.memory_space<vmem>>) semaphore(%arg16 : memref<!tpu.dma_semaphore, #tpu.memory_space<semaphore_mem>>)
    }
    %scan3A_90 = arith.constant 51 : i32
    %dma_wait3A_91 = arith.constant 9792 : i32
    %dma_wait3A_92 = tpu.memref_slice %arg10[%dma_wait3A_91] : memref<10080xi32, #tpu.memory_space<vmem>> -> memref<96xi32, #tpu.memory_space<vmem>>
    %dma_wait3A_93 = arith.constant 0 : i32
    %dma_wait3A_94 = arith.constant 0 : i32
    %dma_wait3A_95 = tpu.memref_slice %arg6[%dma_wait3A_93, %dma_wait3A_94] : memref<10112x128xf32, #tpu.memory_space<hbm>> -> memref<10112x128xf32, #tpu.memory_space<hbm>>
    tpu.wait_indirect_dma semaphore(%arg15 : memref<!tpu.dma_semaphore, #tpu.memory_space<semaphore_mem>>) src(%dma_wait3A_95 : memref<10112x128xf32, #tpu.memory_space<hbm>>) dst(%arg12 : memref<96x128xf32, #tpu.memory_space<vmem>>)
    %run_scoped3A_96 = arith.constant 102 : i32
    "tpu.region"() ({
      %run_scoped3A_216 = tpu.sem_alloc : memref<!tpu.dma_semaphore, #tpu.memory_space<semaphore_mem>>
      %dma_start3A_217 = arith.constant 0 : i32
      %dma_start3A_218 = tpu.memref_slice %arg11[%run_scoped3A_96, %dma_start3A_217] : memref<105x96xi32, #tpu.memory_space<vmem>> -> memref<1x96xi32, #tpu.memory_space<vmem>>
      %dma_start3A_219 = tpu.memref_squeeze %dma_start3A_218 : memref<1x96xi32, #tpu.memory_space<vmem>> -> memref<96xi32, #tpu.memory_space<vmem>>
      %dma_start3A_220 = arith.constant 0 : i32
      %dma_start3A_221 = arith.constant 0 : i32
      %dma_start3A_222 = tpu.memref_slice %arg14[%dma_start3A_220, %dma_start3A_221] : memref<10112x128xf32, #tpu.memory_space<vmem_shared>> -> memref<10112x128xf32, #tpu.memory_space<vmem_shared>>
      tpu.enqueue_indirect_dma source(%arg12 : memref<96x128xf32, #tpu.memory_space<vmem>>) target(%dma_start3A_222 : memref<10112x128xf32, #tpu.memory_space<vmem_shared>>) offsets(%dma_start3A_219 : memref<96xi32, #tpu.memory_space<vmem>>) semaphore(%run_scoped3A_216 : memref<!tpu.dma_semaphore, #tpu.memory_space<semaphore_mem>>) {add = true}
      %dma_wait3A_223 = arith.constant 0 : i32
      %dma_wait3A_224 = tpu.memref_slice %arg11[%run_scoped3A_96, %dma_wait3A_223] : memref<105x96xi32, #tpu.memory_space<vmem>> -> memref<1x96xi32, #tpu.memory_space<vmem>>
      %dma_wait3A_225 = tpu.memref_squeeze %dma_wait3A_224 : memref<1x96xi32, #tpu.memory_space<vmem>> -> memref<96xi32, #tpu.memory_space<vmem>>
      %dma_wait3A_226 = arith.constant 0 : i32
      %dma_wait3A_227 = arith.constant 0 : i32
      %dma_wait3A_228 = tpu.memref_slice %arg14[%dma_wait3A_226, %dma_wait3A_227] : memref<10112x128xf32, #tpu.memory_space<vmem_shared>> -> memref<10112x128xf32, #tpu.memory_space<vmem_shared>>
      tpu.wait_indirect_dma semaphore(%run_scoped3A_216 : memref<!tpu.dma_semaphore, #tpu.memory_space<semaphore_mem>>) src(%arg12 : memref<96x128xf32, #tpu.memory_space<vmem>>) dst(%dma_wait3A_228 : memref<10112x128xf32, #tpu.memory_space<vmem_shared>>)
      tpu.yield
    }) : () -> ()
    %dma_start3A_97 = arith.constant 9984 : i32
    %dma_start3A_98 = tpu.memref_slice %arg10[%dma_start3A_97] : memref<10080xi32, #tpu.memory_space<vmem>> -> memref<96xi32, #tpu.memory_space<vmem>>
    %dma_start3A_99 = arith.constant 0 : i32
    %dma_start3A_100 = arith.constant 0 : i32
    %dma_start3A_101 = tpu.memref_slice %arg6[%dma_start3A_99, %dma_start3A_100] : memref<10112x128xf32, #tpu.memory_space<hbm>> -> memref<10112x128xf32, #tpu.memory_space<hbm>>
    tpu.enqueue_indirect_dma source(%dma_start3A_101 : memref<10112x128xf32, #tpu.memory_space<hbm>>) target(%arg12 : memref<96x128xf32, #tpu.memory_space<vmem>>) offsets(%dma_start3A_98 : memref<96xi32, #tpu.memory_space<vmem>>) semaphore(%arg15 : memref<!tpu.dma_semaphore, #tpu.memory_space<semaphore_mem>>)
    %dma_wait3A_102 = arith.constant 9888 : i32
    %dma_wait3A_103 = tpu.memref_slice %arg10[%dma_wait3A_102] : memref<10080xi32, #tpu.memory_space<vmem>> -> memref<96xi32, #tpu.memory_space<vmem>>
    %dma_wait3A_104 = arith.constant 0 : i32
    %dma_wait3A_105 = arith.constant 0 : i32
    %dma_wait3A_106 = tpu.memref_slice %arg6[%dma_wait3A_104, %dma_wait3A_105] : memref<10112x128xf32, #tpu.memory_space<hbm>> -> memref<10112x128xf32, #tpu.memory_space<hbm>>
    tpu.wait_indirect_dma semaphore(%arg16 : memref<!tpu.dma_semaphore, #tpu.memory_space<semaphore_mem>>) src(%dma_wait3A_106 : memref<10112x128xf32, #tpu.memory_space<hbm>>) dst(%arg13 : memref<96x128xf32, #tpu.memory_space<vmem>>)
    %run_scoped3A_107 = arith.constant 103 : i32
    "tpu.region"() ({
      %run_scoped3A_216 = tpu.sem_alloc : memref<!tpu.dma_semaphore, #tpu.memory_space<semaphore_mem>>
      %dma_start3A_217 = arith.constant 0 : i32
      %dma_start3A_218 = tpu.memref_slice %arg11[%run_scoped3A_107, %dma_start3A_217] : memref<105x96xi32, #tpu.memory_space<vmem>> -> memref<1x96xi32, #tpu.memory_space<vmem>>
      %dma_start3A_219 = tpu.memref_squeeze %dma_start3A_218 : memref<1x96xi32, #tpu.memory_space<vmem>> -> memref<96xi32, #tpu.memory_space<vmem>>
      %dma_start3A_220 = arith.constant 0 : i32
      %dma_start3A_221 = arith.constant 0 : i32
      %dma_start3A_222 = tpu.memref_slice %arg14[%dma_start3A_220, %dma_start3A_221] : memref<10112x128xf32, #tpu.memory_space<vmem_shared>> -> memref<10112x128xf32, #tpu.memory_space<vmem_shared>>
      tpu.enqueue_indirect_dma source(%arg13 : memref<96x128xf32, #tpu.memory_space<vmem>>) target(%dma_start3A_222 : memref<10112x128xf32, #tpu.memory_space<vmem_shared>>) offsets(%dma_start3A_219 : memref<96xi32, #tpu.memory_space<vmem>>) semaphore(%run_scoped3A_216 : memref<!tpu.dma_semaphore, #tpu.memory_space<semaphore_mem>>) {add = true}
      %dma_wait3A_223 = arith.constant 0 : i32
      %dma_wait3A_224 = tpu.memref_slice %arg11[%run_scoped3A_107, %dma_wait3A_223] : memref<105x96xi32, #tpu.memory_space<vmem>> -> memref<1x96xi32, #tpu.memory_space<vmem>>
      %dma_wait3A_225 = tpu.memref_squeeze %dma_wait3A_224 : memref<1x96xi32, #tpu.memory_space<vmem>> -> memref<96xi32, #tpu.memory_space<vmem>>
      %dma_wait3A_226 = arith.constant 0 : i32
      %dma_wait3A_227 = arith.constant 0 : i32
      %dma_wait3A_228 = tpu.memref_slice %arg14[%dma_wait3A_226, %dma_wait3A_227] : memref<10112x128xf32, #tpu.memory_space<vmem_shared>> -> memref<10112x128xf32, #tpu.memory_space<vmem_shared>>
      tpu.wait_indirect_dma semaphore(%run_scoped3A_216 : memref<!tpu.dma_semaphore, #tpu.memory_space<semaphore_mem>>) src(%arg13 : memref<96x128xf32, #tpu.memory_space<vmem>>) dst(%dma_wait3A_228 : memref<10112x128xf32, #tpu.memory_space<vmem_shared>>)
      tpu.yield
    }) : () -> ()
    %dma_wait3A_108 = arith.constant 9984 : i32
    %dma_wait3A_109 = tpu.memref_slice %arg10[%dma_wait3A_108] : memref<10080xi32, #tpu.memory_space<vmem>> -> memref<96xi32, #tpu.memory_space<vmem>>
    %dma_wait3A_110 = arith.constant 0 : i32
    %dma_wait3A_111 = arith.constant 0 : i32
    %dma_wait3A_112 = tpu.memref_slice %arg6[%dma_wait3A_110, %dma_wait3A_111] : memref<10112x128xf32, #tpu.memory_space<hbm>> -> memref<10112x128xf32, #tpu.memory_space<hbm>>
    tpu.wait_indirect_dma semaphore(%arg15 : memref<!tpu.dma_semaphore, #tpu.memory_space<semaphore_mem>>) src(%dma_wait3A_112 : memref<10112x128xf32, #tpu.memory_space<hbm>>) dst(%arg12 : memref<96x128xf32, #tpu.memory_space<vmem>>)
    %run_scoped3A_113 = arith.constant 104 : i32
    "tpu.region"() ({
      %run_scoped3A_216 = tpu.sem_alloc : memref<!tpu.dma_semaphore, #tpu.memory_space<semaphore_mem>>
      %dma_start3A_217 = arith.constant 0 : i32
      %dma_start3A_218 = tpu.memref_slice %arg11[%run_scoped3A_113, %dma_start3A_217] : memref<105x96xi32, #tpu.memory_space<vmem>> -> memref<1x96xi32, #tpu.memory_space<vmem>>
      %dma_start3A_219 = tpu.memref_squeeze %dma_start3A_218 : memref<1x96xi32, #tpu.memory_space<vmem>> -> memref<96xi32, #tpu.memory_space<vmem>>
      %dma_start3A_220 = arith.constant 0 : i32
      %dma_start3A_221 = arith.constant 0 : i32
      %dma_start3A_222 = tpu.memref_slice %arg14[%dma_start3A_220, %dma_start3A_221] : memref<10112x128xf32, #tpu.memory_space<vmem_shared>> -> memref<10112x128xf32, #tpu.memory_space<vmem_shared>>
      tpu.enqueue_indirect_dma source(%arg12 : memref<96x128xf32, #tpu.memory_space<vmem>>) target(%dma_start3A_222 : memref<10112x128xf32, #tpu.memory_space<vmem_shared>>) offsets(%dma_start3A_219 : memref<96xi32, #tpu.memory_space<vmem>>) semaphore(%run_scoped3A_216 : memref<!tpu.dma_semaphore, #tpu.memory_space<semaphore_mem>>) {add = true}
      %dma_wait3A_223 = arith.constant 0 : i32
      %dma_wait3A_224 = tpu.memref_slice %arg11[%run_scoped3A_113, %dma_wait3A_223] : memref<105x96xi32, #tpu.memory_space<vmem>> -> memref<1x96xi32, #tpu.memory_space<vmem>>
      %dma_wait3A_225 = tpu.memref_squeeze %dma_wait3A_224 : memref<1x96xi32, #tpu.memory_space<vmem>> -> memref<96xi32, #tpu.memory_space<vmem>>
      %dma_wait3A_226 = arith.constant 0 : i32
      %dma_wait3A_227 = arith.constant 0 : i32
      %dma_wait3A_228 = tpu.memref_slice %arg14[%dma_wait3A_226, %dma_wait3A_227] : memref<10112x128xf32, #tpu.memory_space<vmem_shared>> -> memref<10112x128xf32, #tpu.memory_space<vmem_shared>>
      tpu.wait_indirect_dma semaphore(%run_scoped3A_216 : memref<!tpu.dma_semaphore, #tpu.memory_space<semaphore_mem>>) src(%arg12 : memref<96x128xf32, #tpu.memory_space<vmem>>) dst(%dma_wait3A_228 : memref<10112x128xf32, #tpu.memory_space<vmem_shared>>)
      tpu.yield
    }) : () -> ()
    %barrier3A_114 = arith.constant 0 : index
    tpu.barrier barrier_id(%barrier3A_114)
    %mul3A_115 = arith.constant 632 : i32
    %mul3A_116 = arith.muli %arg1, %mul3A_115 : i32
    %mul3A_117 = arith.constant 632 : i32
    %mul3A_118 = arith.muli %arg1, %mul3A_117 : i32
    %run_scoped3A_119 = arith.constant 1 : i32
    "tpu.region"() ({
      %run_scoped3A_216 = tpu.sem_alloc : memref<!tpu.dma_semaphore, #tpu.memory_space<semaphore_mem>>
      %dma_start3A_217 = arith.constant 0 : i32
      %dma_start3A_218 = tpu.memref_slice %arg9[%arg0, %run_scoped3A_119, %mul3A_118, %dma_start3A_217] : memref<2x4x10112x128xf32, #tpu.memory_space<hbm>> -> memref<1x1x632x128xf32, #tpu.memory_space<hbm>>
      %dma_start3A_219 = tpu.memref_squeeze %dma_start3A_218 : memref<1x1x632x128xf32, #tpu.memory_space<hbm>> -> memref<632x128xf32, #tpu.memory_space<hbm>>
      %dma_start3A_220 = arith.constant 0 : i32
      %dma_start3A_221 = tpu.memref_slice %arg14[%mul3A_116, %dma_start3A_220] : memref<10112x128xf32, #tpu.memory_space<vmem_shared>> -> memref<632x128xf32, #tpu.memory_space<vmem_shared>>
      tpu.enqueue_dma source(%dma_start3A_221 : memref<632x128xf32, #tpu.memory_space<vmem_shared>>) target(%dma_start3A_219 : memref<632x128xf32, #tpu.memory_space<hbm>>) target_semaphore(%run_scoped3A_216 : memref<!tpu.dma_semaphore, #tpu.memory_space<semaphore_mem>>)
      %dma_wait3A_222 = arith.constant 0 : i32
      %dma_wait3A_223 = tpu.memref_slice %arg9[%arg0, %run_scoped3A_119, %mul3A_118, %dma_wait3A_222] : memref<2x4x10112x128xf32, #tpu.memory_space<hbm>> -> memref<1x1x632x128xf32, #tpu.memory_space<hbm>>
      %dma_wait3A_224 = tpu.memref_squeeze %dma_wait3A_223 : memref<1x1x632x128xf32, #tpu.memory_space<hbm>> -> memref<632x128xf32, #tpu.memory_space<hbm>>
      %dma_wait3A_225 = arith.constant 0 : i32
      %dma_wait3A_226 = tpu.memref_slice %arg14[%mul3A_116, %dma_wait3A_225] : memref<10112x128xf32, #tpu.memory_space<vmem_shared>> -> memref<632x128xf32, #tpu.memory_space<vmem_shared>>
      tpu.wait_dma2 semaphore(%run_scoped3A_216 : memref<!tpu.dma_semaphore, #tpu.memory_space<semaphore_mem>>) src(%dma_wait3A_226 : memref<632x128xf32, #tpu.memory_space<vmem_shared>>) dst(%dma_wait3A_224 : memref<632x128xf32, #tpu.memory_space<hbm>>)
      tpu.yield
    }) : () -> ()
    %dma_start3A_120 = arith.constant 0 : i32
    %dma_start3A_121 = tpu.memref_slice %arg10[%dma_start3A_120] : memref<10080xi32, #tpu.memory_space<vmem>> -> memref<96xi32, #tpu.memory_space<vmem>>
    %dma_start3A_122 = arith.constant 0 : i32
    %dma_start3A_123 = arith.constant 0 : i32
    %dma_start3A_124 = tpu.memref_slice %arg7[%dma_start3A_122, %dma_start3A_123] : memref<10112x128xf32, #tpu.memory_space<hbm>> -> memref<10112x128xf32, #tpu.memory_space<hbm>>
    tpu.enqueue_indirect_dma source(%dma_start3A_124 : memref<10112x128xf32, #tpu.memory_space<hbm>>) target(%arg12 : memref<96x128xf32, #tpu.memory_space<vmem>>) offsets(%dma_start3A_121 : memref<96xi32, #tpu.memory_space<vmem>>) semaphore(%arg15 : memref<!tpu.dma_semaphore, #tpu.memory_space<semaphore_mem>>)
    %dma_start3A_125 = arith.constant 96 : i32
    %dma_start3A_126 = tpu.memref_slice %arg10[%dma_start3A_125] : memref<10080xi32, #tpu.memory_space<vmem>> -> memref<96xi32, #tpu.memory_space<vmem>>
    %dma_start3A_127 = arith.constant 0 : i32
    %dma_start3A_128 = arith.constant 0 : i32
    %dma_start3A_129 = tpu.memref_slice %arg7[%dma_start3A_127, %dma_start3A_128] : memref<10112x128xf32, #tpu.memory_space<hbm>> -> memref<10112x128xf32, #tpu.memory_space<hbm>>
    tpu.enqueue_indirect_dma source(%dma_start3A_129 : memref<10112x128xf32, #tpu.memory_space<hbm>>) target(%arg13 : memref<96x128xf32, #tpu.memory_space<vmem>>) offsets(%dma_start3A_126 : memref<96xi32, #tpu.memory_space<vmem>>) semaphore(%arg16 : memref<!tpu.dma_semaphore, #tpu.memory_space<semaphore_mem>>)
    %mul3A_130 = arith.constant 632 : i32
    %mul3A_131 = arith.muli %arg1, %mul3A_130 : i32
    "tpu.region"() ({
      %run_scoped3A_216 = tpu.sem_alloc : memref<!tpu.dma_semaphore, #tpu.memory_space<semaphore_mem>>
      %dma_start3A_217 = arith.constant 0 : i32
      %dma_start3A_218 = tpu.memref_slice %arg14[%mul3A_131, %dma_start3A_217] : memref<10112x128xf32, #tpu.memory_space<vmem_shared>> -> memref<632x128xf32, #tpu.memory_space<vmem_shared>>
      tpu.enqueue_dma source(%arg4 : memref<632x128xf32, #tpu.memory_space<hbm>>) target(%dma_start3A_218 : memref<632x128xf32, #tpu.memory_space<vmem_shared>>) target_semaphore(%run_scoped3A_216 : memref<!tpu.dma_semaphore, #tpu.memory_space<semaphore_mem>>)
      %dma_wait3A_219 = arith.constant 0 : i32
      %dma_wait3A_220 = tpu.memref_slice %arg14[%mul3A_131, %dma_wait3A_219] : memref<10112x128xf32, #tpu.memory_space<vmem_shared>> -> memref<632x128xf32, #tpu.memory_space<vmem_shared>>
      tpu.wait_dma2 semaphore(%run_scoped3A_216 : memref<!tpu.dma_semaphore, #tpu.memory_space<semaphore_mem>>) src(%arg4 : memref<632x128xf32, #tpu.memory_space<hbm>>) dst(%dma_wait3A_220 : memref<632x128xf32, #tpu.memory_space<vmem_shared>>)
      tpu.yield
    }) : () -> ()
    %barrier3A_132 = arith.constant 0 : index
    tpu.barrier barrier_id(%barrier3A_132)
    %scan3A_133 = arith.constant 0 : i32
    %scan3A_134 = arith.constant 0 : i32
    %scan3A_135 = arith.constant 51 : i32
    %scan3A_136 = arith.addi %scan3A_134, %scan3A_135 : i32
    %scan3A_137 = arith.constant 1 : i32
    scf.for %scan3A_216 = %scan3A_134 to %scan3A_136 step %scan3A_137  : i32 {
      %mul3A_217 = arith.constant 2 : i32
      %mul3A_218 = arith.muli %scan3A_216, %mul3A_217 : i32
      %add3A_219 = arith.constant 0 : i32
      %add3A_220 = arith.addi %mul3A_218, %add3A_219 : i32
      %mul3A_221 = arith.constant 96 : i32
      %mul3A_222 = arith.muli %add3A_220, %mul3A_221 : i32
      %dma_wait3A_223 = tpu.memref_slice %arg10[%mul3A_222] : memref<10080xi32, #tpu.memory_space<vmem>> -> memref<96xi32, #tpu.memory_space<vmem>>
      %dma_wait3A_224 = arith.constant 0 : i32
      %dma_wait3A_225 = arith.constant 0 : i32
      %dma_wait3A_226 = tpu.memref_slice %arg7[%dma_wait3A_224, %dma_wait3A_225] : memref<10112x128xf32, #tpu.memory_space<hbm>> -> memref<10112x128xf32, #tpu.memory_space<hbm>>
      tpu.wait_indirect_dma semaphore(%arg15 : memref<!tpu.dma_semaphore, #tpu.memory_space<semaphore_mem>>) src(%dma_wait3A_226 : memref<10112x128xf32, #tpu.memory_space<hbm>>) dst(%arg12 : memref<96x128xf32, #tpu.memory_space<vmem>>)
      "tpu.region"() ({
        %run_scoped3A_253 = tpu.sem_alloc : memref<!tpu.dma_semaphore, #tpu.memory_space<semaphore_mem>>
        %dma_start3A_254 = arith.constant 0 : i32
        %dma_start3A_255 = tpu.memref_slice %arg11[%add3A_220, %dma_start3A_254] : memref<105x96xi32, #tpu.memory_space<vmem>> -> memref<1x96xi32, #tpu.memory_space<vmem>>
        %dma_start3A_256 = tpu.memref_squeeze %dma_start3A_255 : memref<1x96xi32, #tpu.memory_space<vmem>> -> memref<96xi32, #tpu.memory_space<vmem>>
        %dma_start3A_257 = arith.constant 0 : i32
        %dma_start3A_258 = arith.constant 0 : i32
        %dma_start3A_259 = tpu.memref_slice %arg14[%dma_start3A_257, %dma_start3A_258] : memref<10112x128xf32, #tpu.memory_space<vmem_shared>> -> memref<10112x128xf32, #tpu.memory_space<vmem_shared>>
        tpu.enqueue_indirect_dma source(%arg12 : memref<96x128xf32, #tpu.memory_space<vmem>>) target(%dma_start3A_259 : memref<10112x128xf32, #tpu.memory_space<vmem_shared>>) offsets(%dma_start3A_256 : memref<96xi32, #tpu.memory_space<vmem>>) semaphore(%run_scoped3A_253 : memref<!tpu.dma_semaphore, #tpu.memory_space<semaphore_mem>>) {add = true}
        %dma_wait3A_260 = arith.constant 0 : i32
        %dma_wait3A_261 = tpu.memref_slice %arg11[%add3A_220, %dma_wait3A_260] : memref<105x96xi32, #tpu.memory_space<vmem>> -> memref<1x96xi32, #tpu.memory_space<vmem>>
        %dma_wait3A_262 = tpu.memref_squeeze %dma_wait3A_261 : memref<1x96xi32, #tpu.memory_space<vmem>> -> memref<96xi32, #tpu.memory_space<vmem>>
        %dma_wait3A_263 = arith.constant 0 : i32
        %dma_wait3A_264 = arith.constant 0 : i32
        %dma_wait3A_265 = tpu.memref_slice %arg14[%dma_wait3A_263, %dma_wait3A_264] : memref<10112x128xf32, #tpu.memory_space<vmem_shared>> -> memref<10112x128xf32, #tpu.memory_space<vmem_shared>>
        tpu.wait_indirect_dma semaphore(%run_scoped3A_253 : memref<!tpu.dma_semaphore, #tpu.memory_space<semaphore_mem>>) src(%arg12 : memref<96x128xf32, #tpu.memory_space<vmem>>) dst(%dma_wait3A_265 : memref<10112x128xf32, #tpu.memory_space<vmem_shared>>)
        tpu.yield
      }) : () -> ()
      %add3A_227 = arith.constant 2 : i32
      %add3A_228 = arith.addi %add3A_220, %add3A_227 : i32
      %mul3A_229 = arith.constant 96 : i32
      %mul3A_230 = arith.muli %add3A_228, %mul3A_229 : i32
      %dma_start3A_231 = tpu.memref_slice %arg10[%mul3A_230] : memref<10080xi32, #tpu.memory_space<vmem>> -> memref<96xi32, #tpu.memory_space<vmem>>
      %dma_start3A_232 = arith.constant 0 : i32
      %dma_start3A_233 = arith.constant 0 : i32
      %dma_start3A_234 = tpu.memref_slice %arg7[%dma_start3A_232, %dma_start3A_233] : memref<10112x128xf32, #tpu.memory_space<hbm>> -> memref<10112x128xf32, #tpu.memory_space<hbm>>
      tpu.enqueue_indirect_dma source(%dma_start3A_234 : memref<10112x128xf32, #tpu.memory_space<hbm>>) target(%arg12 : memref<96x128xf32, #tpu.memory_space<vmem>>) offsets(%dma_start3A_231 : memref<96xi32, #tpu.memory_space<vmem>>) semaphore(%arg15 : memref<!tpu.dma_semaphore, #tpu.memory_space<semaphore_mem>>)
      %mul3A_235 = arith.constant 2 : i32
      %mul3A_236 = arith.muli %scan3A_216, %mul3A_235 : i32
      %add3A_237 = arith.constant 1 : i32
      %add3A_238 = arith.addi %mul3A_236, %add3A_237 : i32
      %mul3A_239 = arith.constant 96 : i32
      %mul3A_240 = arith.muli %add3A_238, %mul3A_239 : i32
      %dma_wait3A_241 = tpu.memref_slice %arg10[%mul3A_240] : memref<10080xi32, #tpu.memory_space<vmem>> -> memref<96xi32, #tpu.memory_space<vmem>>
      %dma_wait3A_242 = arith.constant 0 : i32
      %dma_wait3A_243 = arith.constant 0 : i32
      %dma_wait3A_244 = tpu.memref_slice %arg7[%dma_wait3A_242, %dma_wait3A_243] : memref<10112x128xf32, #tpu.memory_space<hbm>> -> memref<10112x128xf32, #tpu.memory_space<hbm>>
      tpu.wait_indirect_dma semaphore(%arg16 : memref<!tpu.dma_semaphore, #tpu.memory_space<semaphore_mem>>) src(%dma_wait3A_244 : memref<10112x128xf32, #tpu.memory_space<hbm>>) dst(%arg13 : memref<96x128xf32, #tpu.memory_space<vmem>>)
      "tpu.region"() ({
        %run_scoped3A_253 = tpu.sem_alloc : memref<!tpu.dma_semaphore, #tpu.memory_space<semaphore_mem>>
        %dma_start3A_254 = arith.constant 0 : i32
        %dma_start3A_255 = tpu.memref_slice %arg11[%add3A_238, %dma_start3A_254] : memref<105x96xi32, #tpu.memory_space<vmem>> -> memref<1x96xi32, #tpu.memory_space<vmem>>
        %dma_start3A_256 = tpu.memref_squeeze %dma_start3A_255 : memref<1x96xi32, #tpu.memory_space<vmem>> -> memref<96xi32, #tpu.memory_space<vmem>>
        %dma_start3A_257 = arith.constant 0 : i32
        %dma_start3A_258 = arith.constant 0 : i32
        %dma_start3A_259 = tpu.memref_slice %arg14[%dma_start3A_257, %dma_start3A_258] : memref<10112x128xf32, #tpu.memory_space<vmem_shared>> -> memref<10112x128xf32, #tpu.memory_space<vmem_shared>>
        tpu.enqueue_indirect_dma source(%arg13 : memref<96x128xf32, #tpu.memory_space<vmem>>) target(%dma_start3A_259 : memref<10112x128xf32, #tpu.memory_space<vmem_shared>>) offsets(%dma_start3A_256 : memref<96xi32, #tpu.memory_space<vmem>>) semaphore(%run_scoped3A_253 : memref<!tpu.dma_semaphore, #tpu.memory_space<semaphore_mem>>) {add = true}
        %dma_wait3A_260 = arith.constant 0 : i32
        %dma_wait3A_261 = tpu.memref_slice %arg11[%add3A_238, %dma_wait3A_260] : memref<105x96xi32, #tpu.memory_space<vmem>> -> memref<1x96xi32, #tpu.memory_space<vmem>>
        %dma_wait3A_262 = tpu.memref_squeeze %dma_wait3A_261 : memref<1x96xi32, #tpu.memory_space<vmem>> -> memref<96xi32, #tpu.memory_space<vmem>>
        %dma_wait3A_263 = arith.constant 0 : i32
        %dma_wait3A_264 = arith.constant 0 : i32
        %dma_wait3A_265 = tpu.memref_slice %arg14[%dma_wait3A_263, %dma_wait3A_264] : memref<10112x128xf32, #tpu.memory_space<vmem_shared>> -> memref<10112x128xf32, #tpu.memory_space<vmem_shared>>
        tpu.wait_indirect_dma semaphore(%run_scoped3A_253 : memref<!tpu.dma_semaphore, #tpu.memory_space<semaphore_mem>>) src(%arg13 : memref<96x128xf32, #tpu.memory_space<vmem>>) dst(%dma_wait3A_265 : memref<10112x128xf32, #tpu.memory_space<vmem_shared>>)
        tpu.yield
      }) : () -> ()
      %add3A_245 = arith.constant 2 : i32
      %add3A_246 = arith.addi %add3A_238, %add3A_245 : i32
      %mul3A_247 = arith.constant 96 : i32
      %mul3A_248 = arith.muli %add3A_246, %mul3A_247 : i32
      %dma_start3A_249 = tpu.memref_slice %arg10[%mul3A_248] : memref<10080xi32, #tpu.memory_space<vmem>> -> memref<96xi32, #tpu.memory_space<vmem>>
      %dma_start3A_250 = arith.constant 0 : i32
      %dma_start3A_251 = arith.constant 0 : i32
      %dma_start3A_252 = tpu.memref_slice %arg7[%dma_start3A_250, %dma_start3A_251] : memref<10112x128xf32, #tpu.memory_space<hbm>> -> memref<10112x128xf32, #tpu.memory_space<hbm>>
      tpu.enqueue_indirect_dma source(%dma_start3A_252 : memref<10112x128xf32, #tpu.memory_space<hbm>>) target(%arg13 : memref<96x128xf32, #tpu.memory_space<vmem>>) offsets(%dma_start3A_249 : memref<96xi32, #tpu.memory_space<vmem>>) semaphore(%arg16 : memref<!tpu.dma_semaphore, #tpu.memory_space<semaphore_mem>>)
    }
    %scan3A_138 = arith.constant 51 : i32
    %dma_wait3A_139 = arith.constant 9792 : i32
    %dma_wait3A_140 = tpu.memref_slice %arg10[%dma_wait3A_139] : memref<10080xi32, #tpu.memory_space<vmem>> -> memref<96xi32, #tpu.memory_space<vmem>>
    %dma_wait3A_141 = arith.constant 0 : i32
    %dma_wait3A_142 = arith.constant 0 : i32
    %dma_wait3A_143 = tpu.memref_slice %arg7[%dma_wait3A_141, %dma_wait3A_142] : memref<10112x128xf32, #tpu.memory_space<hbm>> -> memref<10112x128xf32, #tpu.memory_space<hbm>>
    tpu.wait_indirect_dma semaphore(%arg15 : memref<!tpu.dma_semaphore, #tpu.memory_space<semaphore_mem>>) src(%dma_wait3A_143 : memref<10112x128xf32, #tpu.memory_space<hbm>>) dst(%arg12 : memref<96x128xf32, #tpu.memory_space<vmem>>)
    %run_scoped3A_144 = arith.constant 102 : i32
    "tpu.region"() ({
      %run_scoped3A_216 = tpu.sem_alloc : memref<!tpu.dma_semaphore, #tpu.memory_space<semaphore_mem>>
      %dma_start3A_217 = arith.constant 0 : i32
      %dma_start3A_218 = tpu.memref_slice %arg11[%run_scoped3A_144, %dma_start3A_217] : memref<105x96xi32, #tpu.memory_space<vmem>> -> memref<1x96xi32, #tpu.memory_space<vmem>>
      %dma_start3A_219 = tpu.memref_squeeze %dma_start3A_218 : memref<1x96xi32, #tpu.memory_space<vmem>> -> memref<96xi32, #tpu.memory_space<vmem>>
      %dma_start3A_220 = arith.constant 0 : i32
      %dma_start3A_221 = arith.constant 0 : i32
      %dma_start3A_222 = tpu.memref_slice %arg14[%dma_start3A_220, %dma_start3A_221] : memref<10112x128xf32, #tpu.memory_space<vmem_shared>> -> memref<10112x128xf32, #tpu.memory_space<vmem_shared>>
      tpu.enqueue_indirect_dma source(%arg12 : memref<96x128xf32, #tpu.memory_space<vmem>>) target(%dma_start3A_222 : memref<10112x128xf32, #tpu.memory_space<vmem_shared>>) offsets(%dma_start3A_219 : memref<96xi32, #tpu.memory_space<vmem>>) semaphore(%run_scoped3A_216 : memref<!tpu.dma_semaphore, #tpu.memory_space<semaphore_mem>>) {add = true}
      %dma_wait3A_223 = arith.constant 0 : i32
      %dma_wait3A_224 = tpu.memref_slice %arg11[%run_scoped3A_144, %dma_wait3A_223] : memref<105x96xi32, #tpu.memory_space<vmem>> -> memref<1x96xi32, #tpu.memory_space<vmem>>
      %dma_wait3A_225 = tpu.memref_squeeze %dma_wait3A_224 : memref<1x96xi32, #tpu.memory_space<vmem>> -> memref<96xi32, #tpu.memory_space<vmem>>
      %dma_wait3A_226 = arith.constant 0 : i32
      %dma_wait3A_227 = arith.constant 0 : i32
      %dma_wait3A_228 = tpu.memref_slice %arg14[%dma_wait3A_226, %dma_wait3A_227] : memref<10112x128xf32, #tpu.memory_space<vmem_shared>> -> memref<10112x128xf32, #tpu.memory_space<vmem_shared>>
      tpu.wait_indirect_dma semaphore(%run_scoped3A_216 : memref<!tpu.dma_semaphore, #tpu.memory_space<semaphore_mem>>) src(%arg12 : memref<96x128xf32, #tpu.memory_space<vmem>>) dst(%dma_wait3A_228 : memref<10112x128xf32, #tpu.memory_space<vmem_shared>>)
      tpu.yield
    }) : () -> ()
    %dma_start3A_145 = arith.constant 9984 : i32
    %dma_start3A_146 = tpu.memref_slice %arg10[%dma_start3A_145] : memref<10080xi32, #tpu.memory_space<vmem>> -> memref<96xi32, #tpu.memory_space<vmem>>
    %dma_start3A_147 = arith.constant 0 : i32
    %dma_start3A_148 = arith.constant 0 : i32
    %dma_start3A_149 = tpu.memref_slice %arg7[%dma_start3A_147, %dma_start3A_148] : memref<10112x128xf32, #tpu.memory_space<hbm>> -> memref<10112x128xf32, #tpu.memory_space<hbm>>
    tpu.enqueue_indirect_dma source(%dma_start3A_149 : memref<10112x128xf32, #tpu.memory_space<hbm>>) target(%arg12 : memref<96x128xf32, #tpu.memory_space<vmem>>) offsets(%dma_start3A_146 : memref<96xi32, #tpu.memory_space<vmem>>) semaphore(%arg15 : memref<!tpu.dma_semaphore, #tpu.memory_space<semaphore_mem>>)
    %dma_wait3A_150 = arith.constant 9888 : i32
    %dma_wait3A_151 = tpu.memref_slice %arg10[%dma_wait3A_150] : memref<10080xi32, #tpu.memory_space<vmem>> -> memref<96xi32, #tpu.memory_space<vmem>>
    %dma_wait3A_152 = arith.constant 0 : i32
    %dma_wait3A_153 = arith.constant 0 : i32
    %dma_wait3A_154 = tpu.memref_slice %arg7[%dma_wait3A_152, %dma_wait3A_153] : memref<10112x128xf32, #tpu.memory_space<hbm>> -> memref<10112x128xf32, #tpu.memory_space<hbm>>
    tpu.wait_indirect_dma semaphore(%arg16 : memref<!tpu.dma_semaphore, #tpu.memory_space<semaphore_mem>>) src(%dma_wait3A_154 : memref<10112x128xf32, #tpu.memory_space<hbm>>) dst(%arg13 : memref<96x128xf32, #tpu.memory_space<vmem>>)
    %run_scoped3A_155 = arith.constant 103 : i32
    "tpu.region"() ({
      %run_scoped3A_216 = tpu.sem_alloc : memref<!tpu.dma_semaphore, #tpu.memory_space<semaphore_mem>>
      %dma_start3A_217 = arith.constant 0 : i32
      %dma_start3A_218 = tpu.memref_slice %arg11[%run_scoped3A_155, %dma_start3A_217] : memref<105x96xi32, #tpu.memory_space<vmem>> -> memref<1x96xi32, #tpu.memory_space<vmem>>
      %dma_start3A_219 = tpu.memref_squeeze %dma_start3A_218 : memref<1x96xi32, #tpu.memory_space<vmem>> -> memref<96xi32, #tpu.memory_space<vmem>>
      %dma_start3A_220 = arith.constant 0 : i32
      %dma_start3A_221 = arith.constant 0 : i32
      %dma_start3A_222 = tpu.memref_slice %arg14[%dma_start3A_220, %dma_start3A_221] : memref<10112x128xf32, #tpu.memory_space<vmem_shared>> -> memref<10112x128xf32, #tpu.memory_space<vmem_shared>>
      tpu.enqueue_indirect_dma source(%arg13 : memref<96x128xf32, #tpu.memory_space<vmem>>) target(%dma_start3A_222 : memref<10112x128xf32, #tpu.memory_space<vmem_shared>>) offsets(%dma_start3A_219 : memref<96xi32, #tpu.memory_space<vmem>>) semaphore(%run_scoped3A_216 : memref<!tpu.dma_semaphore, #tpu.memory_space<semaphore_mem>>) {add = true}
      %dma_wait3A_223 = arith.constant 0 : i32
      %dma_wait3A_224 = tpu.memref_slice %arg11[%run_scoped3A_155, %dma_wait3A_223] : memref<105x96xi32, #tpu.memory_space<vmem>> -> memref<1x96xi32, #tpu.memory_space<vmem>>
      %dma_wait3A_225 = tpu.memref_squeeze %dma_wait3A_224 : memref<1x96xi32, #tpu.memory_space<vmem>> -> memref<96xi32, #tpu.memory_space<vmem>>
      %dma_wait3A_226 = arith.constant 0 : i32
      %dma_wait3A_227 = arith.constant 0 : i32
      %dma_wait3A_228 = tpu.memref_slice %arg14[%dma_wait3A_226, %dma_wait3A_227] : memref<10112x128xf32, #tpu.memory_space<vmem_shared>> -> memref<10112x128xf32, #tpu.memory_space<vmem_shared>>
      tpu.wait_indirect_dma semaphore(%run_scoped3A_216 : memref<!tpu.dma_semaphore, #tpu.memory_space<semaphore_mem>>) src(%arg13 : memref<96x128xf32, #tpu.memory_space<vmem>>) dst(%dma_wait3A_228 : memref<10112x128xf32, #tpu.memory_space<vmem_shared>>)
      tpu.yield
    }) : () -> ()
    %dma_wait3A_156 = arith.constant 9984 : i32
    %dma_wait3A_157 = tpu.memref_slice %arg10[%dma_wait3A_156] : memref<10080xi32, #tpu.memory_space<vmem>> -> memref<96xi32, #tpu.memory_space<vmem>>
    %dma_wait3A_158 = arith.constant 0 : i32
    %dma_wait3A_159 = arith.constant 0 : i32
    %dma_wait3A_160 = tpu.memref_slice %arg7[%dma_wait3A_158, %dma_wait3A_159] : memref<10112x128xf32, #tpu.memory_space<hbm>> -> memref<10112x128xf32, #tpu.memory_space<hbm>>
    tpu.wait_indirect_dma semaphore(%arg15 : memref<!tpu.dma_semaphore, #tpu.memory_space<semaphore_mem>>) src(%dma_wait3A_160 : memref<10112x128xf32, #tpu.memory_space<hbm>>) dst(%arg12 : memref<96x128xf32, #tpu.memory_space<vmem>>)
    %run_scoped3A_161 = arith.constant 104 : i32
    "tpu.region"() ({
      %run_scoped3A_216 = tpu.sem_alloc : memref<!tpu.dma_semaphore, #tpu.memory_space<semaphore_mem>>
      %dma_start3A_217 = arith.constant 0 : i32
      %dma_start3A_218 = tpu.memref_slice %arg11[%run_scoped3A_161, %dma_start3A_217] : memref<105x96xi32, #tpu.memory_space<vmem>> -> memref<1x96xi32, #tpu.memory_space<vmem>>
      %dma_start3A_219 = tpu.memref_squeeze %dma_start3A_218 : memref<1x96xi32, #tpu.memory_space<vmem>> -> memref<96xi32, #tpu.memory_space<vmem>>
      %dma_start3A_220 = arith.constant 0 : i32
      %dma_start3A_221 = arith.constant 0 : i32
      %dma_start3A_222 = tpu.memref_slice %arg14[%dma_start3A_220, %dma_start3A_221] : memref<10112x128xf32, #tpu.memory_space<vmem_shared>> -> memref<10112x128xf32, #tpu.memory_space<vmem_shared>>
      tpu.enqueue_indirect_dma source(%arg12 : memref<96x128xf32, #tpu.memory_space<vmem>>) target(%dma_start3A_222 : memref<10112x128xf32, #tpu.memory_space<vmem_shared>>) offsets(%dma_start3A_219 : memref<96xi32, #tpu.memory_space<vmem>>) semaphore(%run_scoped3A_216 : memref<!tpu.dma_semaphore, #tpu.memory_space<semaphore_mem>>) {add = true}
      %dma_wait3A_223 = arith.constant 0 : i32
      %dma_wait3A_224 = tpu.memref_slice %arg11[%run_scoped3A_161, %dma_wait3A_223] : memref<105x96xi32, #tpu.memory_space<vmem>> -> memref<1x96xi32, #tpu.memory_space<vmem>>
      %dma_wait3A_225 = tpu.memref_squeeze %dma_wait3A_224 : memref<1x96xi32, #tpu.memory_space<vmem>> -> memref<96xi32, #tpu.memory_space<vmem>>
      %dma_wait3A_226 = arith.constant 0 : i32
      %dma_wait3A_227 = arith.constant 0 : i32
      %dma_wait3A_228 = tpu.memref_slice %arg14[%dma_wait3A_226, %dma_wait3A_227] : memref<10112x128xf32, #tpu.memory_space<vmem_shared>> -> memref<10112x128xf32, #tpu.memory_space<vmem_shared>>
      tpu.wait_indirect_dma semaphore(%run_scoped3A_216 : memref<!tpu.dma_semaphore, #tpu.memory_space<semaphore_mem>>) src(%arg12 : memref<96x128xf32, #tpu.memory_space<vmem>>) dst(%dma_wait3A_228 : memref<10112x128xf32, #tpu.memory_space<vmem_shared>>)
      tpu.yield
    }) : () -> ()
    %barrier3A_162 = arith.constant 0 : index
    tpu.barrier barrier_id(%barrier3A_162)
    %mul3A_163 = arith.constant 632 : i32
    %mul3A_164 = arith.muli %arg1, %mul3A_163 : i32
    %mul3A_165 = arith.constant 632 : i32
    %mul3A_166 = arith.muli %arg1, %mul3A_165 : i32
    %run_scoped3A_167 = arith.constant 2 : i32
    "tpu.region"() ({
      %run_scoped3A_216 = tpu.sem_alloc : memref<!tpu.dma_semaphore, #tpu.memory_space<semaphore_mem>>
      %dma_start3A_217 = arith.constant 0 : i32
      %dma_start3A_218 = tpu.memref_slice %arg9[%arg0, %run_scoped3A_167, %mul3A_166, %dma_start3A_217] : memref<2x4x10112x128xf32, #tpu.memory_space<hbm>> -> memref<1x1x632x128xf32, #tpu.memory_space<hbm>>
      %dma_start3A_219 = tpu.memref_squeeze %dma_start3A_218 : memref<1x1x632x128xf32, #tpu.memory_space<hbm>> -> memref<632x128xf32, #tpu.memory_space<hbm>>
      %dma_start3A_220 = arith.constant 0 : i32
      %dma_start3A_221 = tpu.memref_slice %arg14[%mul3A_164, %dma_start3A_220] : memref<10112x128xf32, #tpu.memory_space<vmem_shared>> -> memref<632x128xf32, #tpu.memory_space<vmem_shared>>
      tpu.enqueue_dma source(%dma_start3A_221 : memref<632x128xf32, #tpu.memory_space<vmem_shared>>) target(%dma_start3A_219 : memref<632x128xf32, #tpu.memory_space<hbm>>) target_semaphore(%run_scoped3A_216 : memref<!tpu.dma_semaphore, #tpu.memory_space<semaphore_mem>>)
      %dma_wait3A_222 = arith.constant 0 : i32
      %dma_wait3A_223 = tpu.memref_slice %arg9[%arg0, %run_scoped3A_167, %mul3A_166, %dma_wait3A_222] : memref<2x4x10112x128xf32, #tpu.memory_space<hbm>> -> memref<1x1x632x128xf32, #tpu.memory_space<hbm>>
      %dma_wait3A_224 = tpu.memref_squeeze %dma_wait3A_223 : memref<1x1x632x128xf32, #tpu.memory_space<hbm>> -> memref<632x128xf32, #tpu.memory_space<hbm>>
      %dma_wait3A_225 = arith.constant 0 : i32
      %dma_wait3A_226 = tpu.memref_slice %arg14[%mul3A_164, %dma_wait3A_225] : memref<10112x128xf32, #tpu.memory_space<vmem_shared>> -> memref<632x128xf32, #tpu.memory_space<vmem_shared>>
      tpu.wait_dma2 semaphore(%run_scoped3A_216 : memref<!tpu.dma_semaphore, #tpu.memory_space<semaphore_mem>>) src(%dma_wait3A_226 : memref<632x128xf32, #tpu.memory_space<vmem_shared>>) dst(%dma_wait3A_224 : memref<632x128xf32, #tpu.memory_space<hbm>>)
      tpu.yield
    }) : () -> ()
    %dma_start3A_168 = arith.constant 0 : i32
    %dma_start3A_169 = tpu.memref_slice %arg10[%dma_start3A_168] : memref<10080xi32, #tpu.memory_space<vmem>> -> memref<96xi32, #tpu.memory_space<vmem>>
    %dma_start3A_170 = arith.constant 0 : i32
    %dma_start3A_171 = arith.constant 0 : i32
    %dma_start3A_172 = tpu.memref_slice %arg8[%dma_start3A_170, %dma_start3A_171] : memref<10112x128xf32, #tpu.memory_space<hbm>> -> memref<10112x128xf32, #tpu.memory_space<hbm>>
    tpu.enqueue_indirect_dma source(%dma_start3A_172 : memref<10112x128xf32, #tpu.memory_space<hbm>>) target(%arg12 : memref<96x128xf32, #tpu.memory_space<vmem>>) offsets(%dma_start3A_169 : memref<96xi32, #tpu.memory_space<vmem>>) semaphore(%arg15 : memref<!tpu.dma_semaphore, #tpu.memory_space<semaphore_mem>>)
    %dma_start3A_173 = arith.constant 96 : i32
    %dma_start3A_174 = tpu.memref_slice %arg10[%dma_start3A_173] : memref<10080xi32, #tpu.memory_space<vmem>> -> memref<96xi32, #tpu.memory_space<vmem>>
    %dma_start3A_175 = arith.constant 0 : i32
    %dma_start3A_176 = arith.constant 0 : i32
    %dma_start3A_177 = tpu.memref_slice %arg8[%dma_start3A_175, %dma_start3A_176] : memref<10112x128xf32, #tpu.memory_space<hbm>> -> memref<10112x128xf32, #tpu.memory_space<hbm>>
    tpu.enqueue_indirect_dma source(%dma_start3A_177 : memref<10112x128xf32, #tpu.memory_space<hbm>>) target(%arg13 : memref<96x128xf32, #tpu.memory_space<vmem>>) offsets(%dma_start3A_174 : memref<96xi32, #tpu.memory_space<vmem>>) semaphore(%arg16 : memref<!tpu.dma_semaphore, #tpu.memory_space<semaphore_mem>>)
    %mul3A_178 = arith.constant 632 : i32
    %mul3A_179 = arith.muli %arg1, %mul3A_178 : i32
    "tpu.region"() ({
      %run_scoped3A_216 = tpu.sem_alloc : memref<!tpu.dma_semaphore, #tpu.memory_space<semaphore_mem>>
      %dma_start3A_217 = arith.constant 0 : i32
      %dma_start3A_218 = tpu.memref_slice %arg14[%mul3A_179, %dma_start3A_217] : memref<10112x128xf32, #tpu.memory_space<vmem_shared>> -> memref<632x128xf32, #tpu.memory_space<vmem_shared>>
      tpu.enqueue_dma source(%arg4 : memref<632x128xf32, #tpu.memory_space<hbm>>) target(%dma_start3A_218 : memref<632x128xf32, #tpu.memory_space<vmem_shared>>) target_semaphore(%run_scoped3A_216 : memref<!tpu.dma_semaphore, #tpu.memory_space<semaphore_mem>>)
      %dma_wait3A_219 = arith.constant 0 : i32
      %dma_wait3A_220 = tpu.memref_slice %arg14[%mul3A_179, %dma_wait3A_219] : memref<10112x128xf32, #tpu.memory_space<vmem_shared>> -> memref<632x128xf32, #tpu.memory_space<vmem_shared>>
      tpu.wait_dma2 semaphore(%run_scoped3A_216 : memref<!tpu.dma_semaphore, #tpu.memory_space<semaphore_mem>>) src(%arg4 : memref<632x128xf32, #tpu.memory_space<hbm>>) dst(%dma_wait3A_220 : memref<632x128xf32, #tpu.memory_space<vmem_shared>>)
      tpu.yield
    }) : () -> ()
    %barrier3A_180 = arith.constant 0 : index
    tpu.barrier barrier_id(%barrier3A_180)
    %scan3A_181 = arith.constant 0 : i32
    %scan3A_182 = arith.constant 0 : i32
    %scan3A_183 = arith.constant 51 : i32
    %scan3A_184 = arith.addi %scan3A_182, %scan3A_183 : i32
    %scan3A_185 = arith.constant 1 : i32
    scf.for %scan3A_216 = %scan3A_182 to %scan3A_184 step %scan3A_185  : i32 {
      %mul3A_217 = arith.constant 2 : i32
      %mul3A_218 = arith.muli %scan3A_216, %mul3A_217 : i32
      %add3A_219 = arith.constant 0 : i32
      %add3A_220 = arith.addi %mul3A_218, %add3A_219 : i32
      %mul3A_221 = arith.constant 96 : i32
      %mul3A_222 = arith.muli %add3A_220, %mul3A_221 : i32
      %dma_wait3A_223 = tpu.memref_slice %arg10[%mul3A_222] : memref<10080xi32, #tpu.memory_space<vmem>> -> memref<96xi32, #tpu.memory_space<vmem>>
      %dma_wait3A_224 = arith.constant 0 : i32
      %dma_wait3A_225 = arith.constant 0 : i32
      %dma_wait3A_226 = tpu.memref_slice %arg8[%dma_wait3A_224, %dma_wait3A_225] : memref<10112x128xf32, #tpu.memory_space<hbm>> -> memref<10112x128xf32, #tpu.memory_space<hbm>>
      tpu.wait_indirect_dma semaphore(%arg15 : memref<!tpu.dma_semaphore, #tpu.memory_space<semaphore_mem>>) src(%dma_wait3A_226 : memref<10112x128xf32, #tpu.memory_space<hbm>>) dst(%arg12 : memref<96x128xf32, #tpu.memory_space<vmem>>)
      "tpu.region"() ({
        %run_scoped3A_253 = tpu.sem_alloc : memref<!tpu.dma_semaphore, #tpu.memory_space<semaphore_mem>>
        %dma_start3A_254 = arith.constant 0 : i32
        %dma_start3A_255 = tpu.memref_slice %arg11[%add3A_220, %dma_start3A_254] : memref<105x96xi32, #tpu.memory_space<vmem>> -> memref<1x96xi32, #tpu.memory_space<vmem>>
        %dma_start3A_256 = tpu.memref_squeeze %dma_start3A_255 : memref<1x96xi32, #tpu.memory_space<vmem>> -> memref<96xi32, #tpu.memory_space<vmem>>
        %dma_start3A_257 = arith.constant 0 : i32
        %dma_start3A_258 = arith.constant 0 : i32
        %dma_start3A_259 = tpu.memref_slice %arg14[%dma_start3A_257, %dma_start3A_258] : memref<10112x128xf32, #tpu.memory_space<vmem_shared>> -> memref<10112x128xf32, #tpu.memory_space<vmem_shared>>
        tpu.enqueue_indirect_dma source(%arg12 : memref<96x128xf32, #tpu.memory_space<vmem>>) target(%dma_start3A_259 : memref<10112x128xf32, #tpu.memory_space<vmem_shared>>) offsets(%dma_start3A_256 : memref<96xi32, #tpu.memory_space<vmem>>) semaphore(%run_scoped3A_253 : memref<!tpu.dma_semaphore, #tpu.memory_space<semaphore_mem>>) {add = true}
        %dma_wait3A_260 = arith.constant 0 : i32
        %dma_wait3A_261 = tpu.memref_slice %arg11[%add3A_220, %dma_wait3A_260] : memref<105x96xi32, #tpu.memory_space<vmem>> -> memref<1x96xi32, #tpu.memory_space<vmem>>
        %dma_wait3A_262 = tpu.memref_squeeze %dma_wait3A_261 : memref<1x96xi32, #tpu.memory_space<vmem>> -> memref<96xi32, #tpu.memory_space<vmem>>
        %dma_wait3A_263 = arith.constant 0 : i32
        %dma_wait3A_264 = arith.constant 0 : i32
        %dma_wait3A_265 = tpu.memref_slice %arg14[%dma_wait3A_263, %dma_wait3A_264] : memref<10112x128xf32, #tpu.memory_space<vmem_shared>> -> memref<10112x128xf32, #tpu.memory_space<vmem_shared>>
        tpu.wait_indirect_dma semaphore(%run_scoped3A_253 : memref<!tpu.dma_semaphore, #tpu.memory_space<semaphore_mem>>) src(%arg12 : memref<96x128xf32, #tpu.memory_space<vmem>>) dst(%dma_wait3A_265 : memref<10112x128xf32, #tpu.memory_space<vmem_shared>>)
        tpu.yield
      }) : () -> ()
      %add3A_227 = arith.constant 2 : i32
      %add3A_228 = arith.addi %add3A_220, %add3A_227 : i32
      %mul3A_229 = arith.constant 96 : i32
      %mul3A_230 = arith.muli %add3A_228, %mul3A_229 : i32
      %dma_start3A_231 = tpu.memref_slice %arg10[%mul3A_230] : memref<10080xi32, #tpu.memory_space<vmem>> -> memref<96xi32, #tpu.memory_space<vmem>>
      %dma_start3A_232 = arith.constant 0 : i32
      %dma_start3A_233 = arith.constant 0 : i32
      %dma_start3A_234 = tpu.memref_slice %arg8[%dma_start3A_232, %dma_start3A_233] : memref<10112x128xf32, #tpu.memory_space<hbm>> -> memref<10112x128xf32, #tpu.memory_space<hbm>>
      tpu.enqueue_indirect_dma source(%dma_start3A_234 : memref<10112x128xf32, #tpu.memory_space<hbm>>) target(%arg12 : memref<96x128xf32, #tpu.memory_space<vmem>>) offsets(%dma_start3A_231 : memref<96xi32, #tpu.memory_space<vmem>>) semaphore(%arg15 : memref<!tpu.dma_semaphore, #tpu.memory_space<semaphore_mem>>)
      %mul3A_235 = arith.constant 2 : i32
      %mul3A_236 = arith.muli %scan3A_216, %mul3A_235 : i32
      %add3A_237 = arith.constant 1 : i32
      %add3A_238 = arith.addi %mul3A_236, %add3A_237 : i32
      %mul3A_239 = arith.constant 96 : i32
      %mul3A_240 = arith.muli %add3A_238, %mul3A_239 : i32
      %dma_wait3A_241 = tpu.memref_slice %arg10[%mul3A_240] : memref<10080xi32, #tpu.memory_space<vmem>> -> memref<96xi32, #tpu.memory_space<vmem>>
      %dma_wait3A_242 = arith.constant 0 : i32
      %dma_wait3A_243 = arith.constant 0 : i32
      %dma_wait3A_244 = tpu.memref_slice %arg8[%dma_wait3A_242, %dma_wait3A_243] : memref<10112x128xf32, #tpu.memory_space<hbm>> -> memref<10112x128xf32, #tpu.memory_space<hbm>>
      tpu.wait_indirect_dma semaphore(%arg16 : memref<!tpu.dma_semaphore, #tpu.memory_space<semaphore_mem>>) src(%dma_wait3A_244 : memref<10112x128xf32, #tpu.memory_space<hbm>>) dst(%arg13 : memref<96x128xf32, #tpu.memory_space<vmem>>)
      "tpu.region"() ({
        %run_scoped3A_253 = tpu.sem_alloc : memref<!tpu.dma_semaphore, #tpu.memory_space<semaphore_mem>>
        %dma_start3A_254 = arith.constant 0 : i32
        %dma_start3A_255 = tpu.memref_slice %arg11[%add3A_238, %dma_start3A_254] : memref<105x96xi32, #tpu.memory_space<vmem>> -> memref<1x96xi32, #tpu.memory_space<vmem>>
        %dma_start3A_256 = tpu.memref_squeeze %dma_start3A_255 : memref<1x96xi32, #tpu.memory_space<vmem>> -> memref<96xi32, #tpu.memory_space<vmem>>
        %dma_start3A_257 = arith.constant 0 : i32
        %dma_start3A_258 = arith.constant 0 : i32
        %dma_start3A_259 = tpu.memref_slice %arg14[%dma_start3A_257, %dma_start3A_258] : memref<10112x128xf32, #tpu.memory_space<vmem_shared>> -> memref<10112x128xf32, #tpu.memory_space<vmem_shared>>
        tpu.enqueue_indirect_dma source(%arg13 : memref<96x128xf32, #tpu.memory_space<vmem>>) target(%dma_start3A_259 : memref<10112x128xf32, #tpu.memory_space<vmem_shared>>) offsets(%dma_start3A_256 : memref<96xi32, #tpu.memory_space<vmem>>) semaphore(%run_scoped3A_253 : memref<!tpu.dma_semaphore, #tpu.memory_space<semaphore_mem>>) {add = true}
        %dma_wait3A_260 = arith.constant 0 : i32
        %dma_wait3A_261 = tpu.memref_slice %arg11[%add3A_238, %dma_wait3A_260] : memref<105x96xi32, #tpu.memory_space<vmem>> -> memref<1x96xi32, #tpu.memory_space<vmem>>
        %dma_wait3A_262 = tpu.memref_squeeze %dma_wait3A_261 : memref<1x96xi32, #tpu.memory_space<vmem>> -> memref<96xi32, #tpu.memory_space<vmem>>
        %dma_wait3A_263 = arith.constant 0 : i32
        %dma_wait3A_264 = arith.constant 0 : i32
        %dma_wait3A_265 = tpu.memref_slice %arg14[%dma_wait3A_263, %dma_wait3A_264] : memref<10112x128xf32, #tpu.memory_space<vmem_shared>> -> memref<10112x128xf32, #tpu.memory_space<vmem_shared>>
        tpu.wait_indirect_dma semaphore(%run_scoped3A_253 : memref<!tpu.dma_semaphore, #tpu.memory_space<semaphore_mem>>) src(%arg13 : memref<96x128xf32, #tpu.memory_space<vmem>>) dst(%dma_wait3A_265 : memref<10112x128xf32, #tpu.memory_space<vmem_shared>>)
        tpu.yield
      }) : () -> ()
      %add3A_245 = arith.constant 2 : i32
      %add3A_246 = arith.addi %add3A_238, %add3A_245 : i32
      %mul3A_247 = arith.constant 96 : i32
      %mul3A_248 = arith.muli %add3A_246, %mul3A_247 : i32
      %dma_start3A_249 = tpu.memref_slice %arg10[%mul3A_248] : memref<10080xi32, #tpu.memory_space<vmem>> -> memref<96xi32, #tpu.memory_space<vmem>>
      %dma_start3A_250 = arith.constant 0 : i32
      %dma_start3A_251 = arith.constant 0 : i32
      %dma_start3A_252 = tpu.memref_slice %arg8[%dma_start3A_250, %dma_start3A_251] : memref<10112x128xf32, #tpu.memory_space<hbm>> -> memref<10112x128xf32, #tpu.memory_space<hbm>>
      tpu.enqueue_indirect_dma source(%dma_start3A_252 : memref<10112x128xf32, #tpu.memory_space<hbm>>) target(%arg13 : memref<96x128xf32, #tpu.memory_space<vmem>>) offsets(%dma_start3A_249 : memref<96xi32, #tpu.memory_space<vmem>>) semaphore(%arg16 : memref<!tpu.dma_semaphore, #tpu.memory_space<semaphore_mem>>)
    }
    %scan3A_186 = arith.constant 51 : i32
    %dma_wait3A_187 = arith.constant 9792 : i32
    %dma_wait3A_188 = tpu.memref_slice %arg10[%dma_wait3A_187] : memref<10080xi32, #tpu.memory_space<vmem>> -> memref<96xi32, #tpu.memory_space<vmem>>
    %dma_wait3A_189 = arith.constant 0 : i32
    %dma_wait3A_190 = arith.constant 0 : i32
    %dma_wait3A_191 = tpu.memref_slice %arg8[%dma_wait3A_189, %dma_wait3A_190] : memref<10112x128xf32, #tpu.memory_space<hbm>> -> memref<10112x128xf32, #tpu.memory_space<hbm>>
    tpu.wait_indirect_dma semaphore(%arg15 : memref<!tpu.dma_semaphore, #tpu.memory_space<semaphore_mem>>) src(%dma_wait3A_191 : memref<10112x128xf32, #tpu.memory_space<hbm>>) dst(%arg12 : memref<96x128xf32, #tpu.memory_space<vmem>>)
    %run_scoped3A_192 = arith.constant 102 : i32
    "tpu.region"() ({
      %run_scoped3A_216 = tpu.sem_alloc : memref<!tpu.dma_semaphore, #tpu.memory_space<semaphore_mem>>
      %dma_start3A_217 = arith.constant 0 : i32
      %dma_start3A_218 = tpu.memref_slice %arg11[%run_scoped3A_192, %dma_start3A_217] : memref<105x96xi32, #tpu.memory_space<vmem>> -> memref<1x96xi32, #tpu.memory_space<vmem>>
      %dma_start3A_219 = tpu.memref_squeeze %dma_start3A_218 : memref<1x96xi32, #tpu.memory_space<vmem>> -> memref<96xi32, #tpu.memory_space<vmem>>
      %dma_start3A_220 = arith.constant 0 : i32
      %dma_start3A_221 = arith.constant 0 : i32
      %dma_start3A_222 = tpu.memref_slice %arg14[%dma_start3A_220, %dma_start3A_221] : memref<10112x128xf32, #tpu.memory_space<vmem_shared>> -> memref<10112x128xf32, #tpu.memory_space<vmem_shared>>
      tpu.enqueue_indirect_dma source(%arg12 : memref<96x128xf32, #tpu.memory_space<vmem>>) target(%dma_start3A_222 : memref<10112x128xf32, #tpu.memory_space<vmem_shared>>) offsets(%dma_start3A_219 : memref<96xi32, #tpu.memory_space<vmem>>) semaphore(%run_scoped3A_216 : memref<!tpu.dma_semaphore, #tpu.memory_space<semaphore_mem>>) {add = true}
      %dma_wait3A_223 = arith.constant 0 : i32
      %dma_wait3A_224 = tpu.memref_slice %arg11[%run_scoped3A_192, %dma_wait3A_223] : memref<105x96xi32, #tpu.memory_space<vmem>> -> memref<1x96xi32, #tpu.memory_space<vmem>>
      %dma_wait3A_225 = tpu.memref_squeeze %dma_wait3A_224 : memref<1x96xi32, #tpu.memory_space<vmem>> -> memref<96xi32, #tpu.memory_space<vmem>>
      %dma_wait3A_226 = arith.constant 0 : i32
      %dma_wait3A_227 = arith.constant 0 : i32
      %dma_wait3A_228 = tpu.memref_slice %arg14[%dma_wait3A_226, %dma_wait3A_227] : memref<10112x128xf32, #tpu.memory_space<vmem_shared>> -> memref<10112x128xf32, #tpu.memory_space<vmem_shared>>
      tpu.wait_indirect_dma semaphore(%run_scoped3A_216 : memref<!tpu.dma_semaphore, #tpu.memory_space<semaphore_mem>>) src(%arg12 : memref<96x128xf32, #tpu.memory_space<vmem>>) dst(%dma_wait3A_228 : memref<10112x128xf32, #tpu.memory_space<vmem_shared>>)
      tpu.yield
    }) : () -> ()
    %dma_start3A_193 = arith.constant 9984 : i32
    %dma_start3A_194 = tpu.memref_slice %arg10[%dma_start3A_193] : memref<10080xi32, #tpu.memory_space<vmem>> -> memref<96xi32, #tpu.memory_space<vmem>>
    %dma_start3A_195 = arith.constant 0 : i32
    %dma_start3A_196 = arith.constant 0 : i32
    %dma_start3A_197 = tpu.memref_slice %arg8[%dma_start3A_195, %dma_start3A_196] : memref<10112x128xf32, #tpu.memory_space<hbm>> -> memref<10112x128xf32, #tpu.memory_space<hbm>>
    tpu.enqueue_indirect_dma source(%dma_start3A_197 : memref<10112x128xf32, #tpu.memory_space<hbm>>) target(%arg12 : memref<96x128xf32, #tpu.memory_space<vmem>>) offsets(%dma_start3A_194 : memref<96xi32, #tpu.memory_space<vmem>>) semaphore(%arg15 : memref<!tpu.dma_semaphore, #tpu.memory_space<semaphore_mem>>)
    %dma_wait3A_198 = arith.constant 9888 : i32
    %dma_wait3A_199 = tpu.memref_slice %arg10[%dma_wait3A_198] : memref<10080xi32, #tpu.memory_space<vmem>> -> memref<96xi32, #tpu.memory_space<vmem>>
    %dma_wait3A_200 = arith.constant 0 : i32
    %dma_wait3A_201 = arith.constant 0 : i32
    %dma_wait3A_202 = tpu.memref_slice %arg8[%dma_wait3A_200, %dma_wait3A_201] : memref<10112x128xf32, #tpu.memory_space<hbm>> -> memref<10112x128xf32, #tpu.memory_space<hbm>>
    tpu.wait_indirect_dma semaphore(%arg16 : memref<!tpu.dma_semaphore, #tpu.memory_space<semaphore_mem>>) src(%dma_wait3A_202 : memref<10112x128xf32, #tpu.memory_space<hbm>>) dst(%arg13 : memref<96x128xf32, #tpu.memory_space<vmem>>)
    %run_scoped3A_203 = arith.constant 103 : i32
    "tpu.region"() ({
      %run_scoped3A_216 = tpu.sem_alloc : memref<!tpu.dma_semaphore, #tpu.memory_space<semaphore_mem>>
      %dma_start3A_217 = arith.constant 0 : i32
      %dma_start3A_218 = tpu.memref_slice %arg11[%run_scoped3A_203, %dma_start3A_217] : memref<105x96xi32, #tpu.memory_space<vmem>> -> memref<1x96xi32, #tpu.memory_space<vmem>>
      %dma_start3A_219 = tpu.memref_squeeze %dma_start3A_218 : memref<1x96xi32, #tpu.memory_space<vmem>> -> memref<96xi32, #tpu.memory_space<vmem>>
      %dma_start3A_220 = arith.constant 0 : i32
      %dma_start3A_221 = arith.constant 0 : i32
      %dma_start3A_222 = tpu.memref_slice %arg14[%dma_start3A_220, %dma_start3A_221] : memref<10112x128xf32, #tpu.memory_space<vmem_shared>> -> memref<10112x128xf32, #tpu.memory_space<vmem_shared>>
      tpu.enqueue_indirect_dma source(%arg13 : memref<96x128xf32, #tpu.memory_space<vmem>>) target(%dma_start3A_222 : memref<10112x128xf32, #tpu.memory_space<vmem_shared>>) offsets(%dma_start3A_219 : memref<96xi32, #tpu.memory_space<vmem>>) semaphore(%run_scoped3A_216 : memref<!tpu.dma_semaphore, #tpu.memory_space<semaphore_mem>>) {add = true}
      %dma_wait3A_223 = arith.constant 0 : i32
      %dma_wait3A_224 = tpu.memref_slice %arg11[%run_scoped3A_203, %dma_wait3A_223] : memref<105x96xi32, #tpu.memory_space<vmem>> -> memref<1x96xi32, #tpu.memory_space<vmem>>
      %dma_wait3A_225 = tpu.memref_squeeze %dma_wait3A_224 : memref<1x96xi32, #tpu.memory_space<vmem>> -> memref<96xi32, #tpu.memory_space<vmem>>
      %dma_wait3A_226 = arith.constant 0 : i32
      %dma_wait3A_227 = arith.constant 0 : i32
      %dma_wait3A_228 = tpu.memref_slice %arg14[%dma_wait3A_226, %dma_wait3A_227] : memref<10112x128xf32, #tpu.memory_space<vmem_shared>> -> memref<10112x128xf32, #tpu.memory_space<vmem_shared>>
      tpu.wait_indirect_dma semaphore(%run_scoped3A_216 : memref<!tpu.dma_semaphore, #tpu.memory_space<semaphore_mem>>) src(%arg13 : memref<96x128xf32, #tpu.memory_space<vmem>>) dst(%dma_wait3A_228 : memref<10112x128xf32, #tpu.memory_space<vmem_shared>>)
      tpu.yield
    }) : () -> ()
    %dma_wait3A_204 = arith.constant 9984 : i32
    %dma_wait3A_205 = tpu.memref_slice %arg10[%dma_wait3A_204] : memref<10080xi32, #tpu.memory_space<vmem>> -> memref<96xi32, #tpu.memory_space<vmem>>
    %dma_wait3A_206 = arith.constant 0 : i32
    %dma_wait3A_207 = arith.constant 0 : i32
    %dma_wait3A_208 = tpu.memref_slice %arg8[%dma_wait3A_206, %dma_wait3A_207] : memref<10112x128xf32, #tpu.memory_space<hbm>> -> memref<10112x128xf32, #tpu.memory_space<hbm>>
    tpu.wait_indirect_dma semaphore(%arg15 : memref<!tpu.dma_semaphore, #tpu.memory_space<semaphore_mem>>) src(%dma_wait3A_208 : memref<10112x128xf32, #tpu.memory_space<hbm>>) dst(%arg12 : memref<96x128xf32, #tpu.memory_space<vmem>>)
    %run_scoped3A_209 = arith.constant 104 : i32
    "tpu.region"() ({
      %run_scoped3A_216 = tpu.sem_alloc : memref<!tpu.dma_semaphore, #tpu.memory_space<semaphore_mem>>
      %dma_start3A_217 = arith.constant 0 : i32
      %dma_start3A_218 = tpu.memref_slice %arg11[%run_scoped3A_209, %dma_start3A_217] : memref<105x96xi32, #tpu.memory_space<vmem>> -> memref<1x96xi32, #tpu.memory_space<vmem>>
      %dma_start3A_219 = tpu.memref_squeeze %dma_start3A_218 : memref<1x96xi32, #tpu.memory_space<vmem>> -> memref<96xi32, #tpu.memory_space<vmem>>
      %dma_start3A_220 = arith.constant 0 : i32
      %dma_start3A_221 = arith.constant 0 : i32
      %dma_start3A_222 = tpu.memref_slice %arg14[%dma_start3A_220, %dma_start3A_221] : memref<10112x128xf32, #tpu.memory_space<vmem_shared>> -> memref<10112x128xf32, #tpu.memory_space<vmem_shared>>
      tpu.enqueue_indirect_dma source(%arg12 : memref<96x128xf32, #tpu.memory_space<vmem>>) target(%dma_start3A_222 : memref<10112x128xf32, #tpu.memory_space<vmem_shared>>) offsets(%dma_start3A_219 : memref<96xi32, #tpu.memory_space<vmem>>) semaphore(%run_scoped3A_216 : memref<!tpu.dma_semaphore, #tpu.memory_space<semaphore_mem>>) {add = true}
      %dma_wait3A_223 = arith.constant 0 : i32
      %dma_wait3A_224 = tpu.memref_slice %arg11[%run_scoped3A_209, %dma_wait3A_223] : memref<105x96xi32, #tpu.memory_space<vmem>> -> memref<1x96xi32, #tpu.memory_space<vmem>>
      %dma_wait3A_225 = tpu.memref_squeeze %dma_wait3A_224 : memref<1x96xi32, #tpu.memory_space<vmem>> -> memref<96xi32, #tpu.memory_space<vmem>>
      %dma_wait3A_226 = arith.constant 0 : i32
      %dma_wait3A_227 = arith.constant 0 : i32
      %dma_wait3A_228 = tpu.memref_slice %arg14[%dma_wait3A_226, %dma_wait3A_227] : memref<10112x128xf32, #tpu.memory_space<vmem_shared>> -> memref<10112x128xf32, #tpu.memory_space<vmem_shared>>
      tpu.wait_indirect_dma semaphore(%run_scoped3A_216 : memref<!tpu.dma_semaphore, #tpu.memory_space<semaphore_mem>>) src(%arg12 : memref<96x128xf32, #tpu.memory_space<vmem>>) dst(%dma_wait3A_228 : memref<10112x128xf32, #tpu.memory_space<vmem_shared>>)
      tpu.yield
    }) : () -> ()
    %barrier3A_210 = arith.constant 0 : index
    tpu.barrier barrier_id(%barrier3A_210)
    %mul3A_211 = arith.constant 632 : i32
    %mul3A_212 = arith.muli %arg1, %mul3A_211 : i32
    %mul3A_213 = arith.constant 632 : i32
    %mul3A_214 = arith.muli %arg1, %mul3A_213 : i32
    %run_scoped3A_215 = arith.constant 3 : i32
    "tpu.region"() ({
      %run_scoped3A_216 = tpu.sem_alloc : memref<!tpu.dma_semaphore, #tpu.memory_space<semaphore_mem>>
      %dma_start3A_217 = arith.constant 0 : i32
      %dma_start3A_218 = tpu.memref_slice %arg9[%arg0, %run_scoped3A_215, %mul3A_214, %dma_start3A_217] : memref<2x4x10112x128xf32, #tpu.memory_space<hbm>> -> memref<1x1x632x128xf32, #tpu.memory_space<hbm>>
      %dma_start3A_219 = tpu.memref_squeeze %dma_start3A_218 : memref<1x1x632x128xf32, #tpu.memory_space<hbm>> -> memref<632x128xf32, #tpu.memory_space<hbm>>
      %dma_start3A_220 = arith.constant 0 : i32
      %dma_start3A_221 = tpu.memref_slice %arg14[%mul3A_212, %dma_start3A_220] : memref<10112x128xf32, #tpu.memory_space<vmem_shared>> -> memref<632x128xf32, #tpu.memory_space<vmem_shared>>
      tpu.enqueue_dma source(%dma_start3A_221 : memref<632x128xf32, #tpu.memory_space<vmem_shared>>) target(%dma_start3A_219 : memref<632x128xf32, #tpu.memory_space<hbm>>) target_semaphore(%run_scoped3A_216 : memref<!tpu.dma_semaphore, #tpu.memory_space<semaphore_mem>>)
      %dma_wait3A_222 = arith.constant 0 : i32
      %dma_wait3A_223 = tpu.memref_slice %arg9[%arg0, %run_scoped3A_215, %mul3A_214, %dma_wait3A_222] : memref<2x4x10112x128xf32, #tpu.memory_space<hbm>> -> memref<1x1x632x128xf32, #tpu.memory_space<hbm>>
      %dma_wait3A_224 = tpu.memref_squeeze %dma_wait3A_223 : memref<1x1x632x128xf32, #tpu.memory_space<hbm>> -> memref<632x128xf32, #tpu.memory_space<hbm>>
      %dma_wait3A_225 = arith.constant 0 : i32
      %dma_wait3A_226 = tpu.memref_slice %arg14[%mul3A_212, %dma_wait3A_225] : memref<10112x128xf32, #tpu.memory_space<vmem_shared>> -> memref<632x128xf32, #tpu.memory_space<vmem_shared>>
      tpu.wait_dma2 semaphore(%run_scoped3A_216 : memref<!tpu.dma_semaphore, #tpu.memory_space<semaphore_mem>>) src(%dma_wait3A_226 : memref<632x128xf32, #tpu.memory_space<vmem_shared>>) dst(%dma_wait3A_224 : memref<632x128xf32, #tpu.memory_space<hbm>>)
      tpu.yield
    }) : () -> ()
    return
  }
}

#map = affine_map<(d0, d1) -> (0, 0)>
#map1 = affine_map<(d0, d1) -> (0, 0, 0)>
#map2 = affine_map<(d0, d1) -> (0, 0, 0, 0)>
module attributes {stable_mosaic.version = 14 : i64} {
  func.func @body(%arg0: i32, %arg1: i32, %arg2: memref<32x10080xi32, #tpu.memory_space<hbm>>, %arg3: memref<32x105x96xi32, #tpu.memory_space<hbm>>, %arg4: memref<632x128xf32, #tpu.memory_space<hbm>>, %arg5: memref<10112x128xf32, #tpu.memory_space<hbm>>, %arg6: memref<2x1x10112x128xf32, #tpu.memory_space<hbm>>, %arg7: memref<10080xi32, #tpu.memory_space<vmem>>, %arg8: memref<105x96xi32, #tpu.memory_space<vmem>>, %arg9: memref<96x128xf32, #tpu.memory_space<vmem>>, %arg10: memref<96x128xf32, #tpu.memory_space<vmem>>, %arg11: memref<10112x128xf32, #tpu.memory_space<vmem_shared>>, %arg12: memref<!tpu.dma_semaphore, #tpu.memory_space<semaphore_mem>>, %arg13: memref<!tpu.dma_semaphore, #tpu.memory_space<semaphore_mem>>) attributes {dimension_semantics = [#tpu.dimension_semantics<core_parallel>, #tpu.dimension_semantics<subcore_parallel>], iteration_bounds = array<i64: 2, 16>, scalar_prefetch = 0 : i64, scratch_operands = 7 : i64, tpu.core_type = #tpu.core_type<sc_vector_subcore>, window_params = [{transform_indices = #map}, {transform_indices = #map1}, {transform_indices = #map}, {transform_indices = #map}, {transform_indices = #map2}]} {
    %mul3A = arith.constant 16 : i32
    %mul3A_0 = arith.muli %arg0, %mul3A : i32
    %add3A = arith.addi %mul3A_0, %arg1 : i32
    %dma_start3A = arith.constant 0 : i32
    %dma_start3A_1 = tpu.memref_slice %arg2[%add3A, %dma_start3A] : memref<32x10080xi32, #tpu.memory_space<hbm>> -> memref<1x10080xi32, #tpu.memory_space<hbm>>
    %dma_start3A_2 = tpu.memref_squeeze %dma_start3A_1 : memref<1x10080xi32, #tpu.memory_space<hbm>> -> memref<10080xi32, #tpu.memory_space<hbm>>
    %dma_start3A_3 = arith.constant 0 : i32
    %dma_start3A_4 = tpu.memref_slice %arg2[%add3A, %dma_start3A_3] : memref<32x10080xi32, #tpu.memory_space<hbm>> -> memref<1x10080xi32, #tpu.memory_space<hbm>>
    %dma_start3A_5 = tpu.memref_squeeze %dma_start3A_4 : memref<1x10080xi32, #tpu.memory_space<hbm>> -> memref<10080xi32, #tpu.memory_space<hbm>>
    tpu.enqueue_dma source(%dma_start3A_5 : memref<10080xi32, #tpu.memory_space<hbm>>) target(%arg7 : memref<10080xi32, #tpu.memory_space<vmem>>) target_semaphore(%arg12 : memref<!tpu.dma_semaphore, #tpu.memory_space<semaphore_mem>>)
    %dma_start3A_6 = arith.constant 0 : i32
    %dma_start3A_7 = arith.constant 0 : i32
    %dma_start3A_8 = tpu.memref_slice %arg3[%add3A, %dma_start3A_6, %dma_start3A_7] : memref<32x105x96xi32, #tpu.memory_space<hbm>> -> memref<1x105x96xi32, #tpu.memory_space<hbm>>
    %dma_start3A_9 = tpu.memref_squeeze %dma_start3A_8 : memref<1x105x96xi32, #tpu.memory_space<hbm>> -> memref<105x96xi32, #tpu.memory_space<hbm>>
    %dma_start3A_10 = arith.constant 0 : i32
    %dma_start3A_11 = arith.constant 0 : i32
    %dma_start3A_12 = tpu.memref_slice %arg3[%add3A, %dma_start3A_10, %dma_start3A_11] : memref<32x105x96xi32, #tpu.memory_space<hbm>> -> memref<1x105x96xi32, #tpu.memory_space<hbm>>
    %dma_start3A_13 = tpu.memref_squeeze %dma_start3A_12 : memref<1x105x96xi32, #tpu.memory_space<hbm>> -> memref<105x96xi32, #tpu.memory_space<hbm>>
    tpu.enqueue_dma source(%dma_start3A_13 : memref<105x96xi32, #tpu.memory_space<hbm>>) target(%arg8 : memref<105x96xi32, #tpu.memory_space<vmem>>) target_semaphore(%arg13 : memref<!tpu.dma_semaphore, #tpu.memory_space<semaphore_mem>>)
    %mul3A_14 = arith.constant 632 : i32
    %mul3A_15 = arith.muli %arg1, %mul3A_14 : i32
    "tpu.region"() ({
      %run_scoped3A_72 = tpu.sem_alloc : memref<!tpu.dma_semaphore, #tpu.memory_space<semaphore_mem>>
      %dma_start3A_73 = arith.constant 0 : i32
      %dma_start3A_74 = tpu.memref_slice %arg11[%mul3A_15, %dma_start3A_73] : memref<10112x128xf32, #tpu.memory_space<vmem_shared>> -> memref<632x128xf32, #tpu.memory_space<vmem_shared>>
      tpu.enqueue_dma source(%arg4 : memref<632x128xf32, #tpu.memory_space<hbm>>) target(%dma_start3A_74 : memref<632x128xf32, #tpu.memory_space<vmem_shared>>) target_semaphore(%run_scoped3A_72 : memref<!tpu.dma_semaphore, #tpu.memory_space<semaphore_mem>>)
      %dma_wait3A_75 = arith.constant 0 : i32
      %dma_wait3A_76 = tpu.memref_slice %arg11[%mul3A_15, %dma_wait3A_75] : memref<10112x128xf32, #tpu.memory_space<vmem_shared>> -> memref<632x128xf32, #tpu.memory_space<vmem_shared>>
      tpu.wait_dma2 semaphore(%run_scoped3A_72 : memref<!tpu.dma_semaphore, #tpu.memory_space<semaphore_mem>>) src(%arg4 : memref<632x128xf32, #tpu.memory_space<hbm>>) dst(%dma_wait3A_76 : memref<632x128xf32, #tpu.memory_space<vmem_shared>>)
      tpu.yield
    }) : () -> ()
    %dma_wait3A = arith.constant 0 : i32
    %dma_wait3A_16 = tpu.memref_slice %arg2[%add3A, %dma_wait3A] : memref<32x10080xi32, #tpu.memory_space<hbm>> -> memref<1x10080xi32, #tpu.memory_space<hbm>>
    %dma_wait3A_17 = tpu.memref_squeeze %dma_wait3A_16 : memref<1x10080xi32, #tpu.memory_space<hbm>> -> memref<10080xi32, #tpu.memory_space<hbm>>
    %dma_wait3A_18 = arith.constant 0 : i32
    %dma_wait3A_19 = tpu.memref_slice %arg2[%add3A, %dma_wait3A_18] : memref<32x10080xi32, #tpu.memory_space<hbm>> -> memref<1x10080xi32, #tpu.memory_space<hbm>>
    %dma_wait3A_20 = tpu.memref_squeeze %dma_wait3A_19 : memref<1x10080xi32, #tpu.memory_space<hbm>> -> memref<10080xi32, #tpu.memory_space<hbm>>
    tpu.wait_dma2 semaphore(%arg12 : memref<!tpu.dma_semaphore, #tpu.memory_space<semaphore_mem>>) src(%dma_wait3A_20 : memref<10080xi32, #tpu.memory_space<hbm>>) dst(%arg7 : memref<10080xi32, #tpu.memory_space<vmem>>)
    %dma_wait3A_21 = arith.constant 0 : i32
    %dma_wait3A_22 = arith.constant 0 : i32
    %dma_wait3A_23 = tpu.memref_slice %arg3[%add3A, %dma_wait3A_21, %dma_wait3A_22] : memref<32x105x96xi32, #tpu.memory_space<hbm>> -> memref<1x105x96xi32, #tpu.memory_space<hbm>>
    %dma_wait3A_24 = tpu.memref_squeeze %dma_wait3A_23 : memref<1x105x96xi32, #tpu.memory_space<hbm>> -> memref<105x96xi32, #tpu.memory_space<hbm>>
    %dma_wait3A_25 = arith.constant 0 : i32
    %dma_wait3A_26 = arith.constant 0 : i32
    %dma_wait3A_27 = tpu.memref_slice %arg3[%add3A, %dma_wait3A_25, %dma_wait3A_26] : memref<32x105x96xi32, #tpu.memory_space<hbm>> -> memref<1x105x96xi32, #tpu.memory_space<hbm>>
    %dma_wait3A_28 = tpu.memref_squeeze %dma_wait3A_27 : memref<1x105x96xi32, #tpu.memory_space<hbm>> -> memref<105x96xi32, #tpu.memory_space<hbm>>
    tpu.wait_dma2 semaphore(%arg13 : memref<!tpu.dma_semaphore, #tpu.memory_space<semaphore_mem>>) src(%dma_wait3A_28 : memref<105x96xi32, #tpu.memory_space<hbm>>) dst(%arg8 : memref<105x96xi32, #tpu.memory_space<vmem>>)
    %dma_start3A_29 = arith.constant 0 : i32
    %dma_start3A_30 = tpu.memref_slice %arg7[%dma_start3A_29] : memref<10080xi32, #tpu.memory_space<vmem>> -> memref<96xi32, #tpu.memory_space<vmem>>
    %dma_start3A_31 = arith.constant 0 : i32
    %dma_start3A_32 = arith.constant 0 : i32
    %dma_start3A_33 = tpu.memref_slice %arg5[%dma_start3A_31, %dma_start3A_32] : memref<10112x128xf32, #tpu.memory_space<hbm>> -> memref<10112x128xf32, #tpu.memory_space<hbm>>
    tpu.enqueue_indirect_dma source(%dma_start3A_33 : memref<10112x128xf32, #tpu.memory_space<hbm>>) target(%arg9 : memref<96x128xf32, #tpu.memory_space<vmem>>) offsets(%dma_start3A_30 : memref<96xi32, #tpu.memory_space<vmem>>) semaphore(%arg12 : memref<!tpu.dma_semaphore, #tpu.memory_space<semaphore_mem>>)
    %dma_start3A_34 = arith.constant 96 : i32
    %dma_start3A_35 = tpu.memref_slice %arg7[%dma_start3A_34] : memref<10080xi32, #tpu.memory_space<vmem>> -> memref<96xi32, #tpu.memory_space<vmem>>
    %dma_start3A_36 = arith.constant 0 : i32
    %dma_start3A_37 = arith.constant 0 : i32
    %dma_start3A_38 = tpu.memref_slice %arg5[%dma_start3A_36, %dma_start3A_37] : memref<10112x128xf32, #tpu.memory_space<hbm>> -> memref<10112x128xf32, #tpu.memory_space<hbm>>
    tpu.enqueue_indirect_dma source(%dma_start3A_38 : memref<10112x128xf32, #tpu.memory_space<hbm>>) target(%arg10 : memref<96x128xf32, #tpu.memory_space<vmem>>) offsets(%dma_start3A_35 : memref<96xi32, #tpu.memory_space<vmem>>) semaphore(%arg13 : memref<!tpu.dma_semaphore, #tpu.memory_space<semaphore_mem>>)
    %barrier3A = arith.constant 0 : index
    tpu.barrier barrier_id(%barrier3A)
    %scan3A = arith.constant 0 : i32
    %scan3A_39 = arith.constant 0 : i32
    %scan3A_40 = arith.constant 51 : i32
    %scan3A_41 = arith.addi %scan3A_39, %scan3A_40 : i32
    %scan3A_42 = arith.constant 1 : i32
    scf.for %scan3A_72 = %scan3A_39 to %scan3A_41 step %scan3A_42  : i32 {
      %mul3A_73 = arith.constant 2 : i32
      %mul3A_74 = arith.muli %scan3A_72, %mul3A_73 : i32
      %add3A_75 = arith.constant 0 : i32
      %add3A_76 = arith.addi %mul3A_74, %add3A_75 : i32
      %mul3A_77 = arith.constant 96 : i32
      %mul3A_78 = arith.muli %add3A_76, %mul3A_77 : i32
      %dma_wait3A_79 = tpu.memref_slice %arg7[%mul3A_78] : memref<10080xi32, #tpu.memory_space<vmem>> -> memref<96xi32, #tpu.memory_space<vmem>>
      %dma_wait3A_80 = arith.constant 0 : i32
      %dma_wait3A_81 = arith.constant 0 : i32
      %dma_wait3A_82 = tpu.memref_slice %arg5[%dma_wait3A_80, %dma_wait3A_81] : memref<10112x128xf32, #tpu.memory_space<hbm>> -> memref<10112x128xf32, #tpu.memory_space<hbm>>
      tpu.wait_indirect_dma semaphore(%arg12 : memref<!tpu.dma_semaphore, #tpu.memory_space<semaphore_mem>>) src(%dma_wait3A_82 : memref<10112x128xf32, #tpu.memory_space<hbm>>) dst(%arg9 : memref<96x128xf32, #tpu.memory_space<vmem>>)
      "tpu.region"() ({
        %run_scoped3A_109 = tpu.sem_alloc : memref<!tpu.dma_semaphore, #tpu.memory_space<semaphore_mem>>
        %dma_start3A_110 = arith.constant 0 : i32
        %dma_start3A_111 = tpu.memref_slice %arg8[%add3A_76, %dma_start3A_110] : memref<105x96xi32, #tpu.memory_space<vmem>> -> memref<1x96xi32, #tpu.memory_space<vmem>>
        %dma_start3A_112 = tpu.memref_squeeze %dma_start3A_111 : memref<1x96xi32, #tpu.memory_space<vmem>> -> memref<96xi32, #tpu.memory_space<vmem>>
        %dma_start3A_113 = arith.constant 0 : i32
        %dma_start3A_114 = arith.constant 0 : i32
        %dma_start3A_115 = tpu.memref_slice %arg11[%dma_start3A_113, %dma_start3A_114] : memref<10112x128xf32, #tpu.memory_space<vmem_shared>> -> memref<10112x128xf32, #tpu.memory_space<vmem_shared>>
        tpu.enqueue_indirect_dma source(%arg9 : memref<96x128xf32, #tpu.memory_space<vmem>>) target(%dma_start3A_115 : memref<10112x128xf32, #tpu.memory_space<vmem_shared>>) offsets(%dma_start3A_112 : memref<96xi32, #tpu.memory_space<vmem>>) semaphore(%run_scoped3A_109 : memref<!tpu.dma_semaphore, #tpu.memory_space<semaphore_mem>>) {add = true}
        %dma_wait3A_116 = arith.constant 0 : i32
        %dma_wait3A_117 = tpu.memref_slice %arg8[%add3A_76, %dma_wait3A_116] : memref<105x96xi32, #tpu.memory_space<vmem>> -> memref<1x96xi32, #tpu.memory_space<vmem>>
        %dma_wait3A_118 = tpu.memref_squeeze %dma_wait3A_117 : memref<1x96xi32, #tpu.memory_space<vmem>> -> memref<96xi32, #tpu.memory_space<vmem>>
        %dma_wait3A_119 = arith.constant 0 : i32
        %dma_wait3A_120 = arith.constant 0 : i32
        %dma_wait3A_121 = tpu.memref_slice %arg11[%dma_wait3A_119, %dma_wait3A_120] : memref<10112x128xf32, #tpu.memory_space<vmem_shared>> -> memref<10112x128xf32, #tpu.memory_space<vmem_shared>>
        tpu.wait_indirect_dma semaphore(%run_scoped3A_109 : memref<!tpu.dma_semaphore, #tpu.memory_space<semaphore_mem>>) src(%arg9 : memref<96x128xf32, #tpu.memory_space<vmem>>) dst(%dma_wait3A_121 : memref<10112x128xf32, #tpu.memory_space<vmem_shared>>)
        tpu.yield
      }) : () -> ()
      %add3A_83 = arith.constant 2 : i32
      %add3A_84 = arith.addi %add3A_76, %add3A_83 : i32
      %mul3A_85 = arith.constant 96 : i32
      %mul3A_86 = arith.muli %add3A_84, %mul3A_85 : i32
      %dma_start3A_87 = tpu.memref_slice %arg7[%mul3A_86] : memref<10080xi32, #tpu.memory_space<vmem>> -> memref<96xi32, #tpu.memory_space<vmem>>
      %dma_start3A_88 = arith.constant 0 : i32
      %dma_start3A_89 = arith.constant 0 : i32
      %dma_start3A_90 = tpu.memref_slice %arg5[%dma_start3A_88, %dma_start3A_89] : memref<10112x128xf32, #tpu.memory_space<hbm>> -> memref<10112x128xf32, #tpu.memory_space<hbm>>
      tpu.enqueue_indirect_dma source(%dma_start3A_90 : memref<10112x128xf32, #tpu.memory_space<hbm>>) target(%arg9 : memref<96x128xf32, #tpu.memory_space<vmem>>) offsets(%dma_start3A_87 : memref<96xi32, #tpu.memory_space<vmem>>) semaphore(%arg12 : memref<!tpu.dma_semaphore, #tpu.memory_space<semaphore_mem>>)
      %mul3A_91 = arith.constant 2 : i32
      %mul3A_92 = arith.muli %scan3A_72, %mul3A_91 : i32
      %add3A_93 = arith.constant 1 : i32
      %add3A_94 = arith.addi %mul3A_92, %add3A_93 : i32
      %mul3A_95 = arith.constant 96 : i32
      %mul3A_96 = arith.muli %add3A_94, %mul3A_95 : i32
      %dma_wait3A_97 = tpu.memref_slice %arg7[%mul3A_96] : memref<10080xi32, #tpu.memory_space<vmem>> -> memref<96xi32, #tpu.memory_space<vmem>>
      %dma_wait3A_98 = arith.constant 0 : i32
      %dma_wait3A_99 = arith.constant 0 : i32
      %dma_wait3A_100 = tpu.memref_slice %arg5[%dma_wait3A_98, %dma_wait3A_99] : memref<10112x128xf32, #tpu.memory_space<hbm>> -> memref<10112x128xf32, #tpu.memory_space<hbm>>
      tpu.wait_indirect_dma semaphore(%arg13 : memref<!tpu.dma_semaphore, #tpu.memory_space<semaphore_mem>>) src(%dma_wait3A_100 : memref<10112x128xf32, #tpu.memory_space<hbm>>) dst(%arg10 : memref<96x128xf32, #tpu.memory_space<vmem>>)
      "tpu.region"() ({
        %run_scoped3A_109 = tpu.sem_alloc : memref<!tpu.dma_semaphore, #tpu.memory_space<semaphore_mem>>
        %dma_start3A_110 = arith.constant 0 : i32
        %dma_start3A_111 = tpu.memref_slice %arg8[%add3A_94, %dma_start3A_110] : memref<105x96xi32, #tpu.memory_space<vmem>> -> memref<1x96xi32, #tpu.memory_space<vmem>>
        %dma_start3A_112 = tpu.memref_squeeze %dma_start3A_111 : memref<1x96xi32, #tpu.memory_space<vmem>> -> memref<96xi32, #tpu.memory_space<vmem>>
        %dma_start3A_113 = arith.constant 0 : i32
        %dma_start3A_114 = arith.constant 0 : i32
        %dma_start3A_115 = tpu.memref_slice %arg11[%dma_start3A_113, %dma_start3A_114] : memref<10112x128xf32, #tpu.memory_space<vmem_shared>> -> memref<10112x128xf32, #tpu.memory_space<vmem_shared>>
        tpu.enqueue_indirect_dma source(%arg10 : memref<96x128xf32, #tpu.memory_space<vmem>>) target(%dma_start3A_115 : memref<10112x128xf32, #tpu.memory_space<vmem_shared>>) offsets(%dma_start3A_112 : memref<96xi32, #tpu.memory_space<vmem>>) semaphore(%run_scoped3A_109 : memref<!tpu.dma_semaphore, #tpu.memory_space<semaphore_mem>>) {add = true}
        %dma_wait3A_116 = arith.constant 0 : i32
        %dma_wait3A_117 = tpu.memref_slice %arg8[%add3A_94, %dma_wait3A_116] : memref<105x96xi32, #tpu.memory_space<vmem>> -> memref<1x96xi32, #tpu.memory_space<vmem>>
        %dma_wait3A_118 = tpu.memref_squeeze %dma_wait3A_117 : memref<1x96xi32, #tpu.memory_space<vmem>> -> memref<96xi32, #tpu.memory_space<vmem>>
        %dma_wait3A_119 = arith.constant 0 : i32
        %dma_wait3A_120 = arith.constant 0 : i32
        %dma_wait3A_121 = tpu.memref_slice %arg11[%dma_wait3A_119, %dma_wait3A_120] : memref<10112x128xf32, #tpu.memory_space<vmem_shared>> -> memref<10112x128xf32, #tpu.memory_space<vmem_shared>>
        tpu.wait_indirect_dma semaphore(%run_scoped3A_109 : memref<!tpu.dma_semaphore, #tpu.memory_space<semaphore_mem>>) src(%arg10 : memref<96x128xf32, #tpu.memory_space<vmem>>) dst(%dma_wait3A_121 : memref<10112x128xf32, #tpu.memory_space<vmem_shared>>)
        tpu.yield
      }) : () -> ()
      %add3A_101 = arith.constant 2 : i32
      %add3A_102 = arith.addi %add3A_94, %add3A_101 : i32
      %mul3A_103 = arith.constant 96 : i32
      %mul3A_104 = arith.muli %add3A_102, %mul3A_103 : i32
      %dma_start3A_105 = tpu.memref_slice %arg7[%mul3A_104] : memref<10080xi32, #tpu.memory_space<vmem>> -> memref<96xi32, #tpu.memory_space<vmem>>
      %dma_start3A_106 = arith.constant 0 : i32
      %dma_start3A_107 = arith.constant 0 : i32
      %dma_start3A_108 = tpu.memref_slice %arg5[%dma_start3A_106, %dma_start3A_107] : memref<10112x128xf32, #tpu.memory_space<hbm>> -> memref<10112x128xf32, #tpu.memory_space<hbm>>
      tpu.enqueue_indirect_dma source(%dma_start3A_108 : memref<10112x128xf32, #tpu.memory_space<hbm>>) target(%arg10 : memref<96x128xf32, #tpu.memory_space<vmem>>) offsets(%dma_start3A_105 : memref<96xi32, #tpu.memory_space<vmem>>) semaphore(%arg13 : memref<!tpu.dma_semaphore, #tpu.memory_space<semaphore_mem>>)
    }
    %scan3A_43 = arith.constant 51 : i32
    %dma_wait3A_44 = arith.constant 9792 : i32
    %dma_wait3A_45 = tpu.memref_slice %arg7[%dma_wait3A_44] : memref<10080xi32, #tpu.memory_space<vmem>> -> memref<96xi32, #tpu.memory_space<vmem>>
    %dma_wait3A_46 = arith.constant 0 : i32
    %dma_wait3A_47 = arith.constant 0 : i32
    %dma_wait3A_48 = tpu.memref_slice %arg5[%dma_wait3A_46, %dma_wait3A_47] : memref<10112x128xf32, #tpu.memory_space<hbm>> -> memref<10112x128xf32, #tpu.memory_space<hbm>>
    tpu.wait_indirect_dma semaphore(%arg12 : memref<!tpu.dma_semaphore, #tpu.memory_space<semaphore_mem>>) src(%dma_wait3A_48 : memref<10112x128xf32, #tpu.memory_space<hbm>>) dst(%arg9 : memref<96x128xf32, #tpu.memory_space<vmem>>)
    %run_scoped3A = arith.constant 102 : i32
    "tpu.region"() ({
      %run_scoped3A_72 = tpu.sem_alloc : memref<!tpu.dma_semaphore, #tpu.memory_space<semaphore_mem>>
      %dma_start3A_73 = arith.constant 0 : i32
      %dma_start3A_74 = tpu.memref_slice %arg8[%run_scoped3A, %dma_start3A_73] : memref<105x96xi32, #tpu.memory_space<vmem>> -> memref<1x96xi32, #tpu.memory_space<vmem>>
      %dma_start3A_75 = tpu.memref_squeeze %dma_start3A_74 : memref<1x96xi32, #tpu.memory_space<vmem>> -> memref<96xi32, #tpu.memory_space<vmem>>
      %dma_start3A_76 = arith.constant 0 : i32
      %dma_start3A_77 = arith.constant 0 : i32
      %dma_start3A_78 = tpu.memref_slice %arg11[%dma_start3A_76, %dma_start3A_77] : memref<10112x128xf32, #tpu.memory_space<vmem_shared>> -> memref<10112x128xf32, #tpu.memory_space<vmem_shared>>
      tpu.enqueue_indirect_dma source(%arg9 : memref<96x128xf32, #tpu.memory_space<vmem>>) target(%dma_start3A_78 : memref<10112x128xf32, #tpu.memory_space<vmem_shared>>) offsets(%dma_start3A_75 : memref<96xi32, #tpu.memory_space<vmem>>) semaphore(%run_scoped3A_72 : memref<!tpu.dma_semaphore, #tpu.memory_space<semaphore_mem>>) {add = true}
      %dma_wait3A_79 = arith.constant 0 : i32
      %dma_wait3A_80 = tpu.memref_slice %arg8[%run_scoped3A, %dma_wait3A_79] : memref<105x96xi32, #tpu.memory_space<vmem>> -> memref<1x96xi32, #tpu.memory_space<vmem>>
      %dma_wait3A_81 = tpu.memref_squeeze %dma_wait3A_80 : memref<1x96xi32, #tpu.memory_space<vmem>> -> memref<96xi32, #tpu.memory_space<vmem>>
      %dma_wait3A_82 = arith.constant 0 : i32
      %dma_wait3A_83 = arith.constant 0 : i32
      %dma_wait3A_84 = tpu.memref_slice %arg11[%dma_wait3A_82, %dma_wait3A_83] : memref<10112x128xf32, #tpu.memory_space<vmem_shared>> -> memref<10112x128xf32, #tpu.memory_space<vmem_shared>>
      tpu.wait_indirect_dma semaphore(%run_scoped3A_72 : memref<!tpu.dma_semaphore, #tpu.memory_space<semaphore_mem>>) src(%arg9 : memref<96x128xf32, #tpu.memory_space<vmem>>) dst(%dma_wait3A_84 : memref<10112x128xf32, #tpu.memory_space<vmem_shared>>)
      tpu.yield
    }) : () -> ()
    %dma_start3A_49 = arith.constant 9984 : i32
    %dma_start3A_50 = tpu.memref_slice %arg7[%dma_start3A_49] : memref<10080xi32, #tpu.memory_space<vmem>> -> memref<96xi32, #tpu.memory_space<vmem>>
    %dma_start3A_51 = arith.constant 0 : i32
    %dma_start3A_52 = arith.constant 0 : i32
    %dma_start3A_53 = tpu.memref_slice %arg5[%dma_start3A_51, %dma_start3A_52] : memref<10112x128xf32, #tpu.memory_space<hbm>> -> memref<10112x128xf32, #tpu.memory_space<hbm>>
    tpu.enqueue_indirect_dma source(%dma_start3A_53 : memref<10112x128xf32, #tpu.memory_space<hbm>>) target(%arg9 : memref<96x128xf32, #tpu.memory_space<vmem>>) offsets(%dma_start3A_50 : memref<96xi32, #tpu.memory_space<vmem>>) semaphore(%arg12 : memref<!tpu.dma_semaphore, #tpu.memory_space<semaphore_mem>>)
    %dma_wait3A_54 = arith.constant 9888 : i32
    %dma_wait3A_55 = tpu.memref_slice %arg7[%dma_wait3A_54] : memref<10080xi32, #tpu.memory_space<vmem>> -> memref<96xi32, #tpu.memory_space<vmem>>
    %dma_wait3A_56 = arith.constant 0 : i32
    %dma_wait3A_57 = arith.constant 0 : i32
    %dma_wait3A_58 = tpu.memref_slice %arg5[%dma_wait3A_56, %dma_wait3A_57] : memref<10112x128xf32, #tpu.memory_space<hbm>> -> memref<10112x128xf32, #tpu.memory_space<hbm>>
    tpu.wait_indirect_dma semaphore(%arg13 : memref<!tpu.dma_semaphore, #tpu.memory_space<semaphore_mem>>) src(%dma_wait3A_58 : memref<10112x128xf32, #tpu.memory_space<hbm>>) dst(%arg10 : memref<96x128xf32, #tpu.memory_space<vmem>>)
    %run_scoped3A_59 = arith.constant 103 : i32
    "tpu.region"() ({
      %run_scoped3A_72 = tpu.sem_alloc : memref<!tpu.dma_semaphore, #tpu.memory_space<semaphore_mem>>
      %dma_start3A_73 = arith.constant 0 : i32
      %dma_start3A_74 = tpu.memref_slice %arg8[%run_scoped3A_59, %dma_start3A_73] : memref<105x96xi32, #tpu.memory_space<vmem>> -> memref<1x96xi32, #tpu.memory_space<vmem>>
      %dma_start3A_75 = tpu.memref_squeeze %dma_start3A_74 : memref<1x96xi32, #tpu.memory_space<vmem>> -> memref<96xi32, #tpu.memory_space<vmem>>
      %dma_start3A_76 = arith.constant 0 : i32
      %dma_start3A_77 = arith.constant 0 : i32
      %dma_start3A_78 = tpu.memref_slice %arg11[%dma_start3A_76, %dma_start3A_77] : memref<10112x128xf32, #tpu.memory_space<vmem_shared>> -> memref<10112x128xf32, #tpu.memory_space<vmem_shared>>
      tpu.enqueue_indirect_dma source(%arg10 : memref<96x128xf32, #tpu.memory_space<vmem>>) target(%dma_start3A_78 : memref<10112x128xf32, #tpu.memory_space<vmem_shared>>) offsets(%dma_start3A_75 : memref<96xi32, #tpu.memory_space<vmem>>) semaphore(%run_scoped3A_72 : memref<!tpu.dma_semaphore, #tpu.memory_space<semaphore_mem>>) {add = true}
      %dma_wait3A_79 = arith.constant 0 : i32
      %dma_wait3A_80 = tpu.memref_slice %arg8[%run_scoped3A_59, %dma_wait3A_79] : memref<105x96xi32, #tpu.memory_space<vmem>> -> memref<1x96xi32, #tpu.memory_space<vmem>>
      %dma_wait3A_81 = tpu.memref_squeeze %dma_wait3A_80 : memref<1x96xi32, #tpu.memory_space<vmem>> -> memref<96xi32, #tpu.memory_space<vmem>>
      %dma_wait3A_82 = arith.constant 0 : i32
      %dma_wait3A_83 = arith.constant 0 : i32
      %dma_wait3A_84 = tpu.memref_slice %arg11[%dma_wait3A_82, %dma_wait3A_83] : memref<10112x128xf32, #tpu.memory_space<vmem_shared>> -> memref<10112x128xf32, #tpu.memory_space<vmem_shared>>
      tpu.wait_indirect_dma semaphore(%run_scoped3A_72 : memref<!tpu.dma_semaphore, #tpu.memory_space<semaphore_mem>>) src(%arg10 : memref<96x128xf32, #tpu.memory_space<vmem>>) dst(%dma_wait3A_84 : memref<10112x128xf32, #tpu.memory_space<vmem_shared>>)
      tpu.yield
    }) : () -> ()
    %dma_wait3A_60 = arith.constant 9984 : i32
    %dma_wait3A_61 = tpu.memref_slice %arg7[%dma_wait3A_60] : memref<10080xi32, #tpu.memory_space<vmem>> -> memref<96xi32, #tpu.memory_space<vmem>>
    %dma_wait3A_62 = arith.constant 0 : i32
    %dma_wait3A_63 = arith.constant 0 : i32
    %dma_wait3A_64 = tpu.memref_slice %arg5[%dma_wait3A_62, %dma_wait3A_63] : memref<10112x128xf32, #tpu.memory_space<hbm>> -> memref<10112x128xf32, #tpu.memory_space<hbm>>
    tpu.wait_indirect_dma semaphore(%arg12 : memref<!tpu.dma_semaphore, #tpu.memory_space<semaphore_mem>>) src(%dma_wait3A_64 : memref<10112x128xf32, #tpu.memory_space<hbm>>) dst(%arg9 : memref<96x128xf32, #tpu.memory_space<vmem>>)
    %run_scoped3A_65 = arith.constant 104 : i32
    "tpu.region"() ({
      %run_scoped3A_72 = tpu.sem_alloc : memref<!tpu.dma_semaphore, #tpu.memory_space<semaphore_mem>>
      %dma_start3A_73 = arith.constant 0 : i32
      %dma_start3A_74 = tpu.memref_slice %arg8[%run_scoped3A_65, %dma_start3A_73] : memref<105x96xi32, #tpu.memory_space<vmem>> -> memref<1x96xi32, #tpu.memory_space<vmem>>
      %dma_start3A_75 = tpu.memref_squeeze %dma_start3A_74 : memref<1x96xi32, #tpu.memory_space<vmem>> -> memref<96xi32, #tpu.memory_space<vmem>>
      %dma_start3A_76 = arith.constant 0 : i32
      %dma_start3A_77 = arith.constant 0 : i32
      %dma_start3A_78 = tpu.memref_slice %arg11[%dma_start3A_76, %dma_start3A_77] : memref<10112x128xf32, #tpu.memory_space<vmem_shared>> -> memref<10112x128xf32, #tpu.memory_space<vmem_shared>>
      tpu.enqueue_indirect_dma source(%arg9 : memref<96x128xf32, #tpu.memory_space<vmem>>) target(%dma_start3A_78 : memref<10112x128xf32, #tpu.memory_space<vmem_shared>>) offsets(%dma_start3A_75 : memref<96xi32, #tpu.memory_space<vmem>>) semaphore(%run_scoped3A_72 : memref<!tpu.dma_semaphore, #tpu.memory_space<semaphore_mem>>) {add = true}
      %dma_wait3A_79 = arith.constant 0 : i32
      %dma_wait3A_80 = tpu.memref_slice %arg8[%run_scoped3A_65, %dma_wait3A_79] : memref<105x96xi32, #tpu.memory_space<vmem>> -> memref<1x96xi32, #tpu.memory_space<vmem>>
      %dma_wait3A_81 = tpu.memref_squeeze %dma_wait3A_80 : memref<1x96xi32, #tpu.memory_space<vmem>> -> memref<96xi32, #tpu.memory_space<vmem>>
      %dma_wait3A_82 = arith.constant 0 : i32
      %dma_wait3A_83 = arith.constant 0 : i32
      %dma_wait3A_84 = tpu.memref_slice %arg11[%dma_wait3A_82, %dma_wait3A_83] : memref<10112x128xf32, #tpu.memory_space<vmem_shared>> -> memref<10112x128xf32, #tpu.memory_space<vmem_shared>>
      tpu.wait_indirect_dma semaphore(%run_scoped3A_72 : memref<!tpu.dma_semaphore, #tpu.memory_space<semaphore_mem>>) src(%arg9 : memref<96x128xf32, #tpu.memory_space<vmem>>) dst(%dma_wait3A_84 : memref<10112x128xf32, #tpu.memory_space<vmem_shared>>)
      tpu.yield
    }) : () -> ()
    %barrier3A_66 = arith.constant 0 : index
    tpu.barrier barrier_id(%barrier3A_66)
    %mul3A_67 = arith.constant 632 : i32
    %mul3A_68 = arith.muli %arg1, %mul3A_67 : i32
    %mul3A_69 = arith.constant 632 : i32
    %mul3A_70 = arith.muli %arg1, %mul3A_69 : i32
    %run_scoped3A_71 = arith.constant 0 : i32
    "tpu.region"() ({
      %run_scoped3A_72 = tpu.sem_alloc : memref<!tpu.dma_semaphore, #tpu.memory_space<semaphore_mem>>
      %dma_start3A_73 = arith.constant 0 : i32
      %dma_start3A_74 = tpu.memref_slice %arg6[%arg0, %run_scoped3A_71, %mul3A_70, %dma_start3A_73] : memref<2x1x10112x128xf32, #tpu.memory_space<hbm>> -> memref<1x1x632x128xf32, #tpu.memory_space<hbm>>
      %dma_start3A_75 = tpu.memref_squeeze %dma_start3A_74 : memref<1x1x632x128xf32, #tpu.memory_space<hbm>> -> memref<632x128xf32, #tpu.memory_space<hbm>>
      %dma_start3A_76 = arith.constant 0 : i32
      %dma_start3A_77 = tpu.memref_slice %arg11[%mul3A_68, %dma_start3A_76] : memref<10112x128xf32, #tpu.memory_space<vmem_shared>> -> memref<632x128xf32, #tpu.memory_space<vmem_shared>>
      tpu.enqueue_dma source(%dma_start3A_77 : memref<632x128xf32, #tpu.memory_space<vmem_shared>>) target(%dma_start3A_75 : memref<632x128xf32, #tpu.memory_space<hbm>>) target_semaphore(%run_scoped3A_72 : memref<!tpu.dma_semaphore, #tpu.memory_space<semaphore_mem>>)
      %dma_wait3A_78 = arith.constant 0 : i32
      %dma_wait3A_79 = tpu.memref_slice %arg6[%arg0, %run_scoped3A_71, %mul3A_70, %dma_wait3A_78] : memref<2x1x10112x128xf32, #tpu.memory_space<hbm>> -> memref<1x1x632x128xf32, #tpu.memory_space<hbm>>
      %dma_wait3A_80 = tpu.memref_squeeze %dma_wait3A_79 : memref<1x1x632x128xf32, #tpu.memory_space<hbm>> -> memref<632x128xf32, #tpu.memory_space<hbm>>
      %dma_wait3A_81 = arith.constant 0 : i32
      %dma_wait3A_82 = tpu.memref_slice %arg11[%mul3A_68, %dma_wait3A_81] : memref<10112x128xf32, #tpu.memory_space<vmem_shared>> -> memref<632x128xf32, #tpu.memory_space<vmem_shared>>
      tpu.wait_dma2 semaphore(%run_scoped3A_72 : memref<!tpu.dma_semaphore, #tpu.memory_space<semaphore_mem>>) src(%dma_wait3A_82 : memref<632x128xf32, #tpu.memory_space<vmem_shared>>) dst(%dma_wait3A_80 : memref<632x128xf32, #tpu.memory_space<hbm>>)
      tpu.yield
    }) : () -> ()
    return
  }
}

module attributes {stable_mosaic.version = 14 : i64} {
  func.func @_tc_a_body(%arg0: i32, %arg1: memref<1x632x32xf32, #tpu.memory_space<vmem>>, %arg2: memref<632x128xf32, #tpu.memory_space<vmem>>, %arg3: memref<632x1xf32, #tpu.memory_space<vmem>>, %arg4: memref<632x128xf32, #tpu.memory_space<vmem>>) attributes {dimension_semantics = [#tpu.dimension_semantics<arbitrary>], iteration_bounds = array<i64: 16>, scalar_prefetch = 0 : i64, scratch_operands = 0 : i64, tpu.core_type = #tpu.core_type<tc>, window_params = [{transform_indices = @transform_0, window_bounds = array<i64: 1, 632, 32>}, {transform_indices = @transform_1, window_bounds = array<i64: 632, 128>}, {transform_indices = @transform_2, window_bounds = array<i64: 632, 1>}, {transform_indices = @transform_3, window_bounds = array<i64: 632, 128>}]} {
    %get3A = arith.constant 0 : index
    %get3A_0 = arith.constant 0 : index
    %get3A_1 = arith.constant 0 : index
    %get3A_2 = vector.load %arg1[%get3A, %get3A_0, %get3A_1] : memref<1x632x32xf32, #tpu.memory_space<vmem>>, vector<1x632x32xf32>
    %get3A_3 = vector.shape_cast %get3A_2 : vector<1x632x32xf32> to vector<632x32xf32>
    %reduce_sum3A = arith.constant dense<0.000000e+00> : vector<632xf32>
    %reduce_sum3A_4 = vector.multi_reduction <add>, %get3A_3, %reduce_sum3A [1] : vector<632x32xf32> to vector<632xf32>
    %iota3A = tpu.iota {dimensions = array<i32: 0>} : vector<632x1xi32>
    %mul3A = arith.constant 632 : i32
    %mul3A_5 = arith.muli %arg0, %mul3A : i32
    %add3A = vector.broadcast %mul3A_5 : i32 to vector<632x1xi32>
    %add3A_6 = arith.addi %iota3A, %add3A : vector<632x1xi32>
    %ge3A = arith.constant 2560 : i32
    %ge3A_7 = vector.broadcast %ge3A : i32 to vector<632x1xi32>
    %ge3A_8 = arith.cmpi sge, %add3A_6, %ge3A_7 : vector<632x1xi32>
    %lt3A = arith.constant 10000 : i32
    %lt3A_9 = vector.broadcast %lt3A : i32 to vector<632x1xi32>
    %lt3A_10 = arith.cmpi slt, %add3A_6, %lt3A_9 : vector<632x1xi32>
    %and3A = arith.andi %ge3A_8, %lt3A_10 : vector<632x1xi1>
    %convert_element_type3A = arith.extui %and3A : vector<632x1xi1> to vector<632x1xi32>
    %convert_element_type3A_11 = arith.sitofp %convert_element_type3A : vector<632x1xi32> to vector<632x1xf32>
    %squeeze3A = vector.shape_cast %convert_element_type3A_11 : vector<632x1xf32> to vector<632xf32>
    %add3A_12 = arith.addf %reduce_sum3A_4, %squeeze3A : vector<632xf32>
    %gt3A = arith.constant 0.000000e+00 : f32
    %gt3A_13 = vector.broadcast %gt3A : f32 to vector<632xf32>
    %gt3A_14 = arith.cmpf ogt, %add3A_12, %gt3A_13 : vector<632xf32>
    %max3A = arith.constant 9.99999996E-13 : f32
    %max3A_15 = vector.broadcast %max3A : f32 to vector<632xf32>
    %max3A_16 = arith.maximumf %add3A_12, %max3A_15 : vector<632xf32>
    %rsqrt3A = math.rsqrt %max3A_16 : vector<632xf32>
    %jit3A = arith.constant 0.000000e+00 : f32
    %broadcast_in_dim3A = vector.broadcast %jit3A : f32 to vector<632xf32>
    %select_n3A = arith.select %gt3A_14, %rsqrt3A, %broadcast_in_dim3A : vector<632xi1>, vector<632xf32>
    %broadcast_in_dim3A_17 = vector.shape_cast %select_n3A : vector<632xf32> to vector<632x1xf32>
    %swap3A = arith.constant 0 : index
    %swap3A_18 = arith.constant 0 : index
    %swap3A_19 = vector.load %arg3[%swap3A, %swap3A_18] : memref<632x1xf32, #tpu.memory_space<vmem>>, vector<632x1xf32>
    tpu.vector_store %arg3[%swap3A, %swap3A_18], %broadcast_in_dim3A_17 {strides = array<i32>} : memref<632x1xf32, #tpu.memory_space<vmem>>, vector<632x1xf32>,
    %get3A_20 = arith.constant 0 : index
    %get3A_21 = arith.constant 0 : index
    %get3A_22 = vector.load %arg2[%get3A_20, %get3A_21] : memref<632x128xf32, #tpu.memory_space<vmem>>, vector<632x128xf32>
    %broadcast_in_dim3A_23 = vector.shape_cast %select_n3A : vector<632xf32> to vector<632x1xf32>
    %mul3A_24 = vector.broadcast %broadcast_in_dim3A_23 : vector<632x1xf32> to vector<632x128xf32>
    %mul3A_25 = arith.mulf %get3A_22, %mul3A_24 : vector<632x128xf32>
    %swap3A_26 = arith.constant 0 : index
    %swap3A_27 = arith.constant 0 : index
    %swap3A_28 = vector.load %arg4[%swap3A_26, %swap3A_27] : memref<632x128xf32, #tpu.memory_space<vmem>>, vector<632x128xf32>
    tpu.vector_store %arg4[%swap3A_26, %swap3A_27], %mul3A_25 {strides = array<i32>} : memref<632x128xf32, #tpu.memory_space<vmem>>, vector<632x128xf32>,
    return
  }
  func.func @transform_0(%arg0: i32) -> (i32, i32, i32) {
    %c0_i32 = arith.constant 0 : i32
    %c0_i32_0 = arith.constant 0 : i32
    %c0_i32_1 = arith.constant 0 : i32
    return %arg0, %c0_i32, %c0_i32_0 : i32, i32, i32
  }
  func.func @transform_1(%arg0: i32) -> (i32, i32) {
    %c0_i32 = arith.constant 0 : i32
    %c0_i32_0 = arith.constant 0 : i32
    return %arg0, %c0_i32 : i32, i32
  }
  func.func @transform_2(%arg0: i32) -> (i32, i32) {
    %c0_i32 = arith.constant 0 : i32
    %c0_i32_0 = arith.constant 0 : i32
    return %arg0, %c0_i32 : i32, i32
  }
  func.func @transform_3(%arg0: i32) -> (i32, i32) {
    %c0_i32 = arith.constant 0 : i32
    %c0_i32_0 = arith.constant 0 : i32
    return %arg0, %c0_i32 : i32, i32
  }
}

module attributes {stable_mosaic.version = 14 : i64} {
  func.func @_tc_b_body(%arg0: i32, %arg1: memref<2x1x632x128xf32, #tpu.memory_space<vmem>>, %arg2: memref<632x128xf32, #tpu.memory_space<vmem>>, %arg3: memref<632x1xf32, #tpu.memory_space<vmem>>, %arg4: memref<128x512xf32, #tpu.memory_space<vmem>>, %arg5: memref<512xf32, #tpu.memory_space<vmem>>, %arg6: memref<632x128xf32, #tpu.memory_space<vmem>>, %arg7: memref<632x128xf32, #tpu.memory_space<vmem>>, %arg8: memref<632x128xf32, #tpu.memory_space<vmem>>, %arg9: memref<632x128xf32, #tpu.memory_space<vmem>>) attributes {dimension_semantics = [#tpu.dimension_semantics<arbitrary>], iteration_bounds = array<i64: 16>, scalar_prefetch = 0 : i64, scratch_operands = 0 : i64, tpu.core_type = #tpu.core_type<tc>, window_params = [{transform_indices = @transform_0, window_bounds = array<i64: 2, 1, 632, 128>}, {transform_indices = @transform_1, window_bounds = array<i64: 632, 128>}, {transform_indices = @transform_2, window_bounds = array<i64: 632, 1>}, {pipeline_mode = #tpu.pipeline_mode<synchronous>, transform_indices = @transform_3, window_bounds = array<i64: 128, 512>}, {pipeline_mode = #tpu.pipeline_mode<synchronous>, transform_indices = @transform_4, window_bounds = array<i64: 512>}, {transform_indices = @transform_5, window_bounds = array<i64: 632, 128>}, {transform_indices = @transform_6, window_bounds = array<i64: 632, 128>}, {transform_indices = @transform_7, window_bounds = array<i64: 632, 128>}, {transform_indices = @transform_8, window_bounds = array<i64: 632, 128>}]} {
    %iota3A = tpu.iota {dimensions = array<i32: 0>} : vector<632x1xi32>
    %mul3A = arith.constant 632 : i32
    %mul3A_0 = arith.muli %arg0, %mul3A : i32
    %add3A = vector.broadcast %mul3A_0 : i32 to vector<632x1xi32>
    %add3A_1 = arith.addi %iota3A, %add3A : vector<632x1xi32>
    %ge3A = arith.constant 2560 : i32
    %ge3A_2 = vector.broadcast %ge3A : i32 to vector<632x1xi32>
    %ge3A_3 = arith.cmpi sge, %add3A_1, %ge3A_2 : vector<632x1xi32>
    %lt3A = arith.constant 10000 : i32
    %lt3A_4 = vector.broadcast %lt3A : i32 to vector<632x1xi32>
    %lt3A_5 = arith.cmpi slt, %add3A_1, %lt3A_4 : vector<632x1xi32>
    %and3A = arith.andi %ge3A_3, %lt3A_5 : vector<632x1xi1>
    %convert_element_type3A = arith.extui %and3A : vector<632x1xi1> to vector<632x1xi32>
    %convert_element_type3A_6 = arith.sitofp %convert_element_type3A : vector<632x1xi32> to vector<632x1xf32>
    %get3A = arith.constant 0 : index
    %get3A_7 = arith.constant 0 : index
    %get3A_8 = arith.constant 0 : index
    %get3A_9 = arith.constant 0 : index
    %get3A_10 = vector.load %arg1[%get3A, %get3A_7, %get3A_8, %get3A_9] : memref<2x1x632x128xf32, #tpu.memory_space<vmem>>, vector<1x1x632x128xf32>
    %get3A_11 = vector.shape_cast %get3A_10 : vector<1x1x632x128xf32> to vector<1x632x128xf32>
    %get3A_12 = arith.constant 1 : index
    %get3A_13 = arith.constant 0 : index
    %get3A_14 = arith.constant 0 : index
    %get3A_15 = arith.constant 0 : index
    %get3A_16 = vector.load %arg1[%get3A_12, %get3A_13, %get3A_14, %get3A_15] : memref<2x1x632x128xf32, #tpu.memory_space<vmem>>, vector<1x1x632x128xf32>
    %get3A_17 = vector.shape_cast %get3A_16 : vector<1x1x632x128xf32> to vector<1x632x128xf32>
    %add3A_18 = arith.addf %get3A_11, %get3A_17 : vector<1x632x128xf32>
    %squeeze3A = vector.shape_cast %add3A_18 : vector<1x632x128xf32> to vector<632x128xf32>
    %get3A_19 = arith.constant 0 : index
    %get3A_20 = arith.constant 0 : index
    %get3A_21 = vector.load %arg2[%get3A_19, %get3A_20] : memref<632x128xf32, #tpu.memory_space<vmem>>, vector<632x128xf32>
    %mul3A_22 = vector.broadcast %convert_element_type3A_6 : vector<632x1xf32> to vector<632x128xf32>
    %mul3A_23 = arith.mulf %mul3A_22, %get3A_21 : vector<632x128xf32>
    %add3A_24 = arith.addf %squeeze3A, %mul3A_23 : vector<632x128xf32>
    %get3A_25 = arith.constant 0 : index
    %get3A_26 = arith.constant 0 : index
    %get3A_27 = vector.load %arg3[%get3A_25, %get3A_26] : memref<632x1xf32, #tpu.memory_space<vmem>>, vector<632x1xf32>
    %mul3A_28 = vector.broadcast %get3A_27 : vector<632x1xf32> to vector<632x128xf32>
    %mul3A_29 = arith.mulf %add3A_24, %mul3A_28 : vector<632x128xf32>
    %get3A_30 = arith.constant 0 : index
    %get3A_31 = arith.constant 0 : index
    %get3A_32 = vector.load %arg4[%get3A_30, %get3A_31] : memref<128x512xf32, #tpu.memory_space<vmem>>, vector<128x512xf32>
    %dot_general3A = arith.constant dense<0.000000e+00> : vector<632x512xf32>
    %dot_general3A_33 = tpu.matmul %mul3A_29, %get3A_32, %dot_general3A {dimension_numbers = #tpu.dot_dimension_numbers<[1], [0], [0], [1], [0, 0, 1, 1], [], []>, transpose_lhs_hint = false} : vector<632x128xf32>, vector<128x512xf32>, vector<632x512xf32> -> vector<632x512xf32>
    %get3A_34 = arith.constant 0 : index
    %get3A_35 = vector.load %arg5[%get3A_34] : memref<512xf32, #tpu.memory_space<vmem>>, vector<512xf32>
    %broadcast_in_dim3A = vector.shape_cast %get3A_35 : vector<512xf32> to vector<1x512xf32>
    %add3A_36 = vector.broadcast %broadcast_in_dim3A : vector<1x512xf32> to vector<632x512xf32>
    %add3A_37 = arith.addf %dot_general3A_33, %add3A_36 : vector<632x512xf32>
    %mul3A_38 = arith.constant 5.000000e-01 : f32
    %mul3A_39 = vector.broadcast %mul3A_38 : f32 to vector<632x512xf32>
    %mul3A_40 = arith.mulf %mul3A_39, %add3A_37 : vector<632x512xf32>
    %mul3A_41 = arith.constant 0.707106769 : f32
    %mul3A_42 = vector.broadcast %mul3A_41 : f32 to vector<632x512xf32>
    %mul3A_43 = arith.mulf %add3A_37, %mul3A_42 : vector<632x512xf32>
    %erf3A = math.erf %mul3A_43 : vector<632x512xf32>
    %add3A_44 = arith.constant 1.000000e+00 : f32
    %add3A_45 = vector.broadcast %add3A_44 : f32 to vector<632x512xf32>
    %add3A_46 = arith.addf %add3A_45, %erf3A : vector<632x512xf32>
    %mul3A_47 = arith.mulf %mul3A_40, %add3A_46 : vector<632x512xf32>
    %mul3A_48 = vector.broadcast %get3A_27 : vector<632x1xf32> to vector<632x512xf32>
    %mul3A_49 = arith.mulf %mul3A_47, %mul3A_48 : vector<632x512xf32>
    %slice3A = vector.extract_strided_slice %mul3A_49 {offsets = [0, 0], sizes = [632, 128], strides = [1, 1]} : vector<632x512xf32> to vector<632x128xf32>
    %swap3A = arith.constant 0 : index
    %swap3A_50 = arith.constant 0 : index
    %swap3A_51 = vector.load %arg6[%swap3A, %swap3A_50] : memref<632x128xf32, #tpu.memory_space<vmem>>, vector<632x128xf32>
    tpu.vector_store %arg6[%swap3A, %swap3A_50], %slice3A {strides = array<i32>} : memref<632x128xf32, #tpu.memory_space<vmem>>, vector<632x128xf32>,
    %slice3A_52 = vector.extract_strided_slice %mul3A_49 {offsets = [0, 128], sizes = [632, 128], strides = [1, 1]} : vector<632x512xf32> to vector<632x128xf32>
    %swap3A_53 = arith.constant 0 : index
    %swap3A_54 = arith.constant 0 : index
    %swap3A_55 = vector.load %arg7[%swap3A_53, %swap3A_54] : memref<632x128xf32, #tpu.memory_space<vmem>>, vector<632x128xf32>
    tpu.vector_store %arg7[%swap3A_53, %swap3A_54], %slice3A_52 {strides = array<i32>} : memref<632x128xf32, #tpu.memory_space<vmem>>, vector<632x128xf32>,
    %slice3A_56 = vector.extract_strided_slice %mul3A_49 {offsets = [0, 256], sizes = [632, 128], strides = [1, 1]} : vector<632x512xf32> to vector<632x128xf32>
    %swap3A_57 = arith.constant 0 : index
    %swap3A_58 = arith.constant 0 : index
    %swap3A_59 = vector.load %arg8[%swap3A_57, %swap3A_58] : memref<632x128xf32, #tpu.memory_space<vmem>>, vector<632x128xf32>
    tpu.vector_store %arg8[%swap3A_57, %swap3A_58], %slice3A_56 {strides = array<i32>} : memref<632x128xf32, #tpu.memory_space<vmem>>, vector<632x128xf32>,
    %slice3A_60 = vector.extract_strided_slice %mul3A_49 {offsets = [0, 384], sizes = [632, 128], strides = [1, 1]} : vector<632x512xf32> to vector<632x128xf32>
    %swap3A_61 = arith.constant 0 : index
    %swap3A_62 = arith.constant 0 : index
    %swap3A_63 = vector.load %arg9[%swap3A_61, %swap3A_62] : memref<632x128xf32, #tpu.memory_space<vmem>>, vector<632x128xf32>
    tpu.vector_store %arg9[%swap3A_61, %swap3A_62], %slice3A_60 {strides = array<i32>} : memref<632x128xf32, #tpu.memory_space<vmem>>, vector<632x128xf32>,
    return
  }
  func.func @transform_0(%arg0: i32) -> (i32, i32, i32, i32) {
    %c0_i32 = arith.constant 0 : i32
    %c0_i32_0 = arith.constant 0 : i32
    %c0_i32_1 = arith.constant 0 : i32
    %c0_i32_2 = arith.constant 0 : i32
    return %c0_i32, %c0_i32_0, %arg0, %c0_i32_1 : i32, i32, i32, i32
  }
  func.func @transform_1(%arg0: i32) -> (i32, i32) {
    %c0_i32 = arith.constant 0 : i32
    %c0_i32_0 = arith.constant 0 : i32
    return %arg0, %c0_i32 : i32, i32
  }
  func.func @transform_2(%arg0: i32) -> (i32, i32) {
    %c0_i32 = arith.constant 0 : i32
    %c0_i32_0 = arith.constant 0 : i32
    return %arg0, %c0_i32 : i32, i32
  }
  func.func @transform_3(%arg0: i32) -> (i32, i32) {
    %c0_i32 = arith.constant 0 : i32
    %c0_i32_0 = arith.constant 0 : i32
    %c0_i32_1 = arith.constant 0 : i32
    return %c0_i32, %c0_i32_0 : i32, i32
  }
  func.func @transform_4(%arg0: i32) -> i32 {
    %c0_i32 = arith.constant 0 : i32
    %c0_i32_0 = arith.constant 0 : i32
    return %c0_i32 : i32
  }
  func.func @transform_5(%arg0: i32) -> (i32, i32) {
    %c0_i32 = arith.constant 0 : i32
    %c0_i32_0 = arith.constant 0 : i32
    return %arg0, %c0_i32 : i32, i32
  }
  func.func @transform_6(%arg0: i32) -> (i32, i32) {
    %c0_i32 = arith.constant 0 : i32
    %c0_i32_0 = arith.constant 0 : i32
    return %arg0, %c0_i32 : i32, i32
  }
  func.func @transform_7(%arg0: i32) -> (i32, i32) {
    %c0_i32 = arith.constant 0 : i32
    %c0_i32_0 = arith.constant 0 : i32
    return %arg0, %c0_i32 : i32, i32
  }
  func.func @transform_8(%arg0: i32) -> (i32, i32) {
    %c0_i32 = arith.constant 0 : i32
    %c0_i32_0 = arith.constant 0 : i32
    return %arg0, %c0_i32 : i32, i32
  }
}

module attributes {stable_mosaic.version = 14 : i64} {
  func.func @_tc_c_body(%arg0: i32, %arg1: memref<2x4x632x128xf32, #tpu.memory_space<vmem>>, %arg2: memref<632x128xf32, #tpu.memory_space<vmem>>, %arg3: memref<632x128xf32, #tpu.memory_space<vmem>>, %arg4: memref<632x128xf32, #tpu.memory_space<vmem>>, %arg5: memref<632x128xf32, #tpu.memory_space<vmem>>, %arg6: memref<632x1xf32, #tpu.memory_space<vmem>>, %arg7: memref<512x768xf32, #tpu.memory_space<vmem>>, %arg8: memref<768xf32, #tpu.memory_space<vmem>>, %arg9: memref<768x512xf32, #tpu.memory_space<vmem>>, %arg10: memref<632x128xf32, #tpu.memory_space<vmem>>, %arg11: memref<632x128xf32, #tpu.memory_space<vmem>>, %arg12: memref<632x128xf32, #tpu.memory_space<vmem>>, %arg13: memref<632x128xf32, #tpu.memory_space<vmem>>) attributes {dimension_semantics = [#tpu.dimension_semantics<arbitrary>], iteration_bounds = array<i64: 16>, scalar_prefetch = 0 : i64, scratch_operands = 0 : i64, tpu.core_type = #tpu.core_type<tc>, window_params = [{transform_indices = @transform_0, window_bounds = array<i64: 2, 4, 632, 128>}, {transform_indices = @transform_1, window_bounds = array<i64: 632, 128>}, {transform_indices = @transform_2, window_bounds = array<i64: 632, 128>}, {transform_indices = @transform_3, window_bounds = array<i64: 632, 128>}, {transform_indices = @transform_4, window_bounds = array<i64: 632, 128>}, {transform_indices = @transform_5, window_bounds = array<i64: 632, 1>}, {pipeline_mode = #tpu.pipeline_mode<synchronous>, transform_indices = @transform_6, window_bounds = array<i64: 512, 768>}, {pipeline_mode = #tpu.pipeline_mode<synchronous>, transform_indices = @transform_7, window_bounds = array<i64: 768>}, {pipeline_mode = #tpu.pipeline_mode<synchronous>, transform_indices = @transform_8, window_bounds = array<i64: 768, 512>}, {transform_indices = @transform_9, window_bounds = array<i64: 632, 128>}, {transform_indices = @transform_10, window_bounds = array<i64: 632, 128>}, {transform_indices = @transform_11, window_bounds = array<i64: 632, 128>}, {transform_indices = @transform_12, window_bounds = array<i64: 632, 128>}]} {
    %iota3A = tpu.iota {dimensions = array<i32: 0>} : vector<632x1xi32>
    %mul3A = arith.constant 632 : i32
    %mul3A_0 = arith.muli %arg0, %mul3A : i32
    %add3A = vector.broadcast %mul3A_0 : i32 to vector<632x1xi32>
    %add3A_1 = arith.addi %iota3A, %add3A : vector<632x1xi32>
    %ge3A = arith.constant 2560 : i32
    %ge3A_2 = vector.broadcast %ge3A : i32 to vector<632x1xi32>
    %ge3A_3 = arith.cmpi sge, %add3A_1, %ge3A_2 : vector<632x1xi32>
    %lt3A = arith.constant 10000 : i32
    %lt3A_4 = vector.broadcast %lt3A : i32 to vector<632x1xi32>
    %lt3A_5 = arith.cmpi slt, %add3A_1, %lt3A_4 : vector<632x1xi32>
    %and3A = arith.andi %ge3A_3, %lt3A_5 : vector<632x1xi1>
    %convert_element_type3A = arith.extui %and3A : vector<632x1xi1> to vector<632x1xi32>
    %convert_element_type3A_6 = arith.sitofp %convert_element_type3A : vector<632x1xi32> to vector<632x1xf32>
    %get3A = arith.constant 0 : index
    %get3A_7 = arith.constant 0 : index
    %get3A_8 = arith.constant 0 : index
    %get3A_9 = arith.constant 0 : index
    %get3A_10 = vector.load %arg1[%get3A, %get3A_7, %get3A_8, %get3A_9] : memref<2x4x632x128xf32, #tpu.memory_space<vmem>>, vector<1x4x632x128xf32>
    %get3A_11 = vector.shape_cast %get3A_10 : vector<1x4x632x128xf32> to vector<4x632x128xf32>
    %get3A_12 = arith.constant 1 : index
    %get3A_13 = arith.constant 0 : index
    %get3A_14 = arith.constant 0 : index
    %get3A_15 = arith.constant 0 : index
    %get3A_16 = vector.load %arg1[%get3A_12, %get3A_13, %get3A_14, %get3A_15] : memref<2x4x632x128xf32, #tpu.memory_space<vmem>>, vector<1x4x632x128xf32>
    %get3A_17 = vector.shape_cast %get3A_16 : vector<1x4x632x128xf32> to vector<4x632x128xf32>
    %add3A_18 = arith.addf %get3A_11, %get3A_17 : vector<4x632x128xf32>
    %slice3A = vector.extract_strided_slice %add3A_18 {offsets = [0, 0, 0], sizes = [1, 632, 128], strides = [1, 1, 1]} : vector<4x632x128xf32> to vector<1x632x128xf32>
    %squeeze3A = vector.shape_cast %slice3A : vector<1x632x128xf32> to vector<632x128xf32>
    %get3A_19 = arith.constant 0 : index
    %get3A_20 = arith.constant 0 : index
    %get3A_21 = vector.load %arg2[%get3A_19, %get3A_20] : memref<632x128xf32, #tpu.memory_space<vmem>>, vector<632x128xf32>
    %mul3A_22 = vector.broadcast %convert_element_type3A_6 : vector<632x1xf32> to vector<632x128xf32>
    %mul3A_23 = arith.mulf %mul3A_22, %get3A_21 : vector<632x128xf32>
    %add3A_24 = arith.addf %squeeze3A, %mul3A_23 : vector<632x128xf32>
    %slice3A_25 = vector.extract_strided_slice %add3A_18 {offsets = [1, 0, 0], sizes = [1, 632, 128], strides = [1, 1, 1]} : vector<4x632x128xf32> to vector<1x632x128xf32>
    %squeeze3A_26 = vector.shape_cast %slice3A_25 : vector<1x632x128xf32> to vector<632x128xf32>
    %get3A_27 = arith.constant 0 : index
    %get3A_28 = arith.constant 0 : index
    %get3A_29 = vector.load %arg3[%get3A_27, %get3A_28] : memref<632x128xf32, #tpu.memory_space<vmem>>, vector<632x128xf32>
    %mul3A_30 = vector.broadcast %convert_element_type3A_6 : vector<632x1xf32> to vector<632x128xf32>
    %mul3A_31 = arith.mulf %mul3A_30, %get3A_29 : vector<632x128xf32>
    %add3A_32 = arith.addf %squeeze3A_26, %mul3A_31 : vector<632x128xf32>
    %slice3A_33 = vector.extract_strided_slice %add3A_18 {offsets = [2, 0, 0], sizes = [1, 632, 128], strides = [1, 1, 1]} : vector<4x632x128xf32> to vector<1x632x128xf32>
    %squeeze3A_34 = vector.shape_cast %slice3A_33 : vector<1x632x128xf32> to vector<632x128xf32>
    %get3A_35 = arith.constant 0 : index
    %get3A_36 = arith.constant 0 : index
    %get3A_37 = vector.load %arg4[%get3A_35, %get3A_36] : memref<632x128xf32, #tpu.memory_space<vmem>>, vector<632x128xf32>
    %mul3A_38 = vector.broadcast %convert_element_type3A_6 : vector<632x1xf32> to vector<632x128xf32>
    %mul3A_39 = arith.mulf %mul3A_38, %get3A_37 : vector<632x128xf32>
    %add3A_40 = arith.addf %squeeze3A_34, %mul3A_39 : vector<632x128xf32>
    %slice3A_41 = vector.extract_strided_slice %add3A_18 {offsets = [3, 0, 0], sizes = [1, 632, 128], strides = [1, 1, 1]} : vector<4x632x128xf32> to vector<1x632x128xf32>
    %squeeze3A_42 = vector.shape_cast %slice3A_41 : vector<1x632x128xf32> to vector<632x128xf32>
    %get3A_43 = arith.constant 0 : index
    %get3A_44 = arith.constant 0 : index
    %get3A_45 = vector.load %arg5[%get3A_43, %get3A_44] : memref<632x128xf32, #tpu.memory_space<vmem>>, vector<632x128xf32>
    %mul3A_46 = vector.broadcast %convert_element_type3A_6 : vector<632x1xf32> to vector<632x128xf32>
    %mul3A_47 = arith.mulf %mul3A_46, %get3A_45 : vector<632x128xf32>
    %add3A_48 = arith.addf %squeeze3A_42, %mul3A_47 : vector<632x128xf32>
    %concatenate3A = tpu.concatenate %add3A_24, %add3A_32, %add3A_40, %add3A_48 in 1 : vector<632x128xf32>, vector<632x128xf32>, vector<632x128xf32>, vector<632x128xf32> -> vector<632x512xf32>
    %get3A_49 = arith.constant 0 : index
    %get3A_50 = arith.constant 0 : index
    %get3A_51 = vector.load %arg6[%get3A_49, %get3A_50] : memref<632x1xf32, #tpu.memory_space<vmem>>, vector<632x1xf32>
    %mul3A_52 = vector.broadcast %get3A_51 : vector<632x1xf32> to vector<632x512xf32>
    %mul3A_53 = arith.mulf %concatenate3A, %mul3A_52 : vector<632x512xf32>
    %get3A_54 = arith.constant 0 : index
    %get3A_55 = arith.constant 0 : index
    %get3A_56 = vector.load %arg7[%get3A_54, %get3A_55] : memref<512x768xf32, #tpu.memory_space<vmem>>, vector<512x768xf32>
    %dot_general3A = arith.constant dense<0.000000e+00> : vector<632x768xf32>
    %dot_general3A_57 = tpu.matmul %mul3A_53, %get3A_56, %dot_general3A {dimension_numbers = #tpu.dot_dimension_numbers<[1], [0], [0], [1], [0, 0, 1, 1], [], []>, transpose_lhs_hint = false} : vector<632x512xf32>, vector<512x768xf32>, vector<632x768xf32> -> vector<632x768xf32>
    %get3A_58 = arith.constant 0 : index
    %get3A_59 = vector.load %arg8[%get3A_58] : memref<768xf32, #tpu.memory_space<vmem>>, vector<768xf32>
    %broadcast_in_dim3A = vector.shape_cast %get3A_59 : vector<768xf32> to vector<1x768xf32>
    %add3A_60 = vector.broadcast %broadcast_in_dim3A : vector<1x768xf32> to vector<632x768xf32>
    %add3A_61 = arith.addf %dot_general3A_57, %add3A_60 : vector<632x768xf32>
    %mul3A_62 = arith.constant 5.000000e-01 : f32
    %mul3A_63 = vector.broadcast %mul3A_62 : f32 to vector<632x768xf32>
    %mul3A_64 = arith.mulf %mul3A_63, %add3A_61 : vector<632x768xf32>
    %mul3A_65 = arith.constant 0.707106769 : f32
    %mul3A_66 = vector.broadcast %mul3A_65 : f32 to vector<632x768xf32>
    %mul3A_67 = arith.mulf %add3A_61, %mul3A_66 : vector<632x768xf32>
    %erf3A = math.erf %mul3A_67 : vector<632x768xf32>
    %add3A_68 = arith.constant 1.000000e+00 : f32
    %add3A_69 = vector.broadcast %add3A_68 : f32 to vector<632x768xf32>
    %add3A_70 = arith.addf %add3A_69, %erf3A : vector<632x768xf32>
    %mul3A_71 = arith.mulf %mul3A_64, %add3A_70 : vector<632x768xf32>
    %get3A_72 = arith.constant 0 : index
    %get3A_73 = arith.constant 0 : index
    %get3A_74 = vector.load %arg9[%get3A_72, %get3A_73] : memref<768x512xf32, #tpu.memory_space<vmem>>, vector<768x512xf32>
    %dot_general3A_75 = arith.constant dense<0.000000e+00> : vector<632x512xf32>
    %dot_general3A_76 = tpu.matmul %mul3A_71, %get3A_74, %dot_general3A_75 {dimension_numbers = #tpu.dot_dimension_numbers<[1], [0], [0], [1], [0, 0, 1, 1], [], []>, transpose_lhs_hint = false} : vector<632x768xf32>, vector<768x512xf32>, vector<632x512xf32> -> vector<632x512xf32>
    %mul3A_77 = vector.broadcast %get3A_51 : vector<632x1xf32> to vector<632x512xf32>
    %mul3A_78 = arith.mulf %dot_general3A_76, %mul3A_77 : vector<632x512xf32>
    %slice3A_79 = vector.extract_strided_slice %mul3A_78 {offsets = [0, 0], sizes = [632, 128], strides = [1, 1]} : vector<632x512xf32> to vector<632x128xf32>
    %swap3A = arith.constant 0 : index
    %swap3A_80 = arith.constant 0 : index
    %swap3A_81 = vector.load %arg10[%swap3A, %swap3A_80] : memref<632x128xf32, #tpu.memory_space<vmem>>, vector<632x128xf32>
    tpu.vector_store %arg10[%swap3A, %swap3A_80], %slice3A_79 {strides = array<i32>} : memref<632x128xf32, #tpu.memory_space<vmem>>, vector<632x128xf32>,
    %slice3A_82 = vector.extract_strided_slice %mul3A_78 {offsets = [0, 128], sizes = [632, 128], strides = [1, 1]} : vector<632x512xf32> to vector<632x128xf32>
    %swap3A_83 = arith.constant 0 : index
    %swap3A_84 = arith.constant 0 : index
    %swap3A_85 = vector.load %arg11[%swap3A_83, %swap3A_84] : memref<632x128xf32, #tpu.memory_space<vmem>>, vector<632x128xf32>
    tpu.vector_store %arg11[%swap3A_83, %swap3A_84], %slice3A_82 {strides = array<i32>} : memref<632x128xf32, #tpu.memory_space<vmem>>, vector<632x128xf32>,
    %slice3A_86 = vector.extract_strided_slice %mul3A_78 {offsets = [0, 256], sizes = [632, 128], strides = [1, 1]} : vector<632x512xf32> to vector<632x128xf32>
    %swap3A_87 = arith.constant 0 : index
    %swap3A_88 = arith.constant 0 : index
    %swap3A_89 = vector.load %arg12[%swap3A_87, %swap3A_88] : memref<632x128xf32, #tpu.memory_space<vmem>>, vector<632x128xf32>
    tpu.vector_store %arg12[%swap3A_87, %swap3A_88], %slice3A_86 {strides = array<i32>} : memref<632x128xf32, #tpu.memory_space<vmem>>, vector<632x128xf32>,
    %slice3A_90 = vector.extract_strided_slice %mul3A_78 {offsets = [0, 384], sizes = [632, 128], strides = [1, 1]} : vector<632x512xf32> to vector<632x128xf32>
    %swap3A_91 = arith.constant 0 : index
    %swap3A_92 = arith.constant 0 : index
    %swap3A_93 = vector.load %arg13[%swap3A_91, %swap3A_92] : memref<632x128xf32, #tpu.memory_space<vmem>>, vector<632x128xf32>
    tpu.vector_store %arg13[%swap3A_91, %swap3A_92], %slice3A_90 {strides = array<i32>} : memref<632x128xf32, #tpu.memory_space<vmem>>, vector<632x128xf32>,
    return
  }
  func.func @transform_0(%arg0: i32) -> (i32, i32, i32, i32) {
    %c0_i32 = arith.constant 0 : i32
    %c0_i32_0 = arith.constant 0 : i32
    %c0_i32_1 = arith.constant 0 : i32
    %c0_i32_2 = arith.constant 0 : i32
    return %c0_i32, %c0_i32_0, %arg0, %c0_i32_1 : i32, i32, i32, i32
  }
  func.func @transform_1(%arg0: i32) -> (i32, i32) {
    %c0_i32 = arith.constant 0 : i32
    %c0_i32_0 = arith.constant 0 : i32
    return %arg0, %c0_i32 : i32, i32
  }
  func.func @transform_2(%arg0: i32) -> (i32, i32) {
    %c0_i32 = arith.constant 0 : i32
    %c0_i32_0 = arith.constant 0 : i32
    return %arg0, %c0_i32 : i32, i32
  }
  func.func @transform_3(%arg0: i32) -> (i32, i32) {
    %c0_i32 = arith.constant 0 : i32
    %c0_i32_0 = arith.constant 0 : i32
    return %arg0, %c0_i32 : i32, i32
  }
  func.func @transform_4(%arg0: i32) -> (i32, i32) {
    %c0_i32 = arith.constant 0 : i32
    %c0_i32_0 = arith.constant 0 : i32
    return %arg0, %c0_i32 : i32, i32
  }
  func.func @transform_5(%arg0: i32) -> (i32, i32) {
    %c0_i32 = arith.constant 0 : i32
    %c0_i32_0 = arith.constant 0 : i32
    return %arg0, %c0_i32 : i32, i32
  }
  func.func @transform_6(%arg0: i32) -> (i32, i32) {
    %c0_i32 = arith.constant 0 : i32
    %c0_i32_0 = arith.constant 0 : i32
    %c0_i32_1 = arith.constant 0 : i32
    return %c0_i32, %c0_i32_0 : i32, i32
  }
  func.func @transform_7(%arg0: i32) -> i32 {
    %c0_i32 = arith.constant 0 : i32
    %c0_i32_0 = arith.constant 0 : i32
    return %c0_i32 : i32
  }
  func.func @transform_8(%arg0: i32) -> (i32, i32) {
    %c0_i32 = arith.constant 0 : i32
    %c0_i32_0 = arith.constant 0 : i32
    %c0_i32_1 = arith.constant 0 : i32
    return %c0_i32, %c0_i32_0 : i32, i32
  }
  func.func @transform_9(%arg0: i32) -> (i32, i32) {
    %c0_i32 = arith.constant 0 : i32
    %c0_i32_0 = arith.constant 0 : i32
    return %arg0, %c0_i32 : i32, i32
  }
  func.func @transform_10(%arg0: i32) -> (i32, i32) {
    %c0_i32 = arith.constant 0 : i32
    %c0_i32_0 = arith.constant 0 : i32
    return %arg0, %c0_i32 : i32, i32
  }
  func.func @transform_11(%arg0: i32) -> (i32, i32) {
    %c0_i32 = arith.constant 0 : i32
    %c0_i32_0 = arith.constant 0 : i32
    return %arg0, %c0_i32 : i32, i32
  }
  func.func @transform_12(%arg0: i32) -> (i32, i32) {
    %c0_i32 = arith.constant 0 : i32
    %c0_i32_0 = arith.constant 0 : i32
    return %arg0, %c0_i32 : i32, i32
  }
}

module attributes {stable_mosaic.version = 14 : i64} {
  func.func @_tc_d_body(%arg0: i32, %arg1: memref<2x4x632x128xf32, #tpu.memory_space<vmem>>, %arg2: memref<632x128xf32, #tpu.memory_space<vmem>>, %arg3: memref<632x128xf32, #tpu.memory_space<vmem>>, %arg4: memref<632x128xf32, #tpu.memory_space<vmem>>, %arg5: memref<632x128xf32, #tpu.memory_space<vmem>>, %arg6: memref<632x1xf32, #tpu.memory_space<vmem>>, %arg7: memref<512xf32, #tpu.memory_space<vmem>>, %arg8: memref<512x128xf32, #tpu.memory_space<vmem>>, %arg9: memref<632x128xf32, #tpu.memory_space<vmem>>) attributes {dimension_semantics = [#tpu.dimension_semantics<arbitrary>], iteration_bounds = array<i64: 16>, scalar_prefetch = 0 : i64, scratch_operands = 0 : i64, tpu.core_type = #tpu.core_type<tc>, window_params = [{transform_indices = @transform_0, window_bounds = array<i64: 2, 4, 632, 128>}, {transform_indices = @transform_1, window_bounds = array<i64: 632, 128>}, {transform_indices = @transform_2, window_bounds = array<i64: 632, 128>}, {transform_indices = @transform_3, window_bounds = array<i64: 632, 128>}, {transform_indices = @transform_4, window_bounds = array<i64: 632, 128>}, {transform_indices = @transform_5, window_bounds = array<i64: 632, 1>}, {pipeline_mode = #tpu.pipeline_mode<synchronous>, transform_indices = @transform_6, window_bounds = array<i64: 512>}, {pipeline_mode = #tpu.pipeline_mode<synchronous>, transform_indices = @transform_7, window_bounds = array<i64: 512, 128>}, {transform_indices = @transform_8, window_bounds = array<i64: 632, 128>}]} {
    %iota3A = tpu.iota {dimensions = array<i32: 0>} : vector<632x1xi32>
    %mul3A = arith.constant 632 : i32
    %mul3A_0 = arith.muli %arg0, %mul3A : i32
    %add3A = vector.broadcast %mul3A_0 : i32 to vector<632x1xi32>
    %add3A_1 = arith.addi %iota3A, %add3A : vector<632x1xi32>
    %ge3A = arith.constant 2560 : i32
    %ge3A_2 = vector.broadcast %ge3A : i32 to vector<632x1xi32>
    %ge3A_3 = arith.cmpi sge, %add3A_1, %ge3A_2 : vector<632x1xi32>
    %lt3A = arith.constant 10000 : i32
    %lt3A_4 = vector.broadcast %lt3A : i32 to vector<632x1xi32>
    %lt3A_5 = arith.cmpi slt, %add3A_1, %lt3A_4 : vector<632x1xi32>
    %and3A = arith.andi %ge3A_3, %lt3A_5 : vector<632x1xi1>
    %convert_element_type3A = arith.extui %and3A : vector<632x1xi1> to vector<632x1xi32>
    %convert_element_type3A_6 = arith.sitofp %convert_element_type3A : vector<632x1xi32> to vector<632x1xf32>
    %get3A = arith.constant 0 : index
    %get3A_7 = arith.constant 0 : index
    %get3A_8 = arith.constant 0 : index
    %get3A_9 = arith.constant 0 : index
    %get3A_10 = vector.load %arg1[%get3A, %get3A_7, %get3A_8, %get3A_9] : memref<2x4x632x128xf32, #tpu.memory_space<vmem>>, vector<1x4x632x128xf32>
    %get3A_11 = vector.shape_cast %get3A_10 : vector<1x4x632x128xf32> to vector<4x632x128xf32>
    %get3A_12 = arith.constant 1 : index
    %get3A_13 = arith.constant 0 : index
    %get3A_14 = arith.constant 0 : index
    %get3A_15 = arith.constant 0 : index
    %get3A_16 = vector.load %arg1[%get3A_12, %get3A_13, %get3A_14, %get3A_15] : memref<2x4x632x128xf32, #tpu.memory_space<vmem>>, vector<1x4x632x128xf32>
    %get3A_17 = vector.shape_cast %get3A_16 : vector<1x4x632x128xf32> to vector<4x632x128xf32>
    %add3A_18 = arith.addf %get3A_11, %get3A_17 : vector<4x632x128xf32>
    %slice3A = vector.extract_strided_slice %add3A_18 {offsets = [0, 0, 0], sizes = [1, 632, 128], strides = [1, 1, 1]} : vector<4x632x128xf32> to vector<1x632x128xf32>
    %squeeze3A = vector.shape_cast %slice3A : vector<1x632x128xf32> to vector<632x128xf32>
    %get3A_19 = arith.constant 0 : index
    %get3A_20 = arith.constant 0 : index
    %get3A_21 = vector.load %arg2[%get3A_19, %get3A_20] : memref<632x128xf32, #tpu.memory_space<vmem>>, vector<632x128xf32>
    %mul3A_22 = vector.broadcast %convert_element_type3A_6 : vector<632x1xf32> to vector<632x128xf32>
    %mul3A_23 = arith.mulf %mul3A_22, %get3A_21 : vector<632x128xf32>
    %add3A_24 = arith.addf %squeeze3A, %mul3A_23 : vector<632x128xf32>
    %slice3A_25 = vector.extract_strided_slice %add3A_18 {offsets = [1, 0, 0], sizes = [1, 632, 128], strides = [1, 1, 1]} : vector<4x632x128xf32> to vector<1x632x128xf32>
    %squeeze3A_26 = vector.shape_cast %slice3A_25 : vector<1x632x128xf32> to vector<632x128xf32>
    %get3A_27 = arith.constant 0 : index
    %get3A_28 = arith.constant 0 : index
    %get3A_29 = vector.load %arg3[%get3A_27, %get3A_28] : memref<632x128xf32, #tpu.memory_space<vmem>>, vector<632x128xf32>
    %mul3A_30 = vector.broadcast %convert_element_type3A_6 : vector<632x1xf32> to vector<632x128xf32>
    %mul3A_31 = arith.mulf %mul3A_30, %get3A_29 : vector<632x128xf32>
    %add3A_32 = arith.addf %squeeze3A_26, %mul3A_31 : vector<632x128xf32>
    %slice3A_33 = vector.extract_strided_slice %add3A_18 {offsets = [2, 0, 0], sizes = [1, 632, 128], strides = [1, 1, 1]} : vector<4x632x128xf32> to vector<1x632x128xf32>
    %squeeze3A_34 = vector.shape_cast %slice3A_33 : vector<1x632x128xf32> to vector<632x128xf32>
    %get3A_35 = arith.constant 0 : index
    %get3A_36 = arith.constant 0 : index
    %get3A_37 = vector.load %arg4[%get3A_35, %get3A_36] : memref<632x128xf32, #tpu.memory_space<vmem>>, vector<632x128xf32>
    %mul3A_38 = vector.broadcast %convert_element_type3A_6 : vector<632x1xf32> to vector<632x128xf32>
    %mul3A_39 = arith.mulf %mul3A_38, %get3A_37 : vector<632x128xf32>
    %add3A_40 = arith.addf %squeeze3A_34, %mul3A_39 : vector<632x128xf32>
    %slice3A_41 = vector.extract_strided_slice %add3A_18 {offsets = [3, 0, 0], sizes = [1, 632, 128], strides = [1, 1, 1]} : vector<4x632x128xf32> to vector<1x632x128xf32>
    %squeeze3A_42 = vector.shape_cast %slice3A_41 : vector<1x632x128xf32> to vector<632x128xf32>
    %get3A_43 = arith.constant 0 : index
    %get3A_44 = arith.constant 0 : index
    %get3A_45 = vector.load %arg5[%get3A_43, %get3A_44] : memref<632x128xf32, #tpu.memory_space<vmem>>, vector<632x128xf32>
    %mul3A_46 = vector.broadcast %convert_element_type3A_6 : vector<632x1xf32> to vector<632x128xf32>
    %mul3A_47 = arith.mulf %mul3A_46, %get3A_45 : vector<632x128xf32>
    %add3A_48 = arith.addf %squeeze3A_42, %mul3A_47 : vector<632x128xf32>
    %concatenate3A = tpu.concatenate %add3A_24, %add3A_32, %add3A_40, %add3A_48 in 1 : vector<632x128xf32>, vector<632x128xf32>, vector<632x128xf32>, vector<632x128xf32> -> vector<632x512xf32>
    %get3A_49 = arith.constant 0 : index
    %get3A_50 = arith.constant 0 : index
    %get3A_51 = vector.load %arg6[%get3A_49, %get3A_50] : memref<632x1xf32, #tpu.memory_space<vmem>>, vector<632x1xf32>
    %mul3A_52 = vector.broadcast %get3A_51 : vector<632x1xf32> to vector<632x512xf32>
    %mul3A_53 = arith.mulf %concatenate3A, %mul3A_52 : vector<632x512xf32>
    %get3A_54 = arith.constant 0 : index
    %get3A_55 = vector.load %arg7[%get3A_54] : memref<512xf32, #tpu.memory_space<vmem>>, vector<512xf32>
    %broadcast_in_dim3A = vector.shape_cast %get3A_55 : vector<512xf32> to vector<1x512xf32>
    %add3A_56 = vector.broadcast %broadcast_in_dim3A : vector<1x512xf32> to vector<632x512xf32>
    %add3A_57 = arith.addf %mul3A_53, %add3A_56 : vector<632x512xf32>
    %mul3A_58 = arith.constant 5.000000e-01 : f32
    %mul3A_59 = vector.broadcast %mul3A_58 : f32 to vector<632x512xf32>
    %mul3A_60 = arith.mulf %mul3A_59, %add3A_57 : vector<632x512xf32>
    %mul3A_61 = arith.constant 0.707106769 : f32
    %mul3A_62 = vector.broadcast %mul3A_61 : f32 to vector<632x512xf32>
    %mul3A_63 = arith.mulf %add3A_57, %mul3A_62 : vector<632x512xf32>
    %erf3A = math.erf %mul3A_63 : vector<632x512xf32>
    %add3A_64 = arith.constant 1.000000e+00 : f32
    %add3A_65 = vector.broadcast %add3A_64 : f32 to vector<632x512xf32>
    %add3A_66 = arith.addf %add3A_65, %erf3A : vector<632x512xf32>
    %mul3A_67 = arith.mulf %mul3A_60, %add3A_66 : vector<632x512xf32>
    %get3A_68 = arith.constant 0 : index
    %get3A_69 = arith.constant 0 : index
    %get3A_70 = vector.load %arg8[%get3A_68, %get3A_69] : memref<512x128xf32, #tpu.memory_space<vmem>>, vector<512x128xf32>
    %dot_general3A = arith.constant dense<0.000000e+00> : vector<632x128xf32>
    %dot_general3A_71 = tpu.matmul %mul3A_67, %get3A_70, %dot_general3A {dimension_numbers = #tpu.dot_dimension_numbers<[1], [0], [0], [1], [0, 0, 1, 1], [], []>, transpose_lhs_hint = false} : vector<632x512xf32>, vector<512x128xf32>, vector<632x128xf32> -> vector<632x128xf32>
    %mul3A_72 = vector.broadcast %get3A_51 : vector<632x1xf32> to vector<632x128xf32>
    %mul3A_73 = arith.mulf %dot_general3A_71, %mul3A_72 : vector<632x128xf32>
    %swap3A = arith.constant 0 : index
    %swap3A_74 = arith.constant 0 : index
    %swap3A_75 = vector.load %arg9[%swap3A, %swap3A_74] : memref<632x128xf32, #tpu.memory_space<vmem>>, vector<632x128xf32>
    tpu.vector_store %arg9[%swap3A, %swap3A_74], %mul3A_73 {strides = array<i32>} : memref<632x128xf32, #tpu.memory_space<vmem>>, vector<632x128xf32>,
    return
  }
  func.func @transform_0(%arg0: i32) -> (i32, i32, i32, i32) {
    %c0_i32 = arith.constant 0 : i32
    %c0_i32_0 = arith.constant 0 : i32
    %c0_i32_1 = arith.constant 0 : i32
    %c0_i32_2 = arith.constant 0 : i32
    return %c0_i32, %c0_i32_0, %arg0, %c0_i32_1 : i32, i32, i32, i32
  }
  func.func @transform_1(%arg0: i32) -> (i32, i32) {
    %c0_i32 = arith.constant 0 : i32
    %c0_i32_0 = arith.constant 0 : i32
    return %arg0, %c0_i32 : i32, i32
  }
  func.func @transform_2(%arg0: i32) -> (i32, i32) {
    %c0_i32 = arith.constant 0 : i32
    %c0_i32_0 = arith.constant 0 : i32
    return %arg0, %c0_i32 : i32, i32
  }
  func.func @transform_3(%arg0: i32) -> (i32, i32) {
    %c0_i32 = arith.constant 0 : i32
    %c0_i32_0 = arith.constant 0 : i32
    return %arg0, %c0_i32 : i32, i32
  }
  func.func @transform_4(%arg0: i32) -> (i32, i32) {
    %c0_i32 = arith.constant 0 : i32
    %c0_i32_0 = arith.constant 0 : i32
    return %arg0, %c0_i32 : i32, i32
  }
  func.func @transform_5(%arg0: i32) -> (i32, i32) {
    %c0_i32 = arith.constant 0 : i32
    %c0_i32_0 = arith.constant 0 : i32
    return %arg0, %c0_i32 : i32, i32
  }
  func.func @transform_6(%arg0: i32) -> i32 {
    %c0_i32 = arith.constant 0 : i32
    %c0_i32_0 = arith.constant 0 : i32
    return %c0_i32 : i32
  }
  func.func @transform_7(%arg0: i32) -> (i32, i32) {
    %c0_i32 = arith.constant 0 : i32
    %c0_i32_0 = arith.constant 0 : i32
    %c0_i32_1 = arith.constant 0 : i32
    return %c0_i32, %c0_i32_0 : i32, i32
  }
  func.func @transform_8(%arg0: i32) -> (i32, i32) {
    %c0_i32 = arith.constant 0 : i32
    %c0_i32_0 = arith.constant 0 : i32
    return %arg0, %c0_i32 : i32, i32
  }
}

module attributes {stable_mosaic.version = 14 : i64} {
  func.func @_tc_e_body(%arg0: i32, %arg1: memref<2x1x632x128xf32, #tpu.memory_space<vmem>>, %arg2: memref<632x128xf32, #tpu.memory_space<vmem>>, %arg3: memref<632x1xf32, #tpu.memory_space<vmem>>, %arg4: memref<128xf32, #tpu.memory_space<vmem>>, %arg5: memref<632x128xf32, #tpu.memory_space<vmem>>) attributes {dimension_semantics = [#tpu.dimension_semantics<arbitrary>], iteration_bounds = array<i64: 16>, scalar_prefetch = 0 : i64, scratch_operands = 0 : i64, tpu.core_type = #tpu.core_type<tc>, window_params = [{transform_indices = @transform_0, window_bounds = array<i64: 2, 1, 632, 128>}, {transform_indices = @transform_1, window_bounds = array<i64: 632, 128>}, {transform_indices = @transform_2, window_bounds = array<i64: 632, 1>}, {pipeline_mode = #tpu.pipeline_mode<synchronous>, transform_indices = @transform_3, window_bounds = array<i64: 128>}, {transform_indices = @transform_4, window_bounds = array<i64: 632, 128>}]} {
    %iota3A = tpu.iota {dimensions = array<i32: 0>} : vector<632x1xi32>
    %mul3A = arith.constant 632 : i32
    %mul3A_0 = arith.muli %arg0, %mul3A : i32
    %add3A = vector.broadcast %mul3A_0 : i32 to vector<632x1xi32>
    %add3A_1 = arith.addi %iota3A, %add3A : vector<632x1xi32>
    %ge3A = arith.constant 2560 : i32
    %ge3A_2 = vector.broadcast %ge3A : i32 to vector<632x1xi32>
    %ge3A_3 = arith.cmpi sge, %add3A_1, %ge3A_2 : vector<632x1xi32>
    %lt3A = arith.constant 10000 : i32
    %lt3A_4 = vector.broadcast %lt3A : i32 to vector<632x1xi32>
    %lt3A_5 = arith.cmpi slt, %add3A_1, %lt3A_4 : vector<632x1xi32>
    %and3A = arith.andi %ge3A_3, %lt3A_5 : vector<632x1xi1>
    %convert_element_type3A = arith.extui %and3A : vector<632x1xi1> to vector<632x1xi32>
    %convert_element_type3A_6 = arith.sitofp %convert_element_type3A : vector<632x1xi32> to vector<632x1xf32>
    %get3A = arith.constant 0 : index
    %get3A_7 = arith.constant 0 : index
    %get3A_8 = arith.constant 0 : index
    %get3A_9 = arith.constant 0 : index
    %get3A_10 = vector.load %arg1[%get3A, %get3A_7, %get3A_8, %get3A_9] : memref<2x1x632x128xf32, #tpu.memory_space<vmem>>, vector<1x1x632x128xf32>
    %get3A_11 = vector.shape_cast %get3A_10 : vector<1x1x632x128xf32> to vector<1x632x128xf32>
    %get3A_12 = arith.constant 1 : index
    %get3A_13 = arith.constant 0 : index
    %get3A_14 = arith.constant 0 : index
    %get3A_15 = arith.constant 0 : index
    %get3A_16 = vector.load %arg1[%get3A_12, %get3A_13, %get3A_14, %get3A_15] : memref<2x1x632x128xf32, #tpu.memory_space<vmem>>, vector<1x1x632x128xf32>
    %get3A_17 = vector.shape_cast %get3A_16 : vector<1x1x632x128xf32> to vector<1x632x128xf32>
    %add3A_18 = arith.addf %get3A_11, %get3A_17 : vector<1x632x128xf32>
    %squeeze3A = vector.shape_cast %add3A_18 : vector<1x632x128xf32> to vector<632x128xf32>
    %get3A_19 = arith.constant 0 : index
    %get3A_20 = arith.constant 0 : index
    %get3A_21 = vector.load %arg2[%get3A_19, %get3A_20] : memref<632x128xf32, #tpu.memory_space<vmem>>, vector<632x128xf32>
    %mul3A_22 = vector.broadcast %convert_element_type3A_6 : vector<632x1xf32> to vector<632x128xf32>
    %mul3A_23 = arith.mulf %mul3A_22, %get3A_21 : vector<632x128xf32>
    %add3A_24 = arith.addf %squeeze3A, %mul3A_23 : vector<632x128xf32>
    %get3A_25 = arith.constant 0 : index
    %get3A_26 = arith.constant 0 : index
    %get3A_27 = vector.load %arg3[%get3A_25, %get3A_26] : memref<632x1xf32, #tpu.memory_space<vmem>>, vector<632x1xf32>
    %mul3A_28 = vector.broadcast %get3A_27 : vector<632x1xf32> to vector<632x128xf32>
    %mul3A_29 = arith.mulf %add3A_24, %mul3A_28 : vector<632x128xf32>
    %get3A_30 = arith.constant 0 : index
    %get3A_31 = vector.load %arg4[%get3A_30] : memref<128xf32, #tpu.memory_space<vmem>>, vector<128xf32>
    %broadcast_in_dim3A = vector.shape_cast %get3A_31 : vector<128xf32> to vector<1x128xf32>
    %add3A_32 = vector.broadcast %broadcast_in_dim3A : vector<1x128xf32> to vector<632x128xf32>
    %add3A_33 = arith.addf %mul3A_29, %add3A_32 : vector<632x128xf32>
    %swap3A = arith.constant 0 : index
    %swap3A_34 = arith.constant 0 : index
    %swap3A_35 = vector.load %arg5[%swap3A, %swap3A_34] : memref<632x128xf32, #tpu.memory_space<vmem>>, vector<632x128xf32>
    tpu.vector_store %arg5[%swap3A, %swap3A_34], %add3A_33 {strides = array<i32>} : memref<632x128xf32, #tpu.memory_space<vmem>>, vector<632x128xf32>,
    return
  }
  func.func @transform_0(%arg0: i32) -> (i32, i32, i32, i32) {
    %c0_i32 = arith.constant 0 : i32
    %c0_i32_0 = arith.constant 0 : i32
    %c0_i32_1 = arith.constant 0 : i32
    %c0_i32_2 = arith.constant 0 : i32
    return %c0_i32, %c0_i32_0, %arg0, %c0_i32_1 : i32, i32, i32, i32
  }
  func.func @transform_1(%arg0: i32) -> (i32, i32) {
    %c0_i32 = arith.constant 0 : i32
    %c0_i32_0 = arith.constant 0 : i32
    return %arg0, %c0_i32 : i32, i32
  }
  func.func @transform_2(%arg0: i32) -> (i32, i32) {
    %c0_i32 = arith.constant 0 : i32
    %c0_i32_0 = arith.constant 0 : i32
    return %arg0, %c0_i32 : i32, i32
  }
  func.func @transform_3(%arg0: i32) -> i32 {
    %c0_i32 = arith.constant 0 : i32
    %c0_i32_0 = arith.constant 0 : i32
    return %c0_i32 : i32
  }
  func.func @transform_4(%arg0: i32) -> (i32, i32) {
    %c0_i32 = arith.constant 0 : i32
    %c0_i32_0 = arith.constant 0 : i32
    return %arg0, %c0_i32 : i32, i32
  }
}

</mosaic_0001>

<sc_bundles>
// kernel: _run.12.cloned.1.call-start
scs
__scs_entry_jumppad:
0x0: {  	(pc) =	sbr.rel $0x88, $3  }
0x1: {  	(tag) =	ssettag $0x0;
	lr =	simm.s32 $0x1  }
0x2: {  	[smem:$0x3F97] =	sst lr;
	_ =	strace $0xD0000000  }
0x3: {  	_ = 	snop  }
0x4: {  	_ = 	snop  }
0x5: {  	_ = 	snop  }
0x6: {  	_ = 	snop  }
0x7: {  	_ = 	snop  }
__scs_overlays_trampoline_lowered:
0x8: {  	[smem:$0x3FA6] =	sst s0  }
0x9: {  	[smem:$0x3FA7] =	sst s1  }
0xa: {  	[smem:$0x3FA8] =	sst s2  }
0xb: {  	[smem:$0x3FA9] =	sst s3  }
0xc: {  	[smem:$0x3FAA] =	sst s4  }
0xd: {  	[smem:$0x3FAB] =	sst s5  }
0xe: {  	[smem:$0x3FAC] =	sst s6  }
0xf: {  	[smem:$0x3FAD] =	sst s7  }
0x10: {  	[smem:$0x3FAE] =	sst s8  }
0x11: {  	[smem:$0x3FAF] =	sst s9;
	s0 =	simm.s32 @!p0 $0x0  }
0x12: {  	s1 =	sld [smem:$0x3F95];
	s0 =	simm.s32 @p0 $0x1  }
0x13: {  	[smem:$0x3FB0] =	sst s0;
	s0 =	simm.s32 @!p1 $0x0  }
0x14: {  	s2 =	sld [smem:$0x3F94];
	s0 =	simm.s32 @p1 $0x1  }
0x15: {  	[smem:$0x3FB1] =	sst s0;
	s0 =	simm.s32 @!p2 $0x0  }
0x16: {  	s3 =	sld [smem:$0x3FDB];
	s0 =	simm.s32 @p2 $0x1  }
0x17: {  	s4 =	simm.s32 $0x1BF5;
	[smem:$0x3FB3] =	sst s0  }
0x18: {  	s0 =	sld [smem:$0x3F96];
	_ =	swait.ge [sflag:s4], $0x0  }
0x19: {  	s7 =	sld [smem:$0x3F97]  }
0x1a: {  	s8 =	sadd.s32 $0xFFFFE003, lr  }
0x1b: {  	s9 =	sadd.s32 $0xFFFFFEF7, lr;
	s5 =	simm.s32 $0xFFFFFFFF;
	p2 =	slt.u32 s8, $0xFFFFF086  }
0x1c: {  	p1 =	slt.u32 s9, $0xF7A;
	s5 =	simm.s32 @!p2 $0x0  }
0x1d: {  	s5 =	simm.s32 @p1 $0x1;
	p0 =	seq.s32 s7, s2  }
0x1e: {  	s7 =	smul.u32 @!p0 $0xF7A, s2;
	p2 =	seq.s32 @!p0 s5, $0x0  }
0x1f: {  	s9 =	smul.u32 $0xF7A, s1;
	s8 =	simm.s32 @!p0 $0x1BF5;
	p2 =	por !p2, p0  }
0x20: {  	[sflag:s8] =	ssyncset.s32 @!p0 $0xFFFFF086;
	s6 =	sadd.s32 @!p0 s3, s7;
	s7 =	simm.s32 @!p0 $0x108  }
0x21: {  	s3 =	sadd.s32 s3, s9;
	s6 =	sadd.s32 @!p0 $0x88, s6;
	s7 =	simm.s32 @p2 $0x1082  }
0x22: {  	[simem:s7], [sflag:s8] =	dma.local @!p0 [hbm:s6], $0xF7A  }
0x23: {  	s9 =	sor.u32 $0xD0000000, s2;
	s6 =	simm.s32 $0x108;
	_ =	swait.ge @!p0 [sflag:s8], $0x0  }
0x24: {  	s3 =	sadd.s32 $0x88, s3;
	s6 =	simm.s32 @!p1 $0x1082;
	[sflag:s4] =	ssyncset.s32 $0xFFFFF086  }
0x25: {  	[simem:s6], [sflag:s4] =	dma.local [hbm:s3], $0xF7A  }
0x26: {  	[smem:$0x3F97] =	sst s1;
	(tag) =	ssettag s2;
	_ =	strace s9  }
0x27: {  	s1 =	sld [smem:$0x3FA7]  }
0x28: {  	s2 =	sld [smem:$0x3FA8]  }
0x29: {  	s4 =	sld [smem:$0x3FAA]  }
0x2a: {  	p0 =	seq.s32 s5, $0x0;
	s5 =	sld [smem:$0x3FAB]  }
0x2b: {  	s6 =	sld [smem:$0x3FAC]  }
0x2c: {  	s7 =	sld [smem:$0x3FAD]  }
0x2d: {  	s3 =	simm.s32 $0x108;
	s8 =	sld [smem:$0x3FAE]  }
0x2e: {  	s3 =	simm.s32 @!p0 $0x1082;
	s9 =	sld [smem:$0x3FAF]  }
0x2f: {  	lr =	sadd.s32 s0, s3;
	s0 =	sld [smem:$0x3FA6]  }
0x30: {  	s3 =	sld [smem:$0x3FA9]  }
0x31: {  	[smem:$0x3FB2] =	sst s10  }
0x32: {  	s10 =	sld [smem:$0x3FB0];
	_ =	sdelay $0x3  }
0x33: {  	p0 =	seq.s32 s10, $0x1;
	s10 =	sld [smem:$0x3FB2];
	_ =	sdelay $0x3  }
0x34: {  	[smem:$0x3FB2] =	sst s10  }
0x35: {  	s10 =	sld [smem:$0x3FB1];
	_ =	sdelay $0x3  }
0x36: {  	p1 =	seq.s32 s10, $0x1;
	s10 =	sld [smem:$0x3FB2];
	_ =	sdelay $0x3  }
0x37: {  	[smem:$0x3FB2] =	sst s10  }
0x38: {  	s10 =	sld [smem:$0x3FB3]  }
0x39: {  	_ = 	snop;
	(pc) =	sbr.ind lr, $3  }
0x3a: {  	_ = 	snop  }
0x3b: {  	_ = 	snop  }
0x3c: {  	p2 =	seq.s32 s10, $0x1;
	s10 =	sld [smem:$0x3FB2]  }
0x3d: {  	_ =	shalt  }
0x3e: {  	_ =	shalt  }
0x3f: {  	_ =	shalt  }
0x40: {  	_ =	shalt  }
0x41: {  	_ =	shalt  }
0x42: {  	_ =	shalt  }
0x43: {  	_ =	shalt  }
0x44: {  	_ =	shalt  }
0x45: {  	_ =	shalt  }
0x46: {  	_ =	shalt  }
0x47: {  	_ =	shalt  }
0x48: {  	_ =	shalt  }
0x49: {  	_ =	shalt  }
0x4a: {  	_ =	shalt  }
0x4b: {  	_ =	shalt  }
0x4c: {  	_ =	shalt  }
0x4d: {  	_ =	shalt  }
0x4e: {  	_ =	shalt  }
0x4f: {  	_ =	shalt  }
0x50: {  	_ =	shalt  }
0x51: {  	_ =	shalt  }
0x52: {  	_ =	shalt  }
0x53: {  	_ =	shalt  }
0x54: {  	_ =	shalt  }
0x55: {  	_ =	shalt  }
0x56: {  	_ =	shalt  }
0x57: {  	_ =	shalt  }
0x58: {  	_ =	shalt  }
0x59: {  	_ =	shalt  }
0x5a: {  	_ =	shalt  }
0x5b: {  	_ =	shalt  }
0x5c: {  	_ =	shalt  }
0x5d: {  	_ =	shalt  }
0x5e: {  	_ =	shalt  }
0x5f: {  	_ =	shalt  }
0x60: {  	_ =	shalt  }
0x61: {  	_ =	shalt  }
0x62: {  	_ =	shalt  }
0x63: {  	_ =	shalt  }
0x64: {  	_ =	shalt  }
0x65: {  	_ =	shalt  }
0x66: {  	_ =	shalt  }
0x67: {  	_ =	shalt  }
0x68: {  	_ =	shalt  }
0x69: {  	_ =	shalt  }
0x6a: {  	_ =	shalt  }
0x6b: {  	_ =	shalt  }
0x6c: {  	_ =	shalt  }
0x6d: {  	_ =	shalt  }
0x6e: {  	_ =	shalt  }
0x6f: {  	_ =	shalt  }
0x70: {  	_ =	shalt  }
0x71: {  	_ =	shalt  }
0x72: {  	_ =	shalt  }
0x73: {  	_ =	shalt  }
0x74: {  	_ =	shalt  }
0x75: {  	_ =	shalt  }
0x76: {  	_ =	shalt  }
0x77: {  	_ =	shalt  }
0x78: {  	_ =	shalt  }
0x79: {  	_ =	shalt  }
0x7a: {  	_ =	shalt  }
0x7b: {  	_ =	shalt  }
0x7c: {  	_ =	shalt  }
0x7d: {  	_ =	shalt  }
0x7e: {  	_ =	shalt  }
0x7f: {  	_ =	shalt  }
0x80: {  	_ =	shalt  }
0x81: {  	_ =	shalt  }
0x82: {  	_ =	shalt  }
0x83: {  	_ =	shalt  }
0x84: {  	_ =	shalt  }
0x85: {  	_ =	shalt  }
0x86: {  	_ =	shalt  }
0x87: {  	_ =	shalt  }
.Lfunc_end0:
.L_simem_size_0:
called_computation_lowered:
.L_overlay_start_0:
0x88: {  	s2 =	sld [smem:$0x3FD9]  }
0x89: {  	s3 =	sld [smem:$0x3FFE];
	_ =	sdelay $0x1  }
0x8a: {  	s1 =	srdreg.scid  }
0x8b: {  	s0 =	sand.u32 $0x1, s1  }
0x8c: {  	s16 =	sshll.u32 s0, $0xA;
	s2 =	sadd.s32 s3, s2  }
0x8d: {  	s2 =	sadd.s32 s2, s16  }
0x8e: {  	[smem:$0x3FBE] =	sst s2  }
0x8f: {  	_ = 	snop  }
0x90: {  	(tm) =	ssettm $0x1  }
0x91: {  	s17 =	sld [smem:$0x3FFB];
	_ =	sdelay $0x3  }
0x92: {  	_ =	strace s17  }
0x93: {  	s2 =	sld [smem:$0x3FFC];
	_ =	sdelay $0x3  }
0x94: {  	_ =	strace s2  }
0x95: {  	s2 =	sld [smem:$0x3FFD];
	_ =	sdelay $0x3  }
0x96: {  	_ =	strace s2  }
0x97: {  	_ =	strace $0x8FFFFFFF  }
0x98: {  	s18 =	sld [smem:$0x3FDB];
	_ =	sdelay $0x1  }
0x99: {  	s19 =	simm.s32 $_scs_section_size  }
0x9a: {  	s4 =	simm.s32 $_size__tile_overlayer_lowered;
	s5 =	simm.s32 $_tile_overlayer_lowered  }
0x9b: {  	s22 =	simm.s32 $0x1BFF;
	s21 =	sshll.u32 s5, $0x1;
	s2 =	sadd.s32 s19, s18  }
0x9c: {  	s6 =	simm.s32 $0x0;
	s20 =	sshll.u32 s4, $0x1;
	s4 =	sadd.s32 s21, s2  }
0x9d: {  	[timem:s6], [sflag:s22] =	dma.local [hbm:s4], s20  }
0x9e: {  	_ =	swait.ge [sflag:s22], s20  }
0x9f: {  	s3 =	ssub.s32 $0x0, s20;
	[sflag:s22] =	ssyncset.done $0x0  }
0xa0: {  	[sflag:s22] =	ssyncadd.s32 s3;
	_ =	sdelay $0x1  }
0xa1: {  	s23 =	simm.s32 $0x1B8B  }
0xa2: {  	_ =	swait.ge [sflag:s23], $0x1  }
0xa3: {  	[sflag:s23] =	ssyncset.done $0x0  }
0xa4: {  	s25 =	simm.s32 $0x1B8E;
	s24 =	sld [smem:$0x3FFE];
	[sflag:s23] =	ssyncadd.s32 $0xFFFFFFFF  }
0xa5: {  	s26 =	simm.s32 $execute0_lowered;
	[smem:$0x3FD2] =	sst s25  }
0xa6: {  	s4 =	sshll.u32 s26, $0x1;
	_ =	strace $0x80000046;
	[dreg:$0x1] =	wrdreg $0xFFFFFFFF  }
0xa7: {  	s28 =	simm.s32 $_size_execute0_lowered;
	s2 =	sadd.s32 s2, s4;
	[dreg:$0x0] =	wrdreg $0x0  }
0xa8: {  	s4 =	sshll.u32 s28, $0x1;
	[dreg:$0x2] =	wrdreg s2  }
0xa9: {  	[dreg:$0x3] =	wrdreg s4  }
0xaa: {  	[dreg:$0x4] =	wrdreg $0xC0  }
0xab: {  	_ =	task [dreg:s6], $0x5FFFF  }
0xac: {  	[dreg:$0x1] =	wrdreg $0xFFFFFFFF  }
0xad: {  	[dreg:$0x0] =	wrdreg $0x60  }
0xae: {  	[dreg:$0x2] =	wrdreg s24  }
0xaf: {  	[dreg:$0x3] =	wrdreg $0x9  }
0xb0: {  	_ =	task.clear_ibuf [dreg:s6], $0x4FFFF;
	_ =	strace $0x90000046  }
0xb1: {  	s29 =	simm.s32 $0x9;
	_ =	strace $0x80000048  }
0xb2: {  	_ =	swait.ge [sflag:s29], $0x1  }
0xb3: {  	[sflag:s29] =	ssyncadd.s32 $0xFFFFFFFF  }
0xb4: {  	_ =	strace $0x90000048  }
0xb5: {  	_ =	sfence  }
0xb6: {  	s30 =	sld [smem:$0x0];
	_ =	sdelay $0x2  }
0xb7: {  	s31 =	sshll.u32 s1, $0xD;
	s1 =	sshrl.u32 s1, $0x2  }
0xb8: {  	s3 =	sand.u32 $0x4000, s31;
	s1 =	sadd.s32 s1, s30  }
0xb9: {  	s0 =	sor.u32 s3, s0;
	s1 =	sshll.u32 s1, $0x11  }
0xba: {  	s0 =	sor.u32 s1, s0  }
0xbb: {  	s0 =	sadd.s32 $0x8F2B, s0  }
0xbc: {  	[sflag:s0] =	ssyncadd.remote.s32 $0x1  }
0xbd: {  	_ =	sfence.sel $0xFFFF  }
0xbe: {  	[dreg:$0x0] =	wrdreg $0xFFFFFFFF;
	(pc) =	sbr.abs _section_cstart, $3  }
0xbf: {  	[dreg:$0x1] =	wrdreg $0xFFFFFFFF  }
0xc0: {  	_ =	task.clear_ibuf [dreg:s6], $0x2FFFF;
	_ =	strace $0x9FFFFFFF  }
0xc1: {  	(tm) =	ssettm $0x7FFFFFFF  }
tec
execute0_lowered:
.L_overlay_start_1:
0x0: {  	(tag) =	ssettag $0x1  }
0x1: {  	s0 =	srdreg.scid  }
0x2: {  	s3 =	sand.u32 $0x1, s0  }
0x3: {  	s0 =	stileid.u32;
	s1 =	sshll.u32 s3, $0x4  }
0x4: {  	s5 =	rddreg [dreg:$0x0];
	s2 =	simm.s32 $0x0;
	s1 =	sor.u32 s0, s1  }
0x5: {  	s7 =	simm.s32 $0x400;
	s8 =	simm.s32 $0x1;
	s1 =	sshrl.u32 s1, $0x3  }
0x6: {  	s9 =	simm.s32 $0x2780;
	s30 =	sshll.u32 s0, $0x7;
	s4 =	smul.u32 $0x13C00, s1  }
0x7: {  	s10 =	simm.s32 $0x0;
	s3 =	ssub.s32 $0x2, s3;
	s6 =	sand.u32 $0x380, s30  }
0x8: {  	[smem:$0x7FF] =	sst s2;
	s31 =	sshrl.u32 s3, $0x1;
	s4 =	sor.u32 s6, s4  }
0x9: {  	s1 =	rddreg [dreg:$0x1];
	_ =	strace $0x80000047;
	s4 =	sshrl.u32 s4, $0x3  }
0xa: {  	s6 =	simm.s32 $0x80;
	s4 =	sadd.s32 s4, s5;
	s5 =	ssub.s32 s3, s31  }
0xb: {  	v0 =	vimm.f32 $0.0e+00;
	v1 =	vimm.f32 $1.000000000e+00;
	s3 =	sadd.s32 $0x6200, s4;
	s4 =	sadd.s32 $0x10000, s4;
	s5 =	smax.u32 s5, $0x1  }
.LBB2_1:
0xc: {  	[tilespmem:s2], [sflag:$0x1] =	stream.strided.gather [hbm4b:s3+s6], $0x2780, s7, s6, $0x38;
	[tilespmem:$0x4F00] =	vst v63  }
0xd: {  	_ =	swait.ge [sflag:s8], $0x2780  }
0xe: {  	[sflag:s8] =	ssyncset.done $0x0  }
0xf: {  	s11 =	simm.s32 $0x0;
	[sflag:s8] =	ssyncadd.s32 $0xFFFFD880  }
.LBB2_2:
0x10: {  	p0 =	sne.s32 s11, $0x9DC0  }
.Ltmp0:
0x11: {  	_ = 	snop;
	(pc) =	sbr.rel @p0 .LBB2_2-.Ltmp0, $3  }
0x12: {  	_ =	sdelay $0x1  }
0x13: {  	s12 =	sshra.s32 s11, $0x2  }
0x14: {  	s11 =	sadd.s32 $0x40, s11;
	[tilespmem:s12+$0x2780] =	vst v0  }
0x15: {  	s12 =	simm.s32 $0x0;
	s11 =	simm.s32 $0x40  }
.LBB2_4:
0x16: {  	p0 =	sne.s32 s11, $0x9D40;
	v2 =	vld [tilespmem:s12+$0x0];
	_ =	sdelay $0x3  }
.Ltmp1:
0x17: {  	(pc) =	sbr.rel @p0 .LBB2_4-.Ltmp1, $2  }
0x18: {  	_ =	sdelay $0x2  }
0x19: {  	s12 =	sshra.s32 s11, $0x2;
	s11 =	sadd.s32 $0x40, s11;
	[tilespmem:v2+s9+$0x0] =	vst.idx.add.f32.msk $0xffff, v1  }
0x1a: {  	v2 =	vld [tilespmem:s12+$0x0];
	_ =	sdelay $0x5  }
0x1b: {  	s10 =	sadd.s32 $0x1, s10  }
0x1c: {  	p0 =	sne.s32 s10, s5  }
.Ltmp2:
0x1d: {  	[tilespmem:v2+s9+$0x0] =	vst.idx.add.f32.msk $0xffff, v1;
	(pc) =	sbr.rel @p0 .LBB2_1-.Ltmp2, $4  }
0x1e: {  	[hbm4b:s4+s6] =	stream.strided.scatter [tilespmem:s9], [sflag:$0x1], $0x2780, s7, s6, $0x38;
	[tilespmem:$0x4F00] =	vst v63  }
0x1f: {  	_ =	swait.ge [sflag:s8], $0x2780  }
0x20: {  	[sflag:s8] =	ssyncset.done $0x0  }
0x21: {  	[sflag:s8] =	ssyncadd.s32 $0xFFFFD880  }
0x22: {  	_ =	sfence.sel $0x180000  }
0x23: {  	[bflag:$0x0] =	sbarrier.arrive $0xFFFF  }
0x24: {  	p0 =	sne.s32 s0, $0x0;
	_ =	strace $0x90000047  }
0x25: {  	s0 =	sadd.s32 @!p0 $0x100000, s1;
	[bflag:$0x2] =	sbarrier.arrive $0xFFFF  }
0x26: {  	[sflag:s0] =	ssyncadd.tile.s32 @!p0 $0x1;
	_ =	shalt  }
.Lfunc_end2:
_tile_overlayer_lowered:
.L_overlay_start_2:
0x27: {  	(tag) =	ssettag $0x2  }
0x28: {  	s0 =	rddreg [dreg:$0x0];
	s2 =	stileid.u32  }
0x29: {  	s1 =	rddreg [dreg:$0x1];
	p0 =	sne.s32 s2, $0x0  }
0x2a: {  	s3 =	rddreg [dreg:$0x2];
	[bflag:$0x3] =	sbarrier.arrive $0xFFFF;
	s2 =	simm.s32 @!p0 $0x1C01  }
0x2b: {  	[timem:s3], [sflag:s2] =	dma.local @!p0 [hbm:s0], s1  }
0x2c: {  	s0 =	simm.s32 @!p0 $0x1  }
0x2d: {  	_ =	swait.ge @!p0 [sflag:s0], s1  }
0x2e: {  	s1 =	ssub.s32 @!p0 $0x0, s1;
	[sflag:s0] =	ssyncset.done @!p0 $0x0  }
0x2f: {  	[sflag:s0] =	ssyncadd.s32 @!p0 s1  }
0x30: {  	[bflag:$0x3] =	sbarrier.arrive $0xFFFF  }
0x31: {  	_ =	shalt  }

// kernel: _run.15.cloned.1.call-start
scs
__scs_entry_jumppad:
0x0: {  	(pc) =	sbr.rel $0x88, $3  }
0x1: {  	(tag) =	ssettag $0x0;
	lr =	simm.s32 $0x1  }
0x2: {  	[smem:$0x3F97] =	sst lr;
	_ =	strace $0xD0000000  }
0x3: {  	_ = 	snop  }
0x4: {  	_ = 	snop  }
0x5: {  	_ = 	snop  }
0x6: {  	_ = 	snop  }
0x7: {  	_ = 	snop  }
__scs_overlays_trampoline_lowered:
0x8: {  	[smem:$0x3FA6] =	sst s0  }
0x9: {  	[smem:$0x3FA7] =	sst s1  }
0xa: {  	[smem:$0x3FA8] =	sst s2  }
0xb: {  	[smem:$0x3FA9] =	sst s3  }
0xc: {  	[smem:$0x3FAA] =	sst s4  }
0xd: {  	[smem:$0x3FAB] =	sst s5  }
0xe: {  	[smem:$0x3FAC] =	sst s6  }
0xf: {  	[smem:$0x3FAD] =	sst s7  }
0x10: {  	[smem:$0x3FAE] =	sst s8  }
0x11: {  	[smem:$0x3FAF] =	sst s9;
	s0 =	simm.s32 @!p0 $0x0  }
0x12: {  	s1 =	sld [smem:$0x3F95];
	s0 =	simm.s32 @p0 $0x1  }
0x13: {  	[smem:$0x3FB0] =	sst s0;
	s0 =	simm.s32 @!p1 $0x0  }
0x14: {  	s2 =	sld [smem:$0x3F94];
	s0 =	simm.s32 @p1 $0x1  }
0x15: {  	[smem:$0x3FB1] =	sst s0;
	s0 =	simm.s32 @!p2 $0x0  }
0x16: {  	s3 =	sld [smem:$0x3FDB];
	s0 =	simm.s32 @p2 $0x1  }
0x17: {  	s4 =	simm.s32 $0x1BF5;
	[smem:$0x3FB3] =	sst s0  }
0x18: {  	s0 =	sld [smem:$0x3F96];
	_ =	swait.ge [sflag:s4], $0x0  }
0x19: {  	s7 =	sld [smem:$0x3F97]  }
0x1a: {  	s8 =	sadd.s32 $0xFFFFE003, lr  }
0x1b: {  	s9 =	sadd.s32 $0xFFFFFEF7, lr;
	s5 =	simm.s32 $0xFFFFFFFF;
	p2 =	slt.u32 s8, $0xFFFFF086  }
0x1c: {  	p1 =	slt.u32 s9, $0xF7A;
	s5 =	simm.s32 @!p2 $0x0  }
0x1d: {  	s5 =	simm.s32 @p1 $0x1;
	p0 =	seq.s32 s7, s2  }
0x1e: {  	s7 =	smul.u32 @!p0 $0xF7A, s2;
	p2 =	seq.s32 @!p0 s5, $0x0  }
0x1f: {  	s9 =	smul.u32 $0xF7A, s1;
	s8 =	simm.s32 @!p0 $0x1BF5;
	p2 =	por !p2, p0  }
0x20: {  	[sflag:s8] =	ssyncset.s32 @!p0 $0xFFFFF086;
	s6 =	sadd.s32 @!p0 s3, s7;
	s7 =	simm.s32 @!p0 $0x108  }
0x21: {  	s3 =	sadd.s32 s3, s9;
	s6 =	sadd.s32 @!p0 $0x88, s6;
	s7 =	simm.s32 @p2 $0x1082  }
0x22: {  	[simem:s7], [sflag:s8] =	dma.local @!p0 [hbm:s6], $0xF7A  }
0x23: {  	s9 =	sor.u32 $0xD0000000, s2;
	s6 =	simm.s32 $0x108;
	_ =	swait.ge @!p0 [sflag:s8], $0x0  }
0x24: {  	s3 =	sadd.s32 $0x88, s3;
	s6 =	simm.s32 @!p1 $0x1082;
	[sflag:s4] =	ssyncset.s32 $0xFFFFF086  }
0x25: {  	[simem:s6], [sflag:s4] =	dma.local [hbm:s3], $0xF7A  }
0x26: {  	[smem:$0x3F97] =	sst s1;
	(tag) =	ssettag s2;
	_ =	strace s9  }
0x27: {  	s1 =	sld [smem:$0x3FA7]  }
0x28: {  	s2 =	sld [smem:$0x3FA8]  }
0x29: {  	s4 =	sld [smem:$0x3FAA]  }
0x2a: {  	p0 =	seq.s32 s5, $0x0;
	s5 =	sld [smem:$0x3FAB]  }
0x2b: {  	s6 =	sld [smem:$0x3FAC]  }
0x2c: {  	s7 =	sld [smem:$0x3FAD]  }
0x2d: {  	s3 =	simm.s32 $0x108;
	s8 =	sld [smem:$0x3FAE]  }
0x2e: {  	s3 =	simm.s32 @!p0 $0x1082;
	s9 =	sld [smem:$0x3FAF]  }
0x2f: {  	lr =	sadd.s32 s0, s3;
	s0 =	sld [smem:$0x3FA6]  }
0x30: {  	s3 =	sld [smem:$0x3FA9]  }
0x31: {  	[smem:$0x3FB2] =	sst s10  }
0x32: {  	s10 =	sld [smem:$0x3FB0];
	_ =	sdelay $0x3  }
0x33: {  	p0 =	seq.s32 s10, $0x1;
	s10 =	sld [smem:$0x3FB2];
	_ =	sdelay $0x3  }
0x34: {  	[smem:$0x3FB2] =	sst s10  }
0x35: {  	s10 =	sld [smem:$0x3FB1];
	_ =	sdelay $0x3  }
0x36: {  	p1 =	seq.s32 s10, $0x1;
	s10 =	sld [smem:$0x3FB2];
	_ =	sdelay $0x3  }
0x37: {  	[smem:$0x3FB2] =	sst s10  }
0x38: {  	s10 =	sld [smem:$0x3FB3]  }
0x39: {  	_ = 	snop;
	(pc) =	sbr.ind lr, $3  }
0x3a: {  	_ = 	snop  }
0x3b: {  	_ = 	snop  }
0x3c: {  	p2 =	seq.s32 s10, $0x1;
	s10 =	sld [smem:$0x3FB2]  }
0x3d: {  	_ =	shalt  }
0x3e: {  	_ =	shalt  }
0x3f: {  	_ =	shalt  }
0x40: {  	_ =	shalt  }
0x41: {  	_ =	shalt  }
0x42: {  	_ =	shalt  }
0x43: {  	_ =	shalt  }
0x44: {  	_ =	shalt  }
0x45: {  	_ =	shalt  }
0x46: {  	_ =	shalt  }
0x47: {  	_ =	shalt  }
0x48: {  	_ =	shalt  }
0x49: {  	_ =	shalt  }
0x4a: {  	_ =	shalt  }
0x4b: {  	_ =	shalt  }
0x4c: {  	_ =	shalt  }
0x4d: {  	_ =	shalt  }
0x4e: {  	_ =	shalt  }
0x4f: {  	_ =	shalt  }
0x50: {  	_ =	shalt  }
0x51: {  	_ =	shalt  }
0x52: {  	_ =	shalt  }
0x53: {  	_ =	shalt  }
0x54: {  	_ =	shalt  }
0x55: {  	_ =	shalt  }
0x56: {  	_ =	shalt  }
0x57: {  	_ =	shalt  }
0x58: {  	_ =	shalt  }
0x59: {  	_ =	shalt  }
0x5a: {  	_ =	shalt  }
0x5b: {  	_ =	shalt  }
0x5c: {  	_ =	shalt  }
0x5d: {  	_ =	shalt  }
0x5e: {  	_ =	shalt  }
0x5f: {  	_ =	shalt  }
0x60: {  	_ =	shalt  }
0x61: {  	_ =	shalt  }
0x62: {  	_ =	shalt  }
0x63: {  	_ =	shalt  }
0x64: {  	_ =	shalt  }
0x65: {  	_ =	shalt  }
0x66: {  	_ =	shalt  }
0x67: {  	_ =	shalt  }
0x68: {  	_ =	shalt  }
0x69: {  	_ =	shalt  }
0x6a: {  	_ =	shalt  }
0x6b: {  	_ =	shalt  }
0x6c: {  	_ =	shalt  }
0x6d: {  	_ =	shalt  }
0x6e: {  	_ =	shalt  }
0x6f: {  	_ =	shalt  }
0x70: {  	_ =	shalt  }
0x71: {  	_ =	shalt  }
0x72: {  	_ =	shalt  }
0x73: {  	_ =	shalt  }
0x74: {  	_ =	shalt  }
0x75: {  	_ =	shalt  }
0x76: {  	_ =	shalt  }
0x77: {  	_ =	shalt  }
0x78: {  	_ =	shalt  }
0x79: {  	_ =	shalt  }
0x7a: {  	_ =	shalt  }
0x7b: {  	_ =	shalt  }
0x7c: {  	_ =	shalt  }
0x7d: {  	_ =	shalt  }
0x7e: {  	_ =	shalt  }
0x7f: {  	_ =	shalt  }
0x80: {  	_ =	shalt  }
0x81: {  	_ =	shalt  }
0x82: {  	_ =	shalt  }
0x83: {  	_ =	shalt  }
0x84: {  	_ =	shalt  }
0x85: {  	_ =	shalt  }
0x86: {  	_ =	shalt  }
0x87: {  	_ =	shalt  }
.Lfunc_end0:
.L_simem_size_0:
called_computation.1_lowered:
.L_overlay_start_0:
0x88: {  	s2 =	sld [smem:$0x3FD9]  }
0x89: {  	s3 =	sld [smem:$0x3FFE];
	_ =	sdelay $0x1  }
0x8a: {  	s1 =	srdreg.scid  }
0x8b: {  	s0 =	sand.u32 $0x1, s1  }
0x8c: {  	s17 =	sshll.u32 s0, $0xA;
	s2 =	sadd.s32 s3, s2  }
0x8d: {  	s2 =	sadd.s32 s2, s17  }
0x8e: {  	[smem:$0x3FBE] =	sst s2  }
0x8f: {  	_ = 	snop  }
0x90: {  	s2 =	sld [smem:$0x3FD0];
	(tm) =	ssettm $0x1  }
0x91: {  	s18 =	sld [smem:$0x3FFB];
	_ =	sdelay $0x3  }
0x92: {  	_ =	strace s18  }
0x93: {  	s3 =	sld [smem:$0x3FFC];
	_ =	sdelay $0x3  }
0x94: {  	_ =	strace s3  }
0x95: {  	s3 =	sld [smem:$0x3FFD];
	_ =	sdelay $0x3  }
0x96: {  	_ =	strace s3  }
0x97: {  	_ =	strace $0x8FFFFFFF  }
0x98: {  	s19 =	sld [smem:$0x3FDB];
	_ =	sdelay $0x1  }
0x99: {  	s4 =	simm.s32 $_scs_section_size  }
0x9a: {  	s5 =	simm.s32 $_size__tile_overlayer_lowered;
	s6 =	simm.s32 $_tile_overlayer_lowered  }
0x9b: {  	s22 =	simm.s32 $0x1BFF;
	s21 =	sshll.u32 s6, $0x1;
	s3 =	sadd.s32 s4, s19  }
0x9c: {  	s7 =	simm.s32 $0x0;
	s20 =	sshll.u32 s5, $0x1;
	s5 =	sadd.s32 s21, s3  }
0x9d: {  	[timem:s7], [sflag:s22] =	dma.local [hbm:s5], s20  }
0x9e: {  	_ =	swait.ge [sflag:s22], s20  }
0x9f: {  	s4 =	ssub.s32 $0x0, s20;
	[sflag:s22] =	ssyncset.done $0x0  }
0xa0: {  	[sflag:s22] =	ssyncadd.s32 s4;
	_ =	sdelay $0x1  }
0xa1: {  	s23 =	simm.s32 $0x1B8B  }
0xa2: {  	_ =	swait.ge [sflag:s23], $0x1  }
0xa3: {  	[sflag:s23] =	ssyncset.done $0x0  }
0xa4: {  	s25 =	simm.s32 $0x1B8E;
	s24 =	sld [smem:$0x3FFE];
	[sflag:s23] =	ssyncadd.s32 $0xFFFFFFFF  }
0xa5: {  	s26 =	simm.s32 $execute0_lowered;
	[smem:$0x3FD2] =	sst s25  }
0xa6: {  	s5 =	sshll.u32 s26, $0x1;
	_ =	strace $0x80000049;
	[dreg:$0x1] =	wrdreg $0xFFFFFFFF  }
0xa7: {  	s28 =	simm.s32 $_size_execute0_lowered;
	s3 =	sadd.s32 s3, s5;
	[dreg:$0x0] =	wrdreg $0x0  }
0xa8: {  	s5 =	sshll.u32 s28, $0x1;
	[dreg:$0x2] =	wrdreg s3  }
0xa9: {  	[dreg:$0x3] =	wrdreg s5  }
0xaa: {  	[dreg:$0x4] =	wrdreg $0xC0  }
0xab: {  	_ =	task [dreg:s7], $0x5FFFF  }
0xac: {  	[dreg:$0x1] =	wrdreg $0xFFFFFFFF  }
0xad: {  	[dreg:$0x0] =	wrdreg $0x60  }
0xae: {  	[dreg:$0x2] =	wrdreg s24  }
0xaf: {  	[dreg:$0x3] =	wrdreg s2  }
0xb0: {  	[dreg:$0x4] =	wrdreg $0xBF800  }
0xb1: {  	[dreg:$0x5] =	wrdreg $0x9  }
0xb2: {  	_ =	task.clear_ibuf [dreg:s7], $0x6FFFF;
	_ =	strace $0x90000049  }
0xb3: {  	s29 =	simm.s32 $0x9;
	_ =	strace $0x8000004B  }
0xb4: {  	_ =	swait.ge [sflag:s29], $0x1  }
0xb5: {  	[sflag:s29] =	ssyncadd.s32 $0xFFFFFFFF  }
0xb6: {  	_ =	strace $0x9000004B  }
0xb7: {  	_ =	sfence  }
0xb8: {  	s30 =	sld [smem:$0x0];
	_ =	sdelay $0x2  }
0xb9: {  	s31 =	sshll.u32 s1, $0xD;
	s1 =	sshrl.u32 s1, $0x2  }
0xba: {  	s3 =	sand.u32 $0x4000, s31;
	s1 =	sadd.s32 s1, s30  }
0xbb: {  	s0 =	sor.u32 s3, s0;
	s1 =	sshll.u32 s1, $0x11  }
0xbc: {  	s0 =	sor.u32 s1, s0  }
0xbd: {  	s0 =	sadd.s32 $0x8F2B, s0  }
0xbe: {  	[sflag:s0] =	ssyncadd.remote.s32 $0x1  }
0xbf: {  	_ =	sfence.sel $0xFFFF  }
0xc0: {  	[dreg:$0x0] =	wrdreg $0xFFFFFFFF;
	(pc) =	sbr.abs _section_cstart, $3  }
0xc1: {  	[dreg:$0x1] =	wrdreg $0xFFFFFFFF  }
0xc2: {  	_ =	task.clear_ibuf [dreg:s7], $0x2FFFF;
	_ =	strace $0x9FFFFFFF  }
0xc3: {  	(tm) =	ssettm $0x7FFFFFFF  }
tec
execute0_lowered:
.L_overlay_start_1:
0x0: {  	(tag) =	ssettag $0x1  }
0x1: {  	s7 =	rddreg [dreg:$0x0]  }
0x2: {  	s0 =	srdreg.scid;
	s9 =	rddreg [dreg:$0x1]  }
0x3: {  	s2 =	rddreg [dreg:$0x2];
	s15 =	simm.s32 $0x3;
	s16 =	simm.s32 $0x1  }
0x4: {  	s17 =	simm.s32 $0x2;
	s18 =	simm.s32 $0x60;
	s19 =	simm.s32 $0x5F80  }
0x5: {  	s20 =	simm.s32 $0x8F80;
	s21 =	simm.s32 $0x5A80;
	s22 =	simm.s32 $0x2700  }
0x6: {  	s23 =	simm.s32 $0x5B00;
	s24 =	simm.s32 $0x5B80;
	s6 =	sand.u32 $0x1, s0  }
0x7: {  	s25 =	simm.s32 $0x0;
	s0 =	stileid.u32;
	s10 =	smul.u32 $0x13C000, s6  }
0x8: {  	s1 =	sshll.u32 s6, $0x4;
	s3 =	sshll.u32 s0, $0x7;
	s11 =	smul.u32 $0x13C00, s0  }
0x9: {  	s6 =	ssub.s32 $0x2, s6;
	s29 =	smul.u32 $0x4F000, s0;
	s31 =	sshll.u32 s0, $0x6  }
0xa: {  	s8 =	sor.u32 s0, s1;
	s5 =	sand.u32 $0x380, s3;
	s3 =	simm.s32 $0x0  }
0xb: {  	s30 =	sshrl.u32 s6, $0x1;
	s1 =	sshrl.u32 s8, $0x3;
	[smem:$0x7FF] =	sst s3  }
0xc: {  	s10 =	sadd.s32 s11, s10;
	s8 =	smul.u32 $0x700, s8;
	s13 =	ssub.s32 s6, s30  }
0xd: {  	s11 =	sshrl.u32 s29, $0x2;
	s4 =	smul.u32 $0x13C00, s1;
	s1 =	rddreg [dreg:$0x3]  }
0xe: {  	_ =	strace $0x8000004A;
	s10 =	sshrl.u32 s10, $0x3;
	s14 =	sadd.s32 s11, s2  }
0xf: {  	s11 =	simm.s32 $0x80;
	s10 =	sadd.s32 s10, s7;
	s4 =	sor.u32 s5, s4  }
0x10: {  	s14 =	sshrl.u32 s14, $0x3;
	s5 =	sadd.s32 $0x23C00, s7;
	s4 =	sshrl.u32 s4, $0x3  }
0x11: {  	s12 =	sadd.s32 s4, s7;
	s4 =	sadd.s32 $0x6200, s7;
	s7 =	sadd.s32 s9, s8  }
0x12: {  	s8 =	sor.u32 $0x1C03, s31;
	s9 =	sadd.s32 $0x72C00, s10;
	s10 =	smax.u32 s13, $0x1  }
0x13: {  	s13 =	simm.s32 $0x2780;
	s6 =	sadd.s32 $0x19E00, s12;
	s12 =	simm.s32 $0x400  }
.LBB2_1:
0x14: {  	[tilespmem:s3], [sflag:$0x1] =	stream.strided.gather [hbm4b:s6+s11], $0x2780, s12, s11, $0x38;
	[tilespmem:$0x1FB80] =	vst v63  }
0x15: {  	_ = 	snop  }
0x16: {  	[tilespmem:s13], [sflag:$0x2] =	stream.linear.gather [hbm4b:s7+s3], $0x3480, $0x38;
	[tilespmem:$0x1FB80] =	vst v63  }
0x17: {  	[spmem:s14], [sflag:s8] =	dma.local [hbm:s4], $0x2780  }
0x18: {  	_ =	swait.ge [sflag:s15], $0x2780  }
0x19: {  	[sflag:s15] =	ssyncset.done $0x0  }
0x1a: {  	[sflag:s15] =	ssyncadd.s32 $0xFFFFD880  }
0x1b: {  	_ =	swait.ge [sflag:s16], $0x2780  }
0x1c: {  	[sflag:s16] =	ssyncset.done $0x0  }
0x1d: {  	[sflag:s16] =	ssyncadd.s32 $0xFFFFD880  }
0x1e: {  	_ =	swait.ge [sflag:s17], $0x3480  }
0x1f: {  	[sflag:s17] =	ssyncset.done $0x0  }
0x20: {  	[sflag:s17] =	ssyncadd.s32 $0xFFFFCB80  }
0x21: {  	[tilespmem:s19], [sflag:$0x1] =	stream.indirect.gather [hbm4b:s5+s18], $0x80, s3, s18, $0xb8;
	[tilespmem:$0x1FB80] =	vst v63  }
0x22: {  	_ = 	snop  }
0x23: {  	[tilespmem:s20], [sflag:$0x2] =	stream.indirect.gather [hbm4b:s5+s18], $0x80, s18, s18, $0xb8;
	[tilespmem:$0x1FB80] =	vst v63  }
0x24: {  	[bflag:$0x0] =	sbarrier.arrive $0xFFFF  }
0x25: {  	_ =	swait.ge [sflag:s16], $0x3000  }
0x26: {  	[sflag:s16] =	ssyncset.done $0x0  }
0x27: {  	s26 =	simm.s32 $0x2780;
	[sflag:s16] =	ssyncadd.s32 $0xFFFFD000  }
0x28: {  	[spmem:s2] =	stream.indirect.scatter.add.f32 [tilespmem:s19], [sflag:$0x3], $0x80, s26, s18, $0xb8;
	[tilespmem:$0x1FB80] =	vst v63  }
0x29: {  	_ =	swait.ge [sflag:s15], $0x3000  }
0x2a: {  	[sflag:s15] =	ssyncset.done $0x0  }
0x2b: {  	s30 =	simm.s32 $0xC0;
	[sflag:s15] =	ssyncadd.s32 $0xFFFFD000  }
0x2c: {  	[tilespmem:s19], [sflag:$0x1] =	stream.indirect.gather [hbm4b:s5+s18], $0x80, s30, s18, $0xb8;
	[tilespmem:$0x1FB80] =	vst v63  }
0x2d: {  	_ =	swait.ge [sflag:s17], $0x3000  }
0x2e: {  	[sflag:s17] =	ssyncset.done $0x0  }
0x2f: {  	s31 =	simm.s32 $0x2800;
	[sflag:s17] =	ssyncadd.s32 $0xFFFFD000  }
0x30: {  	[spmem:s2] =	stream.indirect.scatter.add.f32 [tilespmem:s20], [sflag:$0x3], $0x80, s31, s18, $0xb8;
	[tilespmem:$0x1FB80] =	vst v63  }
0x31: {  	_ =	swait.ge [sflag:s15], $0x3000  }
0x32: {  	s28 =	simm.s32 $0x400;
	[sflag:s15] =	ssyncset.done $0x0  }
0x33: {  	s29 =	simm.s32 $0x1E0;
	s26 =	simm.s32 $0x120;
	[sflag:s15] =	ssyncadd.s32 $0xFFFFD000  }
.LBB2_2:
0x34: {  	[tilespmem:s20], [sflag:$0x2] =	stream.indirect.gather [hbm4b:s5+s18], $0x80, s26, s18, $0xb8;
	[tilespmem:$0x1FB80] =	vst v63  }
0x35: {  	s30 =	smov.u32 s28;
	s26 =	smov.u32 s29  }
0x36: {  	p0 =	sne.s32 s28, $0xC800;
	s28 =	sadd.s32 $0x400, s28;
	_ =	swait.ge [sflag:s16], $0x3000  }
0x37: {  	s30 =	sshra.s32 s30, $0x2;
	[sflag:s16] =	ssyncset.done $0x0  }
0x38: {  	s31 =	sadd.s32 $0x2780, s30;
	[sflag:s16] =	ssyncadd.s32 $0xFFFFD000  }
0x39: {  	[spmem:s2] =	stream.indirect.scatter.add.f32 [tilespmem:s19], [sflag:$0x3], $0x80, s31, s18, $0xb8;
	[tilespmem:$0x1FB80] =	vst v63  }
0x3a: {  	_ =	swait.ge [sflag:s15], $0x3000  }
0x3b: {  	[sflag:s15] =	ssyncset.done $0x0  }
0x3c: {  	s31 =	sadd.s32 $0xFFFFFFA0, s29;
	[sflag:s15] =	ssyncadd.s32 $0xFFFFD000  }
0x3d: {  	[tilespmem:s19], [sflag:$0x1] =	stream.indirect.gather [hbm4b:s5+s18], $0x80, s31, s18, $0xb8;
	[tilespmem:$0x1FB80] =	vst v63  }
0x3e: {  	_ =	swait.ge [sflag:s17], $0x3000  }
0x3f: {  	[sflag:s17] =	ssyncset.done $0x0  }
.Ltmp0:
0x40: {  	s30 =	sadd.s32 $0x2800, s30;
	[sflag:s17] =	ssyncadd.s32 $0xFFFFD000;
	(pc) =	sbr.rel @p0 .LBB2_2-.Ltmp0, $4  }
0x41: {  	[spmem:s2] =	stream.indirect.scatter.add.f32 [tilespmem:s20], [sflag:$0x3], $0x80, s30, s18, $0xb8;
	[tilespmem:$0x1FB80] =	vst v63  }
0x42: {  	_ =	swait.ge [sflag:s15], $0x3000  }
0x43: {  	[sflag:s15] =	ssyncset.done $0x0  }
0x44: {  	s29 =	sadd.s32 $0xC0, s29;
	[sflag:s15] =	ssyncadd.s32 $0xFFFFD000  }
0x45: {  	[tilespmem:s20], [sflag:$0x2] =	stream.indirect.gather [hbm4b:s5+s18], $0x80, s26, s18, $0xb8;
	[tilespmem:$0x1FB80] =	vst v63  }
0x46: {  	_ =	swait.ge [sflag:s16], $0x3000  }
0x47: {  	[sflag:s16] =	ssyncset.done $0x0  }
0x48: {  	[sflag:s16] =	ssyncadd.s32 $0xFFFFD000  }
0x49: {  	[spmem:s2] =	stream.indirect.scatter.add.f32 [tilespmem:s19], [sflag:$0x3], $0x80, s21, s18, $0xb8;
	[tilespmem:$0x1FB80] =	vst v63  }
0x4a: {  	_ =	swait.ge [sflag:s15], $0x3000  }
0x4b: {  	[sflag:s15] =	ssyncset.done $0x0  }
0x4c: {  	[sflag:s15] =	ssyncadd.s32 $0xFFFFD000  }
0x4d: {  	[tilespmem:s19], [sflag:$0x1] =	stream.indirect.gather [hbm4b:s5+s18], $0x80, s22, s18, $0xb8;
	[tilespmem:$0x1FB80] =	vst v63  }
0x4e: {  	_ =	swait.ge [sflag:s17], $0x3000  }
0x4f: {  	[sflag:s17] =	ssyncset.done $0x0  }
0x50: {  	[sflag:s17] =	ssyncadd.s32 $0xFFFFD000  }
0x51: {  	[spmem:s2] =	stream.indirect.scatter.add.f32 [tilespmem:s20], [sflag:$0x3], $0x80, s23, s18, $0xb8;
	[tilespmem:$0x1FB80] =	vst v63  }
0x52: {  	_ =	swait.ge [sflag:s15], $0x3000  }
0x53: {  	[sflag:s15] =	ssyncset.done $0x0  }
0x54: {  	[sflag:s15] =	ssyncadd.s32 $0xFFFFD000  }
0x55: {  	_ =	swait.ge [sflag:s16], $0x3000  }
0x56: {  	[sflag:s16] =	ssyncset.done $0x0  }
0x57: {  	[sflag:s16] =	ssyncadd.s32 $0xFFFFD000  }
0x58: {  	[spmem:s2] =	stream.indirect.scatter.add.f32 [tilespmem:s19], [sflag:$0x3], $0x80, s24, s18, $0xb8;
	[tilespmem:$0x1FB80] =	vst v63  }
0x59: {  	_ =	swait.ge [sflag:s15], $0x3000  }
0x5a: {  	s25 =	sadd.s32 $0x1, s25;
	[sflag:s15] =	ssyncset.done $0x0  }
0x5b: {  	p0 =	sne.s32 s25, s10;
	[sflag:s15] =	ssyncadd.s32 $0xFFFFD000  }
.Ltmp1:
0x5c: {  	[bflag:$0x0] =	sbarrier.arrive $0xFFFF;
	(pc) =	sbr.rel @p0 .LBB2_1-.Ltmp1, $4  }
0x5d: {  	[hbm:s9], [sflag:s8] =	dma.local [spmem:s14], $0x2780  }
0x5e: {  	_ =	swait.ge [sflag:s15], $0x2780  }
0x5f: {  	[sflag:s15] =	ssyncset.done $0x0  }
0x60: {  	[sflag:s15] =	ssyncadd.s32 $0xFFFFD880  }
0x61: {  	_ =	sfence.sel $0x180000  }
0x62: {  	[bflag:$0x0] =	sbarrier.arrive $0xFFFF  }
0x63: {  	p0 =	sne.s32 s0, $0x0;
	_ =	strace $0x9000004A  }
0x64: {  	s0 =	sadd.s32 @!p0 $0x100000, s1;
	[bflag:$0x2] =	sbarrier.arrive $0xFFFF  }
0x65: {  	[sflag:s0] =	ssyncadd.tile.s32 @!p0 $0x1;
	_ =	shalt  }
.Lfunc_end2:
_tile_overlayer_lowered:
.L_overlay_start_2:
0x66: {  	(tag) =	ssettag $0x2  }
0x67: {  	s0 =	rddreg [dreg:$0x0];
	s2 =	stileid.u32  }
0x68: {  	s1 =	rddreg [dreg:$0x1];
	p0 =	sne.s32 s2, $0x0  }
0x69: {  	s3 =	rddreg [dreg:$0x2];
	[bflag:$0x3] =	sbarrier.arrive $0xFFFF;
	s2 =	simm.s32 @!p0 $0x1C03  }
0x6a: {  	[timem:s3], [sflag:s2] =	dma.local @!p0 [hbm:s0], s1  }
0x6b: {  	s0 =	simm.s32 @!p0 $0x3  }
0x6c: {  	_ =	swait.ge @!p0 [sflag:s0], s1  }
0x6d: {  	s1 =	ssub.s32 @!p0 $0x0, s1;
	[sflag:s0] =	ssyncset.done @!p0 $0x0  }
0x6e: {  	[sflag:s0] =	ssyncadd.s32 @!p0 s1  }
0x6f: {  	[bflag:$0x3] =	sbarrier.arrive $0xFFFF  }
0x70: {  	_ =	shalt  }

// kernel: _run.18.cloned.1.call-start
scs
__scs_entry_jumppad:
0x0: {  	(pc) =	sbr.rel $0x88, $3  }
0x1: {  	(tag) =	ssettag $0x0;
	lr =	simm.s32 $0x1  }
0x2: {  	[smem:$0x3F97] =	sst lr;
	_ =	strace $0xD0000000  }
0x3: {  	_ = 	snop  }
0x4: {  	_ = 	snop  }
0x5: {  	_ = 	snop  }
0x6: {  	_ = 	snop  }
0x7: {  	_ = 	snop  }
__scs_overlays_trampoline_lowered:
0x8: {  	[smem:$0x3FA6] =	sst s0  }
0x9: {  	[smem:$0x3FA7] =	sst s1  }
0xa: {  	[smem:$0x3FA8] =	sst s2  }
0xb: {  	[smem:$0x3FA9] =	sst s3  }
0xc: {  	[smem:$0x3FAA] =	sst s4  }
0xd: {  	[smem:$0x3FAB] =	sst s5  }
0xe: {  	[smem:$0x3FAC] =	sst s6  }
0xf: {  	[smem:$0x3FAD] =	sst s7  }
0x10: {  	[smem:$0x3FAE] =	sst s8  }
0x11: {  	[smem:$0x3FAF] =	sst s9;
	s0 =	simm.s32 @!p0 $0x0  }
0x12: {  	s1 =	sld [smem:$0x3F95];
	s0 =	simm.s32 @p0 $0x1  }
0x13: {  	[smem:$0x3FB0] =	sst s0;
	s0 =	simm.s32 @!p1 $0x0  }
0x14: {  	s2 =	sld [smem:$0x3F94];
	s0 =	simm.s32 @p1 $0x1  }
0x15: {  	[smem:$0x3FB1] =	sst s0;
	s0 =	simm.s32 @!p2 $0x0  }
0x16: {  	s3 =	sld [smem:$0x3FDB];
	s0 =	simm.s32 @p2 $0x1  }
0x17: {  	s4 =	simm.s32 $0x1BF5;
	[smem:$0x3FB3] =	sst s0  }
0x18: {  	s0 =	sld [smem:$0x3F96];
	_ =	swait.ge [sflag:s4], $0x0  }
0x19: {  	s7 =	sld [smem:$0x3F97]  }
0x1a: {  	s8 =	sadd.s32 $0xFFFFE003, lr  }
0x1b: {  	s9 =	sadd.s32 $0xFFFFFEF7, lr;
	s5 =	simm.s32 $0xFFFFFFFF;
	p2 =	slt.u32 s8, $0xFFFFF086  }
0x1c: {  	p1 =	slt.u32 s9, $0xF7A;
	s5 =	simm.s32 @!p2 $0x0  }
0x1d: {  	s5 =	simm.s32 @p1 $0x1;
	p0 =	seq.s32 s7, s2  }
0x1e: {  	s7 =	smul.u32 @!p0 $0xF7A, s2;
	p2 =	seq.s32 @!p0 s5, $0x0  }
0x1f: {  	s9 =	smul.u32 $0xF7A, s1;
	s8 =	simm.s32 @!p0 $0x1BF5;
	p2 =	por !p2, p0  }
0x20: {  	[sflag:s8] =	ssyncset.s32 @!p0 $0xFFFFF086;
	s6 =	sadd.s32 @!p0 s3, s7;
	s7 =	simm.s32 @!p0 $0x108  }
0x21: {  	s3 =	sadd.s32 s3, s9;
	s6 =	sadd.s32 @!p0 $0x88, s6;
	s7 =	simm.s32 @p2 $0x1082  }
0x22: {  	[simem:s7], [sflag:s8] =	dma.local @!p0 [hbm:s6], $0xF7A  }
0x23: {  	s9 =	sor.u32 $0xD0000000, s2;
	s6 =	simm.s32 $0x108;
	_ =	swait.ge @!p0 [sflag:s8], $0x0  }
0x24: {  	s3 =	sadd.s32 $0x88, s3;
	s6 =	simm.s32 @!p1 $0x1082;
	[sflag:s4] =	ssyncset.s32 $0xFFFFF086  }
0x25: {  	[simem:s6], [sflag:s4] =	dma.local [hbm:s3], $0xF7A  }
0x26: {  	[smem:$0x3F97] =	sst s1;
	(tag) =	ssettag s2;
	_ =	strace s9  }
0x27: {  	s1 =	sld [smem:$0x3FA7]  }
0x28: {  	s2 =	sld [smem:$0x3FA8]  }
0x29: {  	s4 =	sld [smem:$0x3FAA]  }
0x2a: {  	p0 =	seq.s32 s5, $0x0;
	s5 =	sld [smem:$0x3FAB]  }
0x2b: {  	s6 =	sld [smem:$0x3FAC]  }
0x2c: {  	s7 =	sld [smem:$0x3FAD]  }
0x2d: {  	s3 =	simm.s32 $0x108;
	s8 =	sld [smem:$0x3FAE]  }
0x2e: {  	s3 =	simm.s32 @!p0 $0x1082;
	s9 =	sld [smem:$0x3FAF]  }
0x2f: {  	lr =	sadd.s32 s0, s3;
	s0 =	sld [smem:$0x3FA6]  }
0x30: {  	s3 =	sld [smem:$0x3FA9]  }
0x31: {  	[smem:$0x3FB2] =	sst s10  }
0x32: {  	s10 =	sld [smem:$0x3FB0];
	_ =	sdelay $0x3  }
0x33: {  	p0 =	seq.s32 s10, $0x1;
	s10 =	sld [smem:$0x3FB2];
	_ =	sdelay $0x3  }
0x34: {  	[smem:$0x3FB2] =	sst s10  }
0x35: {  	s10 =	sld [smem:$0x3FB1];
	_ =	sdelay $0x3  }
0x36: {  	p1 =	seq.s32 s10, $0x1;
	s10 =	sld [smem:$0x3FB2];
	_ =	sdelay $0x3  }
0x37: {  	[smem:$0x3FB2] =	sst s10  }
0x38: {  	s10 =	sld [smem:$0x3FB3]  }
0x39: {  	_ = 	snop;
	(pc) =	sbr.ind lr, $3  }
0x3a: {  	_ = 	snop  }
0x3b: {  	_ = 	snop  }
0x3c: {  	p2 =	seq.s32 s10, $0x1;
	s10 =	sld [smem:$0x3FB2]  }
0x3d: {  	_ =	shalt  }
0x3e: {  	_ =	shalt  }
0x3f: {  	_ =	shalt  }
0x40: {  	_ =	shalt  }
0x41: {  	_ =	shalt  }
0x42: {  	_ =	shalt  }
0x43: {  	_ =	shalt  }
0x44: {  	_ =	shalt  }
0x45: {  	_ =	shalt  }
0x46: {  	_ =	shalt  }
0x47: {  	_ =	shalt  }
0x48: {  	_ =	shalt  }
0x49: {  	_ =	shalt  }
0x4a: {  	_ =	shalt  }
0x4b: {  	_ =	shalt  }
0x4c: {  	_ =	shalt  }
0x4d: {  	_ =	shalt  }
0x4e: {  	_ =	shalt  }
0x4f: {  	_ =	shalt  }
0x50: {  	_ =	shalt  }
0x51: {  	_ =	shalt  }
0x52: {  	_ =	shalt  }
0x53: {  	_ =	shalt  }
0x54: {  	_ =	shalt  }
0x55: {  	_ =	shalt  }
0x56: {  	_ =	shalt  }
0x57: {  	_ =	shalt  }
0x58: {  	_ =	shalt  }
0x59: {  	_ =	shalt  }
0x5a: {  	_ =	shalt  }
0x5b: {  	_ =	shalt  }
0x5c: {  	_ =	shalt  }
0x5d: {  	_ =	shalt  }
0x5e: {  	_ =	shalt  }
0x5f: {  	_ =	shalt  }
0x60: {  	_ =	shalt  }
0x61: {  	_ =	shalt  }
0x62: {  	_ =	shalt  }
0x63: {  	_ =	shalt  }
0x64: {  	_ =	shalt  }
0x65: {  	_ =	shalt  }
0x66: {  	_ =	shalt  }
0x67: {  	_ =	shalt  }
0x68: {  	_ =	shalt  }
0x69: {  	_ =	shalt  }
0x6a: {  	_ =	shalt  }
0x6b: {  	_ =	shalt  }
0x6c: {  	_ =	shalt  }
0x6d: {  	_ =	shalt  }
0x6e: {  	_ =	shalt  }
0x6f: {  	_ =	shalt  }
0x70: {  	_ =	shalt  }
0x71: {  	_ =	shalt  }
0x72: {  	_ =	shalt  }
0x73: {  	_ =	shalt  }
0x74: {  	_ =	shalt  }
0x75: {  	_ =	shalt  }
0x76: {  	_ =	shalt  }
0x77: {  	_ =	shalt  }
0x78: {  	_ =	shalt  }
0x79: {  	_ =	shalt  }
0x7a: {  	_ =	shalt  }
0x7b: {  	_ =	shalt  }
0x7c: {  	_ =	shalt  }
0x7d: {  	_ =	shalt  }
0x7e: {  	_ =	shalt  }
0x7f: {  	_ =	shalt  }
0x80: {  	_ =	shalt  }
0x81: {  	_ =	shalt  }
0x82: {  	_ =	shalt  }
0x83: {  	_ =	shalt  }
0x84: {  	_ =	shalt  }
0x85: {  	_ =	shalt  }
0x86: {  	_ =	shalt  }
0x87: {  	_ =	shalt  }
.Lfunc_end0:
.L_simem_size_0:
called_computation.2_lowered:
.L_overlay_start_0:
0x88: {  	s2 =	sld [smem:$0x3FD9]  }
0x89: {  	s3 =	sld [smem:$0x3FFE];
	_ =	sdelay $0x1  }
0x8a: {  	s1 =	srdreg.scid  }
0x8b: {  	s0 =	sand.u32 $0x1, s1  }
0x8c: {  	s17 =	sshll.u32 s0, $0xA;
	s2 =	sadd.s32 s3, s2  }
0x8d: {  	s2 =	sadd.s32 s2, s17  }
0x8e: {  	[smem:$0x3FBE] =	sst s2  }
0x8f: {  	_ = 	snop  }
0x90: {  	s2 =	sld [smem:$0x3FD0];
	(tm) =	ssettm $0x1  }
0x91: {  	s18 =	sld [smem:$0x3FFB];
	_ =	sdelay $0x3  }
0x92: {  	_ =	strace s18  }
0x93: {  	s3 =	sld [smem:$0x3FFC];
	_ =	sdelay $0x3  }
0x94: {  	_ =	strace s3  }
0x95: {  	s3 =	sld [smem:$0x3FFD];
	_ =	sdelay $0x3  }
0x96: {  	_ =	strace s3  }
0x97: {  	_ =	strace $0x8FFFFFFF  }
0x98: {  	s19 =	sld [smem:$0x3FDB];
	_ =	sdelay $0x1  }
0x99: {  	s4 =	simm.s32 $_scs_section_size  }
0x9a: {  	s5 =	simm.s32 $_size__tile_overlayer_lowered;
	s6 =	simm.s32 $_tile_overlayer_lowered  }
0x9b: {  	s22 =	simm.s32 $0x1BFF;
	s21 =	sshll.u32 s6, $0x1;
	s3 =	sadd.s32 s4, s19  }
0x9c: {  	s7 =	simm.s32 $0x0;
	s20 =	sshll.u32 s5, $0x1;
	s5 =	sadd.s32 s21, s3  }
0x9d: {  	[timem:s7], [sflag:s22] =	dma.local [hbm:s5], s20  }
0x9e: {  	_ =	swait.ge [sflag:s22], s20  }
0x9f: {  	s4 =	ssub.s32 $0x0, s20;
	[sflag:s22] =	ssyncset.done $0x0  }
0xa0: {  	[sflag:s22] =	ssyncadd.s32 s4;
	_ =	sdelay $0x1  }
0xa1: {  	s23 =	simm.s32 $0x1B8B  }
0xa2: {  	_ =	swait.ge [sflag:s23], $0x1  }
0xa3: {  	[sflag:s23] =	ssyncset.done $0x0  }
0xa4: {  	s25 =	simm.s32 $0x1B8E;
	s24 =	sld [smem:$0x3FFE];
	[sflag:s23] =	ssyncadd.s32 $0xFFFFFFFF  }
0xa5: {  	s26 =	simm.s32 $execute0_lowered;
	[smem:$0x3FD2] =	sst s25  }
0xa6: {  	s5 =	sshll.u32 s26, $0x1;
	_ =	strace $0x8000004C;
	[dreg:$0x1] =	wrdreg $0xFFFFFFFF  }
0xa7: {  	s28 =	simm.s32 $_size_execute0_lowered;
	s3 =	sadd.s32 s3, s5;
	[dreg:$0x0] =	wrdreg $0x0  }
0xa8: {  	s5 =	sshll.u32 s28, $0x1;
	[dreg:$0x2] =	wrdreg s3  }
0xa9: {  	[dreg:$0x3] =	wrdreg s5  }
0xaa: {  	[dreg:$0x4] =	wrdreg $0xC0  }
0xab: {  	_ =	task [dreg:s7], $0x5FFFF  }
0xac: {  	[dreg:$0x1] =	wrdreg $0xFFFFFFFF  }
0xad: {  	[dreg:$0x0] =	wrdreg $0x60  }
0xae: {  	[dreg:$0x2] =	wrdreg s24  }
0xaf: {  	[dreg:$0x3] =	wrdreg s2  }
0xb0: {  	[dreg:$0x4] =	wrdreg $0xBF800  }
0xb1: {  	[dreg:$0x5] =	wrdreg $0x9  }
0xb2: {  	_ =	task.clear_ibuf [dreg:s7], $0x6FFFF;
	_ =	strace $0x9000004C  }
0xb3: {  	s29 =	simm.s32 $0x9;
	_ =	strace $0x8000004E  }
0xb4: {  	_ =	swait.ge [sflag:s29], $0x1  }
0xb5: {  	[sflag:s29] =	ssyncadd.s32 $0xFFFFFFFF  }
0xb6: {  	_ =	strace $0x9000004E  }
0xb7: {  	_ =	sfence  }
0xb8: {  	s30 =	sld [smem:$0x0];
	_ =	sdelay $0x2  }
0xb9: {  	s31 =	sshll.u32 s1, $0xD;
	s1 =	sshrl.u32 s1, $0x2  }
0xba: {  	s3 =	sand.u32 $0x4000, s31;
	s1 =	sadd.s32 s1, s30  }
0xbb: {  	s0 =	sor.u32 s3, s0;
	s1 =	sshll.u32 s1, $0x11  }
0xbc: {  	s0 =	sor.u32 s1, s0  }
0xbd: {  	s0 =	sadd.s32 $0x8F2B, s0  }
0xbe: {  	[sflag:s0] =	ssyncadd.remote.s32 $0x1  }
0xbf: {  	_ =	sfence.sel $0xFFFF  }
0xc0: {  	[dreg:$0x0] =	wrdreg $0xFFFFFFFF;
	(pc) =	sbr.abs _section_cstart, $3  }
0xc1: {  	[dreg:$0x1] =	wrdreg $0xFFFFFFFF  }
0xc2: {  	_ =	task.clear_ibuf [dreg:s7], $0x2FFFF;
	_ =	strace $0x9FFFFFFF  }
0xc3: {  	(tm) =	ssettm $0x7FFFFFFF  }
tec
execute0_lowered:
.L_overlay_start_1:
0x0: {  	(tag) =	ssettag $0x1  }
0x1: {  	s0 =	srdreg.scid  }
0x2: {  	s14 =	stileid.u32;
	s9 =	rddreg [dreg:$0x0]  }
0x3: {  	s10 =	rddreg [dreg:$0x1];
	s28 =	simm.s32 $0x5A80;
	s29 =	simm.s32 $0x2700  }
0x4: {  	s30 =	simm.s32 $0x5B00;
	s31 =	simm.s32 $0x5B80;
	s0 =	sand.u32 $0x1, s0  }
0x5: {  	s3 =	sshll.u32 s14, $0x7;
	s13 =	smul.u32 $0x13C00, s14;
	s6 =	sadd.s32 $0x72C00, s9  }
0x6: {  	s7 =	sadd.s32 $0x9A400, s9;
	s8 =	sadd.s32 $0xC1C00, s9;
	s21 =	smul.u32 $0x4F000, s14  }
0x7: {  	s26 =	sshll.u32 s14, $0x6;
	s1 =	sshll.u32 s0, $0x4;
	s5 =	sand.u32 $0x380, s3  }
0x8: {  	s3 =	simm.s32 $0x0;
	s11 =	smul.u32 $0x4F0000, s0;
	s0 =	ssub.s32 $0x2, s0  }
0x9: {  	s1 =	sor.u32 s14, s1;
	[smem:$0x7FF] =	sst s3;
	s22 =	sshrl.u32 s0, $0x1  }
0xa: {  	s24 =	sshrl.u32 s21, $0x2;
	s21 =	simm.s32 $0x3;
	s2 =	sshrl.u32 s1, $0x3  }
0xb: {  	s11 =	sadd.s32 s13, s11;
	s1 =	smul.u32 $0x700, s1;
	s0 =	ssub.s32 s0, s22  }
0xc: {  	s22 =	simm.s32 $0x1;
	s4 =	smul.u32 $0x13C00, s2;
	s2 =	rddreg [dreg:$0x2]  }
0xd: {  	_ =	strace $0x8000004D;
	s11 =	sshrl.u32 s11, $0x3;
	s16 =	smax.u32 s0, $0x1  }
0xe: {  	s15 =	sadd.s32 s11, s9;
	s10 =	sadd.s32 s10, s1;
	s25 =	sadd.s32 s24, s2  }
0xf: {  	s11 =	sor.u32 $0x1C03, s26;
	s24 =	simm.s32 $0x60;
	s26 =	simm.s32 $0x8F80  }
0x10: {  	s1 =	simm.s32 $0x0;
	s4 =	sor.u32 s5, s4;
	s5 =	sadd.s32 $0x23C00, s9  }
0x11: {  	s13 =	sadd.s32 $0x110C00, s15;
	s14 =	sadd.s32 $0x138400, s15;
	s4 =	sshrl.u32 s4, $0x3  }
0x12: {  	s20 =	sshrl.u32 s25, $0x3;
	s25 =	simm.s32 $0x5F80;
	s12 =	sadd.s32 s4, s9  }
0x13: {  	s4 =	sadd.s32 $0x6200, s9;
	s23 =	sadd.s32 $0x19E00, s12;
	s12 =	sadd.s32 $0xE9400, s15  }
0x14: {  	s15 =	sadd.s32 $0x15FC00, s15;
	[dreg:$0x4] =	wrdreg s23;
	s23 =	simm.s32 $0x2  }
.LBB2_1:
0x15: {  	s0 =	rddreg [dreg:$0x4];
	s9 =	simm.s32 $0x80;
	s17 =	simm.s32 $0x400  }
0x16: {  	[tilespmem:s3], [sflag:$0x1] =	stream.strided.gather [hbm4b:s0+s9], $0x2780, s17, s9, $0x38;
	[tilespmem:$0x1FB80] =	vst v63  }
0x17: {  	s9 =	simm.s32 $0x2780  }
0x18: {  	[tilespmem:s9], [sflag:$0x2] =	stream.linear.gather [hbm4b:s10+s3], $0x3480, $0x38;
	[tilespmem:$0x1FB80] =	vst v63  }
0x19: {  	[spmem:s20], [sflag:s11] =	dma.local [hbm:s4], $0x2780  }
0x1a: {  	_ =	swait.ge [sflag:s21], $0x2780  }
0x1b: {  	[sflag:s21] =	ssyncset.done $0x0  }
0x1c: {  	[sflag:s21] =	ssyncadd.s32 $0xFFFFD880  }
0x1d: {  	_ =	swait.ge [sflag:s22], $0x2780  }
0x1e: {  	[sflag:s22] =	ssyncset.done $0x0  }
0x1f: {  	[sflag:s22] =	ssyncadd.s32 $0xFFFFD880  }
0x20: {  	_ =	swait.ge [sflag:s23], $0x3480  }
0x21: {  	[sflag:s23] =	ssyncset.done $0x0  }
0x22: {  	[sflag:s23] =	ssyncadd.s32 $0xFFFFCB80  }
0x23: {  	[tilespmem:s25], [sflag:$0x1] =	stream.indirect.gather [hbm4b:s5+s24], $0x80, s3, s24, $0xb8;
	[tilespmem:$0x1FB80] =	vst v63  }
0x24: {  	_ = 	snop  }
0x25: {  	[tilespmem:s26], [sflag:$0x2] =	stream.indirect.gather [hbm4b:s5+s24], $0x80, s24, s24, $0xb8;
	[tilespmem:$0x1FB80] =	vst v63  }
0x26: {  	[bflag:$0x0] =	sbarrier.arrive $0xFFFF  }
0x27: {  	_ =	swait.ge [sflag:s22], $0x3000  }
0x28: {  	[sflag:s22] =	ssyncset.done $0x0  }
0x29: {  	s17 =	simm.s32 $0x2780;
	[sflag:s22] =	ssyncadd.s32 $0xFFFFD000  }
0x2a: {  	[spmem:s2] =	stream.indirect.scatter.add.f32 [tilespmem:s25], [sflag:$0x3], $0x80, s17, s24, $0xb8;
	[tilespmem:$0x1FB80] =	vst v63  }
0x2b: {  	_ =	swait.ge [sflag:s21], $0x3000  }
0x2c: {  	[sflag:s21] =	ssyncset.done $0x0  }
0x2d: {  	s18 =	simm.s32 $0xC0;
	[sflag:s21] =	ssyncadd.s32 $0xFFFFD000  }
0x2e: {  	[tilespmem:s25], [sflag:$0x1] =	stream.indirect.gather [hbm4b:s5+s24], $0x80, s18, s24, $0xb8;
	[tilespmem:$0x1FB80] =	vst v63  }
0x2f: {  	_ =	swait.ge [sflag:s23], $0x3000  }
0x30: {  	[sflag:s23] =	ssyncset.done $0x0  }
0x31: {  	s19 =	simm.s32 $0x2800;
	[sflag:s23] =	ssyncadd.s32 $0xFFFFD000  }
0x32: {  	[spmem:s2] =	stream.indirect.scatter.add.f32 [tilespmem:s26], [sflag:$0x3], $0x80, s19, s24, $0xb8;
	[tilespmem:$0x1FB80] =	vst v63  }
0x33: {  	_ =	swait.ge [sflag:s21], $0x3000  }
0x34: {  	s0 =	simm.s32 $0x120;
	[sflag:s21] =	ssyncset.done $0x0  }
0x35: {  	s17 =	simm.s32 $0x400;
	s18 =	simm.s32 $0x1E0;
	[sflag:s21] =	ssyncadd.s32 $0xFFFFD000  }
.LBB2_2:
0x36: {  	[tilespmem:s26], [sflag:$0x2] =	stream.indirect.gather [hbm4b:s5+s24], $0x80, s0, s24, $0xb8;
	[tilespmem:$0x1FB80] =	vst v63  }
0x37: {  	s19 =	smov.u32 s17;
	s0 =	smov.u32 s18  }
0x38: {  	p0 =	sne.s32 s17, $0xC800;
	s17 =	sadd.s32 $0x400, s17;
	_ =	swait.ge [sflag:s22], $0x3000  }
0x39: {  	s19 =	sshra.s32 s19, $0x2;
	[sflag:s22] =	ssyncset.done $0x0  }
0x3a: {  	s9 =	sadd.s32 $0x2780, s19;
	[sflag:s22] =	ssyncadd.s32 $0xFFFFD000  }
0x3b: {  	[spmem:s2] =	stream.indirect.scatter.add.f32 [tilespmem:s25], [sflag:$0x3], $0x80, s9, s24, $0xb8;
	[tilespmem:$0x1FB80] =	vst v63  }
0x3c: {  	_ =	swait.ge [sflag:s21], $0x3000  }
0x3d: {  	[sflag:s21] =	ssyncset.done $0x0  }
0x3e: {  	s9 =	sadd.s32 $0xFFFFFFA0, s18;
	[sflag:s21] =	ssyncadd.s32 $0xFFFFD000  }
0x3f: {  	[tilespmem:s25], [sflag:$0x1] =	stream.indirect.gather [hbm4b:s5+s24], $0x80, s9, s24, $0xb8;
	[tilespmem:$0x1FB80] =	vst v63  }
0x40: {  	_ =	swait.ge [sflag:s23], $0x3000  }
0x41: {  	[sflag:s23] =	ssyncset.done $0x0  }
.Ltmp0:
0x42: {  	s9 =	sadd.s32 $0x2800, s19;
	[sflag:s23] =	ssyncadd.s32 $0xFFFFD000;
	(pc) =	sbr.rel @p0 .LBB2_2-.Ltmp0, $4  }
0x43: {  	[spmem:s2] =	stream.indirect.scatter.add.f32 [tilespmem:s26], [sflag:$0x3], $0x80, s9, s24, $0xb8;
	[tilespmem:$0x1FB80] =	vst v63  }
0x44: {  	_ =	swait.ge [sflag:s21], $0x3000  }
0x45: {  	[sflag:s21] =	ssyncset.done $0x0  }
0x46: {  	s18 =	sadd.s32 $0xC0, s18;
	[sflag:s21] =	ssyncadd.s32 $0xFFFFD000  }
0x47: {  	[tilespmem:s26], [sflag:$0x2] =	stream.indirect.gather [hbm4b:s5+s24], $0x80, s0, s24, $0xb8;
	[tilespmem:$0x1FB80] =	vst v63  }
0x48: {  	_ =	swait.ge [sflag:s22], $0x3000  }
0x49: {  	[sflag:s22] =	ssyncset.done $0x0  }
0x4a: {  	[sflag:s22] =	ssyncadd.s32 $0xFFFFD000  }
0x4b: {  	[spmem:s2] =	stream.indirect.scatter.add.f32 [tilespmem:s25], [sflag:$0x3], $0x80, s28, s24, $0xb8;
	[tilespmem:$0x1FB80] =	vst v63  }
0x4c: {  	_ =	swait.ge [sflag:s21], $0x3000  }
0x4d: {  	[sflag:s21] =	ssyncset.done $0x0  }
0x4e: {  	[sflag:s21] =	ssyncadd.s32 $0xFFFFD000  }
0x4f: {  	[tilespmem:s25], [sflag:$0x1] =	stream.indirect.gather [hbm4b:s5+s24], $0x80, s29, s24, $0xb8;
	[tilespmem:$0x1FB80] =	vst v63  }
0x50: {  	_ =	swait.ge [sflag:s23], $0x3000  }
0x51: {  	[sflag:s23] =	ssyncset.done $0x0  }
0x52: {  	[sflag:s23] =	ssyncadd.s32 $0xFFFFD000  }
0x53: {  	[spmem:s2] =	stream.indirect.scatter.add.f32 [tilespmem:s26], [sflag:$0x3], $0x80, s30, s24, $0xb8;
	[tilespmem:$0x1FB80] =	vst v63  }
0x54: {  	_ =	swait.ge [sflag:s21], $0x3000  }
0x55: {  	[sflag:s21] =	ssyncset.done $0x0  }
0x56: {  	[sflag:s21] =	ssyncadd.s32 $0xFFFFD000  }
0x57: {  	_ =	swait.ge [sflag:s22], $0x3000  }
0x58: {  	[sflag:s22] =	ssyncset.done $0x0  }
0x59: {  	[sflag:s22] =	ssyncadd.s32 $0xFFFFD000  }
0x5a: {  	[spmem:s2] =	stream.indirect.scatter.add.f32 [tilespmem:s25], [sflag:$0x3], $0x80, s31, s24, $0xb8;
	[tilespmem:$0x1FB80] =	vst v63  }
0x5b: {  	_ =	swait.ge [sflag:s21], $0x3000  }
0x5c: {  	[sflag:s21] =	ssyncset.done $0x0  }
0x5d: {  	[sflag:s21] =	ssyncadd.s32 $0xFFFFD000  }
0x5e: {  	[bflag:$0x0] =	sbarrier.arrive $0xFFFF  }
0x5f: {  	[hbm:s12], [sflag:s11] =	dma.local [spmem:s20], $0x2780  }
0x60: {  	_ =	swait.ge [sflag:s21], $0x2780  }
0x61: {  	[sflag:s21] =	ssyncset.done $0x0  }
0x62: {  	s9 =	simm.s32 $0x0;
	[sflag:s21] =	ssyncadd.s32 $0xFFFFD880  }
0x63: {  	[tilespmem:s25], [sflag:$0x1] =	stream.indirect.gather [hbm4b:s6+s24], $0x80, s9, s24, $0xb8;
	[tilespmem:$0x1FB80] =	vst v63  }
0x64: {  	_ = 	snop  }
0x65: {  	[tilespmem:s26], [sflag:$0x2] =	stream.indirect.gather [hbm4b:s6+s24], $0x80, s24, s24, $0xb8;
	[tilespmem:$0x1FB80] =	vst v63  }
0x66: {  	[spmem:s20], [sflag:s11] =	dma.local [hbm:s4], $0x2780  }
0x67: {  	_ =	swait.ge [sflag:s21], $0x2780  }
0x68: {  	[sflag:s21] =	ssyncset.done $0x0  }
0x69: {  	[sflag:s21] =	ssyncadd.s32 $0xFFFFD880  }
0x6a: {  	[bflag:$0x0] =	sbarrier.arrive $0xFFFF  }
0x6b: {  	_ =	swait.ge [sflag:s22], $0x3000  }
0x6c: {  	[sflag:s22] =	ssyncset.done $0x0  }
0x6d: {  	s17 =	simm.s32 $0x2780;
	[sflag:s22] =	ssyncadd.s32 $0xFFFFD000  }
0x6e: {  	[spmem:s2] =	stream.indirect.scatter.add.f32 [tilespmem:s25], [sflag:$0x3], $0x80, s17, s24, $0xb8;
	[tilespmem:$0x1FB80] =	vst v63  }
0x6f: {  	_ =	swait.ge [sflag:s21], $0x3000  }
0x70: {  	[sflag:s21] =	ssyncset.done $0x0  }
0x71: {  	s18 =	simm.s32 $0xC0;
	[sflag:s21] =	ssyncadd.s32 $0xFFFFD000  }
0x72: {  	[tilespmem:s25], [sflag:$0x1] =	stream.indirect.gather [hbm4b:s6+s24], $0x80, s18, s24, $0xb8;
	[tilespmem:$0x1FB80] =	vst v63  }
0x73: {  	_ =	swait.ge [sflag:s23], $0x3000  }
0x74: {  	[sflag:s23] =	ssyncset.done $0x0  }
0x75: {  	s19 =	simm.s32 $0x2800;
	[sflag:s23] =	ssyncadd.s32 $0xFFFFD000  }
0x76: {  	[spmem:s2] =	stream.indirect.scatter.add.f32 [tilespmem:s26], [sflag:$0x3], $0x80, s19, s24, $0xb8;
	[tilespmem:$0x1FB80] =	vst v63  }
0x77: {  	_ =	swait.ge [sflag:s21], $0x3000  }
0x78: {  	s0 =	simm.s32 $0x120;
	[sflag:s21] =	ssyncset.done $0x0  }
0x79: {  	s17 =	simm.s32 $0x400;
	s18 =	simm.s32 $0x1E0;
	[sflag:s21] =	ssyncadd.s32 $0xFFFFD000  }
.LBB2_4:
0x7a: {  	[tilespmem:s26], [sflag:$0x2] =	stream.indirect.gather [hbm4b:s6+s24], $0x80, s0, s24, $0xb8;
	[tilespmem:$0x1FB80] =	vst v63  }
0x7b: {  	s9 =	smov.u32 s17;
	s0 =	smov.u32 s18  }
0x7c: {  	p0 =	sne.s32 s17, $0xC800;
	s17 =	sadd.s32 $0x400, s17;
	_ =	swait.ge [sflag:s22], $0x3000  }
0x7d: {  	s9 =	sshra.s32 s9, $0x2;
	[sflag:s22] =	ssyncset.done $0x0  }
0x7e: {  	s19 =	sadd.s32 $0x2780, s9;
	[sflag:s22] =	ssyncadd.s32 $0xFFFFD000  }
0x7f: {  	[spmem:s2] =	stream.indirect.scatter.add.f32 [tilespmem:s25], [sflag:$0x3], $0x80, s19, s24, $0xb8;
	[tilespmem:$0x1FB80] =	vst v63  }
0x80: {  	_ =	swait.ge [sflag:s21], $0x3000  }
0x81: {  	[sflag:s21] =	ssyncset.done $0x0  }
0x82: {  	s19 =	sadd.s32 $0xFFFFFFA0, s18;
	[sflag:s21] =	ssyncadd.s32 $0xFFFFD000  }
0x83: {  	[tilespmem:s25], [sflag:$0x1] =	stream.indirect.gather [hbm4b:s6+s24], $0x80, s19, s24, $0xb8;
	[tilespmem:$0x1FB80] =	vst v63  }
0x84: {  	_ =	swait.ge [sflag:s23], $0x3000  }
0x85: {  	[sflag:s23] =	ssyncset.done $0x0  }
.Ltmp1:
0x86: {  	s9 =	sadd.s32 $0x2800, s9;
	[sflag:s23] =	ssyncadd.s32 $0xFFFFD000;
	(pc) =	sbr.rel @p0 .LBB2_4-.Ltmp1, $4  }
0x87: {  	[spmem:s2] =	stream.indirect.scatter.add.f32 [tilespmem:s26], [sflag:$0x3], $0x80, s9, s24, $0xb8;
	[tilespmem:$0x1FB80] =	vst v63  }
0x88: {  	_ =	swait.ge [sflag:s21], $0x3000  }
0x89: {  	[sflag:s21] =	ssyncset.done $0x0  }
0x8a: {  	s18 =	sadd.s32 $0xC0, s18;
	[sflag:s21] =	ssyncadd.s32 $0xFFFFD000  }
0x8b: {  	[tilespmem:s26], [sflag:$0x2] =	stream.indirect.gather [hbm4b:s6+s24], $0x80, s0, s24, $0xb8;
	[tilespmem:$0x1FB80] =	vst v63  }
0x8c: {  	_ =	swait.ge [sflag:s22], $0x3000  }
0x8d: {  	[sflag:s22] =	ssyncset.done $0x0  }
0x8e: {  	[sflag:s22] =	ssyncadd.s32 $0xFFFFD000  }
0x8f: {  	[spmem:s2] =	stream.indirect.scatter.add.f32 [tilespmem:s25], [sflag:$0x3], $0x80, s28, s24, $0xb8;
	[tilespmem:$0x1FB80] =	vst v63  }
0x90: {  	_ =	swait.ge [sflag:s21], $0x3000  }
0x91: {  	[sflag:s21] =	ssyncset.done $0x0  }
0x92: {  	[sflag:s21] =	ssyncadd.s32 $0xFFFFD000  }
0x93: {  	[tilespmem:s25], [sflag:$0x1] =	stream.indirect.gather [hbm4b:s6+s24], $0x80, s29, s24, $0xb8;
	[tilespmem:$0x1FB80] =	vst v63  }
0x94: {  	_ =	swait.ge [sflag:s23], $0x3000  }
0x95: {  	[sflag:s23] =	ssyncset.done $0x0  }
0x96: {  	[sflag:s23] =	ssyncadd.s32 $0xFFFFD000  }
0x97: {  	[spmem:s2] =	stream.indirect.scatter.add.f32 [tilespmem:s26], [sflag:$0x3], $0x80, s30, s24, $0xb8;
	[tilespmem:$0x1FB80] =	vst v63  }
0x98: {  	_ =	swait.ge [sflag:s21], $0x3000  }
0x99: {  	[sflag:s21] =	ssyncset.done $0x0  }
0x9a: {  	[sflag:s21] =	ssyncadd.s32 $0xFFFFD000  }
0x9b: {  	_ =	swait.ge [sflag:s22], $0x3000  }
0x9c: {  	[sflag:s22] =	ssyncset.done $0x0  }
0x9d: {  	[sflag:s22] =	ssyncadd.s32 $0xFFFFD000  }
0x9e: {  	[spmem:s2] =	stream.indirect.scatter.add.f32 [tilespmem:s25], [sflag:$0x3], $0x80, s31, s24, $0xb8;
	[tilespmem:$0x1FB80] =	vst v63  }
0x9f: {  	_ =	swait.ge [sflag:s21], $0x3000  }
0xa0: {  	[sflag:s21] =	ssyncset.done $0x0  }
0xa1: {  	[sflag:s21] =	ssyncadd.s32 $0xFFFFD000  }
0xa2: {  	[bflag:$0x0] =	sbarrier.arrive $0xFFFF  }
0xa3: {  	[hbm:s13], [sflag:s11] =	dma.local [spmem:s20], $0x2780  }
0xa4: {  	_ =	swait.ge [sflag:s21], $0x2780  }
0xa5: {  	[sflag:s21] =	ssyncset.done $0x0  }
0xa6: {  	s9 =	simm.s32 $0x0;
	[sflag:s21] =	ssyncadd.s32 $0xFFFFD880  }
0xa7: {  	[tilespmem:s25], [sflag:$0x1] =	stream.indirect.gather [hbm4b:s7+s24], $0x80, s9, s24, $0xb8;
	[tilespmem:$0x1FB80] =	vst v63  }
0xa8: {  	_ = 	snop  }
0xa9: {  	[tilespmem:s26], [sflag:$0x2] =	stream.indirect.gather [hbm4b:s7+s24], $0x80, s24, s24, $0xb8;
	[tilespmem:$0x1FB80] =	vst v63  }
0xaa: {  	[spmem:s20], [sflag:s11] =	dma.local [hbm:s4], $0x2780  }
0xab: {  	_ =	swait.ge [sflag:s21], $0x2780  }
0xac: {  	[sflag:s21] =	ssyncset.done $0x0  }
0xad: {  	[sflag:s21] =	ssyncadd.s32 $0xFFFFD880  }
0xae: {  	[bflag:$0x0] =	sbarrier.arrive $0xFFFF  }
0xaf: {  	_ =	swait.ge [sflag:s22], $0x3000  }
0xb0: {  	[sflag:s22] =	ssyncset.done $0x0  }
0xb1: {  	s17 =	simm.s32 $0x2780;
	[sflag:s22] =	ssyncadd.s32 $0xFFFFD000  }
0xb2: {  	[spmem:s2] =	stream.indirect.scatter.add.f32 [tilespmem:s25], [sflag:$0x3], $0x80, s17, s24, $0xb8;
	[tilespmem:$0x1FB80] =	vst v63  }
0xb3: {  	_ =	swait.ge [sflag:s21], $0x3000  }
0xb4: {  	[sflag:s21] =	ssyncset.done $0x0  }
0xb5: {  	s18 =	simm.s32 $0xC0;
	[sflag:s21] =	ssyncadd.s32 $0xFFFFD000  }
0xb6: {  	[tilespmem:s25], [sflag:$0x1] =	stream.indirect.gather [hbm4b:s7+s24], $0x80, s18, s24, $0xb8;
	[tilespmem:$0x1FB80] =	vst v63  }
0xb7: {  	_ =	swait.ge [sflag:s23], $0x3000  }
0xb8: {  	[sflag:s23] =	ssyncset.done $0x0  }
0xb9: {  	s19 =	simm.s32 $0x2800;
	[sflag:s23] =	ssyncadd.s32 $0xFFFFD000  }
0xba: {  	[spmem:s2] =	stream.indirect.scatter.add.f32 [tilespmem:s26], [sflag:$0x3], $0x80, s19, s24, $0xb8;
	[tilespmem:$0x1FB80] =	vst v63  }
0xbb: {  	_ =	swait.ge [sflag:s21], $0x3000  }
0xbc: {  	s0 =	simm.s32 $0x120;
	[sflag:s21] =	ssyncset.done $0x0  }
0xbd: {  	s17 =	simm.s32 $0x400;
	s18 =	simm.s32 $0x1E0;
	[sflag:s21] =	ssyncadd.s32 $0xFFFFD000  }
.LBB2_6:
0xbe: {  	[tilespmem:s26], [sflag:$0x2] =	stream.indirect.gather [hbm4b:s7+s24], $0x80, s0, s24, $0xb8;
	[tilespmem:$0x1FB80] =	vst v63  }
0xbf: {  	s9 =	smov.u32 s17;
	s0 =	smov.u32 s18  }
0xc0: {  	p0 =	sne.s32 s17, $0xC800;
	s17 =	sadd.s32 $0x400, s17;
	_ =	swait.ge [sflag:s22], $0x3000  }
0xc1: {  	s9 =	sshra.s32 s9, $0x2;
	[sflag:s22] =	ssyncset.done $0x0  }
0xc2: {  	s19 =	sadd.s32 $0x2780, s9;
	[sflag:s22] =	ssyncadd.s32 $0xFFFFD000  }
0xc3: {  	[spmem:s2] =	stream.indirect.scatter.add.f32 [tilespmem:s25], [sflag:$0x3], $0x80, s19, s24, $0xb8;
	[tilespmem:$0x1FB80] =	vst v63  }
0xc4: {  	_ =	swait.ge [sflag:s21], $0x3000  }
0xc5: {  	[sflag:s21] =	ssyncset.done $0x0  }
0xc6: {  	s19 =	sadd.s32 $0xFFFFFFA0, s18;
	[sflag:s21] =	ssyncadd.s32 $0xFFFFD000  }
0xc7: {  	[tilespmem:s25], [sflag:$0x1] =	stream.indirect.gather [hbm4b:s7+s24], $0x80, s19, s24, $0xb8;
	[tilespmem:$0x1FB80] =	vst v63  }
0xc8: {  	_ =	swait.ge [sflag:s23], $0x3000  }
0xc9: {  	[sflag:s23] =	ssyncset.done $0x0  }
.Ltmp2:
0xca: {  	s9 =	sadd.s32 $0x2800, s9;
	[sflag:s23] =	ssyncadd.s32 $0xFFFFD000;
	(pc) =	sbr.rel @p0 .LBB2_6-.Ltmp2, $4  }
0xcb: {  	[spmem:s2] =	stream.indirect.scatter.add.f32 [tilespmem:s26], [sflag:$0x3], $0x80, s9, s24, $0xb8;
	[tilespmem:$0x1FB80] =	vst v63  }
0xcc: {  	_ =	swait.ge [sflag:s21], $0x3000  }
0xcd: {  	[sflag:s21] =	ssyncset.done $0x0  }
0xce: {  	s18 =	sadd.s32 $0xC0, s18;
	[sflag:s21] =	ssyncadd.s32 $0xFFFFD000  }
0xcf: {  	[tilespmem:s26], [sflag:$0x2] =	stream.indirect.gather [hbm4b:s7+s24], $0x80, s0, s24, $0xb8;
	[tilespmem:$0x1FB80] =	vst v63  }
0xd0: {  	_ =	swait.ge [sflag:s22], $0x3000  }
0xd1: {  	[sflag:s22] =	ssyncset.done $0x0  }
0xd2: {  	[sflag:s22] =	ssyncadd.s32 $0xFFFFD000  }
0xd3: {  	[spmem:s2] =	stream.indirect.scatter.add.f32 [tilespmem:s25], [sflag:$0x3], $0x80, s28, s24, $0xb8;
	[tilespmem:$0x1FB80] =	vst v63  }
0xd4: {  	_ =	swait.ge [sflag:s21], $0x3000  }
0xd5: {  	[sflag:s21] =	ssyncset.done $0x0  }
0xd6: {  	[sflag:s21] =	ssyncadd.s32 $0xFFFFD000  }
0xd7: {  	[tilespmem:s25], [sflag:$0x1] =	stream.indirect.gather [hbm4b:s7+s24], $0x80, s29, s24, $0xb8;
	[tilespmem:$0x1FB80] =	vst v63  }
0xd8: {  	_ =	swait.ge [sflag:s23], $0x3000  }
0xd9: {  	[sflag:s23] =	ssyncset.done $0x0  }
0xda: {  	[sflag:s23] =	ssyncadd.s32 $0xFFFFD000  }
0xdb: {  	[spmem:s2] =	stream.indirect.scatter.add.f32 [tilespmem:s26], [sflag:$0x3], $0x80, s30, s24, $0xb8;
	[tilespmem:$0x1FB80] =	vst v63  }
0xdc: {  	_ =	swait.ge [sflag:s21], $0x3000  }
0xdd: {  	[sflag:s21] =	ssyncset.done $0x0  }
0xde: {  	[sflag:s21] =	ssyncadd.s32 $0xFFFFD000  }
0xdf: {  	_ =	swait.ge [sflag:s22], $0x3000  }
0xe0: {  	[sflag:s22] =	ssyncset.done $0x0  }
0xe1: {  	[sflag:s22] =	ssyncadd.s32 $0xFFFFD000  }
0xe2: {  	[spmem:s2] =	stream.indirect.scatter.add.f32 [tilespmem:s25], [sflag:$0x3], $0x80, s31, s24, $0xb8;
	[tilespmem:$0x1FB80] =	vst v63  }
0xe3: {  	_ =	swait.ge [sflag:s21], $0x3000  }
0xe4: {  	[sflag:s21] =	ssyncset.done $0x0  }
0xe5: {  	[sflag:s21] =	ssyncadd.s32 $0xFFFFD000  }
0xe6: {  	[bflag:$0x0] =	sbarrier.arrive $0xFFFF  }
0xe7: {  	[hbm:s14], [sflag:s11] =	dma.local [spmem:s20], $0x2780  }
0xe8: {  	_ =	swait.ge [sflag:s21], $0x2780  }
0xe9: {  	[sflag:s21] =	ssyncset.done $0x0  }
0xea: {  	s9 =	simm.s32 $0x0;
	[sflag:s21] =	ssyncadd.s32 $0xFFFFD880  }
0xeb: {  	[tilespmem:s25], [sflag:$0x1] =	stream.indirect.gather [hbm4b:s8+s24], $0x80, s9, s24, $0xb8;
	[tilespmem:$0x1FB80] =	vst v63  }
0xec: {  	_ = 	snop  }
0xed: {  	[tilespmem:s26], [sflag:$0x2] =	stream.indirect.gather [hbm4b:s8+s24], $0x80, s24, s24, $0xb8;
	[tilespmem:$0x1FB80] =	vst v63  }
0xee: {  	[spmem:s20], [sflag:s11] =	dma.local [hbm:s4], $0x2780  }
0xef: {  	_ =	swait.ge [sflag:s21], $0x2780  }
0xf0: {  	[sflag:s21] =	ssyncset.done $0x0  }
0xf1: {  	[sflag:s21] =	ssyncadd.s32 $0xFFFFD880  }
0xf2: {  	[bflag:$0x0] =	sbarrier.arrive $0xFFFF  }
0xf3: {  	_ =	swait.ge [sflag:s22], $0x3000  }
0xf4: {  	[sflag:s22] =	ssyncset.done $0x0  }
0xf5: {  	s17 =	simm.s32 $0x2780;
	[sflag:s22] =	ssyncadd.s32 $0xFFFFD000  }
0xf6: {  	[spmem:s2] =	stream.indirect.scatter.add.f32 [tilespmem:s25], [sflag:$0x3], $0x80, s17, s24, $0xb8;
	[tilespmem:$0x1FB80] =	vst v63  }
0xf7: {  	_ =	swait.ge [sflag:s21], $0x3000  }
0xf8: {  	[sflag:s21] =	ssyncset.done $0x0  }
0xf9: {  	s18 =	simm.s32 $0xC0;
	[sflag:s21] =	ssyncadd.s32 $0xFFFFD000  }
0xfa: {  	[tilespmem:s25], [sflag:$0x1] =	stream.indirect.gather [hbm4b:s8+s24], $0x80, s18, s24, $0xb8;
	[tilespmem:$0x1FB80] =	vst v63  }
0xfb: {  	_ =	swait.ge [sflag:s23], $0x3000  }
0xfc: {  	[sflag:s23] =	ssyncset.done $0x0  }
0xfd: {  	s19 =	simm.s32 $0x2800;
	[sflag:s23] =	ssyncadd.s32 $0xFFFFD000  }
0xfe: {  	[spmem:s2] =	stream.indirect.scatter.add.f32 [tilespmem:s26], [sflag:$0x3], $0x80, s19, s24, $0xb8;
	[tilespmem:$0x1FB80] =	vst v63  }
0xff: {  	_ =	swait.ge [sflag:s21], $0x3000  }
0x100: {  	s0 =	simm.s32 $0x120;
	[sflag:s21] =	ssyncset.done $0x0  }
0x101: {  	s17 =	simm.s32 $0x400;
	s18 =	simm.s32 $0x1E0;
	[sflag:s21] =	ssyncadd.s32 $0xFFFFD000  }
.LBB2_8:
0x102: {  	[tilespmem:s26], [sflag:$0x2] =	stream.indirect.gather [hbm4b:s8+s24], $0x80, s0, s24, $0xb8;
	[tilespmem:$0x1FB80] =	vst v63  }
0x103: {  	s9 =	smov.u32 s17;
	s0 =	smov.u32 s18  }
0x104: {  	p0 =	sne.s32 s17, $0xC800;
	s17 =	sadd.s32 $0x400, s17;
	_ =	swait.ge [sflag:s22], $0x3000  }
0x105: {  	s9 =	sshra.s32 s9, $0x2;
	[sflag:s22] =	ssyncset.done $0x0  }
0x106: {  	s19 =	sadd.s32 $0x2780, s9;
	[sflag:s22] =	ssyncadd.s32 $0xFFFFD000  }
0x107: {  	[spmem:s2] =	stream.indirect.scatter.add.f32 [tilespmem:s25], [sflag:$0x3], $0x80, s19, s24, $0xb8;
	[tilespmem:$0x1FB80] =	vst v63  }
0x108: {  	_ =	swait.ge [sflag:s21], $0x3000  }
0x109: {  	[sflag:s21] =	ssyncset.done $0x0  }
0x10a: {  	s19 =	sadd.s32 $0xFFFFFFA0, s18;
	[sflag:s21] =	ssyncadd.s32 $0xFFFFD000  }
0x10b: {  	[tilespmem:s25], [sflag:$0x1] =	stream.indirect.gather [hbm4b:s8+s24], $0x80, s19, s24, $0xb8;
	[tilespmem:$0x1FB80] =	vst v63  }
0x10c: {  	_ =	swait.ge [sflag:s23], $0x3000  }
0x10d: {  	[sflag:s23] =	ssyncset.done $0x0  }
.Ltmp3:
0x10e: {  	s9 =	sadd.s32 $0x2800, s9;
	[sflag:s23] =	ssyncadd.s32 $0xFFFFD000;
	(pc) =	sbr.rel @p0 .LBB2_8-.Ltmp3, $4  }
0x10f: {  	[spmem:s2] =	stream.indirect.scatter.add.f32 [tilespmem:s26], [sflag:$0x3], $0x80, s9, s24, $0xb8;
	[tilespmem:$0x1FB80] =	vst v63  }
0x110: {  	_ =	swait.ge [sflag:s21], $0x3000  }
0x111: {  	[sflag:s21] =	ssyncset.done $0x0  }
0x112: {  	s18 =	sadd.s32 $0xC0, s18;
	[sflag:s21] =	ssyncadd.s32 $0xFFFFD000  }
0x113: {  	[tilespmem:s26], [sflag:$0x2] =	stream.indirect.gather [hbm4b:s8+s24], $0x80, s0, s24, $0xb8;
	[tilespmem:$0x1FB80] =	vst v63  }
0x114: {  	_ =	swait.ge [sflag:s22], $0x3000  }
0x115: {  	[sflag:s22] =	ssyncset.done $0x0  }
0x116: {  	[sflag:s22] =	ssyncadd.s32 $0xFFFFD000  }
0x117: {  	[spmem:s2] =	stream.indirect.scatter.add.f32 [tilespmem:s25], [sflag:$0x3], $0x80, s28, s24, $0xb8;
	[tilespmem:$0x1FB80] =	vst v63  }
0x118: {  	_ =	swait.ge [sflag:s21], $0x3000  }
0x119: {  	[sflag:s21] =	ssyncset.done $0x0  }
0x11a: {  	[sflag:s21] =	ssyncadd.s32 $0xFFFFD000  }
0x11b: {  	[tilespmem:s25], [sflag:$0x1] =	stream.indirect.gather [hbm4b:s8+s24], $0x80, s29, s24, $0xb8;
	[tilespmem:$0x1FB80] =	vst v63  }
0x11c: {  	_ =	swait.ge [sflag:s23], $0x3000  }
0x11d: {  	[sflag:s23] =	ssyncset.done $0x0  }
0x11e: {  	[sflag:s23] =	ssyncadd.s32 $0xFFFFD000  }
0x11f: {  	[spmem:s2] =	stream.indirect.scatter.add.f32 [tilespmem:s26], [sflag:$0x3], $0x80, s30, s24, $0xb8;
	[tilespmem:$0x1FB80] =	vst v63  }
0x120: {  	_ =	swait.ge [sflag:s21], $0x3000  }
0x121: {  	[sflag:s21] =	ssyncset.done $0x0  }
0x122: {  	[sflag:s21] =	ssyncadd.s32 $0xFFFFD000  }
0x123: {  	_ =	swait.ge [sflag:s22], $0x3000  }
0x124: {  	[sflag:s22] =	ssyncset.done $0x0  }
0x125: {  	[sflag:s22] =	ssyncadd.s32 $0xFFFFD000  }
0x126: {  	[spmem:s2] =	stream.indirect.scatter.add.f32 [tilespmem:s25], [sflag:$0x3], $0x80, s31, s24, $0xb8;
	[tilespmem:$0x1FB80] =	vst v63  }
0x127: {  	_ =	swait.ge [sflag:s21], $0x3000  }
0x128: {  	s1 =	sadd.s32 $0x1, s1;
	[sflag:s21] =	ssyncset.done $0x0  }
0x129: {  	p0 =	sne.s32 s1, s16;
	[sflag:s21] =	ssyncadd.s32 $0xFFFFD000  }
.Ltmp4:
0x12a: {  	[bflag:$0x0] =	sbarrier.arrive $0xFFFF;
	(pc) =	sbr.rel @p0 .LBB2_1-.Ltmp4, $4  }
0x12b: {  	[hbm:s15], [sflag:s11] =	dma.local [spmem:s20], $0x2780  }
0x12c: {  	_ =	swait.ge [sflag:s21], $0x2780  }
0x12d: {  	[sflag:s21] =	ssyncset.done $0x0  }
0x12e: {  	[sflag:s21] =	ssyncadd.s32 $0xFFFFD880  }
0x12f: {  	_ =	sfence.sel $0x180000  }
0x130: {  	[bflag:$0x0] =	sbarrier.arrive $0xFFFF  }
0x131: {  	_ =	strace $0x9000004D  }
0x132: {  	s0 =	stileid.u32;
	[bflag:$0x2] =	sbarrier.arrive $0xFFFF  }
0x133: {  	p0 =	sne.s32 s0, $0x0;
	s0 =	rddreg [dreg:$0x3]  }
0x134: {  	s0 =	sadd.s32 @!p0 $0x100000, s0  }
0x135: {  	[sflag:s0] =	ssyncadd.tile.s32 @!p0 $0x1;
	_ =	shalt  }
.Lfunc_end2:
_tile_overlayer_lowered:
.L_overlay_start_2:
0x136: {  	(tag) =	ssettag $0x2  }
0x137: {  	s0 =	rddreg [dreg:$0x0];
	s2 =	stileid.u32  }
0x138: {  	s1 =	rddreg [dreg:$0x1];
	p0 =	sne.s32 s2, $0x0  }
0x139: {  	s3 =	rddreg [dreg:$0x2];
	[bflag:$0x3] =	sbarrier.arrive $0xFFFF;
	s2 =	simm.s32 @!p0 $0x1C03  }
0x13a: {  	[timem:s3], [sflag:s2] =	dma.local @!p0 [hbm:s0], s1  }
0x13b: {  	s0 =	simm.s32 @!p0 $0x3  }
0x13c: {  	_ =	swait.ge @!p0 [sflag:s0], s1  }
0x13d: {  	s1 =	ssub.s32 @!p0 $0x0, s1;
	[sflag:s0] =	ssyncset.done @!p0 $0x0  }
0x13e: {  	[sflag:s0] =	ssyncadd.s32 @!p0 s1  }
0x13f: {  	[bflag:$0x3] =	sbarrier.arrive $0xFFFF  }
0x140: {  	_ =	shalt  }

// kernel: _run.21.cloned.1.call-start
scs
__scs_entry_jumppad:
0x0: {  	(pc) =	sbr.rel $0x88, $3  }
0x1: {  	(tag) =	ssettag $0x0;
	lr =	simm.s32 $0x1  }
0x2: {  	[smem:$0x3F97] =	sst lr;
	_ =	strace $0xD0000000  }
0x3: {  	_ = 	snop  }
0x4: {  	_ = 	snop  }
0x5: {  	_ = 	snop  }
0x6: {  	_ = 	snop  }
0x7: {  	_ = 	snop  }
__scs_overlays_trampoline_lowered:
0x8: {  	[smem:$0x3FA6] =	sst s0  }
0x9: {  	[smem:$0x3FA7] =	sst s1  }
0xa: {  	[smem:$0x3FA8] =	sst s2  }
0xb: {  	[smem:$0x3FA9] =	sst s3  }
0xc: {  	[smem:$0x3FAA] =	sst s4  }
0xd: {  	[smem:$0x3FAB] =	sst s5  }
0xe: {  	[smem:$0x3FAC] =	sst s6  }
0xf: {  	[smem:$0x3FAD] =	sst s7  }
0x10: {  	[smem:$0x3FAE] =	sst s8  }
0x11: {  	[smem:$0x3FAF] =	sst s9;
	s0 =	simm.s32 @!p0 $0x0  }
0x12: {  	s1 =	sld [smem:$0x3F95];
	s0 =	simm.s32 @p0 $0x1  }
0x13: {  	[smem:$0x3FB0] =	sst s0;
	s0 =	simm.s32 @!p1 $0x0  }
0x14: {  	s2 =	sld [smem:$0x3F94];
	s0 =	simm.s32 @p1 $0x1  }
0x15: {  	[smem:$0x3FB1] =	sst s0;
	s0 =	simm.s32 @!p2 $0x0  }
0x16: {  	s3 =	sld [smem:$0x3FDB];
	s0 =	simm.s32 @p2 $0x1  }
0x17: {  	s4 =	simm.s32 $0x1BF5;
	[smem:$0x3FB3] =	sst s0  }
0x18: {  	s0 =	sld [smem:$0x3F96];
	_ =	swait.ge [sflag:s4], $0x0  }
0x19: {  	s7 =	sld [smem:$0x3F97]  }
0x1a: {  	s8 =	sadd.s32 $0xFFFFE003, lr  }
0x1b: {  	s9 =	sadd.s32 $0xFFFFFEF7, lr;
	s5 =	simm.s32 $0xFFFFFFFF;
	p2 =	slt.u32 s8, $0xFFFFF086  }
0x1c: {  	p1 =	slt.u32 s9, $0xF7A;
	s5 =	simm.s32 @!p2 $0x0  }
0x1d: {  	s5 =	simm.s32 @p1 $0x1;
	p0 =	seq.s32 s7, s2  }
0x1e: {  	s7 =	smul.u32 @!p0 $0xF7A, s2;
	p2 =	seq.s32 @!p0 s5, $0x0  }
0x1f: {  	s9 =	smul.u32 $0xF7A, s1;
	s8 =	simm.s32 @!p0 $0x1BF5;
	p2 =	por !p2, p0  }
0x20: {  	[sflag:s8] =	ssyncset.s32 @!p0 $0xFFFFF086;
	s6 =	sadd.s32 @!p0 s3, s7;
	s7 =	simm.s32 @!p0 $0x108  }
0x21: {  	s3 =	sadd.s32 s3, s9;
	s6 =	sadd.s32 @!p0 $0x88, s6;
	s7 =	simm.s32 @p2 $0x1082  }
0x22: {  	[simem:s7], [sflag:s8] =	dma.local @!p0 [hbm:s6], $0xF7A  }
0x23: {  	s9 =	sor.u32 $0xD0000000, s2;
	s6 =	simm.s32 $0x108;
	_ =	swait.ge @!p0 [sflag:s8], $0x0  }
0x24: {  	s3 =	sadd.s32 $0x88, s3;
	s6 =	simm.s32 @!p1 $0x1082;
	[sflag:s4] =	ssyncset.s32 $0xFFFFF086  }
0x25: {  	[simem:s6], [sflag:s4] =	dma.local [hbm:s3], $0xF7A  }
0x26: {  	[smem:$0x3F97] =	sst s1;
	(tag) =	ssettag s2;
	_ =	strace s9  }
0x27: {  	s1 =	sld [smem:$0x3FA7]  }
0x28: {  	s2 =	sld [smem:$0x3FA8]  }
0x29: {  	s4 =	sld [smem:$0x3FAA]  }
0x2a: {  	p0 =	seq.s32 s5, $0x0;
	s5 =	sld [smem:$0x3FAB]  }
0x2b: {  	s6 =	sld [smem:$0x3FAC]  }
0x2c: {  	s7 =	sld [smem:$0x3FAD]  }
0x2d: {  	s3 =	simm.s32 $0x108;
	s8 =	sld [smem:$0x3FAE]  }
0x2e: {  	s3 =	simm.s32 @!p0 $0x1082;
	s9 =	sld [smem:$0x3FAF]  }
0x2f: {  	lr =	sadd.s32 s0, s3;
	s0 =	sld [smem:$0x3FA6]  }
0x30: {  	s3 =	sld [smem:$0x3FA9]  }
0x31: {  	[smem:$0x3FB2] =	sst s10  }
0x32: {  	s10 =	sld [smem:$0x3FB0];
	_ =	sdelay $0x3  }
0x33: {  	p0 =	seq.s32 s10, $0x1;
	s10 =	sld [smem:$0x3FB2];
	_ =	sdelay $0x3  }
0x34: {  	[smem:$0x3FB2] =	sst s10  }
0x35: {  	s10 =	sld [smem:$0x3FB1];
	_ =	sdelay $0x3  }
0x36: {  	p1 =	seq.s32 s10, $0x1;
	s10 =	sld [smem:$0x3FB2];
	_ =	sdelay $0x3  }
0x37: {  	[smem:$0x3FB2] =	sst s10  }
0x38: {  	s10 =	sld [smem:$0x3FB3]  }
0x39: {  	_ = 	snop;
	(pc) =	sbr.ind lr, $3  }
0x3a: {  	_ = 	snop  }
0x3b: {  	_ = 	snop  }
0x3c: {  	p2 =	seq.s32 s10, $0x1;
	s10 =	sld [smem:$0x3FB2]  }
0x3d: {  	_ =	shalt  }
0x3e: {  	_ =	shalt  }
0x3f: {  	_ =	shalt  }
0x40: {  	_ =	shalt  }
0x41: {  	_ =	shalt  }
0x42: {  	_ =	shalt  }
0x43: {  	_ =	shalt  }
0x44: {  	_ =	shalt  }
0x45: {  	_ =	shalt  }
0x46: {  	_ =	shalt  }
0x47: {  	_ =	shalt  }
0x48: {  	_ =	shalt  }
0x49: {  	_ =	shalt  }
0x4a: {  	_ =	shalt  }
0x4b: {  	_ =	shalt  }
0x4c: {  	_ =	shalt  }
0x4d: {  	_ =	shalt  }
0x4e: {  	_ =	shalt  }
0x4f: {  	_ =	shalt  }
0x50: {  	_ =	shalt  }
0x51: {  	_ =	shalt  }
0x52: {  	_ =	shalt  }
0x53: {  	_ =	shalt  }
0x54: {  	_ =	shalt  }
0x55: {  	_ =	shalt  }
0x56: {  	_ =	shalt  }
0x57: {  	_ =	shalt  }
0x58: {  	_ =	shalt  }
0x59: {  	_ =	shalt  }
0x5a: {  	_ =	shalt  }
0x5b: {  	_ =	shalt  }
0x5c: {  	_ =	shalt  }
0x5d: {  	_ =	shalt  }
0x5e: {  	_ =	shalt  }
0x5f: {  	_ =	shalt  }
0x60: {  	_ =	shalt  }
0x61: {  	_ =	shalt  }
0x62: {  	_ =	shalt  }
0x63: {  	_ =	shalt  }
0x64: {  	_ =	shalt  }
0x65: {  	_ =	shalt  }
0x66: {  	_ =	shalt  }
0x67: {  	_ =	shalt  }
0x68: {  	_ =	shalt  }
0x69: {  	_ =	shalt  }
0x6a: {  	_ =	shalt  }
0x6b: {  	_ =	shalt  }
0x6c: {  	_ =	shalt  }
0x6d: {  	_ =	shalt  }
0x6e: {  	_ =	shalt  }
0x6f: {  	_ =	shalt  }
0x70: {  	_ =	shalt  }
0x71: {  	_ =	shalt  }
0x72: {  	_ =	shalt  }
0x73: {  	_ =	shalt  }
0x74: {  	_ =	shalt  }
0x75: {  	_ =	shalt  }
0x76: {  	_ =	shalt  }
0x77: {  	_ =	shalt  }
0x78: {  	_ =	shalt  }
0x79: {  	_ =	shalt  }
0x7a: {  	_ =	shalt  }
0x7b: {  	_ =	shalt  }
0x7c: {  	_ =	shalt  }
0x7d: {  	_ =	shalt  }
0x7e: {  	_ =	shalt  }
0x7f: {  	_ =	shalt  }
0x80: {  	_ =	shalt  }
0x81: {  	_ =	shalt  }
0x82: {  	_ =	shalt  }
0x83: {  	_ =	shalt  }
0x84: {  	_ =	shalt  }
0x85: {  	_ =	shalt  }
0x86: {  	_ =	shalt  }
0x87: {  	_ =	shalt  }
.Lfunc_end0:
.L_simem_size_0:
called_computation.3_lowered:
.L_overlay_start_0:
0x88: {  	s2 =	sld [smem:$0x3FD9]  }
0x89: {  	s3 =	sld [smem:$0x3FFE];
	_ =	sdelay $0x1  }
0x8a: {  	s1 =	srdreg.scid  }
0x8b: {  	s0 =	sand.u32 $0x1, s1  }
0x8c: {  	s17 =	sshll.u32 s0, $0xA;
	s2 =	sadd.s32 s3, s2  }
0x8d: {  	s2 =	sadd.s32 s2, s17  }
0x8e: {  	[smem:$0x3FBE] =	sst s2  }
0x8f: {  	_ = 	snop  }
0x90: {  	s2 =	sld [smem:$0x3FD0];
	(tm) =	ssettm $0x1  }
0x91: {  	s18 =	sld [smem:$0x3FFB];
	_ =	sdelay $0x3  }
0x92: {  	_ =	strace s18  }
0x93: {  	s3 =	sld [smem:$0x3FFC];
	_ =	sdelay $0x3  }
0x94: {  	_ =	strace s3  }
0x95: {  	s3 =	sld [smem:$0x3FFD];
	_ =	sdelay $0x3  }
0x96: {  	_ =	strace s3  }
0x97: {  	_ =	strace $0x8FFFFFFF  }
0x98: {  	s19 =	sld [smem:$0x3FDB];
	_ =	sdelay $0x1  }
0x99: {  	s4 =	simm.s32 $_scs_section_size  }
0x9a: {  	s5 =	simm.s32 $_size__tile_overlayer_lowered;
	s6 =	simm.s32 $_tile_overlayer_lowered  }
0x9b: {  	s22 =	simm.s32 $0x1BFF;
	s21 =	sshll.u32 s6, $0x1;
	s3 =	sadd.s32 s4, s19  }
0x9c: {  	s7 =	simm.s32 $0x0;
	s20 =	sshll.u32 s5, $0x1;
	s5 =	sadd.s32 s21, s3  }
0x9d: {  	[timem:s7], [sflag:s22] =	dma.local [hbm:s5], s20  }
0x9e: {  	_ =	swait.ge [sflag:s22], s20  }
0x9f: {  	s4 =	ssub.s32 $0x0, s20;
	[sflag:s22] =	ssyncset.done $0x0  }
0xa0: {  	[sflag:s22] =	ssyncadd.s32 s4;
	_ =	sdelay $0x1  }
0xa1: {  	s23 =	simm.s32 $0x1B8B  }
0xa2: {  	_ =	swait.ge [sflag:s23], $0x1  }
0xa3: {  	[sflag:s23] =	ssyncset.done $0x0  }
0xa4: {  	s25 =	simm.s32 $0x1B8E;
	s24 =	sld [smem:$0x3FFE];
	[sflag:s23] =	ssyncadd.s32 $0xFFFFFFFF  }
0xa5: {  	s26 =	simm.s32 $execute0_lowered;
	[smem:$0x3FD2] =	sst s25  }
0xa6: {  	s5 =	sshll.u32 s26, $0x1;
	_ =	strace $0x8000004F;
	[dreg:$0x1] =	wrdreg $0xFFFFFFFF  }
0xa7: {  	s28 =	simm.s32 $_size_execute0_lowered;
	s3 =	sadd.s32 s3, s5;
	[dreg:$0x0] =	wrdreg $0x0  }
0xa8: {  	s5 =	sshll.u32 s28, $0x1;
	[dreg:$0x2] =	wrdreg s3  }
0xa9: {  	[dreg:$0x3] =	wrdreg s5  }
0xaa: {  	[dreg:$0x4] =	wrdreg $0xC0  }
0xab: {  	_ =	task [dreg:s7], $0x5FFFF  }
0xac: {  	[dreg:$0x1] =	wrdreg $0xFFFFFFFF  }
0xad: {  	[dreg:$0x0] =	wrdreg $0x60  }
0xae: {  	[dreg:$0x2] =	wrdreg s24  }
0xaf: {  	[dreg:$0x3] =	wrdreg s2  }
0xb0: {  	[dreg:$0x4] =	wrdreg $0xBF800  }
0xb1: {  	[dreg:$0x5] =	wrdreg $0x9  }
0xb2: {  	_ =	task.clear_ibuf [dreg:s7], $0x6FFFF;
	_ =	strace $0x9000004F  }
0xb3: {  	s29 =	simm.s32 $0x9;
	_ =	strace $0x80000051  }
0xb4: {  	_ =	swait.ge [sflag:s29], $0x1  }
0xb5: {  	[sflag:s29] =	ssyncadd.s32 $0xFFFFFFFF  }
0xb6: {  	_ =	strace $0x90000051  }
0xb7: {  	_ =	sfence  }
0xb8: {  	s30 =	sld [smem:$0x0];
	_ =	sdelay $0x2  }
0xb9: {  	s31 =	sshll.u32 s1, $0xD;
	s1 =	sshrl.u32 s1, $0x2  }
0xba: {  	s3 =	sand.u32 $0x4000, s31;
	s1 =	sadd.s32 s1, s30  }
0xbb: {  	s0 =	sor.u32 s3, s0;
	s1 =	sshll.u32 s1, $0x11  }
0xbc: {  	s0 =	sor.u32 s1, s0  }
0xbd: {  	s0 =	sadd.s32 $0x8F2B, s0  }
0xbe: {  	[sflag:s0] =	ssyncadd.remote.s32 $0x1  }
0xbf: {  	_ =	sfence.sel $0xFFFF  }
0xc0: {  	[dreg:$0x0] =	wrdreg $0xFFFFFFFF;
	(pc) =	sbr.abs _section_cstart, $3  }
0xc1: {  	[dreg:$0x1] =	wrdreg $0xFFFFFFFF  }
0xc2: {  	_ =	task.clear_ibuf [dreg:s7], $0x2FFFF;
	_ =	strace $0x9FFFFFFF  }
0xc3: {  	(tm) =	ssettm $0x7FFFFFFF  }
tec
execute0_lowered:
.L_overlay_start_1:
0x0: {  	(tag) =	ssettag $0x1  }
0x1: {  	s0 =	srdreg.scid  }
0x2: {  	s14 =	stileid.u32;
	s9 =	rddreg [dreg:$0x0]  }
0x3: {  	s10 =	rddreg [dreg:$0x1];
	s28 =	simm.s32 $0x5A80;
	s29 =	simm.s32 $0x2700  }
0x4: {  	s30 =	simm.s32 $0x5B00;
	s31 =	simm.s32 $0x5B80;
	s0 =	sand.u32 $0x1, s0  }
0x5: {  	s3 =	sshll.u32 s14, $0x7;
	s13 =	smul.u32 $0x13C00, s14;
	s6 =	sadd.s32 $0x72C00, s9  }
0x6: {  	s7 =	sadd.s32 $0x9A400, s9;
	s8 =	sadd.s32 $0x225400, s9;
	s21 =	smul.u32 $0x4F000, s14  }
0x7: {  	s26 =	sshll.u32 s14, $0x6;
	s1 =	sshll.u32 s0, $0x4;
	s5 =	sand.u32 $0x380, s3  }
0x8: {  	s3 =	simm.s32 $0x0;
	s11 =	smul.u32 $0x4F0000, s0;
	s0 =	ssub.s32 $0x2, s0  }
0x9: {  	s1 =	sor.u32 s14, s1;
	[smem:$0x7FF] =	sst s3;
	s22 =	sshrl.u32 s0, $0x1  }
0xa: {  	s24 =	sshrl.u32 s21, $0x2;
	s21 =	simm.s32 $0x3;
	s2 =	sshrl.u32 s1, $0x3  }
0xb: {  	s11 =	sadd.s32 s13, s11;
	s1 =	smul.u32 $0x700, s1;
	s0 =	ssub.s32 s0, s22  }
0xc: {  	s22 =	simm.s32 $0x1;
	s4 =	smul.u32 $0x13C00, s2;
	s2 =	rddreg [dreg:$0x2]  }
0xd: {  	_ =	strace $0x80000050;
	s11 =	sshrl.u32 s11, $0x3;
	s16 =	smax.u32 s0, $0x1  }
0xe: {  	s15 =	sadd.s32 s11, s9;
	s10 =	sadd.s32 s10, s1;
	s25 =	sadd.s32 s24, s2  }
0xf: {  	s11 =	sor.u32 $0x1C03, s26;
	s24 =	simm.s32 $0x60;
	s26 =	simm.s32 $0x8F80  }
0x10: {  	s1 =	simm.s32 $0x0;
	s4 =	sor.u32 s5, s4;
	s5 =	sadd.s32 $0x23C00, s9  }
0x11: {  	s13 =	sadd.s32 $0xE9400, s15;
	s14 =	sadd.s32 $0x110C00, s15;
	s4 =	sshrl.u32 s4, $0x3  }
0x12: {  	s20 =	sshrl.u32 s25, $0x3;
	s25 =	simm.s32 $0x5F80;
	s12 =	sadd.s32 s4, s9  }
0x13: {  	s4 =	sadd.s32 $0x6200, s9;
	s23 =	sadd.s32 $0x19E00, s12;
	s12 =	sadd.s32 $0xC1C00, s15  }
0x14: {  	s15 =	sadd.s32 $0x138400, s15;
	[dreg:$0x4] =	wrdreg s23;
	s23 =	simm.s32 $0x2  }
.LBB2_1:
0x15: {  	s0 =	rddreg [dreg:$0x4];
	s9 =	simm.s32 $0x80;
	s17 =	simm.s32 $0x400  }
0x16: {  	[tilespmem:s3], [sflag:$0x1] =	stream.strided.gather [hbm4b:s0+s9], $0x2780, s17, s9, $0x38;
	[tilespmem:$0x1FB80] =	vst v63  }
0x17: {  	s9 =	simm.s32 $0x2780  }
0x18: {  	[tilespmem:s9], [sflag:$0x2] =	stream.linear.gather [hbm4b:s10+s3], $0x3480, $0x38;
	[tilespmem:$0x1FB80] =	vst v63  }
0x19: {  	[spmem:s20], [sflag:s11] =	dma.local [hbm:s4], $0x2780  }
0x1a: {  	_ =	swait.ge [sflag:s21], $0x2780  }
0x1b: {  	[sflag:s21] =	ssyncset.done $0x0  }
0x1c: {  	[sflag:s21] =	ssyncadd.s32 $0xFFFFD880  }
0x1d: {  	_ =	swait.ge [sflag:s22], $0x2780  }
0x1e: {  	[sflag:s22] =	ssyncset.done $0x0  }
0x1f: {  	[sflag:s22] =	ssyncadd.s32 $0xFFFFD880  }
0x20: {  	_ =	swait.ge [sflag:s23], $0x3480  }
0x21: {  	[sflag:s23] =	ssyncset.done $0x0  }
0x22: {  	[sflag:s23] =	ssyncadd.s32 $0xFFFFCB80  }
0x23: {  	[tilespmem:s25], [sflag:$0x1] =	stream.indirect.gather [hbm4b:s5+s24], $0x80, s3, s24, $0xb8;
	[tilespmem:$0x1FB80] =	vst v63  }
0x24: {  	_ = 	snop  }
0x25: {  	[tilespmem:s26], [sflag:$0x2] =	stream.indirect.gather [hbm4b:s5+s24], $0x80, s24, s24, $0xb8;
	[tilespmem:$0x1FB80] =	vst v63  }
0x26: {  	[bflag:$0x0] =	sbarrier.arrive $0xFFFF  }
0x27: {  	_ =	swait.ge [sflag:s22], $0x3000  }
0x28: {  	[sflag:s22] =	ssyncset.done $0x0  }
0x29: {  	s17 =	simm.s32 $0x2780;
	[sflag:s22] =	ssyncadd.s32 $0xFFFFD000  }
0x2a: {  	[spmem:s2] =	stream.indirect.scatter.add.f32 [tilespmem:s25], [sflag:$0x3], $0x80, s17, s24, $0xb8;
	[tilespmem:$0x1FB80] =	vst v63  }
0x2b: {  	_ =	swait.ge [sflag:s21], $0x3000  }
0x2c: {  	[sflag:s21] =	ssyncset.done $0x0  }
0x2d: {  	s18 =	simm.s32 $0xC0;
	[sflag:s21] =	ssyncadd.s32 $0xFFFFD000  }
0x2e: {  	[tilespmem:s25], [sflag:$0x1] =	stream.indirect.gather [hbm4b:s5+s24], $0x80, s18, s24, $0xb8;
	[tilespmem:$0x1FB80] =	vst v63  }
0x2f: {  	_ =	swait.ge [sflag:s23], $0x3000  }
0x30: {  	[sflag:s23] =	ssyncset.done $0x0  }
0x31: {  	s19 =	simm.s32 $0x2800;
	[sflag:s23] =	ssyncadd.s32 $0xFFFFD000  }
0x32: {  	[spmem:s2] =	stream.indirect.scatter.add.f32 [tilespmem:s26], [sflag:$0x3], $0x80, s19, s24, $0xb8;
	[tilespmem:$0x1FB80] =	vst v63  }
0x33: {  	_ =	swait.ge [sflag:s21], $0x3000  }
0x34: {  	s0 =	simm.s32 $0x120;
	[sflag:s21] =	ssyncset.done $0x0  }
0x35: {  	s17 =	simm.s32 $0x400;
	s18 =	simm.s32 $0x1E0;
	[sflag:s21] =	ssyncadd.s32 $0xFFFFD000  }
.LBB2_2:
0x36: {  	[tilespmem:s26], [sflag:$0x2] =	stream.indirect.gather [hbm4b:s5+s24], $0x80, s0, s24, $0xb8;
	[tilespmem:$0x1FB80] =	vst v63  }
0x37: {  	s19 =	smov.u32 s17;
	s0 =	smov.u32 s18  }
0x38: {  	p0 =	sne.s32 s17, $0xC800;
	s17 =	sadd.s32 $0x400, s17;
	_ =	swait.ge [sflag:s22], $0x3000  }
0x39: {  	s19 =	sshra.s32 s19, $0x2;
	[sflag:s22] =	ssyncset.done $0x0  }
0x3a: {  	s9 =	sadd.s32 $0x2780, s19;
	[sflag:s22] =	ssyncadd.s32 $0xFFFFD000  }
0x3b: {  	[spmem:s2] =	stream.indirect.scatter.add.f32 [tilespmem:s25], [sflag:$0x3], $0x80, s9, s24, $0xb8;
	[tilespmem:$0x1FB80] =	vst v63  }
0x3c: {  	_ =	swait.ge [sflag:s21], $0x3000  }
0x3d: {  	[sflag:s21] =	ssyncset.done $0x0  }
0x3e: {  	s9 =	sadd.s32 $0xFFFFFFA0, s18;
	[sflag:s21] =	ssyncadd.s32 $0xFFFFD000  }
0x3f: {  	[tilespmem:s25], [sflag:$0x1] =	stream.indirect.gather [hbm4b:s5+s24], $0x80, s9, s24, $0xb8;
	[tilespmem:$0x1FB80] =	vst v63  }
0x40: {  	_ =	swait.ge [sflag:s23], $0x3000  }
0x41: {  	[sflag:s23] =	ssyncset.done $0x0  }
.Ltmp0:
0x42: {  	s9 =	sadd.s32 $0x2800, s19;
	[sflag:s23] =	ssyncadd.s32 $0xFFFFD000;
	(pc) =	sbr.rel @p0 .LBB2_2-.Ltmp0, $4  }
0x43: {  	[spmem:s2] =	stream.indirect.scatter.add.f32 [tilespmem:s26], [sflag:$0x3], $0x80, s9, s24, $0xb8;
	[tilespmem:$0x1FB80] =	vst v63  }
0x44: {  	_ =	swait.ge [sflag:s21], $0x3000  }
0x45: {  	[sflag:s21] =	ssyncset.done $0x0  }
0x46: {  	s18 =	sadd.s32 $0xC0, s18;
	[sflag:s21] =	ssyncadd.s32 $0xFFFFD000  }
0x47: {  	[tilespmem:s26], [sflag:$0x2] =	stream.indirect.gather [hbm4b:s5+s24], $0x80, s0, s24, $0xb8;
	[tilespmem:$0x1FB80] =	vst v63  }
0x48: {  	_ =	swait.ge [sflag:s22], $0x3000  }
0x49: {  	[sflag:s22] =	ssyncset.done $0x0  }
0x4a: {  	[sflag:s22] =	ssyncadd.s32 $0xFFFFD000  }
0x4b: {  	[spmem:s2] =	stream.indirect.scatter.add.f32 [tilespmem:s25], [sflag:$0x3], $0x80, s28, s24, $0xb8;
	[tilespmem:$0x1FB80] =	vst v63  }
0x4c: {  	_ =	swait.ge [sflag:s21], $0x3000  }
0x4d: {  	[sflag:s21] =	ssyncset.done $0x0  }
0x4e: {  	[sflag:s21] =	ssyncadd.s32 $0xFFFFD000  }
0x4f: {  	[tilespmem:s25], [sflag:$0x1] =	stream.indirect.gather [hbm4b:s5+s24], $0x80, s29, s24, $0xb8;
	[tilespmem:$0x1FB80] =	vst v63  }
0x50: {  	_ =	swait.ge [sflag:s23], $0x3000  }
0x51: {  	[sflag:s23] =	ssyncset.done $0x0  }
0x52: {  	[sflag:s23] =	ssyncadd.s32 $0xFFFFD000  }
0x53: {  	[spmem:s2] =	stream.indirect.scatter.add.f32 [tilespmem:s26], [sflag:$0x3], $0x80, s30, s24, $0xb8;
	[tilespmem:$0x1FB80] =	vst v63  }
0x54: {  	_ =	swait.ge [sflag:s21], $0x3000  }
0x55: {  	[sflag:s21] =	ssyncset.done $0x0  }
0x56: {  	[sflag:s21] =	ssyncadd.s32 $0xFFFFD000  }
0x57: {  	_ =	swait.ge [sflag:s22], $0x3000  }
0x58: {  	[sflag:s22] =	ssyncset.done $0x0  }
0x59: {  	[sflag:s22] =	ssyncadd.s32 $0xFFFFD000  }
0x5a: {  	[spmem:s2] =	stream.indirect.scatter.add.f32 [tilespmem:s25], [sflag:$0x3], $0x80, s31, s24, $0xb8;
	[tilespmem:$0x1FB80] =	vst v63  }
0x5b: {  	_ =	swait.ge [sflag:s21], $0x3000  }
0x5c: {  	[sflag:s21] =	ssyncset.done $0x0  }
0x5d: {  	[sflag:s21] =	ssyncadd.s32 $0xFFFFD000  }
0x5e: {  	[bflag:$0x0] =	sbarrier.arrive $0xFFFF  }
0x5f: {  	[hbm:s12], [sflag:s11] =	dma.local [spmem:s20], $0x2780  }
0x60: {  	_ =	swait.ge [sflag:s21], $0x2780  }
0x61: {  	[sflag:s21] =	ssyncset.done $0x0  }
0x62: {  	s9 =	simm.s32 $0x0;
	[sflag:s21] =	ssyncadd.s32 $0xFFFFD880  }
0x63: {  	[tilespmem:s25], [sflag:$0x1] =	stream.indirect.gather [hbm4b:s6+s24], $0x80, s9, s24, $0xb8;
	[tilespmem:$0x1FB80] =	vst v63  }
0x64: {  	_ = 	snop  }
0x65: {  	[tilespmem:s26], [sflag:$0x2] =	stream.indirect.gather [hbm4b:s6+s24], $0x80, s24, s24, $0xb8;
	[tilespmem:$0x1FB80] =	vst v63  }
0x66: {  	[spmem:s20], [sflag:s11] =	dma.local [hbm:s4], $0x2780  }
0x67: {  	_ =	swait.ge [sflag:s21], $0x2780  }
0x68: {  	[sflag:s21] =	ssyncset.done $0x0  }
0x69: {  	[sflag:s21] =	ssyncadd.s32 $0xFFFFD880  }
0x6a: {  	[bflag:$0x0] =	sbarrier.arrive $0xFFFF  }
0x6b: {  	_ =	swait.ge [sflag:s22], $0x3000  }
0x6c: {  	[sflag:s22] =	ssyncset.done $0x0  }
0x6d: {  	s17 =	simm.s32 $0x2780;
	[sflag:s22] =	ssyncadd.s32 $0xFFFFD000  }
0x6e: {  	[spmem:s2] =	stream.indirect.scatter.add.f32 [tilespmem:s25], [sflag:$0x3], $0x80, s17, s24, $0xb8;
	[tilespmem:$0x1FB80] =	vst v63  }
0x6f: {  	_ =	swait.ge [sflag:s21], $0x3000  }
0x70: {  	[sflag:s21] =	ssyncset.done $0x0  }
0x71: {  	s18 =	simm.s32 $0xC0;
	[sflag:s21] =	ssyncadd.s32 $0xFFFFD000  }
0x72: {  	[tilespmem:s25], [sflag:$0x1] =	stream.indirect.gather [hbm4b:s6+s24], $0x80, s18, s24, $0xb8;
	[tilespmem:$0x1FB80] =	vst v63  }
0x73: {  	_ =	swait.ge [sflag:s23], $0x3000  }
0x74: {  	[sflag:s23] =	ssyncset.done $0x0  }
0x75: {  	s19 =	simm.s32 $0x2800;
	[sflag:s23] =	ssyncadd.s32 $0xFFFFD000  }
0x76: {  	[spmem:s2] =	stream.indirect.scatter.add.f32 [tilespmem:s26], [sflag:$0x3], $0x80, s19, s24, $0xb8;
	[tilespmem:$0x1FB80] =	vst v63  }
0x77: {  	_ =	swait.ge [sflag:s21], $0x3000  }
0x78: {  	s0 =	simm.s32 $0x120;
	[sflag:s21] =	ssyncset.done $0x0  }
0x79: {  	s17 =	simm.s32 $0x400;
	s18 =	simm.s32 $0x1E0;
	[sflag:s21] =	ssyncadd.s32 $0xFFFFD000  }
.LBB2_4:
0x7a: {  	[tilespmem:s26], [sflag:$0x2] =	stream.indirect.gather [hbm4b:s6+s24], $0x80, s0, s24, $0xb8;
	[tilespmem:$0x1FB80] =	vst v63  }
0x7b: {  	s9 =	smov.u32 s17;
	s0 =	smov.u32 s18  }
0x7c: {  	p0 =	sne.s32 s17, $0xC800;
	s17 =	sadd.s32 $0x400, s17;
	_ =	swait.ge [sflag:s22], $0x3000  }
0x7d: {  	s9 =	sshra.s32 s9, $0x2;
	[sflag:s22] =	ssyncset.done $0x0  }
0x7e: {  	s19 =	sadd.s32 $0x2780, s9;
	[sflag:s22] =	ssyncadd.s32 $0xFFFFD000  }
0x7f: {  	[spmem:s2] =	stream.indirect.scatter.add.f32 [tilespmem:s25], [sflag:$0x3], $0x80, s19, s24, $0xb8;
	[tilespmem:$0x1FB80] =	vst v63  }
0x80: {  	_ =	swait.ge [sflag:s21], $0x3000  }
0x81: {  	[sflag:s21] =	ssyncset.done $0x0  }
0x82: {  	s19 =	sadd.s32 $0xFFFFFFA0, s18;
	[sflag:s21] =	ssyncadd.s32 $0xFFFFD000  }
0x83: {  	[tilespmem:s25], [sflag:$0x1] =	stream.indirect.gather [hbm4b:s6+s24], $0x80, s19, s24, $0xb8;
	[tilespmem:$0x1FB80] =	vst v63  }
0x84: {  	_ =	swait.ge [sflag:s23], $0x3000  }
0x85: {  	[sflag:s23] =	ssyncset.done $0x0  }
.Ltmp1:
0x86: {  	s9 =	sadd.s32 $0x2800, s9;
	[sflag:s23] =	ssyncadd.s32 $0xFFFFD000;
	(pc) =	sbr.rel @p0 .LBB2_4-.Ltmp1, $4  }
0x87: {  	[spmem:s2] =	stream.indirect.scatter.add.f32 [tilespmem:s26], [sflag:$0x3], $0x80, s9, s24, $0xb8;
	[tilespmem:$0x1FB80] =	vst v63  }
0x88: {  	_ =	swait.ge [sflag:s21], $0x3000  }
0x89: {  	[sflag:s21] =	ssyncset.done $0x0  }
0x8a: {  	s18 =	sadd.s32 $0xC0, s18;
	[sflag:s21] =	ssyncadd.s32 $0xFFFFD000  }
0x8b: {  	[tilespmem:s26], [sflag:$0x2] =	stream.indirect.gather [hbm4b:s6+s24], $0x80, s0, s24, $0xb8;
	[tilespmem:$0x1FB80] =	vst v63  }
0x8c: {  	_ =	swait.ge [sflag:s22], $0x3000  }
0x8d: {  	[sflag:s22] =	ssyncset.done $0x0  }
0x8e: {  	[sflag:s22] =	ssyncadd.s32 $0xFFFFD000  }
0x8f: {  	[spmem:s2] =	stream.indirect.scatter.add.f32 [tilespmem:s25], [sflag:$0x3], $0x80, s28, s24, $0xb8;
	[tilespmem:$0x1FB80] =	vst v63  }
0x90: {  	_ =	swait.ge [sflag:s21], $0x3000  }
0x91: {  	[sflag:s21] =	ssyncset.done $0x0  }
0x92: {  	[sflag:s21] =	ssyncadd.s32 $0xFFFFD000  }
0x93: {  	[tilespmem:s25], [sflag:$0x1] =	stream.indirect.gather [hbm4b:s6+s24], $0x80, s29, s24, $0xb8;
	[tilespmem:$0x1FB80] =	vst v63  }
0x94: {  	_ =	swait.ge [sflag:s23], $0x3000  }
0x95: {  	[sflag:s23] =	ssyncset.done $0x0  }
0x96: {  	[sflag:s23] =	ssyncadd.s32 $0xFFFFD000  }
0x97: {  	[spmem:s2] =	stream.indirect.scatter.add.f32 [tilespmem:s26], [sflag:$0x3], $0x80, s30, s24, $0xb8;
	[tilespmem:$0x1FB80] =	vst v63  }
0x98: {  	_ =	swait.ge [sflag:s21], $0x3000  }
0x99: {  	[sflag:s21] =	ssyncset.done $0x0  }
0x9a: {  	[sflag:s21] =	ssyncadd.s32 $0xFFFFD000  }
0x9b: {  	_ =	swait.ge [sflag:s22], $0x3000  }
0x9c: {  	[sflag:s22] =	ssyncset.done $0x0  }
0x9d: {  	[sflag:s22] =	ssyncadd.s32 $0xFFFFD000  }
0x9e: {  	[spmem:s2] =	stream.indirect.scatter.add.f32 [tilespmem:s25], [sflag:$0x3], $0x80, s31, s24, $0xb8;
	[tilespmem:$0x1FB80] =	vst v63  }
0x9f: {  	_ =	swait.ge [sflag:s21], $0x3000  }
0xa0: {  	[sflag:s21] =	ssyncset.done $0x0  }
0xa1: {  	[sflag:s21] =	ssyncadd.s32 $0xFFFFD000  }
0xa2: {  	[bflag:$0x0] =	sbarrier.arrive $0xFFFF  }
0xa3: {  	[hbm:s13], [sflag:s11] =	dma.local [spmem:s20], $0x2780  }
0xa4: {  	_ =	swait.ge [sflag:s21], $0x2780  }
0xa5: {  	[sflag:s21] =	ssyncset.done $0x0  }
0xa6: {  	s9 =	simm.s32 $0x0;
	[sflag:s21] =	ssyncadd.s32 $0xFFFFD880  }
0xa7: {  	[tilespmem:s25], [sflag:$0x1] =	stream.indirect.gather [hbm4b:s7+s24], $0x80, s9, s24, $0xb8;
	[tilespmem:$0x1FB80] =	vst v63  }
0xa8: {  	_ = 	snop  }
0xa9: {  	[tilespmem:s26], [sflag:$0x2] =	stream.indirect.gather [hbm4b:s7+s24], $0x80, s24, s24, $0xb8;
	[tilespmem:$0x1FB80] =	vst v63  }
0xaa: {  	[spmem:s20], [sflag:s11] =	dma.local [hbm:s4], $0x2780  }
0xab: {  	_ =	swait.ge [sflag:s21], $0x2780  }
0xac: {  	[sflag:s21] =	ssyncset.done $0x0  }
0xad: {  	[sflag:s21] =	ssyncadd.s32 $0xFFFFD880  }
0xae: {  	[bflag:$0x0] =	sbarrier.arrive $0xFFFF  }
0xaf: {  	_ =	swait.ge [sflag:s22], $0x3000  }
0xb0: {  	[sflag:s22] =	ssyncset.done $0x0  }
0xb1: {  	s17 =	simm.s32 $0x2780;
	[sflag:s22] =	ssyncadd.s32 $0xFFFFD000  }
0xb2: {  	[spmem:s2] =	stream.indirect.scatter.add.f32 [tilespmem:s25], [sflag:$0x3], $0x80, s17, s24, $0xb8;
	[tilespmem:$0x1FB80] =	vst v63  }
0xb3: {  	_ =	swait.ge [sflag:s21], $0x3000  }
0xb4: {  	[sflag:s21] =	ssyncset.done $0x0  }
0xb5: {  	s18 =	simm.s32 $0xC0;
	[sflag:s21] =	ssyncadd.s32 $0xFFFFD000  }
0xb6: {  	[tilespmem:s25], [sflag:$0x1] =	stream.indirect.gather [hbm4b:s7+s24], $0x80, s18, s24, $0xb8;
	[tilespmem:$0x1FB80] =	vst v63  }
0xb7: {  	_ =	swait.ge [sflag:s23], $0x3000  }
0xb8: {  	[sflag:s23] =	ssyncset.done $0x0  }
0xb9: {  	s19 =	simm.s32 $0x2800;
	[sflag:s23] =	ssyncadd.s32 $0xFFFFD000  }
0xba: {  	[spmem:s2] =	stream.indirect.scatter.add.f32 [tilespmem:s26], [sflag:$0x3], $0x80, s19, s24, $0xb8;
	[tilespmem:$0x1FB80] =	vst v63  }
0xbb: {  	_ =	swait.ge [sflag:s21], $0x3000  }
0xbc: {  	s0 =	simm.s32 $0x120;
	[sflag:s21] =	ssyncset.done $0x0  }
0xbd: {  	s17 =	simm.s32 $0x400;
	s18 =	simm.s32 $0x1E0;
	[sflag:s21] =	ssyncadd.s32 $0xFFFFD000  }
.LBB2_6:
0xbe: {  	[tilespmem:s26], [sflag:$0x2] =	stream.indirect.gather [hbm4b:s7+s24], $0x80, s0, s24, $0xb8;
	[tilespmem:$0x1FB80] =	vst v63  }
0xbf: {  	s9 =	smov.u32 s17;
	s0 =	smov.u32 s18  }
0xc0: {  	p0 =	sne.s32 s17, $0xC800;
	s17 =	sadd.s32 $0x400, s17;
	_ =	swait.ge [sflag:s22], $0x3000  }
0xc1: {  	s9 =	sshra.s32 s9, $0x2;
	[sflag:s22] =	ssyncset.done $0x0  }
0xc2: {  	s19 =	sadd.s32 $0x2780, s9;
	[sflag:s22] =	ssyncadd.s32 $0xFFFFD000  }
0xc3: {  	[spmem:s2] =	stream.indirect.scatter.add.f32 [tilespmem:s25], [sflag:$0x3], $0x80, s19, s24, $0xb8;
	[tilespmem:$0x1FB80] =	vst v63  }
0xc4: {  	_ =	swait.ge [sflag:s21], $0x3000  }
0xc5: {  	[sflag:s21] =	ssyncset.done $0x0  }
0xc6: {  	s19 =	sadd.s32 $0xFFFFFFA0, s18;
	[sflag:s21] =	ssyncadd.s32 $0xFFFFD000  }
0xc7: {  	[tilespmem:s25], [sflag:$0x1] =	stream.indirect.gather [hbm4b:s7+s24], $0x80, s19, s24, $0xb8;
	[tilespmem:$0x1FB80] =	vst v63  }
0xc8: {  	_ =	swait.ge [sflag:s23], $0x3000  }
0xc9: {  	[sflag:s23] =	ssyncset.done $0x0  }
.Ltmp2:
0xca: {  	s9 =	sadd.s32 $0x2800, s9;
	[sflag:s23] =	ssyncadd.s32 $0xFFFFD000;
	(pc) =	sbr.rel @p0 .LBB2_6-.Ltmp2, $4  }
0xcb: {  	[spmem:s2] =	stream.indirect.scatter.add.f32 [tilespmem:s26], [sflag:$0x3], $0x80, s9, s24, $0xb8;
	[tilespmem:$0x1FB80] =	vst v63  }
0xcc: {  	_ =	swait.ge [sflag:s21], $0x3000  }
0xcd: {  	[sflag:s21] =	ssyncset.done $0x0  }
0xce: {  	s18 =	sadd.s32 $0xC0, s18;
	[sflag:s21] =	ssyncadd.s32 $0xFFFFD000  }
0xcf: {  	[tilespmem:s26], [sflag:$0x2] =	stream.indirect.gather [hbm4b:s7+s24], $0x80, s0, s24, $0xb8;
	[tilespmem:$0x1FB80] =	vst v63  }
0xd0: {  	_ =	swait.ge [sflag:s22], $0x3000  }
0xd1: {  	[sflag:s22] =	ssyncset.done $0x0  }
0xd2: {  	[sflag:s22] =	ssyncadd.s32 $0xFFFFD000  }
0xd3: {  	[spmem:s2] =	stream.indirect.scatter.add.f32 [tilespmem:s25], [sflag:$0x3], $0x80, s28, s24, $0xb8;
	[tilespmem:$0x1FB80] =	vst v63  }
0xd4: {  	_ =	swait.ge [sflag:s21], $0x3000  }
0xd5: {  	[sflag:s21] =	ssyncset.done $0x0  }
0xd6: {  	[sflag:s21] =	ssyncadd.s32 $0xFFFFD000  }
0xd7: {  	[tilespmem:s25], [sflag:$0x1] =	stream.indirect.gather [hbm4b:s7+s24], $0x80, s29, s24, $0xb8;
	[tilespmem:$0x1FB80] =	vst v63  }
0xd8: {  	_ =	swait.ge [sflag:s23], $0x3000  }
0xd9: {  	[sflag:s23] =	ssyncset.done $0x0  }
0xda: {  	[sflag:s23] =	ssyncadd.s32 $0xFFFFD000  }
0xdb: {  	[spmem:s2] =	stream.indirect.scatter.add.f32 [tilespmem:s26], [sflag:$0x3], $0x80, s30, s24, $0xb8;
	[tilespmem:$0x1FB80] =	vst v63  }
0xdc: {  	_ =	swait.ge [sflag:s21], $0x3000  }
0xdd: {  	[sflag:s21] =	ssyncset.done $0x0  }
0xde: {  	[sflag:s21] =	ssyncadd.s32 $0xFFFFD000  }
0xdf: {  	_ =	swait.ge [sflag:s22], $0x3000  }
0xe0: {  	[sflag:s22] =	ssyncset.done $0x0  }
0xe1: {  	[sflag:s22] =	ssyncadd.s32 $0xFFFFD000  }
0xe2: {  	[spmem:s2] =	stream.indirect.scatter.add.f32 [tilespmem:s25], [sflag:$0x3], $0x80, s31, s24, $0xb8;
	[tilespmem:$0x1FB80] =	vst v63  }
0xe3: {  	_ =	swait.ge [sflag:s21], $0x3000  }
0xe4: {  	[sflag:s21] =	ssyncset.done $0x0  }
0xe5: {  	[sflag:s21] =	ssyncadd.s32 $0xFFFFD000  }
0xe6: {  	[bflag:$0x0] =	sbarrier.arrive $0xFFFF  }
0xe7: {  	[hbm:s14], [sflag:s11] =	dma.local [spmem:s20], $0x2780  }
0xe8: {  	_ =	swait.ge [sflag:s21], $0x2780  }
0xe9: {  	[sflag:s21] =	ssyncset.done $0x0  }
0xea: {  	s9 =	simm.s32 $0x0;
	[sflag:s21] =	ssyncadd.s32 $0xFFFFD880  }
0xeb: {  	[tilespmem:s25], [sflag:$0x1] =	stream.indirect.gather [hbm4b:s8+s24], $0x80, s9, s24, $0xb8;
	[tilespmem:$0x1FB80] =	vst v63  }
0xec: {  	_ = 	snop  }
0xed: {  	[tilespmem:s26], [sflag:$0x2] =	stream.indirect.gather [hbm4b:s8+s24], $0x80, s24, s24, $0xb8;
	[tilespmem:$0x1FB80] =	vst v63  }
0xee: {  	[spmem:s20], [sflag:s11] =	dma.local [hbm:s4], $0x2780  }
0xef: {  	_ =	swait.ge [sflag:s21], $0x2780  }
0xf0: {  	[sflag:s21] =	ssyncset.done $0x0  }
0xf1: {  	[sflag:s21] =	ssyncadd.s32 $0xFFFFD880  }
0xf2: {  	[bflag:$0x0] =	sbarrier.arrive $0xFFFF  }
0xf3: {  	_ =	swait.ge [sflag:s22], $0x3000  }
0xf4: {  	[sflag:s22] =	ssyncset.done $0x0  }
0xf5: {  	s17 =	simm.s32 $0x2780;
	[sflag:s22] =	ssyncadd.s32 $0xFFFFD000  }
0xf6: {  	[spmem:s2] =	stream.indirect.scatter.add.f32 [tilespmem:s25], [sflag:$0x3], $0x80, s17, s24, $0xb8;
	[tilespmem:$0x1FB80] =	vst v63  }
0xf7: {  	_ =	swait.ge [sflag:s21], $0x3000  }
0xf8: {  	[sflag:s21] =	ssyncset.done $0x0  }
0xf9: {  	s18 =	simm.s32 $0xC0;
	[sflag:s21] =	ssyncadd.s32 $0xFFFFD000  }
0xfa: {  	[tilespmem:s25], [sflag:$0x1] =	stream.indirect.gather [hbm4b:s8+s24], $0x80, s18, s24, $0xb8;
	[tilespmem:$0x1FB80] =	vst v63  }
0xfb: {  	_ =	swait.ge [sflag:s23], $0x3000  }
0xfc: {  	[sflag:s23] =	ssyncset.done $0x0  }
0xfd: {  	s19 =	simm.s32 $0x2800;
	[sflag:s23] =	ssyncadd.s32 $0xFFFFD000  }
0xfe: {  	[spmem:s2] =	stream.indirect.scatter.add.f32 [tilespmem:s26], [sflag:$0x3], $0x80, s19, s24, $0xb8;
	[tilespmem:$0x1FB80] =	vst v63  }
0xff: {  	_ =	swait.ge [sflag:s21], $0x3000  }
0x100: {  	s0 =	simm.s32 $0x120;
	[sflag:s21] =	ssyncset.done $0x0  }
0x101: {  	s17 =	simm.s32 $0x400;
	s18 =	simm.s32 $0x1E0;
	[sflag:s21] =	ssyncadd.s32 $0xFFFFD000  }
.LBB2_8:
0x102: {  	[tilespmem:s26], [sflag:$0x2] =	stream.indirect.gather [hbm4b:s8+s24], $0x80, s0, s24, $0xb8;
	[tilespmem:$0x1FB80] =	vst v63  }
0x103: {  	s9 =	smov.u32 s17;
	s0 =	smov.u32 s18  }
0x104: {  	p0 =	sne.s32 s17, $0xC800;
	s17 =	sadd.s32 $0x400, s17;
	_ =	swait.ge [sflag:s22], $0x3000  }
0x105: {  	s9 =	sshra.s32 s9, $0x2;
	[sflag:s22] =	ssyncset.done $0x0  }
0x106: {  	s19 =	sadd.s32 $0x2780, s9;
	[sflag:s22] =	ssyncadd.s32 $0xFFFFD000  }
0x107: {  	[spmem:s2] =	stream.indirect.scatter.add.f32 [tilespmem:s25], [sflag:$0x3], $0x80, s19, s24, $0xb8;
	[tilespmem:$0x1FB80] =	vst v63  }
0x108: {  	_ =	swait.ge [sflag:s21], $0x3000  }
0x109: {  	[sflag:s21] =	ssyncset.done $0x0  }
0x10a: {  	s19 =	sadd.s32 $0xFFFFFFA0, s18;
	[sflag:s21] =	ssyncadd.s32 $0xFFFFD000  }
0x10b: {  	[tilespmem:s25], [sflag:$0x1] =	stream.indirect.gather [hbm4b:s8+s24], $0x80, s19, s24, $0xb8;
	[tilespmem:$0x1FB80] =	vst v63  }
0x10c: {  	_ =	swait.ge [sflag:s23], $0x3000  }
0x10d: {  	[sflag:s23] =	ssyncset.done $0x0  }
.Ltmp3:
0x10e: {  	s9 =	sadd.s32 $0x2800, s9;
	[sflag:s23] =	ssyncadd.s32 $0xFFFFD000;
	(pc) =	sbr.rel @p0 .LBB2_8-.Ltmp3, $4  }
0x10f: {  	[spmem:s2] =	stream.indirect.scatter.add.f32 [tilespmem:s26], [sflag:$0x3], $0x80, s9, s24, $0xb8;
	[tilespmem:$0x1FB80] =	vst v63  }
0x110: {  	_ =	swait.ge [sflag:s21], $0x3000  }
0x111: {  	[sflag:s21] =	ssyncset.done $0x0  }
0x112: {  	s18 =	sadd.s32 $0xC0, s18;
	[sflag:s21] =	ssyncadd.s32 $0xFFFFD000  }
0x113: {  	[tilespmem:s26], [sflag:$0x2] =	stream.indirect.gather [hbm4b:s8+s24], $0x80, s0, s24, $0xb8;
	[tilespmem:$0x1FB80] =	vst v63  }
0x114: {  	_ =	swait.ge [sflag:s22], $0x3000  }
0x115: {  	[sflag:s22] =	ssyncset.done $0x0  }
0x116: {  	[sflag:s22] =	ssyncadd.s32 $0xFFFFD000  }
0x117: {  	[spmem:s2] =	stream.indirect.scatter.add.f32 [tilespmem:s25], [sflag:$0x3], $0x80, s28, s24, $0xb8;
	[tilespmem:$0x1FB80] =	vst v63  }
0x118: {  	_ =	swait.ge [sflag:s21], $0x3000  }
0x119: {  	[sflag:s21] =	ssyncset.done $0x0  }
0x11a: {  	[sflag:s21] =	ssyncadd.s32 $0xFFFFD000  }
0x11b: {  	[tilespmem:s25], [sflag:$0x1] =	stream.indirect.gather [hbm4b:s8+s24], $0x80, s29, s24, $0xb8;
	[tilespmem:$0x1FB80] =	vst v63  }
0x11c: {  	_ =	swait.ge [sflag:s23], $0x3000  }
0x11d: {  	[sflag:s23] =	ssyncset.done $0x0  }
0x11e: {  	[sflag:s23] =	ssyncadd.s32 $0xFFFFD000  }
0x11f: {  	[spmem:s2] =	stream.indirect.scatter.add.f32 [tilespmem:s26], [sflag:$0x3], $0x80, s30, s24, $0xb8;
	[tilespmem:$0x1FB80] =	vst v63  }
0x120: {  	_ =	swait.ge [sflag:s21], $0x3000  }
0x121: {  	[sflag:s21] =	ssyncset.done $0x0  }
0x122: {  	[sflag:s21] =	ssyncadd.s32 $0xFFFFD000  }
0x123: {  	_ =	swait.ge [sflag:s22], $0x3000  }
0x124: {  	[sflag:s22] =	ssyncset.done $0x0  }
0x125: {  	[sflag:s22] =	ssyncadd.s32 $0xFFFFD000  }
0x126: {  	[spmem:s2] =	stream.indirect.scatter.add.f32 [tilespmem:s25], [sflag:$0x3], $0x80, s31, s24, $0xb8;
	[tilespmem:$0x1FB80] =	vst v63  }
0x127: {  	_ =	swait.ge [sflag:s21], $0x3000  }
0x128: {  	s1 =	sadd.s32 $0x1, s1;
	[sflag:s21] =	ssyncset.done $0x0  }
0x129: {  	p0 =	sne.s32 s1, s16;
	[sflag:s21] =	ssyncadd.s32 $0xFFFFD000  }
.Ltmp4:
0x12a: {  	[bflag:$0x0] =	sbarrier.arrive $0xFFFF;
	(pc) =	sbr.rel @p0 .LBB2_1-.Ltmp4, $4  }
0x12b: {  	[hbm:s15], [sflag:s11] =	dma.local [spmem:s20], $0x2780  }
0x12c: {  	_ =	swait.ge [sflag:s21], $0x2780  }
0x12d: {  	[sflag:s21] =	ssyncset.done $0x0  }
0x12e: {  	[sflag:s21] =	ssyncadd.s32 $0xFFFFD880  }
0x12f: {  	_ =	sfence.sel $0x180000  }
0x130: {  	[bflag:$0x0] =	sbarrier.arrive $0xFFFF  }
0x131: {  	_ =	strace $0x90000050  }
0x132: {  	s0 =	stileid.u32;
	[bflag:$0x2] =	sbarrier.arrive $0xFFFF  }
0x133: {  	p0 =	sne.s32 s0, $0x0;
	s0 =	rddreg [dreg:$0x3]  }
0x134: {  	s0 =	sadd.s32 @!p0 $0x100000, s0  }
0x135: {  	[sflag:s0] =	ssyncadd.tile.s32 @!p0 $0x1;
	_ =	shalt  }
.Lfunc_end2:
_tile_overlayer_lowered:
.L_overlay_start_2:
0x136: {  	(tag) =	ssettag $0x2  }
0x137: {  	s0 =	rddreg [dreg:$0x0];
	s2 =	stileid.u32  }
0x138: {  	s1 =	rddreg [dreg:$0x1];
	p0 =	sne.s32 s2, $0x0  }
0x139: {  	s3 =	rddreg [dreg:$0x2];
	[bflag:$0x3] =	sbarrier.arrive $0xFFFF;
	s2 =	simm.s32 @!p0 $0x1C03  }
0x13a: {  	[timem:s3], [sflag:s2] =	dma.local @!p0 [hbm:s0], s1  }
0x13b: {  	s0 =	simm.s32 @!p0 $0x3  }
0x13c: {  	_ =	swait.ge @!p0 [sflag:s0], s1  }
0x13d: {  	s1 =	ssub.s32 @!p0 $0x0, s1;
	[sflag:s0] =	ssyncset.done @!p0 $0x0  }
0x13e: {  	[sflag:s0] =	ssyncadd.s32 @!p0 s1  }
0x13f: {  	[bflag:$0x3] =	sbarrier.arrive $0xFFFF  }
0x140: {  	_ =	shalt  }

// kernel: _run.24.cloned.1.call-start
scs
__scs_entry_jumppad:
0x0: {  	(pc) =	sbr.rel $0x88, $3  }
0x1: {  	(tag) =	ssettag $0x0;
	lr =	simm.s32 $0x1  }
0x2: {  	[smem:$0x3F97] =	sst lr;
	_ =	strace $0xD0000000  }
0x3: {  	_ = 	snop  }
0x4: {  	_ = 	snop  }
0x5: {  	_ = 	snop  }
0x6: {  	_ = 	snop  }
0x7: {  	_ = 	snop  }
__scs_overlays_trampoline_lowered:
0x8: {  	[smem:$0x3FA6] =	sst s0  }
0x9: {  	[smem:$0x3FA7] =	sst s1  }
0xa: {  	[smem:$0x3FA8] =	sst s2  }
0xb: {  	[smem:$0x3FA9] =	sst s3  }
0xc: {  	[smem:$0x3FAA] =	sst s4  }
0xd: {  	[smem:$0x3FAB] =	sst s5  }
0xe: {  	[smem:$0x3FAC] =	sst s6  }
0xf: {  	[smem:$0x3FAD] =	sst s7  }
0x10: {  	[smem:$0x3FAE] =	sst s8  }
0x11: {  	[smem:$0x3FAF] =	sst s9;
	s0 =	simm.s32 @!p0 $0x0  }
0x12: {  	s1 =	sld [smem:$0x3F95];
	s0 =	simm.s32 @p0 $0x1  }
0x13: {  	[smem:$0x3FB0] =	sst s0;
	s0 =	simm.s32 @!p1 $0x0  }
0x14: {  	s2 =	sld [smem:$0x3F94];
	s0 =	simm.s32 @p1 $0x1  }
0x15: {  	[smem:$0x3FB1] =	sst s0;
	s0 =	simm.s32 @!p2 $0x0  }
0x16: {  	s3 =	sld [smem:$0x3FDB];
	s0 =	simm.s32 @p2 $0x1  }
0x17: {  	s4 =	simm.s32 $0x1BF5;
	[smem:$0x3FB3] =	sst s0  }
0x18: {  	s0 =	sld [smem:$0x3F96];
	_ =	swait.ge [sflag:s4], $0x0  }
0x19: {  	s7 =	sld [smem:$0x3F97]  }
0x1a: {  	s8 =	sadd.s32 $0xFFFFE003, lr  }
0x1b: {  	s9 =	sadd.s32 $0xFFFFFEF7, lr;
	s5 =	simm.s32 $0xFFFFFFFF;
	p2 =	slt.u32 s8, $0xFFFFF086  }
0x1c: {  	p1 =	slt.u32 s9, $0xF7A;
	s5 =	simm.s32 @!p2 $0x0  }
0x1d: {  	s5 =	simm.s32 @p1 $0x1;
	p0 =	seq.s32 s7, s2  }
0x1e: {  	s7 =	smul.u32 @!p0 $0xF7A, s2;
	p2 =	seq.s32 @!p0 s5, $0x0  }
0x1f: {  	s9 =	smul.u32 $0xF7A, s1;
	s8 =	simm.s32 @!p0 $0x1BF5;
	p2 =	por !p2, p0  }
0x20: {  	[sflag:s8] =	ssyncset.s32 @!p0 $0xFFFFF086;
	s6 =	sadd.s32 @!p0 s3, s7;
	s7 =	simm.s32 @!p0 $0x108  }
0x21: {  	s3 =	sadd.s32 s3, s9;
	s6 =	sadd.s32 @!p0 $0x88, s6;
	s7 =	simm.s32 @p2 $0x1082  }
0x22: {  	[simem:s7], [sflag:s8] =	dma.local @!p0 [hbm:s6], $0xF7A  }
0x23: {  	s9 =	sor.u32 $0xD0000000, s2;
	s6 =	simm.s32 $0x108;
	_ =	swait.ge @!p0 [sflag:s8], $0x0  }
0x24: {  	s3 =	sadd.s32 $0x88, s3;
	s6 =	simm.s32 @!p1 $0x1082;
	[sflag:s4] =	ssyncset.s32 $0xFFFFF086  }
0x25: {  	[simem:s6], [sflag:s4] =	dma.local [hbm:s3], $0xF7A  }
0x26: {  	[smem:$0x3F97] =	sst s1;
	(tag) =	ssettag s2;
	_ =	strace s9  }
0x27: {  	s1 =	sld [smem:$0x3FA7]  }
0x28: {  	s2 =	sld [smem:$0x3FA8]  }
0x29: {  	s4 =	sld [smem:$0x3FAA]  }
0x2a: {  	p0 =	seq.s32 s5, $0x0;
	s5 =	sld [smem:$0x3FAB]  }
0x2b: {  	s6 =	sld [smem:$0x3FAC]  }
0x2c: {  	s7 =	sld [smem:$0x3FAD]  }
0x2d: {  	s3 =	simm.s32 $0x108;
	s8 =	sld [smem:$0x3FAE]  }
0x2e: {  	s3 =	simm.s32 @!p0 $0x1082;
	s9 =	sld [smem:$0x3FAF]  }
0x2f: {  	lr =	sadd.s32 s0, s3;
	s0 =	sld [smem:$0x3FA6]  }
0x30: {  	s3 =	sld [smem:$0x3FA9]  }
0x31: {  	[smem:$0x3FB2] =	sst s10  }
0x32: {  	s10 =	sld [smem:$0x3FB0];
	_ =	sdelay $0x3  }
0x33: {  	p0 =	seq.s32 s10, $0x1;
	s10 =	sld [smem:$0x3FB2];
	_ =	sdelay $0x3  }
0x34: {  	[smem:$0x3FB2] =	sst s10  }
0x35: {  	s10 =	sld [smem:$0x3FB1];
	_ =	sdelay $0x3  }
0x36: {  	p1 =	seq.s32 s10, $0x1;
	s10 =	sld [smem:$0x3FB2];
	_ =	sdelay $0x3  }
0x37: {  	[smem:$0x3FB2] =	sst s10  }
0x38: {  	s10 =	sld [smem:$0x3FB3]  }
0x39: {  	_ = 	snop;
	(pc) =	sbr.ind lr, $3  }
0x3a: {  	_ = 	snop  }
0x3b: {  	_ = 	snop  }
0x3c: {  	p2 =	seq.s32 s10, $0x1;
	s10 =	sld [smem:$0x3FB2]  }
0x3d: {  	_ =	shalt  }
0x3e: {  	_ =	shalt  }
0x3f: {  	_ =	shalt  }
0x40: {  	_ =	shalt  }
0x41: {  	_ =	shalt  }
0x42: {  	_ =	shalt  }
0x43: {  	_ =	shalt  }
0x44: {  	_ =	shalt  }
0x45: {  	_ =	shalt  }
0x46: {  	_ =	shalt  }
0x47: {  	_ =	shalt  }
0x48: {  	_ =	shalt  }
0x49: {  	_ =	shalt  }
0x4a: {  	_ =	shalt  }
0x4b: {  	_ =	shalt  }
0x4c: {  	_ =	shalt  }
0x4d: {  	_ =	shalt  }
0x4e: {  	_ =	shalt  }
0x4f: {  	_ =	shalt  }
0x50: {  	_ =	shalt  }
0x51: {  	_ =	shalt  }
0x52: {  	_ =	shalt  }
0x53: {  	_ =	shalt  }
0x54: {  	_ =	shalt  }
0x55: {  	_ =	shalt  }
0x56: {  	_ =	shalt  }
0x57: {  	_ =	shalt  }
0x58: {  	_ =	shalt  }
0x59: {  	_ =	shalt  }
0x5a: {  	_ =	shalt  }
0x5b: {  	_ =	shalt  }
0x5c: {  	_ =	shalt  }
0x5d: {  	_ =	shalt  }
0x5e: {  	_ =	shalt  }
0x5f: {  	_ =	shalt  }
0x60: {  	_ =	shalt  }
0x61: {  	_ =	shalt  }
0x62: {  	_ =	shalt  }
0x63: {  	_ =	shalt  }
0x64: {  	_ =	shalt  }
0x65: {  	_ =	shalt  }
0x66: {  	_ =	shalt  }
0x67: {  	_ =	shalt  }
0x68: {  	_ =	shalt  }
0x69: {  	_ =	shalt  }
0x6a: {  	_ =	shalt  }
0x6b: {  	_ =	shalt  }
0x6c: {  	_ =	shalt  }
0x6d: {  	_ =	shalt  }
0x6e: {  	_ =	shalt  }
0x6f: {  	_ =	shalt  }
0x70: {  	_ =	shalt  }
0x71: {  	_ =	shalt  }
0x72: {  	_ =	shalt  }
0x73: {  	_ =	shalt  }
0x74: {  	_ =	shalt  }
0x75: {  	_ =	shalt  }
0x76: {  	_ =	shalt  }
0x77: {  	_ =	shalt  }
0x78: {  	_ =	shalt  }
0x79: {  	_ =	shalt  }
0x7a: {  	_ =	shalt  }
0x7b: {  	_ =	shalt  }
0x7c: {  	_ =	shalt  }
0x7d: {  	_ =	shalt  }
0x7e: {  	_ =	shalt  }
0x7f: {  	_ =	shalt  }
0x80: {  	_ =	shalt  }
0x81: {  	_ =	shalt  }
0x82: {  	_ =	shalt  }
0x83: {  	_ =	shalt  }
0x84: {  	_ =	shalt  }
0x85: {  	_ =	shalt  }
0x86: {  	_ =	shalt  }
0x87: {  	_ =	shalt  }
.Lfunc_end0:
.L_simem_size_0:
called_computation.4_lowered:
.L_overlay_start_0:
0x88: {  	s2 =	sld [smem:$0x3FD9]  }
0x89: {  	s3 =	sld [smem:$0x3FFE];
	_ =	sdelay $0x1  }
0x8a: {  	s1 =	srdreg.scid  }
0x8b: {  	s0 =	sand.u32 $0x1, s1  }
0x8c: {  	s17 =	sshll.u32 s0, $0xA;
	s2 =	sadd.s32 s3, s2  }
0x8d: {  	s2 =	sadd.s32 s2, s17  }
0x8e: {  	[smem:$0x3FBE] =	sst s2  }
0x8f: {  	_ = 	snop  }
0x90: {  	s2 =	sld [smem:$0x3FD0];
	(tm) =	ssettm $0x1  }
0x91: {  	s18 =	sld [smem:$0x3FFB];
	_ =	sdelay $0x3  }
0x92: {  	_ =	strace s18  }
0x93: {  	s3 =	sld [smem:$0x3FFC];
	_ =	sdelay $0x3  }
0x94: {  	_ =	strace s3  }
0x95: {  	s3 =	sld [smem:$0x3FFD];
	_ =	sdelay $0x3  }
0x96: {  	_ =	strace s3  }
0x97: {  	_ =	strace $0x8FFFFFFF  }
0x98: {  	s19 =	sld [smem:$0x3FDB];
	_ =	sdelay $0x1  }
0x99: {  	s4 =	simm.s32 $_scs_section_size  }
0x9a: {  	s5 =	simm.s32 $_size__tile_overlayer_lowered;
	s6 =	simm.s32 $_tile_overlayer_lowered  }
0x9b: {  	s22 =	simm.s32 $0x1BFF;
	s21 =	sshll.u32 s6, $0x1;
	s3 =	sadd.s32 s4, s19  }
0x9c: {  	s7 =	simm.s32 $0x0;
	s20 =	sshll.u32 s5, $0x1;
	s5 =	sadd.s32 s21, s3  }
0x9d: {  	[timem:s7], [sflag:s22] =	dma.local [hbm:s5], s20  }
0x9e: {  	_ =	swait.ge [sflag:s22], s20  }
0x9f: {  	s4 =	ssub.s32 $0x0, s20;
	[sflag:s22] =	ssyncset.done $0x0  }
0xa0: {  	[sflag:s22] =	ssyncadd.s32 s4;
	_ =	sdelay $0x1  }
0xa1: {  	s23 =	simm.s32 $0x1B8B  }
0xa2: {  	_ =	swait.ge [sflag:s23], $0x1  }
0xa3: {  	[sflag:s23] =	ssyncset.done $0x0  }
0xa4: {  	s25 =	simm.s32 $0x1B8E;
	s24 =	sld [smem:$0x3FFE];
	[sflag:s23] =	ssyncadd.s32 $0xFFFFFFFF  }
0xa5: {  	s26 =	simm.s32 $execute0_lowered;
	[smem:$0x3FD2] =	sst s25  }
0xa6: {  	s5 =	sshll.u32 s26, $0x1;
	_ =	strace $0x80000052;
	[dreg:$0x1] =	wrdreg $0xFFFFFFFF  }
0xa7: {  	s28 =	simm.s32 $_size_execute0_lowered;
	s3 =	sadd.s32 s3, s5;
	[dreg:$0x0] =	wrdreg $0x0  }
0xa8: {  	s5 =	sshll.u32 s28, $0x1;
	[dreg:$0x2] =	wrdreg s3  }
0xa9: {  	[dreg:$0x3] =	wrdreg s5  }
0xaa: {  	[dreg:$0x4] =	wrdreg $0xC0  }
0xab: {  	_ =	task [dreg:s7], $0x5FFFF  }
0xac: {  	[dreg:$0x1] =	wrdreg $0xFFFFFFFF  }
0xad: {  	[dreg:$0x0] =	wrdreg $0x60  }
0xae: {  	[dreg:$0x2] =	wrdreg s24  }
0xaf: {  	[dreg:$0x3] =	wrdreg s2  }
0xb0: {  	[dreg:$0x4] =	wrdreg $0xBF800  }
0xb1: {  	[dreg:$0x5] =	wrdreg $0x9  }
0xb2: {  	_ =	task.clear_ibuf [dreg:s7], $0x6FFFF;
	_ =	strace $0x90000052  }
0xb3: {  	s29 =	simm.s32 $0x9;
	_ =	strace $0x80000054  }
0xb4: {  	_ =	swait.ge [sflag:s29], $0x1  }
0xb5: {  	[sflag:s29] =	ssyncadd.s32 $0xFFFFFFFF  }
0xb6: {  	_ =	strace $0x90000054  }
0xb7: {  	_ =	sfence  }
0xb8: {  	s30 =	sld [smem:$0x0];
	_ =	sdelay $0x2  }
0xb9: {  	s31 =	sshll.u32 s1, $0xD;
	s1 =	sshrl.u32 s1, $0x2  }
0xba: {  	s3 =	sand.u32 $0x4000, s31;
	s1 =	sadd.s32 s1, s30  }
0xbb: {  	s0 =	sor.u32 s3, s0;
	s1 =	sshll.u32 s1, $0x11  }
0xbc: {  	s0 =	sor.u32 s1, s0  }
0xbd: {  	s0 =	sadd.s32 $0x8F2B, s0  }
0xbe: {  	[sflag:s0] =	ssyncadd.remote.s32 $0x1  }
0xbf: {  	_ =	sfence.sel $0xFFFF  }
0xc0: {  	[dreg:$0x0] =	wrdreg $0xFFFFFFFF;
	(pc) =	sbr.abs _section_cstart, $3  }
0xc1: {  	[dreg:$0x1] =	wrdreg $0xFFFFFFFF  }
0xc2: {  	_ =	task.clear_ibuf [dreg:s7], $0x2FFFF;
	_ =	strace $0x9FFFFFFF  }
0xc3: {  	(tm) =	ssettm $0x7FFFFFFF  }
tec
execute0_lowered:
.L_overlay_start_1:
0x0: {  	(tag) =	ssettag $0x1  }
0x1: {  	s7 =	rddreg [dreg:$0x0]  }
0x2: {  	s0 =	srdreg.scid;
	s9 =	rddreg [dreg:$0x1]  }
0x3: {  	s2 =	rddreg [dreg:$0x2];
	s15 =	simm.s32 $0x3;
	s16 =	simm.s32 $0x1  }
0x4: {  	s17 =	simm.s32 $0x2;
	s18 =	simm.s32 $0x60;
	s19 =	simm.s32 $0x5F80  }
0x5: {  	s20 =	simm.s32 $0x8F80;
	s21 =	simm.s32 $0x5A80;
	s22 =	simm.s32 $0x2700  }
0x6: {  	s23 =	simm.s32 $0x5B00;
	s24 =	simm.s32 $0x5B80;
	s6 =	sand.u32 $0x1, s0  }
0x7: {  	s25 =	simm.s32 $0x0;
	s0 =	stileid.u32;
	s10 =	smul.u32 $0x13C000, s6  }
0x8: {  	s1 =	sshll.u32 s6, $0x4;
	s3 =	sshll.u32 s0, $0x7;
	s11 =	smul.u32 $0x13C00, s0  }
0x9: {  	s6 =	ssub.s32 $0x2, s6;
	s29 =	smul.u32 $0x4F000, s0;
	s31 =	sshll.u32 s0, $0x6  }
0xa: {  	s8 =	sor.u32 s0, s1;
	s5 =	sand.u32 $0x380, s3;
	s3 =	simm.s32 $0x0  }
0xb: {  	s30 =	sshrl.u32 s6, $0x1;
	s1 =	sshrl.u32 s8, $0x3;
	[smem:$0x7FF] =	sst s3  }
0xc: {  	s10 =	sadd.s32 s11, s10;
	s8 =	smul.u32 $0x700, s8;
	s13 =	ssub.s32 s6, s30  }
0xd: {  	s11 =	sshrl.u32 s29, $0x2;
	s4 =	smul.u32 $0x13C00, s1;
	s1 =	rddreg [dreg:$0x3]  }
0xe: {  	_ =	strace $0x80000053;
	s10 =	sshrl.u32 s10, $0x3;
	s14 =	sadd.s32 s11, s2  }
0xf: {  	s11 =	simm.s32 $0x80;
	s10 =	sadd.s32 s10, s7;
	s4 =	sor.u32 s5, s4  }
0x10: {  	s14 =	sshrl.u32 s14, $0x3;
	s5 =	sadd.s32 $0x23C00, s7;
	s4 =	sshrl.u32 s4, $0x3  }
0x11: {  	s12 =	sadd.s32 s4, s7;
	s4 =	sadd.s32 $0x6200, s7;
	s7 =	sadd.s32 s9, s8  }
0x12: {  	s8 =	sor.u32 $0x1C03, s31;
	s9 =	sadd.s32 $0x72C00, s10;
	s10 =	smax.u32 s13, $0x1  }
0x13: {  	s13 =	simm.s32 $0x2780;
	s6 =	sadd.s32 $0x19E00, s12;
	s12 =	simm.s32 $0x400  }
.LBB2_1:
0x14: {  	[tilespmem:s3], [sflag:$0x1] =	stream.strided.gather [hbm4b:s6+s11], $0x2780, s12, s11, $0x38;
	[tilespmem:$0x1FB80] =	vst v63  }
0x15: {  	_ = 	snop  }
0x16: {  	[tilespmem:s13], [sflag:$0x2] =	stream.linear.gather [hbm4b:s7+s3], $0x3480, $0x38;
	[tilespmem:$0x1FB80] =	vst v63  }
0x17: {  	[spmem:s14], [sflag:s8] =	dma.local [hbm:s4], $0x2780  }
0x18: {  	_ =	swait.ge [sflag:s15], $0x2780  }
0x19: {  	[sflag:s15] =	ssyncset.done $0x0  }
0x1a: {  	[sflag:s15] =	ssyncadd.s32 $0xFFFFD880  }
0x1b: {  	_ =	swait.ge [sflag:s16], $0x2780  }
0x1c: {  	[sflag:s16] =	ssyncset.done $0x0  }
0x1d: {  	[sflag:s16] =	ssyncadd.s32 $0xFFFFD880  }
0x1e: {  	_ =	swait.ge [sflag:s17], $0x3480  }
0x1f: {  	[sflag:s17] =	ssyncset.done $0x0  }
0x20: {  	[sflag:s17] =	ssyncadd.s32 $0xFFFFCB80  }
0x21: {  	[tilespmem:s19], [sflag:$0x1] =	stream.indirect.gather [hbm4b:s5+s18], $0x80, s3, s18, $0xb8;
	[tilespmem:$0x1FB80] =	vst v63  }
0x22: {  	_ = 	snop  }
0x23: {  	[tilespmem:s20], [sflag:$0x2] =	stream.indirect.gather [hbm4b:s5+s18], $0x80, s18, s18, $0xb8;
	[tilespmem:$0x1FB80] =	vst v63  }
0x24: {  	[bflag:$0x0] =	sbarrier.arrive $0xFFFF  }
0x25: {  	_ =	swait.ge [sflag:s16], $0x3000  }
0x26: {  	[sflag:s16] =	ssyncset.done $0x0  }
0x27: {  	s26 =	simm.s32 $0x2780;
	[sflag:s16] =	ssyncadd.s32 $0xFFFFD000  }
0x28: {  	[spmem:s2] =	stream.indirect.scatter.add.f32 [tilespmem:s19], [sflag:$0x3], $0x80, s26, s18, $0xb8;
	[tilespmem:$0x1FB80] =	vst v63  }
0x29: {  	_ =	swait.ge [sflag:s15], $0x3000  }
0x2a: {  	[sflag:s15] =	ssyncset.done $0x0  }
0x2b: {  	s30 =	simm.s32 $0xC0;
	[sflag:s15] =	ssyncadd.s32 $0xFFFFD000  }
0x2c: {  	[tilespmem:s19], [sflag:$0x1] =	stream.indirect.gather [hbm4b:s5+s18], $0x80, s30, s18, $0xb8;
	[tilespmem:$0x1FB80] =	vst v63  }
0x2d: {  	_ =	swait.ge [sflag:s17], $0x3000  }
0x2e: {  	[sflag:s17] =	ssyncset.done $0x0  }
0x2f: {  	s31 =	simm.s32 $0x2800;
	[sflag:s17] =	ssyncadd.s32 $0xFFFFD000  }
0x30: {  	[spmem:s2] =	stream.indirect.scatter.add.f32 [tilespmem:s20], [sflag:$0x3], $0x80, s31, s18, $0xb8;
	[tilespmem:$0x1FB80] =	vst v63  }
0x31: {  	_ =	swait.ge [sflag:s15], $0x3000  }
0x32: {  	s28 =	simm.s32 $0x400;
	[sflag:s15] =	ssyncset.done $0x0  }
0x33: {  	s29 =	simm.s32 $0x1E0;
	s26 =	simm.s32 $0x120;
	[sflag:s15] =	ssyncadd.s32 $0xFFFFD000  }
.LBB2_2:
0x34: {  	[tilespmem:s20], [sflag:$0x2] =	stream.indirect.gather [hbm4b:s5+s18], $0x80, s26, s18, $0xb8;
	[tilespmem:$0x1FB80] =	vst v63  }
0x35: {  	s30 =	smov.u32 s28;
	s26 =	smov.u32 s29  }
0x36: {  	p0 =	sne.s32 s28, $0xC800;
	s28 =	sadd.s32 $0x400, s28;
	_ =	swait.ge [sflag:s16], $0x3000  }
0x37: {  	s30 =	sshra.s32 s30, $0x2;
	[sflag:s16] =	ssyncset.done $0x0  }
0x38: {  	s31 =	sadd.s32 $0x2780, s30;
	[sflag:s16] =	ssyncadd.s32 $0xFFFFD000  }
0x39: {  	[spmem:s2] =	stream.indirect.scatter.add.f32 [tilespmem:s19], [sflag:$0x3], $0x80, s31, s18, $0xb8;
	[tilespmem:$0x1FB80] =	vst v63  }
0x3a: {  	_ =	swait.ge [sflag:s15], $0x3000  }
0x3b: {  	[sflag:s15] =	ssyncset.done $0x0  }
0x3c: {  	s31 =	sadd.s32 $0xFFFFFFA0, s29;
	[sflag:s15] =	ssyncadd.s32 $0xFFFFD000  }
0x3d: {  	[tilespmem:s19], [sflag:$0x1] =	stream.indirect.gather [hbm4b:s5+s18], $0x80, s31, s18, $0xb8;
	[tilespmem:$0x1FB80] =	vst v63  }
0x3e: {  	_ =	swait.ge [sflag:s17], $0x3000  }
0x3f: {  	[sflag:s17] =	ssyncset.done $0x0  }
.Ltmp0:
0x40: {  	s30 =	sadd.s32 $0x2800, s30;
	[sflag:s17] =	ssyncadd.s32 $0xFFFFD000;
	(pc) =	sbr.rel @p0 .LBB2_2-.Ltmp0, $4  }
0x41: {  	[spmem:s2] =	stream.indirect.scatter.add.f32 [tilespmem:s20], [sflag:$0x3], $0x80, s30, s18, $0xb8;
	[tilespmem:$0x1FB80] =	vst v63  }
0x42: {  	_ =	swait.ge [sflag:s15], $0x3000  }
0x43: {  	[sflag:s15] =	ssyncset.done $0x0  }
0x44: {  	s29 =	sadd.s32 $0xC0, s29;
	[sflag:s15] =	ssyncadd.s32 $0xFFFFD000  }
0x45: {  	[tilespmem:s20], [sflag:$0x2] =	stream.indirect.gather [hbm4b:s5+s18], $0x80, s26, s18, $0xb8;
	[tilespmem:$0x1FB80] =	vst v63  }
0x46: {  	_ =	swait.ge [sflag:s16], $0x3000  }
0x47: {  	[sflag:s16] =	ssyncset.done $0x0  }
0x48: {  	[sflag:s16] =	ssyncadd.s32 $0xFFFFD000  }
0x49: {  	[spmem:s2] =	stream.indirect.scatter.add.f32 [tilespmem:s19], [sflag:$0x3], $0x80, s21, s18, $0xb8;
	[tilespmem:$0x1FB80] =	vst v63  }
0x4a: {  	_ =	swait.ge [sflag:s15], $0x3000  }
0x4b: {  	[sflag:s15] =	ssyncset.done $0x0  }
0x4c: {  	[sflag:s15] =	ssyncadd.s32 $0xFFFFD000  }
0x4d: {  	[tilespmem:s19], [sflag:$0x1] =	stream.indirect.gather [hbm4b:s5+s18], $0x80, s22, s18, $0xb8;
	[tilespmem:$0x1FB80] =	vst v63  }
0x4e: {  	_ =	swait.ge [sflag:s17], $0x3000  }
0x4f: {  	[sflag:s17] =	ssyncset.done $0x0  }
0x50: {  	[sflag:s17] =	ssyncadd.s32 $0xFFFFD000  }
0x51: {  	[spmem:s2] =	stream.indirect.scatter.add.f32 [tilespmem:s20], [sflag:$0x3], $0x80, s23, s18, $0xb8;
	[tilespmem:$0x1FB80] =	vst v63  }
0x52: {  	_ =	swait.ge [sflag:s15], $0x3000  }
0x53: {  	[sflag:s15] =	ssyncset.done $0x0  }
0x54: {  	[sflag:s15] =	ssyncadd.s32 $0xFFFFD000  }
0x55: {  	_ =	swait.ge [sflag:s16], $0x3000  }
0x56: {  	[sflag:s16] =	ssyncset.done $0x0  }
0x57: {  	[sflag:s16] =	ssyncadd.s32 $0xFFFFD000  }
0x58: {  	[spmem:s2] =	stream.indirect.scatter.add.f32 [tilespmem:s19], [sflag:$0x3], $0x80, s24, s18, $0xb8;
	[tilespmem:$0x1FB80] =	vst v63  }
0x59: {  	_ =	swait.ge [sflag:s15], $0x3000  }
0x5a: {  	s25 =	sadd.s32 $0x1, s25;
	[sflag:s15] =	ssyncset.done $0x0  }
0x5b: {  	p0 =	sne.s32 s25, s10;
	[sflag:s15] =	ssyncadd.s32 $0xFFFFD000  }
.Ltmp1:
0x5c: {  	[bflag:$0x0] =	sbarrier.arrive $0xFFFF;
	(pc) =	sbr.rel @p0 .LBB2_1-.Ltmp1, $4  }
0x5d: {  	[hbm:s9], [sflag:s8] =	dma.local [spmem:s14], $0x2780  }
0x5e: {  	_ =	swait.ge [sflag:s15], $0x2780  }
0x5f: {  	[sflag:s15] =	ssyncset.done $0x0  }
0x60: {  	[sflag:s15] =	ssyncadd.s32 $0xFFFFD880  }
0x61: {  	_ =	sfence.sel $0x180000  }
0x62: {  	[bflag:$0x0] =	sbarrier.arrive $0xFFFF  }
0x63: {  	p0 =	sne.s32 s0, $0x0;
	_ =	strace $0x90000053  }
0x64: {  	s0 =	sadd.s32 @!p0 $0x100000, s1;
	[bflag:$0x2] =	sbarrier.arrive $0xFFFF  }
0x65: {  	[sflag:s0] =	ssyncadd.tile.s32 @!p0 $0x1;
	_ =	shalt  }
.Lfunc_end2:
_tile_overlayer_lowered:
.L_overlay_start_2:
0x66: {  	(tag) =	ssettag $0x2  }
0x67: {  	s0 =	rddreg [dreg:$0x0];
	s2 =	stileid.u32  }
0x68: {  	s1 =	rddreg [dreg:$0x1];
	p0 =	sne.s32 s2, $0x0  }
0x69: {  	s3 =	rddreg [dreg:$0x2];
	[bflag:$0x3] =	sbarrier.arrive $0xFFFF;
	s2 =	simm.s32 @!p0 $0x1C03  }
0x6a: {  	[timem:s3], [sflag:s2] =	dma.local @!p0 [hbm:s0], s1  }
0x6b: {  	s0 =	simm.s32 @!p0 $0x3  }
0x6c: {  	_ =	swait.ge @!p0 [sflag:s0], s1  }
0x6d: {  	s1 =	ssub.s32 @!p0 $0x0, s1;
	[sflag:s0] =	ssyncset.done @!p0 $0x0  }
0x6e: {  	[sflag:s0] =	ssyncadd.s32 @!p0 s1  }
0x6f: {  	[bflag:$0x3] =	sbarrier.arrive $0xFFFF  }
0x70: {  	_ =	shalt  }

</sc_bundles>
